<compile_context>
chip_gen: v7x
topology: tpu7x:2x2x1
jax: 0.10.2.dev20260603
libtpu: 0.0.44.dev20260713+nightly
codegen_flags: <defaults>
</compile_context>

<pallas_src>
import jax
import jax.numpy as jnp
from jax import lax
from jax.experimental import pallas as pl
from jax.experimental.pallas import tpu as pltpu
from jax.experimental.pallas import tpu_sc as plsc

N_HID = 128
MAX_LEN = 100
N_T = 50
P_STRIDE = 129

_info = plsc.get_sparse_core_info()
_NC, _NS, _L = _info.num_cores, _info.num_subcores, _info.num_lanes
_NW = _NC * _NS

CB = 256
NBUF = 3


def _proj_table_kernel(emb_ref, w_ref, b_ref, p_ref):
    proj = lax.dot_general(
        emb_ref[...], w_ref[...],
        dimension_numbers=(((1,), (1,)), ((), ())),
        preferred_element_type=jnp.float32,
    ) + b_ref[...]
    p_ref[...] = jnp.concatenate(
        [proj, jnp.zeros((N_T, P_STRIDE - N_HID), jnp.float32)], axis=1)


def _sc_gather_add(x_hbm, t_hbm, p_hbm, out_hbm, p_v,
                   t_v0, t_v1, t_v2, x_v0, x_v1, x_v2,
                   insem0, insem1, insem2, outsem0, outsem1, outsem2):
    t_bufs = (t_v0, t_v1, t_v2)
    x_bufs = (x_v0, x_v1, x_v2)
    insems = (insem0, insem1, insem2)
    outsems = (outsem0, outsem1, outsem2)
    n = x_hbm.shape[1]
    n_per_w = n // _NW
    nblk = n_per_w // CB
    wid = lax.axis_index("s") * _NC + lax.axis_index("c")
    w_base = wid * n_per_w

    pltpu.sync_copy(p_hbm, p_v)

    def start_in(blk):
        b = blk % NBUF
        base = w_base + blk * CB
        copies = [
            pltpu.make_async_copy(
                x_hbm.at[:, pl.ds(base, CB)], x_bufs[b], insems[b]),
            pltpu.make_async_copy(
                t_hbm.at[pl.ds(base, CB)], t_bufs[b], insems[b]),
        ]
        for c in copies:
            c.start()
        return copies

    def start_out(blk):
        b = blk % NBUF
        base = w_base + blk * CB
        copies = [
            pltpu.make_async_copy(
                x_bufs[b], out_hbm.at[:, pl.ds(base, CB)], outsems[b]),
        ]
        for c in copies:
            c.start()
        return copies

    def compute(blk):
        b = blk % NBUF
        t_v, x_v = t_bufs[b], x_bufs[b]

        def g_body(g, _):
            tvb = t_v[pl.ds(g * _L, _L)] * P_STRIDE

            @plsc.parallel_loop(0, N_HID, unroll=8, carry=tvb)
            def h_body(h, idx):
                val = plsc.load_gather(p_v, [idx])
                plsc.addupdate(x_v.at[h, pl.ds(g * _L, _L)], val)
                return idx + 1

            return 0

        lax.fori_loop(0, CB // _L, g_body, 0)

    in_copies = {}
    out_copies = {}
    in_copies[0] = start_in(0)
    for blk in range(nblk):
        if blk + 1 < nblk:
            prev = blk + 1 - NBUF
            if prev >= 0:
                for c in out_copies.pop(prev):
                    c.wait()
            in_copies[blk + 1] = start_in(blk + 1)
        for c in in_copies.pop(blk):
            c.wait()
        compute(blk)
        out_copies[blk] = start_out(blk)
    for blk in sorted(out_copies):
        for c in out_copies.pop(blk):
            c.wait()


def kernel(x, t, emb_weight, W, b):
    n = x.shape[1]

    emb50 = emb_weight[0:2 * N_T:2]
    p = pl.pallas_call(
        _proj_table_kernel,
        out_shape=jax.ShapeDtypeStruct((N_T, P_STRIDE), jnp.float32),
    )(emb50, W, b.reshape(1, N_HID))
    p_flat = p.reshape(N_T * P_STRIDE)

    mesh = plsc.VectorSubcoreMesh(core_axis_name="c", subcore_axis_name="s")
    sc_call = pl.kernel(
        _sc_gather_add,
        mesh=mesh,
        out_type=jax.ShapeDtypeStruct((N_HID, n), jnp.float32),
        scratch_types=(
            [pltpu.VMEM((N_T * P_STRIDE,), jnp.float32)]
            + [pltpu.VMEM((CB,), jnp.int32)] * NBUF
            + [pltpu.VMEM((N_HID, CB), jnp.float32)] * NBUF
            + [pltpu.SemaphoreType.DMA] * (2 * NBUF)
        ),
        compiler_params=pltpu.CompilerParams(needs_layout_passes=False),
    )
    return sc_call(x, t, p_flat)

# --- scband reference (transcript-rebuilt; emitter-appended) ---
"""Pipeline reference for scband-rel-temporal-encoding-51436528337643 (READ-ONLY COPY).

The authoritative reference and input builder live on the scoring server;
editing this copy changes nothing except your own understanding.
"""

import jax, jax.numpy as jnp
import numpy as np
import math

N_HID = 128
MAX_LEN = 100
RTE_RATIO = 1
N = 204800


def _build_sinusoid_table():
    position = np.arange(0.0, MAX_LEN, dtype=np.float32)[:, None]
    div_term = np.exp(np.arange(0, N_HID, 2).astype(np.float32) * -(math.log(10000.0) / N_HID))
    emb = np.zeros((MAX_LEN, N_HID), dtype=np.float32)
    emb[:, 0::2] = np.sin(position * div_term) / math.sqrt(N_HID)
    emb[:, 1::2] = np.cos(position * div_term) / math.sqrt(N_HID)
    return jnp.asarray(emb)


def setup_inputs(seed: int = 0) -> dict:
    key = jax.random.key(seed)
    k1, k2, k3, k4 = jax.random.split(key, 4)
    x = jax.random.normal(k1, (N_HID, N), dtype=jnp.float32)
    t = jax.random.randint(k2, (N,), 0, 49, dtype=jnp.int32)
    emb_weight = _build_sinusoid_table()
    bound = 1.0 / math.sqrt(N_HID)
    W = jax.random.uniform(k3, (N_HID, N_HID), minval=-bound, maxval=bound, dtype=jnp.float32)
    b = jax.random.uniform(k4, (N_HID,), minval=-bound, maxval=bound, dtype=jnp.float32)
    return {"x": x, "t": t, "emb_weight": emb_weight, "W": W, "b": b}


def reference(x, t, emb_weight, W, b):
    # idx = (t * RTE_ratio * 2).long()
    idx = (t * RTE_RATIO * 2).astype(jnp.int32)
    # self.emb(idx): gather rows from sinusoid table -> [N, n_hid]
    e = jnp.take(emb_weight, idx, axis=0)
    # self.lin(e): Linear(n_hid, n_hid) -> [N, n_hid]
    proj = e @ W.T + b
    # x + proj.T : x is [n_hid, N]
    return x + proj.T

if __name__ == "__main__":
    import jax
    _d = setup_inputs()
    print(jax.jit(kernel)(*tuple(_d.values())))

</pallas_src>

<mosaic_0001>
#map = affine_map<(d0, d1) -> (0, 0)>
#map1 = affine_map<(d0, d1) -> (0)>
module attributes {stable_mosaic.version = 14 : i64} {
  func.func @_sc_gather_add(%arg0: i32, %arg1: i32, %arg2: memref<128x204800xf32, #tpu.memory_space<hbm>>, %arg3: memref<204800xi32, #tpu.memory_space<hbm>>, %arg4: memref<6450xf32, #tpu.memory_space<hbm>>, %arg5: memref<128x204800xf32, #tpu.memory_space<hbm>>, %arg6: memref<6450xf32, #tpu.memory_space<vmem>>, %arg7: memref<256xi32, #tpu.memory_space<vmem>>, %arg8: memref<256xi32, #tpu.memory_space<vmem>>, %arg9: memref<256xi32, #tpu.memory_space<vmem>>, %arg10: memref<128x256xf32, #tpu.memory_space<vmem>>, %arg11: memref<128x256xf32, #tpu.memory_space<vmem>>, %arg12: memref<128x256xf32, #tpu.memory_space<vmem>>, %arg13: memref<!tpu.dma_semaphore, #tpu.memory_space<semaphore_mem>>, %arg14: memref<!tpu.dma_semaphore, #tpu.memory_space<semaphore_mem>>, %arg15: memref<!tpu.dma_semaphore, #tpu.memory_space<semaphore_mem>>, %arg16: memref<!tpu.dma_semaphore, #tpu.memory_space<semaphore_mem>>, %arg17: memref<!tpu.dma_semaphore, #tpu.memory_space<semaphore_mem>>, %arg18: memref<!tpu.dma_semaphore, #tpu.memory_space<semaphore_mem>>) attributes {dimension_semantics = [#tpu.dimension_semantics<core_parallel>, #tpu.dimension_semantics<subcore_parallel>], iteration_bounds = array<i64: 2, 16>, scalar_prefetch = 0 : i64, scratch_operands = 13 : i64, tpu.core_type = #tpu.core_type<sc_vector_subcore>, window_params = [{transform_indices = #map}, {transform_indices = #map1}, {transform_indices = #map1}, {transform_indices = #map}]} {
    %mul3A = arith.constant 2 : i32
    %mul3A_0 = arith.muli %arg1, %mul3A : i32
    %add3A = arith.addi %mul3A_0, %arg0 : i32
    %mul3A_1 = arith.constant 6400 : i32
    %mul3A_2 = arith.muli %add3A, %mul3A_1 : i32
    "tpu.region"() ({
      %run_scoped3A = tpu.sem_alloc : memref<!tpu.dma_semaphore, #tpu.memory_space<semaphore_mem>>
      tpu.enqueue_dma source(%arg4 : memref<6450xf32, #tpu.memory_space<hbm>>) target(%arg6 : memref<6450xf32, #tpu.memory_space<vmem>>) target_semaphore(%run_scoped3A : memref<!tpu.dma_semaphore, #tpu.memory_space<semaphore_mem>>)
      tpu.wait_dma2 semaphore(%run_scoped3A : memref<!tpu.dma_semaphore, #tpu.memory_space<semaphore_mem>>) src(%arg4 : memref<6450xf32, #tpu.memory_space<hbm>>) dst(%arg6 : memref<6450xf32, #tpu.memory_space<vmem>>)
      tpu.yield
    }) : () -> ()
    %add3A_3 = arith.constant 0 : i32
    %add3A_4 = arith.addi %mul3A_2, %add3A_3 : i32
    %dma_start3A = arith.constant 0 : i32
    %dma_start3A_5 = tpu.memref_slice %arg2[%dma_start3A, %add3A_4] : memref<128x204800xf32, #tpu.memory_space<hbm>> -> memref<128x256xf32, #tpu.memory_space<hbm>>
    %dma_start3A_6 = arith.constant 0 : i32
    %dma_start3A_7 = tpu.memref_slice %arg2[%dma_start3A_6, %add3A_4] : memref<128x204800xf32, #tpu.memory_space<hbm>> -> memref<128x256xf32, #tpu.memory_space<hbm>>
    tpu.enqueue_dma source(%dma_start3A_7 : memref<128x256xf32, #tpu.memory_space<hbm>>) target(%arg10 : memref<128x256xf32, #tpu.memory_space<vmem>>) target_semaphore(%arg13 : memref<!tpu.dma_semaphore, #tpu.memory_space<semaphore_mem>>)
    %dma_start3A_8 = tpu.memref_slice %arg3[%add3A_4] : memref<204800xi32, #tpu.memory_space<hbm>> -> memref<256xi32, #tpu.memory_space<hbm>>
    %dma_start3A_9 = tpu.memref_slice %arg3[%add3A_4] : memref<204800xi32, #tpu.memory_space<hbm>> -> memref<256xi32, #tpu.memory_space<hbm>>
    tpu.enqueue_dma source(%dma_start3A_9 : memref<256xi32, #tpu.memory_space<hbm>>) target(%arg7 : memref<256xi32, #tpu.memory_space<vmem>>) target_semaphore(%arg13 : memref<!tpu.dma_semaphore, #tpu.memory_space<semaphore_mem>>)
    %add3A_10 = arith.constant 256 : i32
    %add3A_11 = arith.addi %mul3A_2, %add3A_10 : i32
    %dma_start3A_12 = arith.constant 0 : i32
    %dma_start3A_13 = tpu.memref_slice %arg2[%dma_start3A_12, %add3A_11] : memref<128x204800xf32, #tpu.memory_space<hbm>> -> memref<128x256xf32, #tpu.memory_space<hbm>>
    %dma_start3A_14 = arith.constant 0 : i32
    %dma_start3A_15 = tpu.memref_slice %arg2[%dma_start3A_14, %add3A_11] : memref<128x204800xf32, #tpu.memory_space<hbm>> -> memref<128x256xf32, #tpu.memory_space<hbm>>
    tpu.enqueue_dma source(%dma_start3A_15 : memref<128x256xf32, #tpu.memory_space<hbm>>) target(%arg11 : memref<128x256xf32, #tpu.memory_space<vmem>>) target_semaphore(%arg14 : memref<!tpu.dma_semaphore, #tpu.memory_space<semaphore_mem>>)
    %dma_start3A_16 = tpu.memref_slice %arg3[%add3A_11] : memref<204800xi32, #tpu.memory_space<hbm>> -> memref<256xi32, #tpu.memory_space<hbm>>
    %dma_start3A_17 = tpu.memref_slice %arg3[%add3A_11] : memref<204800xi32, #tpu.memory_space<hbm>> -> memref<256xi32, #tpu.memory_space<hbm>>
    tpu.enqueue_dma source(%dma_start3A_17 : memref<256xi32, #tpu.memory_space<hbm>>) target(%arg8 : memref<256xi32, #tpu.memory_space<vmem>>) target_semaphore(%arg14 : memref<!tpu.dma_semaphore, #tpu.memory_space<semaphore_mem>>)
    %dma_wait3A = arith.constant 0 : i32
    %dma_wait3A_18 = tpu.memref_slice %arg2[%dma_wait3A, %add3A_4] : memref<128x204800xf32, #tpu.memory_space<hbm>> -> memref<128x256xf32, #tpu.memory_space<hbm>>
    %dma_wait3A_19 = arith.constant 0 : i32
    %dma_wait3A_20 = tpu.memref_slice %arg2[%dma_wait3A_19, %add3A_4] : memref<128x204800xf32, #tpu.memory_space<hbm>> -> memref<128x256xf32, #tpu.memory_space<hbm>>
    tpu.wait_dma2 semaphore(%arg13 : memref<!tpu.dma_semaphore, #tpu.memory_space<semaphore_mem>>) src(%dma_wait3A_20 : memref<128x256xf32, #tpu.memory_space<hbm>>) dst(%arg10 : memref<128x256xf32, #tpu.memory_space<vmem>>)
    %dma_wait3A_21 = tpu.memref_slice %arg3[%add3A_4] : memref<204800xi32, #tpu.memory_space<hbm>> -> memref<256xi32, #tpu.memory_space<hbm>>
    %dma_wait3A_22 = tpu.memref_slice %arg3[%add3A_4] : memref<204800xi32, #tpu.memory_space<hbm>> -> memref<256xi32, #tpu.memory_space<hbm>>
    tpu.wait_dma2 semaphore(%arg13 : memref<!tpu.dma_semaphore, #tpu.memory_space<semaphore_mem>>) src(%dma_wait3A_22 : memref<256xi32, #tpu.memory_space<hbm>>) dst(%arg7 : memref<256xi32, #tpu.memory_space<vmem>>)
    %scan3A = arith.constant 0 : i32
    %scan3A_23 = arith.constant 0 : i32
    %scan3A_24 = arith.constant 16 : i32
    %scan3A_25 = arith.addi %scan3A_23, %scan3A_24 : i32
    %scan3A_26 = arith.constant 1 : i32
    %scan3A_27 = scf.for %scan3A_775 = %scan3A_23 to %scan3A_25 step %scan3A_26 iter_args(%scan3A_776 = %scan3A) -> (i32)  : i32 {
      %mul3A_777 = arith.constant 16 : i32
      %mul3A_778 = arith.muli %scan3A_775, %mul3A_777 : i32
      %get3A = arith.index_cast %mul3A_778 : i32 to index
      %get3A_779 = tpu.vector_load %arg7[%get3A] {strides = array<i32>} : memref<256xi32, #tpu.memory_space<vmem>>, vector<16xi32>,
      %mul3A_780 = arith.constant 129 : i32
      %mul3A_781 = vector.broadcast %mul3A_780 : i32 to vector<16xi32>
      %mul3A_782 = arith.muli %get3A_779, %mul3A_781 : vector<16xi32>
      %parallel_loop3A = arith.constant 0 : i32
      %parallel_loop3A_783 = arith.constant 128 : i32
      %parallel_loop3A_784 = arith.constant 1 : i32
      %parallel_loop3A_785 = scf.for %parallel_loop3A_787 = %parallel_loop3A to %parallel_loop3A_783 step %parallel_loop3A_784 iter_args(%parallel_loop3A_788 = %mul3A_782) -> (vector<16xi32>)  : i32 {
        %parallel_loop3A_789 = tpu.vector_load_idx %arg6[%parallel_loop3A_788] : memref<6450xf32, #tpu.memory_space<vmem>>[vector<16xi32>], vector<16xf32>,
        %parallel_loop3A_790 = arith.constant 16 : i32
        %parallel_loop3A_791 = arith.muli %scan3A_775, %parallel_loop3A_790 : i32
        %parallel_loop3A_792 = arith.index_cast %parallel_loop3A_787 : i32 to index
        %parallel_loop3A_793 = arith.index_cast %parallel_loop3A_791 : i32 to index
        %parallel_loop3A_794 = tpu.vector_load %arg10[%parallel_loop3A_792, %parallel_loop3A_793] {strides = array<i32>} : memref<128x256xf32, #tpu.memory_space<vmem>>, vector<16xf32>,
        tpu.vector_store %arg10[%parallel_loop3A_792, %parallel_loop3A_793], %parallel_loop3A_789 {add = true, strides = array<i32>} : memref<128x256xf32, #tpu.memory_space<vmem>>, vector<16xf32>,
        %parallel_loop3A_795 = arith.constant 1 : i32
        %parallel_loop3A_796 = vector.broadcast %parallel_loop3A_795 : i32 to vector<16xi32>
        %parallel_loop3A_797 = arith.addi %parallel_loop3A_788, %parallel_loop3A_796 : vector<16xi32>
        scf.yield %parallel_loop3A_797 : vector<16xi32>
      } {sc.loop_unroll_factor = 8 : i64, sc.parallel_access}
      %scan3A_786 = arith.constant 0 : i32
      scf.yield %scan3A_786 : i32
    }
    %scan3A_28 = arith.constant 16 : i32
    %add3A_29 = arith.constant 0 : i32
    %add3A_30 = arith.addi %mul3A_2, %add3A_29 : i32
    %dma_start3A_31 = arith.constant 0 : i32
    %dma_start3A_32 = tpu.memref_slice %arg5[%dma_start3A_31, %add3A_30] : memref<128x204800xf32, #tpu.memory_space<hbm>> -> memref<128x256xf32, #tpu.memory_space<hbm>>
    %dma_start3A_33 = arith.constant 0 : i32
    %dma_start3A_34 = tpu.memref_slice %arg5[%dma_start3A_33, %add3A_30] : memref<128x204800xf32, #tpu.memory_space<hbm>> -> memref<128x256xf32, #tpu.memory_space<hbm>>
    tpu.enqueue_dma source(%arg10 : memref<128x256xf32, #tpu.memory_space<vmem>>) target(%dma_start3A_34 : memref<128x256xf32, #tpu.memory_space<hbm>>) target_semaphore(%arg16 : memref<!tpu.dma_semaphore, #tpu.memory_space<semaphore_mem>>)
    %add3A_35 = arith.constant 512 : i32
    %add3A_36 = arith.addi %mul3A_2, %add3A_35 : i32
    %dma_start3A_37 = arith.constant 0 : i32
    %dma_start3A_38 = tpu.memref_slice %arg2[%dma_start3A_37, %add3A_36] : memref<128x204800xf32, #tpu.memory_space<hbm>> -> memref<128x256xf32, #tpu.memory_space<hbm>>
    %dma_start3A_39 = arith.constant 0 : i32
    %dma_start3A_40 = tpu.memref_slice %arg2[%dma_start3A_39, %add3A_36] : memref<128x204800xf32, #tpu.memory_space<hbm>> -> memref<128x256xf32, #tpu.memory_space<hbm>>
    tpu.enqueue_dma source(%dma_start3A_40 : memref<128x256xf32, #tpu.memory_space<hbm>>) target(%arg12 : memref<128x256xf32, #tpu.memory_space<vmem>>) target_semaphore(%arg15 : memref<!tpu.dma_semaphore, #tpu.memory_space<semaphore_mem>>)
    %dma_start3A_41 = tpu.memref_slice %arg3[%add3A_36] : memref<204800xi32, #tpu.memory_space<hbm>> -> memref<256xi32, #tpu.memory_space<hbm>>
    %dma_start3A_42 = tpu.memref_slice %arg3[%add3A_36] : memref<204800xi32, #tpu.memory_space<hbm>> -> memref<256xi32, #tpu.memory_space<hbm>>
    tpu.enqueue_dma source(%dma_start3A_42 : memref<256xi32, #tpu.memory_space<hbm>>) target(%arg9 : memref<256xi32, #tpu.memory_space<vmem>>) target_semaphore(%arg15 : memref<!tpu.dma_semaphore, #tpu.memory_space<semaphore_mem>>)
    %dma_wait3A_43 = arith.constant 0 : i32
    %dma_wait3A_44 = tpu.memref_slice %arg2[%dma_wait3A_43, %add3A_11] : memref<128x204800xf32, #tpu.memory_space<hbm>> -> memref<128x256xf32, #tpu.memory_space<hbm>>
    %dma_wait3A_45 = arith.constant 0 : i32
    %dma_wait3A_46 = tpu.memref_slice %arg2[%dma_wait3A_45, %add3A_11] : memref<128x204800xf32, #tpu.memory_space<hbm>> -> memref<128x256xf32, #tpu.memory_space<hbm>>
    tpu.wait_dma2 semaphore(%arg14 : memref<!tpu.dma_semaphore, #tpu.memory_space<semaphore_mem>>) src(%dma_wait3A_46 : memref<128x256xf32, #tpu.memory_space<hbm>>) dst(%arg11 : memref<128x256xf32, #tpu.memory_space<vmem>>)
    %dma_wait3A_47 = tpu.memref_slice %arg3[%add3A_11] : memref<204800xi32, #tpu.memory_space<hbm>> -> memref<256xi32, #tpu.memory_space<hbm>>
    %dma_wait3A_48 = tpu.memref_slice %arg3[%add3A_11] : memref<204800xi32, #tpu.memory_space<hbm>> -> memref<256xi32, #tpu.memory_space<hbm>>
    tpu.wait_dma2 semaphore(%arg14 : memref<!tpu.dma_semaphore, #tpu.memory_space<semaphore_mem>>) src(%dma_wait3A_48 : memref<256xi32, #tpu.memory_space<hbm>>) dst(%arg8 : memref<256xi32, #tpu.memory_space<vmem>>)
    %scan3A_49 = arith.constant 0 : i32
    %scan3A_50 = arith.constant 0 : i32
    %scan3A_51 = arith.constant 16 : i32
    %scan3A_52 = arith.addi %scan3A_50, %scan3A_51 : i32
    %scan3A_53 = arith.constant 1 : i32
    %scan3A_54 = scf.for %scan3A_775 = %scan3A_50 to %scan3A_52 step %scan3A_53 iter_args(%scan3A_776 = %scan3A_49) -> (i32)  : i32 {
      %mul3A_777 = arith.constant 16 : i32
      %mul3A_778 = arith.muli %scan3A_775, %mul3A_777 : i32
      %get3A = arith.index_cast %mul3A_778 : i32 to index
      %get3A_779 = tpu.vector_load %arg8[%get3A] {strides = array<i32>} : memref<256xi32, #tpu.memory_space<vmem>>, vector<16xi32>,
      %mul3A_780 = arith.constant 129 : i32
      %mul3A_781 = vector.broadcast %mul3A_780 : i32 to vector<16xi32>
      %mul3A_782 = arith.muli %get3A_779, %mul3A_781 : vector<16xi32>
      %parallel_loop3A = arith.constant 0 : i32
      %parallel_loop3A_783 = arith.constant 128 : i32
      %parallel_loop3A_784 = arith.constant 1 : i32
      %parallel_loop3A_785 = scf.for %parallel_loop3A_787 = %parallel_loop3A to %parallel_loop3A_783 step %parallel_loop3A_784 iter_args(%parallel_loop3A_788 = %mul3A_782) -> (vector<16xi32>)  : i32 {
        %parallel_loop3A_789 = tpu.vector_load_idx %arg6[%parallel_loop3A_788] : memref<6450xf32, #tpu.memory_space<vmem>>[vector<16xi32>], vector<16xf32>,
        %parallel_loop3A_790 = arith.constant 16 : i32
        %parallel_loop3A_791 = arith.muli %scan3A_775, %parallel_loop3A_790 : i32
        %parallel_loop3A_792 = arith.index_cast %parallel_loop3A_787 : i32 to index
        %parallel_loop3A_793 = arith.index_cast %parallel_loop3A_791 : i32 to index
        %parallel_loop3A_794 = tpu.vector_load %arg11[%parallel_loop3A_792, %parallel_loop3A_793] {strides = array<i32>} : memref<128x256xf32, #tpu.memory_space<vmem>>, vector<16xf32>,
        tpu.vector_store %arg11[%parallel_loop3A_792, %parallel_loop3A_793], %parallel_loop3A_789 {add = true, strides = array<i32>} : memref<128x256xf32, #tpu.memory_space<vmem>>, vector<16xf32>,
        %parallel_loop3A_795 = arith.constant 1 : i32
        %parallel_loop3A_796 = vector.broadcast %parallel_loop3A_795 : i32 to vector<16xi32>
        %parallel_loop3A_797 = arith.addi %parallel_loop3A_788, %parallel_loop3A_796 : vector<16xi32>
        scf.yield %parallel_loop3A_797 : vector<16xi32>
      } {sc.loop_unroll_factor = 8 : i64, sc.parallel_access}
      %scan3A_786 = arith.constant 0 : i32
      scf.yield %scan3A_786 : i32
    }
    %scan3A_55 = arith.constant 16 : i32
    %add3A_56 = arith.constant 256 : i32
    %add3A_57 = arith.addi %mul3A_2, %add3A_56 : i32
    %dma_start3A_58 = arith.constant 0 : i32
    %dma_start3A_59 = tpu.memref_slice %arg5[%dma_start3A_58, %add3A_57] : memref<128x204800xf32, #tpu.memory_space<hbm>> -> memref<128x256xf32, #tpu.memory_space<hbm>>
    %dma_start3A_60 = arith.constant 0 : i32
    %dma_start3A_61 = tpu.memref_slice %arg5[%dma_start3A_60, %add3A_57] : memref<128x204800xf32, #tpu.memory_space<hbm>> -> memref<128x256xf32, #tpu.memory_space<hbm>>
    tpu.enqueue_dma source(%arg11 : memref<128x256xf32, #tpu.memory_space<vmem>>) target(%dma_start3A_61 : memref<128x256xf32, #tpu.memory_space<hbm>>) target_semaphore(%arg17 : memref<!tpu.dma_semaphore, #tpu.memory_space<semaphore_mem>>)
    %dma_wait3A_62 = arith.constant 0 : i32
    %dma_wait3A_63 = tpu.memref_slice %arg5[%dma_wait3A_62, %add3A_30] : memref<128x204800xf32, #tpu.memory_space<hbm>> -> memref<128x256xf32, #tpu.memory_space<hbm>>
    %dma_wait3A_64 = arith.constant 0 : i32
    %dma_wait3A_65 = tpu.memref_slice %arg5[%dma_wait3A_64, %add3A_30] : memref<128x204800xf32, #tpu.memory_space<hbm>> -> memref<128x256xf32, #tpu.memory_space<hbm>>
    tpu.wait_dma2 semaphore(%arg16 : memref<!tpu.dma_semaphore, #tpu.memory_space<semaphore_mem>>) src(%arg10 : memref<128x256xf32, #tpu.memory_space<vmem>>) dst(%dma_wait3A_65 : memref<128x256xf32, #tpu.memory_space<hbm>>)
    %add3A_66 = arith.constant 768 : i32
    %add3A_67 = arith.addi %mul3A_2, %add3A_66 : i32
    %dma_start3A_68 = arith.constant 0 : i32
    %dma_start3A_69 = tpu.memref_slice %arg2[%dma_start3A_68, %add3A_67] : memref<128x204800xf32, #tpu.memory_space<hbm>> -> memref<128x256xf32, #tpu.memory_space<hbm>>
    %dma_start3A_70 = arith.constant 0 : i32
    %dma_start3A_71 = tpu.memref_slice %arg2[%dma_start3A_70, %add3A_67] : memref<128x204800xf32, #tpu.memory_space<hbm>> -> memref<128x256xf32, #tpu.memory_space<hbm>>
    tpu.enqueue_dma source(%dma_start3A_71 : memref<128x256xf32, #tpu.memory_space<hbm>>) target(%arg10 : memref<128x256xf32, #tpu.memory_space<vmem>>) target_semaphore(%arg13 : memref<!tpu.dma_semaphore, #tpu.memory_space<semaphore_mem>>)
    %dma_start3A_72 = tpu.memref_slice %arg3[%add3A_67] : memref<204800xi32, #tpu.memory_space<hbm>> -> memref<256xi32, #tpu.memory_space<hbm>>
    %dma_start3A_73 = tpu.memref_slice %arg3[%add3A_67] : memref<204800xi32, #tpu.memory_space<hbm>> -> memref<256xi32, #tpu.memory_space<hbm>>
    tpu.enqueue_dma source(%dma_start3A_73 : memref<256xi32, #tpu.memory_space<hbm>>) target(%arg7 : memref<256xi32, #tpu.memory_space<vmem>>) target_semaphore(%arg13 : memref<!tpu.dma_semaphore, #tpu.memory_space<semaphore_mem>>)
    %dma_wait3A_74 = arith.constant 0 : i32
    %dma_wait3A_75 = tpu.memref_slice %arg2[%dma_wait3A_74, %add3A_36] : memref<128x204800xf32, #tpu.memory_space<hbm>> -> memref<128x256xf32, #tpu.memory_space<hbm>>
    %dma_wait3A_76 = arith.constant 0 : i32
    %dma_wait3A_77 = tpu.memref_slice %arg2[%dma_wait3A_76, %add3A_36] : memref<128x204800xf32, #tpu.memory_space<hbm>> -> memref<128x256xf32, #tpu.memory_space<hbm>>
    tpu.wait_dma2 semaphore(%arg15 : memref<!tpu.dma_semaphore, #tpu.memory_space<semaphore_mem>>) src(%dma_wait3A_77 : memref<128x256xf32, #tpu.memory_space<hbm>>) dst(%arg12 : memref<128x256xf32, #tpu.memory_space<vmem>>)
    %dma_wait3A_78 = tpu.memref_slice %arg3[%add3A_36] : memref<204800xi32, #tpu.memory_space<hbm>> -> memref<256xi32, #tpu.memory_space<hbm>>
    %dma_wait3A_79 = tpu.memref_slice %arg3[%add3A_36] : memref<204800xi32, #tpu.memory_space<hbm>> -> memref<256xi32, #tpu.memory_space<hbm>>
    tpu.wait_dma2 semaphore(%arg15 : memref<!tpu.dma_semaphore, #tpu.memory_space<semaphore_mem>>) src(%dma_wait3A_79 : memref<256xi32, #tpu.memory_space<hbm>>) dst(%arg9 : memref<256xi32, #tpu.memory_space<vmem>>)
    %scan3A_80 = arith.constant 0 : i32
    %scan3A_81 = arith.constant 0 : i32
    %scan3A_82 = arith.constant 16 : i32
    %scan3A_83 = arith.addi %scan3A_81, %scan3A_82 : i32
    %scan3A_84 = arith.constant 1 : i32
    %scan3A_85 = scf.for %scan3A_775 = %scan3A_81 to %scan3A_83 step %scan3A_84 iter_args(%scan3A_776 = %scan3A_80) -> (i32)  : i32 {
      %mul3A_777 = arith.constant 16 : i32
      %mul3A_778 = arith.muli %scan3A_775, %mul3A_777 : i32
      %get3A = arith.index_cast %mul3A_778 : i32 to index
      %get3A_779 = tpu.vector_load %arg9[%get3A] {strides = array<i32>} : memref<256xi32, #tpu.memory_space<vmem>>, vector<16xi32>,
      %mul3A_780 = arith.constant 129 : i32
      %mul3A_781 = vector.broadcast %mul3A_780 : i32 to vector<16xi32>
      %mul3A_782 = arith.muli %get3A_779, %mul3A_781 : vector<16xi32>
      %parallel_loop3A = arith.constant 0 : i32
      %parallel_loop3A_783 = arith.constant 128 : i32
      %parallel_loop3A_784 = arith.constant 1 : i32
      %parallel_loop3A_785 = scf.for %parallel_loop3A_787 = %parallel_loop3A to %parallel_loop3A_783 step %parallel_loop3A_784 iter_args(%parallel_loop3A_788 = %mul3A_782) -> (vector<16xi32>)  : i32 {
        %parallel_loop3A_789 = tpu.vector_load_idx %arg6[%parallel_loop3A_788] : memref<6450xf32, #tpu.memory_space<vmem>>[vector<16xi32>], vector<16xf32>,
        %parallel_loop3A_790 = arith.constant 16 : i32
        %parallel_loop3A_791 = arith.muli %scan3A_775, %parallel_loop3A_790 : i32
        %parallel_loop3A_792 = arith.index_cast %parallel_loop3A_787 : i32 to index
        %parallel_loop3A_793 = arith.index_cast %parallel_loop3A_791 : i32 to index
        %parallel_loop3A_794 = tpu.vector_load %arg12[%parallel_loop3A_792, %parallel_loop3A_793] {strides = array<i32>} : memref<128x256xf32, #tpu.memory_space<vmem>>, vector<16xf32>,
        tpu.vector_store %arg12[%parallel_loop3A_792, %parallel_loop3A_793], %parallel_loop3A_789 {add = true, strides = array<i32>} : memref<128x256xf32, #tpu.memory_space<vmem>>, vector<16xf32>,
        %parallel_loop3A_795 = arith.constant 1 : i32
        %parallel_loop3A_796 = vector.broadcast %parallel_loop3A_795 : i32 to vector<16xi32>
        %parallel_loop3A_797 = arith.addi %parallel_loop3A_788, %parallel_loop3A_796 : vector<16xi32>
        scf.yield %parallel_loop3A_797 : vector<16xi32>
      } {sc.loop_unroll_factor = 8 : i64, sc.parallel_access}
      %scan3A_786 = arith.constant 0 : i32
      scf.yield %scan3A_786 : i32
    }
    %scan3A_86 = arith.constant 16 : i32
    %add3A_87 = arith.constant 512 : i32
    %add3A_88 = arith.addi %mul3A_2, %add3A_87 : i32
    %dma_start3A_89 = arith.constant 0 : i32
    %dma_start3A_90 = tpu.memref_slice %arg5[%dma_start3A_89, %add3A_88] : memref<128x204800xf32, #tpu.memory_space<hbm>> -> memref<128x256xf32, #tpu.memory_space<hbm>>
    %dma_start3A_91 = arith.constant 0 : i32
    %dma_start3A_92 = tpu.memref_slice %arg5[%dma_start3A_91, %add3A_88] : memref<128x204800xf32, #tpu.memory_space<hbm>> -> memref<128x256xf32, #tpu.memory_space<hbm>>
    tpu.enqueue_dma source(%arg12 : memref<128x256xf32, #tpu.memory_space<vmem>>) target(%dma_start3A_92 : memref<128x256xf32, #tpu.memory_space<hbm>>) target_semaphore(%arg18 : memref<!tpu.dma_semaphore, #tpu.memory_space<semaphore_mem>>)
    %dma_wait3A_93 = arith.constant 0 : i32
    %dma_wait3A_94 = tpu.memref_slice %arg5[%dma_wait3A_93, %add3A_57] : memref<128x204800xf32, #tpu.memory_space<hbm>> -> memref<128x256xf32, #tpu.memory_space<hbm>>
    %dma_wait3A_95 = arith.constant 0 : i32
    %dma_wait3A_96 = tpu.memref_slice %arg5[%dma_wait3A_95, %add3A_57] : memref<128x204800xf32, #tpu.memory_space<hbm>> -> memref<128x256xf32, #tpu.memory_space<hbm>>
    tpu.wait_dma2 semaphore(%arg17 : memref<!tpu.dma_semaphore, #tpu.memory_space<semaphore_mem>>) src(%arg11 : memref<128x256xf32, #tpu.memory_space<vmem>>) dst(%dma_wait3A_96 : memref<128x256xf32, #tpu.memory_space<hbm>>)
    %add3A_97 = arith.constant 1024 : i32
    %add3A_98 = arith.addi %mul3A_2, %add3A_97 : i32
    %dma_start3A_99 = arith.constant 0 : i32
    %dma_start3A_100 = tpu.memref_slice %arg2[%dma_start3A_99, %add3A_98] : memref<128x204800xf32, #tpu.memory_space<hbm>> -> memref<128x256xf32, #tpu.memory_space<hbm>>
    %dma_start3A_101 = arith.constant 0 : i32
    %dma_start3A_102 = tpu.memref_slice %arg2[%dma_start3A_101, %add3A_98] : memref<128x204800xf32, #tpu.memory_space<hbm>> -> memref<128x256xf32, #tpu.memory_space<hbm>>
    tpu.enqueue_dma source(%dma_start3A_102 : memref<128x256xf32, #tpu.memory_space<hbm>>) target(%arg11 : memref<128x256xf32, #tpu.memory_space<vmem>>) target_semaphore(%arg14 : memref<!tpu.dma_semaphore, #tpu.memory_space<semaphore_mem>>)
    %dma_start3A_103 = tpu.memref_slice %arg3[%add3A_98] : memref<204800xi32, #tpu.memory_space<hbm>> -> memref<256xi32, #tpu.memory_space<hbm>>
    %dma_start3A_104 = tpu.memref_slice %arg3[%add3A_98] : memref<204800xi32, #tpu.memory_space<hbm>> -> memref<256xi32, #tpu.memory_space<hbm>>
    tpu.enqueue_dma source(%dma_start3A_104 : memref<256xi32, #tpu.memory_space<hbm>>) target(%arg8 : memref<256xi32, #tpu.memory_space<vmem>>) target_semaphore(%arg14 : memref<!tpu.dma_semaphore, #tpu.memory_space<semaphore_mem>>)
    %dma_wait3A_105 = arith.constant 0 : i32
    %dma_wait3A_106 = tpu.memref_slice %arg2[%dma_wait3A_105, %add3A_67] : memref<128x204800xf32, #tpu.memory_space<hbm>> -> memref<128x256xf32, #tpu.memory_space<hbm>>
    %dma_wait3A_107 = arith.constant 0 : i32
    %dma_wait3A_108 = tpu.memref_slice %arg2[%dma_wait3A_107, %add3A_67] : memref<128x204800xf32, #tpu.memory_space<hbm>> -> memref<128x256xf32, #tpu.memory_space<hbm>>
    tpu.wait_dma2 semaphore(%arg13 : memref<!tpu.dma_semaphore, #tpu.memory_space<semaphore_mem>>) src(%dma_wait3A_108 : memref<128x256xf32, #tpu.memory_space<hbm>>) dst(%arg10 : memref<128x256xf32, #tpu.memory_space<vmem>>)
    %dma_wait3A_109 = tpu.memref_slice %arg3[%add3A_67] : memref<204800xi32, #tpu.memory_space<hbm>> -> memref<256xi32, #tpu.memory_space<hbm>>
    %dma_wait3A_110 = tpu.memref_slice %arg3[%add3A_67] : memref<204800xi32, #tpu.memory_space<hbm>> -> memref<256xi32, #tpu.memory_space<hbm>>
    tpu.wait_dma2 semaphore(%arg13 : memref<!tpu.dma_semaphore, #tpu.memory_space<semaphore_mem>>) src(%dma_wait3A_110 : memref<256xi32, #tpu.memory_space<hbm>>) dst(%arg7 : memref<256xi32, #tpu.memory_space<vmem>>)
    %scan3A_111 = arith.constant 0 : i32
    %scan3A_112 = arith.constant 0 : i32
    %scan3A_113 = arith.constant 16 : i32
    %scan3A_114 = arith.addi %scan3A_112, %scan3A_113 : i32
    %scan3A_115 = arith.constant 1 : i32
    %scan3A_116 = scf.for %scan3A_775 = %scan3A_112 to %scan3A_114 step %scan3A_115 iter_args(%scan3A_776 = %scan3A_111) -> (i32)  : i32 {
      %mul3A_777 = arith.constant 16 : i32
      %mul3A_778 = arith.muli %scan3A_775, %mul3A_777 : i32
      %get3A = arith.index_cast %mul3A_778 : i32 to index
      %get3A_779 = tpu.vector_load %arg7[%get3A] {strides = array<i32>} : memref<256xi32, #tpu.memory_space<vmem>>, vector<16xi32>,
      %mul3A_780 = arith.constant 129 : i32
      %mul3A_781 = vector.broadcast %mul3A_780 : i32 to vector<16xi32>
      %mul3A_782 = arith.muli %get3A_779, %mul3A_781 : vector<16xi32>
      %parallel_loop3A = arith.constant 0 : i32
      %parallel_loop3A_783 = arith.constant 128 : i32
      %parallel_loop3A_784 = arith.constant 1 : i32
      %parallel_loop3A_785 = scf.for %parallel_loop3A_787 = %parallel_loop3A to %parallel_loop3A_783 step %parallel_loop3A_784 iter_args(%parallel_loop3A_788 = %mul3A_782) -> (vector<16xi32>)  : i32 {
        %parallel_loop3A_789 = tpu.vector_load_idx %arg6[%parallel_loop3A_788] : memref<6450xf32, #tpu.memory_space<vmem>>[vector<16xi32>], vector<16xf32>,
        %parallel_loop3A_790 = arith.constant 16 : i32
        %parallel_loop3A_791 = arith.muli %scan3A_775, %parallel_loop3A_790 : i32
        %parallel_loop3A_792 = arith.index_cast %parallel_loop3A_787 : i32 to index
        %parallel_loop3A_793 = arith.index_cast %parallel_loop3A_791 : i32 to index
        %parallel_loop3A_794 = tpu.vector_load %arg10[%parallel_loop3A_792, %parallel_loop3A_793] {strides = array<i32>} : memref<128x256xf32, #tpu.memory_space<vmem>>, vector<16xf32>,
        tpu.vector_store %arg10[%parallel_loop3A_792, %parallel_loop3A_793], %parallel_loop3A_789 {add = true, strides = array<i32>} : memref<128x256xf32, #tpu.memory_space<vmem>>, vector<16xf32>,
        %parallel_loop3A_795 = arith.constant 1 : i32
        %parallel_loop3A_796 = vector.broadcast %parallel_loop3A_795 : i32 to vector<16xi32>
        %parallel_loop3A_797 = arith.addi %parallel_loop3A_788, %parallel_loop3A_796 : vector<16xi32>
        scf.yield %parallel_loop3A_797 : vector<16xi32>
      } {sc.loop_unroll_factor = 8 : i64, sc.parallel_access}
      %scan3A_786 = arith.constant 0 : i32
      scf.yield %scan3A_786 : i32
    }
    %scan3A_117 = arith.constant 16 : i32
    %add3A_118 = arith.constant 768 : i32
    %add3A_119 = arith.addi %mul3A_2, %add3A_118 : i32
    %dma_start3A_120 = arith.constant 0 : i32
    %dma_start3A_121 = tpu.memref_slice %arg5[%dma_start3A_120, %add3A_119] : memref<128x204800xf32, #tpu.memory_space<hbm>> -> memref<128x256xf32, #tpu.memory_space<hbm>>
    %dma_start3A_122 = arith.constant 0 : i32
    %dma_start3A_123 = tpu.memref_slice %arg5[%dma_start3A_122, %add3A_119] : memref<128x204800xf32, #tpu.memory_space<hbm>> -> memref<128x256xf32, #tpu.memory_space<hbm>>
    tpu.enqueue_dma source(%arg10 : memref<128x256xf32, #tpu.memory_space<vmem>>) target(%dma_start3A_123 : memref<128x256xf32, #tpu.memory_space<hbm>>) target_semaphore(%arg16 : memref<!tpu.dma_semaphore, #tpu.memory_space<semaphore_mem>>)
    %dma_wait3A_124 = arith.constant 0 : i32
    %dma_wait3A_125 = tpu.memref_slice %arg5[%dma_wait3A_124, %add3A_88] : memref<128x204800xf32, #tpu.memory_space<hbm>> -> memref<128x256xf32, #tpu.memory_space<hbm>>
    %dma_wait3A_126 = arith.constant 0 : i32
    %dma_wait3A_127 = tpu.memref_slice %arg5[%dma_wait3A_126, %add3A_88] : memref<128x204800xf32, #tpu.memory_space<hbm>> -> memref<128x256xf32, #tpu.memory_space<hbm>>
    tpu.wait_dma2 semaphore(%arg18 : memref<!tpu.dma_semaphore, #tpu.memory_space<semaphore_mem>>) src(%arg12 : memref<128x256xf32, #tpu.memory_space<vmem>>) dst(%dma_wait3A_127 : memref<128x256xf32, #tpu.memory_space<hbm>>)
    %add3A_128 = arith.constant 1280 : i32
    %add3A_129 = arith.addi %mul3A_2, %add3A_128 : i32
    %dma_start3A_130 = arith.constant 0 : i32
    %dma_start3A_131 = tpu.memref_slice %arg2[%dma_start3A_130, %add3A_129] : memref<128x204800xf32, #tpu.memory_space<hbm>> -> memref<128x256xf32, #tpu.memory_space<hbm>>
    %dma_start3A_132 = arith.constant 0 : i32
    %dma_start3A_133 = tpu.memref_slice %arg2[%dma_start3A_132, %add3A_129] : memref<128x204800xf32, #tpu.memory_space<hbm>> -> memref<128x256xf32, #tpu.memory_space<hbm>>
    tpu.enqueue_dma source(%dma_start3A_133 : memref<128x256xf32, #tpu.memory_space<hbm>>) target(%arg12 : memref<128x256xf32, #tpu.memory_space<vmem>>) target_semaphore(%arg15 : memref<!tpu.dma_semaphore, #tpu.memory_space<semaphore_mem>>)
    %dma_start3A_134 = tpu.memref_slice %arg3[%add3A_129] : memref<204800xi32, #tpu.memory_space<hbm>> -> memref<256xi32, #tpu.memory_space<hbm>>
    %dma_start3A_135 = tpu.memref_slice %arg3[%add3A_129] : memref<204800xi32, #tpu.memory_space<hbm>> -> memref<256xi32, #tpu.memory_space<hbm>>
    tpu.enqueue_dma source(%dma_start3A_135 : memref<256xi32, #tpu.memory_space<hbm>>) target(%arg9 : memref<256xi32, #tpu.memory_space<vmem>>) target_semaphore(%arg15 : memref<!tpu.dma_semaphore, #tpu.memory_space<semaphore_mem>>)
    %dma_wait3A_136 = arith.constant 0 : i32
    %dma_wait3A_137 = tpu.memref_slice %arg2[%dma_wait3A_136, %add3A_98] : memref<128x204800xf32, #tpu.memory_space<hbm>> -> memref<128x256xf32, #tpu.memory_space<hbm>>
    %dma_wait3A_138 = arith.constant 0 : i32
    %dma_wait3A_139 = tpu.memref_slice %arg2[%dma_wait3A_138, %add3A_98] : memref<128x204800xf32, #tpu.memory_space<hbm>> -> memref<128x256xf32, #tpu.memory_space<hbm>>
    tpu.wait_dma2 semaphore(%arg14 : memref<!tpu.dma_semaphore, #tpu.memory_space<semaphore_mem>>) src(%dma_wait3A_139 : memref<128x256xf32, #tpu.memory_space<hbm>>) dst(%arg11 : memref<128x256xf32, #tpu.memory_space<vmem>>)
    %dma_wait3A_140 = tpu.memref_slice %arg3[%add3A_98] : memref<204800xi32, #tpu.memory_space<hbm>> -> memref<256xi32, #tpu.memory_space<hbm>>
    %dma_wait3A_141 = tpu.memref_slice %arg3[%add3A_98] : memref<204800xi32, #tpu.memory_space<hbm>> -> memref<256xi32, #tpu.memory_space<hbm>>
    tpu.wait_dma2 semaphore(%arg14 : memref<!tpu.dma_semaphore, #tpu.memory_space<semaphore_mem>>) src(%dma_wait3A_141 : memref<256xi32, #tpu.memory_space<hbm>>) dst(%arg8 : memref<256xi32, #tpu.memory_space<vmem>>)
    %scan3A_142 = arith.constant 0 : i32
    %scan3A_143 = arith.constant 0 : i32
    %scan3A_144 = arith.constant 16 : i32
    %scan3A_145 = arith.addi %scan3A_143, %scan3A_144 : i32
    %scan3A_146 = arith.constant 1 : i32
    %scan3A_147 = scf.for %scan3A_775 = %scan3A_143 to %scan3A_145 step %scan3A_146 iter_args(%scan3A_776 = %scan3A_142) -> (i32)  : i32 {
      %mul3A_777 = arith.constant 16 : i32
      %mul3A_778 = arith.muli %scan3A_775, %mul3A_777 : i32
      %get3A = arith.index_cast %mul3A_778 : i32 to index
      %get3A_779 = tpu.vector_load %arg8[%get3A] {strides = array<i32>} : memref<256xi32, #tpu.memory_space<vmem>>, vector<16xi32>,
      %mul3A_780 = arith.constant 129 : i32
      %mul3A_781 = vector.broadcast %mul3A_780 : i32 to vector<16xi32>
      %mul3A_782 = arith.muli %get3A_779, %mul3A_781 : vector<16xi32>
      %parallel_loop3A = arith.constant 0 : i32
      %parallel_loop3A_783 = arith.constant 128 : i32
      %parallel_loop3A_784 = arith.constant 1 : i32
      %parallel_loop3A_785 = scf.for %parallel_loop3A_787 = %parallel_loop3A to %parallel_loop3A_783 step %parallel_loop3A_784 iter_args(%parallel_loop3A_788 = %mul3A_782) -> (vector<16xi32>)  : i32 {
        %parallel_loop3A_789 = tpu.vector_load_idx %arg6[%parallel_loop3A_788] : memref<6450xf32, #tpu.memory_space<vmem>>[vector<16xi32>], vector<16xf32>,
        %parallel_loop3A_790 = arith.constant 16 : i32
        %parallel_loop3A_791 = arith.muli %scan3A_775, %parallel_loop3A_790 : i32
        %parallel_loop3A_792 = arith.index_cast %parallel_loop3A_787 : i32 to index
        %parallel_loop3A_793 = arith.index_cast %parallel_loop3A_791 : i32 to index
        %parallel_loop3A_794 = tpu.vector_load %arg11[%parallel_loop3A_792, %parallel_loop3A_793] {strides = array<i32>} : memref<128x256xf32, #tpu.memory_space<vmem>>, vector<16xf32>,
        tpu.vector_store %arg11[%parallel_loop3A_792, %parallel_loop3A_793], %parallel_loop3A_789 {add = true, strides = array<i32>} : memref<128x256xf32, #tpu.memory_space<vmem>>, vector<16xf32>,
        %parallel_loop3A_795 = arith.constant 1 : i32
        %parallel_loop3A_796 = vector.broadcast %parallel_loop3A_795 : i32 to vector<16xi32>
        %parallel_loop3A_797 = arith.addi %parallel_loop3A_788, %parallel_loop3A_796 : vector<16xi32>
        scf.yield %parallel_loop3A_797 : vector<16xi32>
      } {sc.loop_unroll_factor = 8 : i64, sc.parallel_access}
      %scan3A_786 = arith.constant 0 : i32
      scf.yield %scan3A_786 : i32
    }
    %scan3A_148 = arith.constant 16 : i32
    %add3A_149 = arith.constant 1024 : i32
    %add3A_150 = arith.addi %mul3A_2, %add3A_149 : i32
    %dma_start3A_151 = arith.constant 0 : i32
    %dma_start3A_152 = tpu.memref_slice %arg5[%dma_start3A_151, %add3A_150] : memref<128x204800xf32, #tpu.memory_space<hbm>> -> memref<128x256xf32, #tpu.memory_space<hbm>>
    %dma_start3A_153 = arith.constant 0 : i32
    %dma_start3A_154 = tpu.memref_slice %arg5[%dma_start3A_153, %add3A_150] : memref<128x204800xf32, #tpu.memory_space<hbm>> -> memref<128x256xf32, #tpu.memory_space<hbm>>
    tpu.enqueue_dma source(%arg11 : memref<128x256xf32, #tpu.memory_space<vmem>>) target(%dma_start3A_154 : memref<128x256xf32, #tpu.memory_space<hbm>>) target_semaphore(%arg17 : memref<!tpu.dma_semaphore, #tpu.memory_space<semaphore_mem>>)
    %dma_wait3A_155 = arith.constant 0 : i32
    %dma_wait3A_156 = tpu.memref_slice %arg5[%dma_wait3A_155, %add3A_119] : memref<128x204800xf32, #tpu.memory_space<hbm>> -> memref<128x256xf32, #tpu.memory_space<hbm>>
    %dma_wait3A_157 = arith.constant 0 : i32
    %dma_wait3A_158 = tpu.memref_slice %arg5[%dma_wait3A_157, %add3A_119] : memref<128x204800xf32, #tpu.memory_space<hbm>> -> memref<128x256xf32, #tpu.memory_space<hbm>>
    tpu.wait_dma2 semaphore(%arg16 : memref<!tpu.dma_semaphore, #tpu.memory_space<semaphore_mem>>) src(%arg10 : memref<128x256xf32, #tpu.memory_space<vmem>>) dst(%dma_wait3A_158 : memref<128x256xf32, #tpu.memory_space<hbm>>)
    %add3A_159 = arith.constant 1536 : i32
    %add3A_160 = arith.addi %mul3A_2, %add3A_159 : i32
    %dma_start3A_161 = arith.constant 0 : i32
    %dma_start3A_162 = tpu.memref_slice %arg2[%dma_start3A_161, %add3A_160] : memref<128x204800xf32, #tpu.memory_space<hbm>> -> memref<128x256xf32, #tpu.memory_space<hbm>>
    %dma_start3A_163 = arith.constant 0 : i32
    %dma_start3A_164 = tpu.memref_slice %arg2[%dma_start3A_163, %add3A_160] : memref<128x204800xf32, #tpu.memory_space<hbm>> -> memref<128x256xf32, #tpu.memory_space<hbm>>
    tpu.enqueue_dma source(%dma_start3A_164 : memref<128x256xf32, #tpu.memory_space<hbm>>) target(%arg10 : memref<128x256xf32, #tpu.memory_space<vmem>>) target_semaphore(%arg13 : memref<!tpu.dma_semaphore, #tpu.memory_space<semaphore_mem>>)
    %dma_start3A_165 = tpu.memref_slice %arg3[%add3A_160] : memref<204800xi32, #tpu.memory_space<hbm>> -> memref<256xi32, #tpu.memory_space<hbm>>
    %dma_start3A_166 = tpu.memref_slice %arg3[%add3A_160] : memref<204800xi32, #tpu.memory_space<hbm>> -> memref<256xi32, #tpu.memory_space<hbm>>
    tpu.enqueue_dma source(%dma_start3A_166 : memref<256xi32, #tpu.memory_space<hbm>>) target(%arg7 : memref<256xi32, #tpu.memory_space<vmem>>) target_semaphore(%arg13 : memref<!tpu.dma_semaphore, #tpu.memory_space<semaphore_mem>>)
    %dma_wait3A_167 = arith.constant 0 : i32
    %dma_wait3A_168 = tpu.memref_slice %arg2[%dma_wait3A_167, %add3A_129] : memref<128x204800xf32, #tpu.memory_space<hbm>> -> memref<128x256xf32, #tpu.memory_space<hbm>>
    %dma_wait3A_169 = arith.constant 0 : i32
    %dma_wait3A_170 = tpu.memref_slice %arg2[%dma_wait3A_169, %add3A_129] : memref<128x204800xf32, #tpu.memory_space<hbm>> -> memref<128x256xf32, #tpu.memory_space<hbm>>
    tpu.wait_dma2 semaphore(%arg15 : memref<!tpu.dma_semaphore, #tpu.memory_space<semaphore_mem>>) src(%dma_wait3A_170 : memref<128x256xf32, #tpu.memory_space<hbm>>) dst(%arg12 : memref<128x256xf32, #tpu.memory_space<vmem>>)
    %dma_wait3A_171 = tpu.memref_slice %arg3[%add3A_129] : memref<204800xi32, #tpu.memory_space<hbm>> -> memref<256xi32, #tpu.memory_space<hbm>>
    %dma_wait3A_172 = tpu.memref_slice %arg3[%add3A_129] : memref<204800xi32, #tpu.memory_space<hbm>> -> memref<256xi32, #tpu.memory_space<hbm>>
    tpu.wait_dma2 semaphore(%arg15 : memref<!tpu.dma_semaphore, #tpu.memory_space<semaphore_mem>>) src(%dma_wait3A_172 : memref<256xi32, #tpu.memory_space<hbm>>) dst(%arg9 : memref<256xi32, #tpu.memory_space<vmem>>)
    %scan3A_173 = arith.constant 0 : i32
    %scan3A_174 = arith.constant 0 : i32
    %scan3A_175 = arith.constant 16 : i32
    %scan3A_176 = arith.addi %scan3A_174, %scan3A_175 : i32
    %scan3A_177 = arith.constant 1 : i32
    %scan3A_178 = scf.for %scan3A_775 = %scan3A_174 to %scan3A_176 step %scan3A_177 iter_args(%scan3A_776 = %scan3A_173) -> (i32)  : i32 {
      %mul3A_777 = arith.constant 16 : i32
      %mul3A_778 = arith.muli %scan3A_775, %mul3A_777 : i32
      %get3A = arith.index_cast %mul3A_778 : i32 to index
      %get3A_779 = tpu.vector_load %arg9[%get3A] {strides = array<i32>} : memref<256xi32, #tpu.memory_space<vmem>>, vector<16xi32>,
      %mul3A_780 = arith.constant 129 : i32
      %mul3A_781 = vector.broadcast %mul3A_780 : i32 to vector<16xi32>
      %mul3A_782 = arith.muli %get3A_779, %mul3A_781 : vector<16xi32>
      %parallel_loop3A = arith.constant 0 : i32
      %parallel_loop3A_783 = arith.constant 128 : i32
      %parallel_loop3A_784 = arith.constant 1 : i32
      %parallel_loop3A_785 = scf.for %parallel_loop3A_787 = %parallel_loop3A to %parallel_loop3A_783 step %parallel_loop3A_784 iter_args(%parallel_loop3A_788 = %mul3A_782) -> (vector<16xi32>)  : i32 {
        %parallel_loop3A_789 = tpu.vector_load_idx %arg6[%parallel_loop3A_788] : memref<6450xf32, #tpu.memory_space<vmem>>[vector<16xi32>], vector<16xf32>,
        %parallel_loop3A_790 = arith.constant 16 : i32
        %parallel_loop3A_791 = arith.muli %scan3A_775, %parallel_loop3A_790 : i32
        %parallel_loop3A_792 = arith.index_cast %parallel_loop3A_787 : i32 to index
        %parallel_loop3A_793 = arith.index_cast %parallel_loop3A_791 : i32 to index
        %parallel_loop3A_794 = tpu.vector_load %arg12[%parallel_loop3A_792, %parallel_loop3A_793] {strides = array<i32>} : memref<128x256xf32, #tpu.memory_space<vmem>>, vector<16xf32>,
        tpu.vector_store %arg12[%parallel_loop3A_792, %parallel_loop3A_793], %parallel_loop3A_789 {add = true, strides = array<i32>} : memref<128x256xf32, #tpu.memory_space<vmem>>, vector<16xf32>,
        %parallel_loop3A_795 = arith.constant 1 : i32
        %parallel_loop3A_796 = vector.broadcast %parallel_loop3A_795 : i32 to vector<16xi32>
        %parallel_loop3A_797 = arith.addi %parallel_loop3A_788, %parallel_loop3A_796 : vector<16xi32>
        scf.yield %parallel_loop3A_797 : vector<16xi32>
      } {sc.loop_unroll_factor = 8 : i64, sc.parallel_access}
      %scan3A_786 = arith.constant 0 : i32
      scf.yield %scan3A_786 : i32
    }
    %scan3A_179 = arith.constant 16 : i32
    %add3A_180 = arith.constant 1280 : i32
    %add3A_181 = arith.addi %mul3A_2, %add3A_180 : i32
    %dma_start3A_182 = arith.constant 0 : i32
    %dma_start3A_183 = tpu.memref_slice %arg5[%dma_start3A_182, %add3A_181] : memref<128x204800xf32, #tpu.memory_space<hbm>> -> memref<128x256xf32, #tpu.memory_space<hbm>>
    %dma_start3A_184 = arith.constant 0 : i32
    %dma_start3A_185 = tpu.memref_slice %arg5[%dma_start3A_184, %add3A_181] : memref<128x204800xf32, #tpu.memory_space<hbm>> -> memref<128x256xf32, #tpu.memory_space<hbm>>
    tpu.enqueue_dma source(%arg12 : memref<128x256xf32, #tpu.memory_space<vmem>>) target(%dma_start3A_185 : memref<128x256xf32, #tpu.memory_space<hbm>>) target_semaphore(%arg18 : memref<!tpu.dma_semaphore, #tpu.memory_space<semaphore_mem>>)
    %dma_wait3A_186 = arith.constant 0 : i32
    %dma_wait3A_187 = tpu.memref_slice %arg5[%dma_wait3A_186, %add3A_150] : memref<128x204800xf32, #tpu.memory_space<hbm>> -> memref<128x256xf32, #tpu.memory_space<hbm>>
    %dma_wait3A_188 = arith.constant 0 : i32
    %dma_wait3A_189 = tpu.memref_slice %arg5[%dma_wait3A_188, %add3A_150] : memref<128x204800xf32, #tpu.memory_space<hbm>> -> memref<128x256xf32, #tpu.memory_space<hbm>>
    tpu.wait_dma2 semaphore(%arg17 : memref<!tpu.dma_semaphore, #tpu.memory_space<semaphore_mem>>) src(%arg11 : memref<128x256xf32, #tpu.memory_space<vmem>>) dst(%dma_wait3A_189 : memref<128x256xf32, #tpu.memory_space<hbm>>)
    %add3A_190 = arith.constant 1792 : i32
    %add3A_191 = arith.addi %mul3A_2, %add3A_190 : i32
    %dma_start3A_192 = arith.constant 0 : i32
    %dma_start3A_193 = tpu.memref_slice %arg2[%dma_start3A_192, %add3A_191] : memref<128x204800xf32, #tpu.memory_space<hbm>> -> memref<128x256xf32, #tpu.memory_space<hbm>>
    %dma_start3A_194 = arith.constant 0 : i32
    %dma_start3A_195 = tpu.memref_slice %arg2[%dma_start3A_194, %add3A_191] : memref<128x204800xf32, #tpu.memory_space<hbm>> -> memref<128x256xf32, #tpu.memory_space<hbm>>
    tpu.enqueue_dma source(%dma_start3A_195 : memref<128x256xf32, #tpu.memory_space<hbm>>) target(%arg11 : memref<128x256xf32, #tpu.memory_space<vmem>>) target_semaphore(%arg14 : memref<!tpu.dma_semaphore, #tpu.memory_space<semaphore_mem>>)
    %dma_start3A_196 = tpu.memref_slice %arg3[%add3A_191] : memref<204800xi32, #tpu.memory_space<hbm>> -> memref<256xi32, #tpu.memory_space<hbm>>
    %dma_start3A_197 = tpu.memref_slice %arg3[%add3A_191] : memref<204800xi32, #tpu.memory_space<hbm>> -> memref<256xi32, #tpu.memory_space<hbm>>
    tpu.enqueue_dma source(%dma_start3A_197 : memref<256xi32, #tpu.memory_space<hbm>>) target(%arg8 : memref<256xi32, #tpu.memory_space<vmem>>) target_semaphore(%arg14 : memref<!tpu.dma_semaphore, #tpu.memory_space<semaphore_mem>>)
    %dma_wait3A_198 = arith.constant 0 : i32
    %dma_wait3A_199 = tpu.memref_slice %arg2[%dma_wait3A_198, %add3A_160] : memref<128x204800xf32, #tpu.memory_space<hbm>> -> memref<128x256xf32, #tpu.memory_space<hbm>>
    %dma_wait3A_200 = arith.constant 0 : i32
    %dma_wait3A_201 = tpu.memref_slice %arg2[%dma_wait3A_200, %add3A_160] : memref<128x204800xf32, #tpu.memory_space<hbm>> -> memref<128x256xf32, #tpu.memory_space<hbm>>
    tpu.wait_dma2 semaphore(%arg13 : memref<!tpu.dma_semaphore, #tpu.memory_space<semaphore_mem>>) src(%dma_wait3A_201 : memref<128x256xf32, #tpu.memory_space<hbm>>) dst(%arg10 : memref<128x256xf32, #tpu.memory_space<vmem>>)
    %dma_wait3A_202 = tpu.memref_slice %arg3[%add3A_160] : memref<204800xi32, #tpu.memory_space<hbm>> -> memref<256xi32, #tpu.memory_space<hbm>>
    %dma_wait3A_203 = tpu.memref_slice %arg3[%add3A_160] : memref<204800xi32, #tpu.memory_space<hbm>> -> memref<256xi32, #tpu.memory_space<hbm>>
    tpu.wait_dma2 semaphore(%arg13 : memref<!tpu.dma_semaphore, #tpu.memory_space<semaphore_mem>>) src(%dma_wait3A_203 : memref<256xi32, #tpu.memory_space<hbm>>) dst(%arg7 : memref<256xi32, #tpu.memory_space<vmem>>)
    %scan3A_204 = arith.constant 0 : i32
    %scan3A_205 = arith.constant 0 : i32
    %scan3A_206 = arith.constant 16 : i32
    %scan3A_207 = arith.addi %scan3A_205, %scan3A_206 : i32
    %scan3A_208 = arith.constant 1 : i32
    %scan3A_209 = scf.for %scan3A_775 = %scan3A_205 to %scan3A_207 step %scan3A_208 iter_args(%scan3A_776 = %scan3A_204) -> (i32)  : i32 {
      %mul3A_777 = arith.constant 16 : i32
      %mul3A_778 = arith.muli %scan3A_775, %mul3A_777 : i32
      %get3A = arith.index_cast %mul3A_778 : i32 to index
      %get3A_779 = tpu.vector_load %arg7[%get3A] {strides = array<i32>} : memref<256xi32, #tpu.memory_space<vmem>>, vector<16xi32>,
      %mul3A_780 = arith.constant 129 : i32
      %mul3A_781 = vector.broadcast %mul3A_780 : i32 to vector<16xi32>
      %mul3A_782 = arith.muli %get3A_779, %mul3A_781 : vector<16xi32>
      %parallel_loop3A = arith.constant 0 : i32
      %parallel_loop3A_783 = arith.constant 128 : i32
      %parallel_loop3A_784 = arith.constant 1 : i32
      %parallel_loop3A_785 = scf.for %parallel_loop3A_787 = %parallel_loop3A to %parallel_loop3A_783 step %parallel_loop3A_784 iter_args(%parallel_loop3A_788 = %mul3A_782) -> (vector<16xi32>)  : i32 {
        %parallel_loop3A_789 = tpu.vector_load_idx %arg6[%parallel_loop3A_788] : memref<6450xf32, #tpu.memory_space<vmem>>[vector<16xi32>], vector<16xf32>,
        %parallel_loop3A_790 = arith.constant 16 : i32
        %parallel_loop3A_791 = arith.muli %scan3A_775, %parallel_loop3A_790 : i32
        %parallel_loop3A_792 = arith.index_cast %parallel_loop3A_787 : i32 to index
        %parallel_loop3A_793 = arith.index_cast %parallel_loop3A_791 : i32 to index
        %parallel_loop3A_794 = tpu.vector_load %arg10[%parallel_loop3A_792, %parallel_loop3A_793] {strides = array<i32>} : memref<128x256xf32, #tpu.memory_space<vmem>>, vector<16xf32>,
        tpu.vector_store %arg10[%parallel_loop3A_792, %parallel_loop3A_793], %parallel_loop3A_789 {add = true, strides = array<i32>} : memref<128x256xf32, #tpu.memory_space<vmem>>, vector<16xf32>,
        %parallel_loop3A_795 = arith.constant 1 : i32
        %parallel_loop3A_796 = vector.broadcast %parallel_loop3A_795 : i32 to vector<16xi32>
        %parallel_loop3A_797 = arith.addi %parallel_loop3A_788, %parallel_loop3A_796 : vector<16xi32>
        scf.yield %parallel_loop3A_797 : vector<16xi32>
      } {sc.loop_unroll_factor = 8 : i64, sc.parallel_access}
      %scan3A_786 = arith.constant 0 : i32
      scf.yield %scan3A_786 : i32
    }
    %scan3A_210 = arith.constant 16 : i32
    %add3A_211 = arith.constant 1536 : i32
    %add3A_212 = arith.addi %mul3A_2, %add3A_211 : i32
    %dma_start3A_213 = arith.constant 0 : i32
    %dma_start3A_214 = tpu.memref_slice %arg5[%dma_start3A_213, %add3A_212] : memref<128x204800xf32, #tpu.memory_space<hbm>> -> memref<128x256xf32, #tpu.memory_space<hbm>>
    %dma_start3A_215 = arith.constant 0 : i32
    %dma_start3A_216 = tpu.memref_slice %arg5[%dma_start3A_215, %add3A_212] : memref<128x204800xf32, #tpu.memory_space<hbm>> -> memref<128x256xf32, #tpu.memory_space<hbm>>
    tpu.enqueue_dma source(%arg10 : memref<128x256xf32, #tpu.memory_space<vmem>>) target(%dma_start3A_216 : memref<128x256xf32, #tpu.memory_space<hbm>>) target_semaphore(%arg16 : memref<!tpu.dma_semaphore, #tpu.memory_space<semaphore_mem>>)
    %dma_wait3A_217 = arith.constant 0 : i32
    %dma_wait3A_218 = tpu.memref_slice %arg5[%dma_wait3A_217, %add3A_181] : memref<128x204800xf32, #tpu.memory_space<hbm>> -> memref<128x256xf32, #tpu.memory_space<hbm>>
    %dma_wait3A_219 = arith.constant 0 : i32
    %dma_wait3A_220 = tpu.memref_slice %arg5[%dma_wait3A_219, %add3A_181] : memref<128x204800xf32, #tpu.memory_space<hbm>> -> memref<128x256xf32, #tpu.memory_space<hbm>>
    tpu.wait_dma2 semaphore(%arg18 : memref<!tpu.dma_semaphore, #tpu.memory_space<semaphore_mem>>) src(%arg12 : memref<128x256xf32, #tpu.memory_space<vmem>>) dst(%dma_wait3A_220 : memref<128x256xf32, #tpu.memory_space<hbm>>)
    %add3A_221 = arith.constant 2048 : i32
    %add3A_222 = arith.addi %mul3A_2, %add3A_221 : i32
    %dma_start3A_223 = arith.constant 0 : i32
    %dma_start3A_224 = tpu.memref_slice %arg2[%dma_start3A_223, %add3A_222] : memref<128x204800xf32, #tpu.memory_space<hbm>> -> memref<128x256xf32, #tpu.memory_space<hbm>>
    %dma_start3A_225 = arith.constant 0 : i32
    %dma_start3A_226 = tpu.memref_slice %arg2[%dma_start3A_225, %add3A_222] : memref<128x204800xf32, #tpu.memory_space<hbm>> -> memref<128x256xf32, #tpu.memory_space<hbm>>
    tpu.enqueue_dma source(%dma_start3A_226 : memref<128x256xf32, #tpu.memory_space<hbm>>) target(%arg12 : memref<128x256xf32, #tpu.memory_space<vmem>>) target_semaphore(%arg15 : memref<!tpu.dma_semaphore, #tpu.memory_space<semaphore_mem>>)
    %dma_start3A_227 = tpu.memref_slice %arg3[%add3A_222] : memref<204800xi32, #tpu.memory_space<hbm>> -> memref<256xi32, #tpu.memory_space<hbm>>
    %dma_start3A_228 = tpu.memref_slice %arg3[%add3A_222] : memref<204800xi32, #tpu.memory_space<hbm>> -> memref<256xi32, #tpu.memory_space<hbm>>
    tpu.enqueue_dma source(%dma_start3A_228 : memref<256xi32, #tpu.memory_space<hbm>>) target(%arg9 : memref<256xi32, #tpu.memory_space<vmem>>) target_semaphore(%arg15 : memref<!tpu.dma_semaphore, #tpu.memory_space<semaphore_mem>>)
    %dma_wait3A_229 = arith.constant 0 : i32
    %dma_wait3A_230 = tpu.memref_slice %arg2[%dma_wait3A_229, %add3A_191] : memref<128x204800xf32, #tpu.memory_space<hbm>> -> memref<128x256xf32, #tpu.memory_space<hbm>>
    %dma_wait3A_231 = arith.constant 0 : i32
    %dma_wait3A_232 = tpu.memref_slice %arg2[%dma_wait3A_231, %add3A_191] : memref<128x204800xf32, #tpu.memory_space<hbm>> -> memref<128x256xf32, #tpu.memory_space<hbm>>
    tpu.wait_dma2 semaphore(%arg14 : memref<!tpu.dma_semaphore, #tpu.memory_space<semaphore_mem>>) src(%dma_wait3A_232 : memref<128x256xf32, #tpu.memory_space<hbm>>) dst(%arg11 : memref<128x256xf32, #tpu.memory_space<vmem>>)
    %dma_wait3A_233 = tpu.memref_slice %arg3[%add3A_191] : memref<204800xi32, #tpu.memory_space<hbm>> -> memref<256xi32, #tpu.memory_space<hbm>>
    %dma_wait3A_234 = tpu.memref_slice %arg3[%add3A_191] : memref<204800xi32, #tpu.memory_space<hbm>> -> memref<256xi32, #tpu.memory_space<hbm>>
    tpu.wait_dma2 semaphore(%arg14 : memref<!tpu.dma_semaphore, #tpu.memory_space<semaphore_mem>>) src(%dma_wait3A_234 : memref<256xi32, #tpu.memory_space<hbm>>) dst(%arg8 : memref<256xi32, #tpu.memory_space<vmem>>)
    %scan3A_235 = arith.constant 0 : i32
    %scan3A_236 = arith.constant 0 : i32
    %scan3A_237 = arith.constant 16 : i32
    %scan3A_238 = arith.addi %scan3A_236, %scan3A_237 : i32
    %scan3A_239 = arith.constant 1 : i32
    %scan3A_240 = scf.for %scan3A_775 = %scan3A_236 to %scan3A_238 step %scan3A_239 iter_args(%scan3A_776 = %scan3A_235) -> (i32)  : i32 {
      %mul3A_777 = arith.constant 16 : i32
      %mul3A_778 = arith.muli %scan3A_775, %mul3A_777 : i32
      %get3A = arith.index_cast %mul3A_778 : i32 to index
      %get3A_779 = tpu.vector_load %arg8[%get3A] {strides = array<i32>} : memref<256xi32, #tpu.memory_space<vmem>>, vector<16xi32>,
      %mul3A_780 = arith.constant 129 : i32
      %mul3A_781 = vector.broadcast %mul3A_780 : i32 to vector<16xi32>
      %mul3A_782 = arith.muli %get3A_779, %mul3A_781 : vector<16xi32>
      %parallel_loop3A = arith.constant 0 : i32
      %parallel_loop3A_783 = arith.constant 128 : i32
      %parallel_loop3A_784 = arith.constant 1 : i32
      %parallel_loop3A_785 = scf.for %parallel_loop3A_787 = %parallel_loop3A to %parallel_loop3A_783 step %parallel_loop3A_784 iter_args(%parallel_loop3A_788 = %mul3A_782) -> (vector<16xi32>)  : i32 {
        %parallel_loop3A_789 = tpu.vector_load_idx %arg6[%parallel_loop3A_788] : memref<6450xf32, #tpu.memory_space<vmem>>[vector<16xi32>], vector<16xf32>,
        %parallel_loop3A_790 = arith.constant 16 : i32
        %parallel_loop3A_791 = arith.muli %scan3A_775, %parallel_loop3A_790 : i32
        %parallel_loop3A_792 = arith.index_cast %parallel_loop3A_787 : i32 to index
        %parallel_loop3A_793 = arith.index_cast %parallel_loop3A_791 : i32 to index
        %parallel_loop3A_794 = tpu.vector_load %arg11[%parallel_loop3A_792, %parallel_loop3A_793] {strides = array<i32>} : memref<128x256xf32, #tpu.memory_space<vmem>>, vector<16xf32>,
        tpu.vector_store %arg11[%parallel_loop3A_792, %parallel_loop3A_793], %parallel_loop3A_789 {add = true, strides = array<i32>} : memref<128x256xf32, #tpu.memory_space<vmem>>, vector<16xf32>,
        %parallel_loop3A_795 = arith.constant 1 : i32
        %parallel_loop3A_796 = vector.broadcast %parallel_loop3A_795 : i32 to vector<16xi32>
        %parallel_loop3A_797 = arith.addi %parallel_loop3A_788, %parallel_loop3A_796 : vector<16xi32>
        scf.yield %parallel_loop3A_797 : vector<16xi32>
      } {sc.loop_unroll_factor = 8 : i64, sc.parallel_access}
      %scan3A_786 = arith.constant 0 : i32
      scf.yield %scan3A_786 : i32
    }
    %scan3A_241 = arith.constant 16 : i32
    %add3A_242 = arith.constant 1792 : i32
    %add3A_243 = arith.addi %mul3A_2, %add3A_242 : i32
    %dma_start3A_244 = arith.constant 0 : i32
    %dma_start3A_245 = tpu.memref_slice %arg5[%dma_start3A_244, %add3A_243] : memref<128x204800xf32, #tpu.memory_space<hbm>> -> memref<128x256xf32, #tpu.memory_space<hbm>>
    %dma_start3A_246 = arith.constant 0 : i32
    %dma_start3A_247 = tpu.memref_slice %arg5[%dma_start3A_246, %add3A_243] : memref<128x204800xf32, #tpu.memory_space<hbm>> -> memref<128x256xf32, #tpu.memory_space<hbm>>
    tpu.enqueue_dma source(%arg11 : memref<128x256xf32, #tpu.memory_space<vmem>>) target(%dma_start3A_247 : memref<128x256xf32, #tpu.memory_space<hbm>>) target_semaphore(%arg17 : memref<!tpu.dma_semaphore, #tpu.memory_space<semaphore_mem>>)
    %dma_wait3A_248 = arith.constant 0 : i32
    %dma_wait3A_249 = tpu.memref_slice %arg5[%dma_wait3A_248, %add3A_212] : memref<128x204800xf32, #tpu.memory_space<hbm>> -> memref<128x256xf32, #tpu.memory_space<hbm>>
    %dma_wait3A_250 = arith.constant 0 : i32
    %dma_wait3A_251 = tpu.memref_slice %arg5[%dma_wait3A_250, %add3A_212] : memref<128x204800xf32, #tpu.memory_space<hbm>> -> memref<128x256xf32, #tpu.memory_space<hbm>>
    tpu.wait_dma2 semaphore(%arg16 : memref<!tpu.dma_semaphore, #tpu.memory_space<semaphore_mem>>) src(%arg10 : memref<128x256xf32, #tpu.memory_space<vmem>>) dst(%dma_wait3A_251 : memref<128x256xf32, #tpu.memory_space<hbm>>)
    %add3A_252 = arith.constant 2304 : i32
    %add3A_253 = arith.addi %mul3A_2, %add3A_252 : i32
    %dma_start3A_254 = arith.constant 0 : i32
    %dma_start3A_255 = tpu.memref_slice %arg2[%dma_start3A_254, %add3A_253] : memref<128x204800xf32, #tpu.memory_space<hbm>> -> memref<128x256xf32, #tpu.memory_space<hbm>>
    %dma_start3A_256 = arith.constant 0 : i32
    %dma_start3A_257 = tpu.memref_slice %arg2[%dma_start3A_256, %add3A_253] : memref<128x204800xf32, #tpu.memory_space<hbm>> -> memref<128x256xf32, #tpu.memory_space<hbm>>
    tpu.enqueue_dma source(%dma_start3A_257 : memref<128x256xf32, #tpu.memory_space<hbm>>) target(%arg10 : memref<128x256xf32, #tpu.memory_space<vmem>>) target_semaphore(%arg13 : memref<!tpu.dma_semaphore, #tpu.memory_space<semaphore_mem>>)
    %dma_start3A_258 = tpu.memref_slice %arg3[%add3A_253] : memref<204800xi32, #tpu.memory_space<hbm>> -> memref<256xi32, #tpu.memory_space<hbm>>
    %dma_start3A_259 = tpu.memref_slice %arg3[%add3A_253] : memref<204800xi32, #tpu.memory_space<hbm>> -> memref<256xi32, #tpu.memory_space<hbm>>
    tpu.enqueue_dma source(%dma_start3A_259 : memref<256xi32, #tpu.memory_space<hbm>>) target(%arg7 : memref<256xi32, #tpu.memory_space<vmem>>) target_semaphore(%arg13 : memref<!tpu.dma_semaphore, #tpu.memory_space<semaphore_mem>>)
    %dma_wait3A_260 = arith.constant 0 : i32
    %dma_wait3A_261 = tpu.memref_slice %arg2[%dma_wait3A_260, %add3A_222] : memref<128x204800xf32, #tpu.memory_space<hbm>> -> memref<128x256xf32, #tpu.memory_space<hbm>>
    %dma_wait3A_262 = arith.constant 0 : i32
    %dma_wait3A_263 = tpu.memref_slice %arg2[%dma_wait3A_262, %add3A_222] : memref<128x204800xf32, #tpu.memory_space<hbm>> -> memref<128x256xf32, #tpu.memory_space<hbm>>
    tpu.wait_dma2 semaphore(%arg15 : memref<!tpu.dma_semaphore, #tpu.memory_space<semaphore_mem>>) src(%dma_wait3A_263 : memref<128x256xf32, #tpu.memory_space<hbm>>) dst(%arg12 : memref<128x256xf32, #tpu.memory_space<vmem>>)
    %dma_wait3A_264 = tpu.memref_slice %arg3[%add3A_222] : memref<204800xi32, #tpu.memory_space<hbm>> -> memref<256xi32, #tpu.memory_space<hbm>>
    %dma_wait3A_265 = tpu.memref_slice %arg3[%add3A_222] : memref<204800xi32, #tpu.memory_space<hbm>> -> memref<256xi32, #tpu.memory_space<hbm>>
    tpu.wait_dma2 semaphore(%arg15 : memref<!tpu.dma_semaphore, #tpu.memory_space<semaphore_mem>>) src(%dma_wait3A_265 : memref<256xi32, #tpu.memory_space<hbm>>) dst(%arg9 : memref<256xi32, #tpu.memory_space<vmem>>)
    %scan3A_266 = arith.constant 0 : i32
    %scan3A_267 = arith.constant 0 : i32
    %scan3A_268 = arith.constant 16 : i32
    %scan3A_269 = arith.addi %scan3A_267, %scan3A_268 : i32
    %scan3A_270 = arith.constant 1 : i32
    %scan3A_271 = scf.for %scan3A_775 = %scan3A_267 to %scan3A_269 step %scan3A_270 iter_args(%scan3A_776 = %scan3A_266) -> (i32)  : i32 {
      %mul3A_777 = arith.constant 16 : i32
      %mul3A_778 = arith.muli %scan3A_775, %mul3A_777 : i32
      %get3A = arith.index_cast %mul3A_778 : i32 to index
      %get3A_779 = tpu.vector_load %arg9[%get3A] {strides = array<i32>} : memref<256xi32, #tpu.memory_space<vmem>>, vector<16xi32>,
      %mul3A_780 = arith.constant 129 : i32
      %mul3A_781 = vector.broadcast %mul3A_780 : i32 to vector<16xi32>
      %mul3A_782 = arith.muli %get3A_779, %mul3A_781 : vector<16xi32>
      %parallel_loop3A = arith.constant 0 : i32
      %parallel_loop3A_783 = arith.constant 128 : i32
      %parallel_loop3A_784 = arith.constant 1 : i32
      %parallel_loop3A_785 = scf.for %parallel_loop3A_787 = %parallel_loop3A to %parallel_loop3A_783 step %parallel_loop3A_784 iter_args(%parallel_loop3A_788 = %mul3A_782) -> (vector<16xi32>)  : i32 {
        %parallel_loop3A_789 = tpu.vector_load_idx %arg6[%parallel_loop3A_788] : memref<6450xf32, #tpu.memory_space<vmem>>[vector<16xi32>], vector<16xf32>,
        %parallel_loop3A_790 = arith.constant 16 : i32
        %parallel_loop3A_791 = arith.muli %scan3A_775, %parallel_loop3A_790 : i32
        %parallel_loop3A_792 = arith.index_cast %parallel_loop3A_787 : i32 to index
        %parallel_loop3A_793 = arith.index_cast %parallel_loop3A_791 : i32 to index
        %parallel_loop3A_794 = tpu.vector_load %arg12[%parallel_loop3A_792, %parallel_loop3A_793] {strides = array<i32>} : memref<128x256xf32, #tpu.memory_space<vmem>>, vector<16xf32>,
        tpu.vector_store %arg12[%parallel_loop3A_792, %parallel_loop3A_793], %parallel_loop3A_789 {add = true, strides = array<i32>} : memref<128x256xf32, #tpu.memory_space<vmem>>, vector<16xf32>,
        %parallel_loop3A_795 = arith.constant 1 : i32
        %parallel_loop3A_796 = vector.broadcast %parallel_loop3A_795 : i32 to vector<16xi32>
        %parallel_loop3A_797 = arith.addi %parallel_loop3A_788, %parallel_loop3A_796 : vector<16xi32>
        scf.yield %parallel_loop3A_797 : vector<16xi32>
      } {sc.loop_unroll_factor = 8 : i64, sc.parallel_access}
      %scan3A_786 = arith.constant 0 : i32
      scf.yield %scan3A_786 : i32
    }
    %scan3A_272 = arith.constant 16 : i32
    %add3A_273 = arith.constant 2048 : i32
    %add3A_274 = arith.addi %mul3A_2, %add3A_273 : i32
    %dma_start3A_275 = arith.constant 0 : i32
    %dma_start3A_276 = tpu.memref_slice %arg5[%dma_start3A_275, %add3A_274] : memref<128x204800xf32, #tpu.memory_space<hbm>> -> memref<128x256xf32, #tpu.memory_space<hbm>>
    %dma_start3A_277 = arith.constant 0 : i32
    %dma_start3A_278 = tpu.memref_slice %arg5[%dma_start3A_277, %add3A_274] : memref<128x204800xf32, #tpu.memory_space<hbm>> -> memref<128x256xf32, #tpu.memory_space<hbm>>
    tpu.enqueue_dma source(%arg12 : memref<128x256xf32, #tpu.memory_space<vmem>>) target(%dma_start3A_278 : memref<128x256xf32, #tpu.memory_space<hbm>>) target_semaphore(%arg18 : memref<!tpu.dma_semaphore, #tpu.memory_space<semaphore_mem>>)
    %dma_wait3A_279 = arith.constant 0 : i32
    %dma_wait3A_280 = tpu.memref_slice %arg5[%dma_wait3A_279, %add3A_243] : memref<128x204800xf32, #tpu.memory_space<hbm>> -> memref<128x256xf32, #tpu.memory_space<hbm>>
    %dma_wait3A_281 = arith.constant 0 : i32
    %dma_wait3A_282 = tpu.memref_slice %arg5[%dma_wait3A_281, %add3A_243] : memref<128x204800xf32, #tpu.memory_space<hbm>> -> memref<128x256xf32, #tpu.memory_space<hbm>>
    tpu.wait_dma2 semaphore(%arg17 : memref<!tpu.dma_semaphore, #tpu.memory_space<semaphore_mem>>) src(%arg11 : memref<128x256xf32, #tpu.memory_space<vmem>>) dst(%dma_wait3A_282 : memref<128x256xf32, #tpu.memory_space<hbm>>)
    %add3A_283 = arith.constant 2560 : i32
    %add3A_284 = arith.addi %mul3A_2, %add3A_283 : i32
    %dma_start3A_285 = arith.constant 0 : i32
    %dma_start3A_286 = tpu.memref_slice %arg2[%dma_start3A_285, %add3A_284] : memref<128x204800xf32, #tpu.memory_space<hbm>> -> memref<128x256xf32, #tpu.memory_space<hbm>>
    %dma_start3A_287 = arith.constant 0 : i32
    %dma_start3A_288 = tpu.memref_slice %arg2[%dma_start3A_287, %add3A_284] : memref<128x204800xf32, #tpu.memory_space<hbm>> -> memref<128x256xf32, #tpu.memory_space<hbm>>
    tpu.enqueue_dma source(%dma_start3A_288 : memref<128x256xf32, #tpu.memory_space<hbm>>) target(%arg11 : memref<128x256xf32, #tpu.memory_space<vmem>>) target_semaphore(%arg14 : memref<!tpu.dma_semaphore, #tpu.memory_space<semaphore_mem>>)
    %dma_start3A_289 = tpu.memref_slice %arg3[%add3A_284] : memref<204800xi32, #tpu.memory_space<hbm>> -> memref<256xi32, #tpu.memory_space<hbm>>
    %dma_start3A_290 = tpu.memref_slice %arg3[%add3A_284] : memref<204800xi32, #tpu.memory_space<hbm>> -> memref<256xi32, #tpu.memory_space<hbm>>
    tpu.enqueue_dma source(%dma_start3A_290 : memref<256xi32, #tpu.memory_space<hbm>>) target(%arg8 : memref<256xi32, #tpu.memory_space<vmem>>) target_semaphore(%arg14 : memref<!tpu.dma_semaphore, #tpu.memory_space<semaphore_mem>>)
    %dma_wait3A_291 = arith.constant 0 : i32
    %dma_wait3A_292 = tpu.memref_slice %arg2[%dma_wait3A_291, %add3A_253] : memref<128x204800xf32, #tpu.memory_space<hbm>> -> memref<128x256xf32, #tpu.memory_space<hbm>>
    %dma_wait3A_293 = arith.constant 0 : i32
    %dma_wait3A_294 = tpu.memref_slice %arg2[%dma_wait3A_293, %add3A_253] : memref<128x204800xf32, #tpu.memory_space<hbm>> -> memref<128x256xf32, #tpu.memory_space<hbm>>
    tpu.wait_dma2 semaphore(%arg13 : memref<!tpu.dma_semaphore, #tpu.memory_space<semaphore_mem>>) src(%dma_wait3A_294 : memref<128x256xf32, #tpu.memory_space<hbm>>) dst(%arg10 : memref<128x256xf32, #tpu.memory_space<vmem>>)
    %dma_wait3A_295 = tpu.memref_slice %arg3[%add3A_253] : memref<204800xi32, #tpu.memory_space<hbm>> -> memref<256xi32, #tpu.memory_space<hbm>>
    %dma_wait3A_296 = tpu.memref_slice %arg3[%add3A_253] : memref<204800xi32, #tpu.memory_space<hbm>> -> memref<256xi32, #tpu.memory_space<hbm>>
    tpu.wait_dma2 semaphore(%arg13 : memref<!tpu.dma_semaphore, #tpu.memory_space<semaphore_mem>>) src(%dma_wait3A_296 : memref<256xi32, #tpu.memory_space<hbm>>) dst(%arg7 : memref<256xi32, #tpu.memory_space<vmem>>)
    %scan3A_297 = arith.constant 0 : i32
    %scan3A_298 = arith.constant 0 : i32
    %scan3A_299 = arith.constant 16 : i32
    %scan3A_300 = arith.addi %scan3A_298, %scan3A_299 : i32
    %scan3A_301 = arith.constant 1 : i32
    %scan3A_302 = scf.for %scan3A_775 = %scan3A_298 to %scan3A_300 step %scan3A_301 iter_args(%scan3A_776 = %scan3A_297) -> (i32)  : i32 {
      %mul3A_777 = arith.constant 16 : i32
      %mul3A_778 = arith.muli %scan3A_775, %mul3A_777 : i32
      %get3A = arith.index_cast %mul3A_778 : i32 to index
      %get3A_779 = tpu.vector_load %arg7[%get3A] {strides = array<i32>} : memref<256xi32, #tpu.memory_space<vmem>>, vector<16xi32>,
      %mul3A_780 = arith.constant 129 : i32
      %mul3A_781 = vector.broadcast %mul3A_780 : i32 to vector<16xi32>
      %mul3A_782 = arith.muli %get3A_779, %mul3A_781 : vector<16xi32>
      %parallel_loop3A = arith.constant 0 : i32
      %parallel_loop3A_783 = arith.constant 128 : i32
      %parallel_loop3A_784 = arith.constant 1 : i32
      %parallel_loop3A_785 = scf.for %parallel_loop3A_787 = %parallel_loop3A to %parallel_loop3A_783 step %parallel_loop3A_784 iter_args(%parallel_loop3A_788 = %mul3A_782) -> (vector<16xi32>)  : i32 {
        %parallel_loop3A_789 = tpu.vector_load_idx %arg6[%parallel_loop3A_788] : memref<6450xf32, #tpu.memory_space<vmem>>[vector<16xi32>], vector<16xf32>,
        %parallel_loop3A_790 = arith.constant 16 : i32
        %parallel_loop3A_791 = arith.muli %scan3A_775, %parallel_loop3A_790 : i32
        %parallel_loop3A_792 = arith.index_cast %parallel_loop3A_787 : i32 to index
        %parallel_loop3A_793 = arith.index_cast %parallel_loop3A_791 : i32 to index
        %parallel_loop3A_794 = tpu.vector_load %arg10[%parallel_loop3A_792, %parallel_loop3A_793] {strides = array<i32>} : memref<128x256xf32, #tpu.memory_space<vmem>>, vector<16xf32>,
        tpu.vector_store %arg10[%parallel_loop3A_792, %parallel_loop3A_793], %parallel_loop3A_789 {add = true, strides = array<i32>} : memref<128x256xf32, #tpu.memory_space<vmem>>, vector<16xf32>,
        %parallel_loop3A_795 = arith.constant 1 : i32
        %parallel_loop3A_796 = vector.broadcast %parallel_loop3A_795 : i32 to vector<16xi32>
        %parallel_loop3A_797 = arith.addi %parallel_loop3A_788, %parallel_loop3A_796 : vector<16xi32>
        scf.yield %parallel_loop3A_797 : vector<16xi32>
      } {sc.loop_unroll_factor = 8 : i64, sc.parallel_access}
      %scan3A_786 = arith.constant 0 : i32
      scf.yield %scan3A_786 : i32
    }
    %scan3A_303 = arith.constant 16 : i32
    %add3A_304 = arith.constant 2304 : i32
    %add3A_305 = arith.addi %mul3A_2, %add3A_304 : i32
    %dma_start3A_306 = arith.constant 0 : i32
    %dma_start3A_307 = tpu.memref_slice %arg5[%dma_start3A_306, %add3A_305] : memref<128x204800xf32, #tpu.memory_space<hbm>> -> memref<128x256xf32, #tpu.memory_space<hbm>>
    %dma_start3A_308 = arith.constant 0 : i32
    %dma_start3A_309 = tpu.memref_slice %arg5[%dma_start3A_308, %add3A_305] : memref<128x204800xf32, #tpu.memory_space<hbm>> -> memref<128x256xf32, #tpu.memory_space<hbm>>
    tpu.enqueue_dma source(%arg10 : memref<128x256xf32, #tpu.memory_space<vmem>>) target(%dma_start3A_309 : memref<128x256xf32, #tpu.memory_space<hbm>>) target_semaphore(%arg16 : memref<!tpu.dma_semaphore, #tpu.memory_space<semaphore_mem>>)
    %dma_wait3A_310 = arith.constant 0 : i32
    %dma_wait3A_311 = tpu.memref_slice %arg5[%dma_wait3A_310, %add3A_274] : memref<128x204800xf32, #tpu.memory_space<hbm>> -> memref<128x256xf32, #tpu.memory_space<hbm>>
    %dma_wait3A_312 = arith.constant 0 : i32
    %dma_wait3A_313 = tpu.memref_slice %arg5[%dma_wait3A_312, %add3A_274] : memref<128x204800xf32, #tpu.memory_space<hbm>> -> memref<128x256xf32, #tpu.memory_space<hbm>>
    tpu.wait_dma2 semaphore(%arg18 : memref<!tpu.dma_semaphore, #tpu.memory_space<semaphore_mem>>) src(%arg12 : memref<128x256xf32, #tpu.memory_space<vmem>>) dst(%dma_wait3A_313 : memref<128x256xf32, #tpu.memory_space<hbm>>)
    %add3A_314 = arith.constant 2816 : i32
    %add3A_315 = arith.addi %mul3A_2, %add3A_314 : i32
    %dma_start3A_316 = arith.constant 0 : i32
    %dma_start3A_317 = tpu.memref_slice %arg2[%dma_start3A_316, %add3A_315] : memref<128x204800xf32, #tpu.memory_space<hbm>> -> memref<128x256xf32, #tpu.memory_space<hbm>>
    %dma_start3A_318 = arith.constant 0 : i32
    %dma_start3A_319 = tpu.memref_slice %arg2[%dma_start3A_318, %add3A_315] : memref<128x204800xf32, #tpu.memory_space<hbm>> -> memref<128x256xf32, #tpu.memory_space<hbm>>
    tpu.enqueue_dma source(%dma_start3A_319 : memref<128x256xf32, #tpu.memory_space<hbm>>) target(%arg12 : memref<128x256xf32, #tpu.memory_space<vmem>>) target_semaphore(%arg15 : memref<!tpu.dma_semaphore, #tpu.memory_space<semaphore_mem>>)
    %dma_start3A_320 = tpu.memref_slice %arg3[%add3A_315] : memref<204800xi32, #tpu.memory_space<hbm>> -> memref<256xi32, #tpu.memory_space<hbm>>
    %dma_start3A_321 = tpu.memref_slice %arg3[%add3A_315] : memref<204800xi32, #tpu.memory_space<hbm>> -> memref<256xi32, #tpu.memory_space<hbm>>
    tpu.enqueue_dma source(%dma_start3A_321 : memref<256xi32, #tpu.memory_space<hbm>>) target(%arg9 : memref<256xi32, #tpu.memory_space<vmem>>) target_semaphore(%arg15 : memref<!tpu.dma_semaphore, #tpu.memory_space<semaphore_mem>>)
    %dma_wait3A_322 = arith.constant 0 : i32
    %dma_wait3A_323 = tpu.memref_slice %arg2[%dma_wait3A_322, %add3A_284] : memref<128x204800xf32, #tpu.memory_space<hbm>> -> memref<128x256xf32, #tpu.memory_space<hbm>>
    %dma_wait3A_324 = arith.constant 0 : i32
    %dma_wait3A_325 = tpu.memref_slice %arg2[%dma_wait3A_324, %add3A_284] : memref<128x204800xf32, #tpu.memory_space<hbm>> -> memref<128x256xf32, #tpu.memory_space<hbm>>
    tpu.wait_dma2 semaphore(%arg14 : memref<!tpu.dma_semaphore, #tpu.memory_space<semaphore_mem>>) src(%dma_wait3A_325 : memref<128x256xf32, #tpu.memory_space<hbm>>) dst(%arg11 : memref<128x256xf32, #tpu.memory_space<vmem>>)
    %dma_wait3A_326 = tpu.memref_slice %arg3[%add3A_284] : memref<204800xi32, #tpu.memory_space<hbm>> -> memref<256xi32, #tpu.memory_space<hbm>>
    %dma_wait3A_327 = tpu.memref_slice %arg3[%add3A_284] : memref<204800xi32, #tpu.memory_space<hbm>> -> memref<256xi32, #tpu.memory_space<hbm>>
    tpu.wait_dma2 semaphore(%arg14 : memref<!tpu.dma_semaphore, #tpu.memory_space<semaphore_mem>>) src(%dma_wait3A_327 : memref<256xi32, #tpu.memory_space<hbm>>) dst(%arg8 : memref<256xi32, #tpu.memory_space<vmem>>)
    %scan3A_328 = arith.constant 0 : i32
    %scan3A_329 = arith.constant 0 : i32
    %scan3A_330 = arith.constant 16 : i32
    %scan3A_331 = arith.addi %scan3A_329, %scan3A_330 : i32
    %scan3A_332 = arith.constant 1 : i32
    %scan3A_333 = scf.for %scan3A_775 = %scan3A_329 to %scan3A_331 step %scan3A_332 iter_args(%scan3A_776 = %scan3A_328) -> (i32)  : i32 {
      %mul3A_777 = arith.constant 16 : i32
      %mul3A_778 = arith.muli %scan3A_775, %mul3A_777 : i32
      %get3A = arith.index_cast %mul3A_778 : i32 to index
      %get3A_779 = tpu.vector_load %arg8[%get3A] {strides = array<i32>} : memref<256xi32, #tpu.memory_space<vmem>>, vector<16xi32>,
      %mul3A_780 = arith.constant 129 : i32
      %mul3A_781 = vector.broadcast %mul3A_780 : i32 to vector<16xi32>
      %mul3A_782 = arith.muli %get3A_779, %mul3A_781 : vector<16xi32>
      %parallel_loop3A = arith.constant 0 : i32
      %parallel_loop3A_783 = arith.constant 128 : i32
      %parallel_loop3A_784 = arith.constant 1 : i32
      %parallel_loop3A_785 = scf.for %parallel_loop3A_787 = %parallel_loop3A to %parallel_loop3A_783 step %parallel_loop3A_784 iter_args(%parallel_loop3A_788 = %mul3A_782) -> (vector<16xi32>)  : i32 {
        %parallel_loop3A_789 = tpu.vector_load_idx %arg6[%parallel_loop3A_788] : memref<6450xf32, #tpu.memory_space<vmem>>[vector<16xi32>], vector<16xf32>,
        %parallel_loop3A_790 = arith.constant 16 : i32
        %parallel_loop3A_791 = arith.muli %scan3A_775, %parallel_loop3A_790 : i32
        %parallel_loop3A_792 = arith.index_cast %parallel_loop3A_787 : i32 to index
        %parallel_loop3A_793 = arith.index_cast %parallel_loop3A_791 : i32 to index
        %parallel_loop3A_794 = tpu.vector_load %arg11[%parallel_loop3A_792, %parallel_loop3A_793] {strides = array<i32>} : memref<128x256xf32, #tpu.memory_space<vmem>>, vector<16xf32>,
        tpu.vector_store %arg11[%parallel_loop3A_792, %parallel_loop3A_793], %parallel_loop3A_789 {add = true, strides = array<i32>} : memref<128x256xf32, #tpu.memory_space<vmem>>, vector<16xf32>,
        %parallel_loop3A_795 = arith.constant 1 : i32
        %parallel_loop3A_796 = vector.broadcast %parallel_loop3A_795 : i32 to vector<16xi32>
        %parallel_loop3A_797 = arith.addi %parallel_loop3A_788, %parallel_loop3A_796 : vector<16xi32>
        scf.yield %parallel_loop3A_797 : vector<16xi32>
      } {sc.loop_unroll_factor = 8 : i64, sc.parallel_access}
      %scan3A_786 = arith.constant 0 : i32
      scf.yield %scan3A_786 : i32
    }
    %scan3A_334 = arith.constant 16 : i32
    %add3A_335 = arith.constant 2560 : i32
    %add3A_336 = arith.addi %mul3A_2, %add3A_335 : i32
    %dma_start3A_337 = arith.constant 0 : i32
    %dma_start3A_338 = tpu.memref_slice %arg5[%dma_start3A_337, %add3A_336] : memref<128x204800xf32, #tpu.memory_space<hbm>> -> memref<128x256xf32, #tpu.memory_space<hbm>>
    %dma_start3A_339 = arith.constant 0 : i32
    %dma_start3A_340 = tpu.memref_slice %arg5[%dma_start3A_339, %add3A_336] : memref<128x204800xf32, #tpu.memory_space<hbm>> -> memref<128x256xf32, #tpu.memory_space<hbm>>
    tpu.enqueue_dma source(%arg11 : memref<128x256xf32, #tpu.memory_space<vmem>>) target(%dma_start3A_340 : memref<128x256xf32, #tpu.memory_space<hbm>>) target_semaphore(%arg17 : memref<!tpu.dma_semaphore, #tpu.memory_space<semaphore_mem>>)
    %dma_wait3A_341 = arith.constant 0 : i32
    %dma_wait3A_342 = tpu.memref_slice %arg5[%dma_wait3A_341, %add3A_305] : memref<128x204800xf32, #tpu.memory_space<hbm>> -> memref<128x256xf32, #tpu.memory_space<hbm>>
    %dma_wait3A_343 = arith.constant 0 : i32
    %dma_wait3A_344 = tpu.memref_slice %arg5[%dma_wait3A_343, %add3A_305] : memref<128x204800xf32, #tpu.memory_space<hbm>> -> memref<128x256xf32, #tpu.memory_space<hbm>>
    tpu.wait_dma2 semaphore(%arg16 : memref<!tpu.dma_semaphore, #tpu.memory_space<semaphore_mem>>) src(%arg10 : memref<128x256xf32, #tpu.memory_space<vmem>>) dst(%dma_wait3A_344 : memref<128x256xf32, #tpu.memory_space<hbm>>)
    %add3A_345 = arith.constant 3072 : i32
    %add3A_346 = arith.addi %mul3A_2, %add3A_345 : i32
    %dma_start3A_347 = arith.constant 0 : i32
    %dma_start3A_348 = tpu.memref_slice %arg2[%dma_start3A_347, %add3A_346] : memref<128x204800xf32, #tpu.memory_space<hbm>> -> memref<128x256xf32, #tpu.memory_space<hbm>>
    %dma_start3A_349 = arith.constant 0 : i32
    %dma_start3A_350 = tpu.memref_slice %arg2[%dma_start3A_349, %add3A_346] : memref<128x204800xf32, #tpu.memory_space<hbm>> -> memref<128x256xf32, #tpu.memory_space<hbm>>
    tpu.enqueue_dma source(%dma_start3A_350 : memref<128x256xf32, #tpu.memory_space<hbm>>) target(%arg10 : memref<128x256xf32, #tpu.memory_space<vmem>>) target_semaphore(%arg13 : memref<!tpu.dma_semaphore, #tpu.memory_space<semaphore_mem>>)
    %dma_start3A_351 = tpu.memref_slice %arg3[%add3A_346] : memref<204800xi32, #tpu.memory_space<hbm>> -> memref<256xi32, #tpu.memory_space<hbm>>
    %dma_start3A_352 = tpu.memref_slice %arg3[%add3A_346] : memref<204800xi32, #tpu.memory_space<hbm>> -> memref<256xi32, #tpu.memory_space<hbm>>
    tpu.enqueue_dma source(%dma_start3A_352 : memref<256xi32, #tpu.memory_space<hbm>>) target(%arg7 : memref<256xi32, #tpu.memory_space<vmem>>) target_semaphore(%arg13 : memref<!tpu.dma_semaphore, #tpu.memory_space<semaphore_mem>>)
    %dma_wait3A_353 = arith.constant 0 : i32
    %dma_wait3A_354 = tpu.memref_slice %arg2[%dma_wait3A_353, %add3A_315] : memref<128x204800xf32, #tpu.memory_space<hbm>> -> memref<128x256xf32, #tpu.memory_space<hbm>>
    %dma_wait3A_355 = arith.constant 0 : i32
    %dma_wait3A_356 = tpu.memref_slice %arg2[%dma_wait3A_355, %add3A_315] : memref<128x204800xf32, #tpu.memory_space<hbm>> -> memref<128x256xf32, #tpu.memory_space<hbm>>
    tpu.wait_dma2 semaphore(%arg15 : memref<!tpu.dma_semaphore, #tpu.memory_space<semaphore_mem>>) src(%dma_wait3A_356 : memref<128x256xf32, #tpu.memory_space<hbm>>) dst(%arg12 : memref<128x256xf32, #tpu.memory_space<vmem>>)
    %dma_wait3A_357 = tpu.memref_slice %arg3[%add3A_315] : memref<204800xi32, #tpu.memory_space<hbm>> -> memref<256xi32, #tpu.memory_space<hbm>>
    %dma_wait3A_358 = tpu.memref_slice %arg3[%add3A_315] : memref<204800xi32, #tpu.memory_space<hbm>> -> memref<256xi32, #tpu.memory_space<hbm>>
    tpu.wait_dma2 semaphore(%arg15 : memref<!tpu.dma_semaphore, #tpu.memory_space<semaphore_mem>>) src(%dma_wait3A_358 : memref<256xi32, #tpu.memory_space<hbm>>) dst(%arg9 : memref<256xi32, #tpu.memory_space<vmem>>)
    %scan3A_359 = arith.constant 0 : i32
    %scan3A_360 = arith.constant 0 : i32
    %scan3A_361 = arith.constant 16 : i32
    %scan3A_362 = arith.addi %scan3A_360, %scan3A_361 : i32
    %scan3A_363 = arith.constant 1 : i32
    %scan3A_364 = scf.for %scan3A_775 = %scan3A_360 to %scan3A_362 step %scan3A_363 iter_args(%scan3A_776 = %scan3A_359) -> (i32)  : i32 {
      %mul3A_777 = arith.constant 16 : i32
      %mul3A_778 = arith.muli %scan3A_775, %mul3A_777 : i32
      %get3A = arith.index_cast %mul3A_778 : i32 to index
      %get3A_779 = tpu.vector_load %arg9[%get3A] {strides = array<i32>} : memref<256xi32, #tpu.memory_space<vmem>>, vector<16xi32>,
      %mul3A_780 = arith.constant 129 : i32
      %mul3A_781 = vector.broadcast %mul3A_780 : i32 to vector<16xi32>
      %mul3A_782 = arith.muli %get3A_779, %mul3A_781 : vector<16xi32>
      %parallel_loop3A = arith.constant 0 : i32
      %parallel_loop3A_783 = arith.constant 128 : i32
      %parallel_loop3A_784 = arith.constant 1 : i32
      %parallel_loop3A_785 = scf.for %parallel_loop3A_787 = %parallel_loop3A to %parallel_loop3A_783 step %parallel_loop3A_784 iter_args(%parallel_loop3A_788 = %mul3A_782) -> (vector<16xi32>)  : i32 {
        %parallel_loop3A_789 = tpu.vector_load_idx %arg6[%parallel_loop3A_788] : memref<6450xf32, #tpu.memory_space<vmem>>[vector<16xi32>], vector<16xf32>,
        %parallel_loop3A_790 = arith.constant 16 : i32
        %parallel_loop3A_791 = arith.muli %scan3A_775, %parallel_loop3A_790 : i32
        %parallel_loop3A_792 = arith.index_cast %parallel_loop3A_787 : i32 to index
        %parallel_loop3A_793 = arith.index_cast %parallel_loop3A_791 : i32 to index
        %parallel_loop3A_794 = tpu.vector_load %arg12[%parallel_loop3A_792, %parallel_loop3A_793] {strides = array<i32>} : memref<128x256xf32, #tpu.memory_space<vmem>>, vector<16xf32>,
        tpu.vector_store %arg12[%parallel_loop3A_792, %parallel_loop3A_793], %parallel_loop3A_789 {add = true, strides = array<i32>} : memref<128x256xf32, #tpu.memory_space<vmem>>, vector<16xf32>,
        %parallel_loop3A_795 = arith.constant 1 : i32
        %parallel_loop3A_796 = vector.broadcast %parallel_loop3A_795 : i32 to vector<16xi32>
        %parallel_loop3A_797 = arith.addi %parallel_loop3A_788, %parallel_loop3A_796 : vector<16xi32>
        scf.yield %parallel_loop3A_797 : vector<16xi32>
      } {sc.loop_unroll_factor = 8 : i64, sc.parallel_access}
      %scan3A_786 = arith.constant 0 : i32
      scf.yield %scan3A_786 : i32
    }
    %scan3A_365 = arith.constant 16 : i32
    %add3A_366 = arith.constant 2816 : i32
    %add3A_367 = arith.addi %mul3A_2, %add3A_366 : i32
    %dma_start3A_368 = arith.constant 0 : i32
    %dma_start3A_369 = tpu.memref_slice %arg5[%dma_start3A_368, %add3A_367] : memref<128x204800xf32, #tpu.memory_space<hbm>> -> memref<128x256xf32, #tpu.memory_space<hbm>>
    %dma_start3A_370 = arith.constant 0 : i32
    %dma_start3A_371 = tpu.memref_slice %arg5[%dma_start3A_370, %add3A_367] : memref<128x204800xf32, #tpu.memory_space<hbm>> -> memref<128x256xf32, #tpu.memory_space<hbm>>
    tpu.enqueue_dma source(%arg12 : memref<128x256xf32, #tpu.memory_space<vmem>>) target(%dma_start3A_371 : memref<128x256xf32, #tpu.memory_space<hbm>>) target_semaphore(%arg18 : memref<!tpu.dma_semaphore, #tpu.memory_space<semaphore_mem>>)
    %dma_wait3A_372 = arith.constant 0 : i32
    %dma_wait3A_373 = tpu.memref_slice %arg5[%dma_wait3A_372, %add3A_336] : memref<128x204800xf32, #tpu.memory_space<hbm>> -> memref<128x256xf32, #tpu.memory_space<hbm>>
    %dma_wait3A_374 = arith.constant 0 : i32
    %dma_wait3A_375 = tpu.memref_slice %arg5[%dma_wait3A_374, %add3A_336] : memref<128x204800xf32, #tpu.memory_space<hbm>> -> memref<128x256xf32, #tpu.memory_space<hbm>>
    tpu.wait_dma2 semaphore(%arg17 : memref<!tpu.dma_semaphore, #tpu.memory_space<semaphore_mem>>) src(%arg11 : memref<128x256xf32, #tpu.memory_space<vmem>>) dst(%dma_wait3A_375 : memref<128x256xf32, #tpu.memory_space<hbm>>)
    %add3A_376 = arith.constant 3328 : i32
    %add3A_377 = arith.addi %mul3A_2, %add3A_376 : i32
    %dma_start3A_378 = arith.constant 0 : i32
    %dma_start3A_379 = tpu.memref_slice %arg2[%dma_start3A_378, %add3A_377] : memref<128x204800xf32, #tpu.memory_space<hbm>> -> memref<128x256xf32, #tpu.memory_space<hbm>>
    %dma_start3A_380 = arith.constant 0 : i32
    %dma_start3A_381 = tpu.memref_slice %arg2[%dma_start3A_380, %add3A_377] : memref<128x204800xf32, #tpu.memory_space<hbm>> -> memref<128x256xf32, #tpu.memory_space<hbm>>
    tpu.enqueue_dma source(%dma_start3A_381 : memref<128x256xf32, #tpu.memory_space<hbm>>) target(%arg11 : memref<128x256xf32, #tpu.memory_space<vmem>>) target_semaphore(%arg14 : memref<!tpu.dma_semaphore, #tpu.memory_space<semaphore_mem>>)
    %dma_start3A_382 = tpu.memref_slice %arg3[%add3A_377] : memref<204800xi32, #tpu.memory_space<hbm>> -> memref<256xi32, #tpu.memory_space<hbm>>
    %dma_start3A_383 = tpu.memref_slice %arg3[%add3A_377] : memref<204800xi32, #tpu.memory_space<hbm>> -> memref<256xi32, #tpu.memory_space<hbm>>
    tpu.enqueue_dma source(%dma_start3A_383 : memref<256xi32, #tpu.memory_space<hbm>>) target(%arg8 : memref<256xi32, #tpu.memory_space<vmem>>) target_semaphore(%arg14 : memref<!tpu.dma_semaphore, #tpu.memory_space<semaphore_mem>>)
    %dma_wait3A_384 = arith.constant 0 : i32
    %dma_wait3A_385 = tpu.memref_slice %arg2[%dma_wait3A_384, %add3A_346] : memref<128x204800xf32, #tpu.memory_space<hbm>> -> memref<128x256xf32, #tpu.memory_space<hbm>>
    %dma_wait3A_386 = arith.constant 0 : i32
    %dma_wait3A_387 = tpu.memref_slice %arg2[%dma_wait3A_386, %add3A_346] : memref<128x204800xf32, #tpu.memory_space<hbm>> -> memref<128x256xf32, #tpu.memory_space<hbm>>
    tpu.wait_dma2 semaphore(%arg13 : memref<!tpu.dma_semaphore, #tpu.memory_space<semaphore_mem>>) src(%dma_wait3A_387 : memref<128x256xf32, #tpu.memory_space<hbm>>) dst(%arg10 : memref<128x256xf32, #tpu.memory_space<vmem>>)
    %dma_wait3A_388 = tpu.memref_slice %arg3[%add3A_346] : memref<204800xi32, #tpu.memory_space<hbm>> -> memref<256xi32, #tpu.memory_space<hbm>>
    %dma_wait3A_389 = tpu.memref_slice %arg3[%add3A_346] : memref<204800xi32, #tpu.memory_space<hbm>> -> memref<256xi32, #tpu.memory_space<hbm>>
    tpu.wait_dma2 semaphore(%arg13 : memref<!tpu.dma_semaphore, #tpu.memory_space<semaphore_mem>>) src(%dma_wait3A_389 : memref<256xi32, #tpu.memory_space<hbm>>) dst(%arg7 : memref<256xi32, #tpu.memory_space<vmem>>)
    %scan3A_390 = arith.constant 0 : i32
    %scan3A_391 = arith.constant 0 : i32
    %scan3A_392 = arith.constant 16 : i32
    %scan3A_393 = arith.addi %scan3A_391, %scan3A_392 : i32
    %scan3A_394 = arith.constant 1 : i32
    %scan3A_395 = scf.for %scan3A_775 = %scan3A_391 to %scan3A_393 step %scan3A_394 iter_args(%scan3A_776 = %scan3A_390) -> (i32)  : i32 {
      %mul3A_777 = arith.constant 16 : i32
      %mul3A_778 = arith.muli %scan3A_775, %mul3A_777 : i32
      %get3A = arith.index_cast %mul3A_778 : i32 to index
      %get3A_779 = tpu.vector_load %arg7[%get3A] {strides = array<i32>} : memref<256xi32, #tpu.memory_space<vmem>>, vector<16xi32>,
      %mul3A_780 = arith.constant 129 : i32
      %mul3A_781 = vector.broadcast %mul3A_780 : i32 to vector<16xi32>
      %mul3A_782 = arith.muli %get3A_779, %mul3A_781 : vector<16xi32>
      %parallel_loop3A = arith.constant 0 : i32
      %parallel_loop3A_783 = arith.constant 128 : i32
      %parallel_loop3A_784 = arith.constant 1 : i32
      %parallel_loop3A_785 = scf.for %parallel_loop3A_787 = %parallel_loop3A to %parallel_loop3A_783 step %parallel_loop3A_784 iter_args(%parallel_loop3A_788 = %mul3A_782) -> (vector<16xi32>)  : i32 {
        %parallel_loop3A_789 = tpu.vector_load_idx %arg6[%parallel_loop3A_788] : memref<6450xf32, #tpu.memory_space<vmem>>[vector<16xi32>], vector<16xf32>,
        %parallel_loop3A_790 = arith.constant 16 : i32
        %parallel_loop3A_791 = arith.muli %scan3A_775, %parallel_loop3A_790 : i32
        %parallel_loop3A_792 = arith.index_cast %parallel_loop3A_787 : i32 to index
        %parallel_loop3A_793 = arith.index_cast %parallel_loop3A_791 : i32 to index
        %parallel_loop3A_794 = tpu.vector_load %arg10[%parallel_loop3A_792, %parallel_loop3A_793] {strides = array<i32>} : memref<128x256xf32, #tpu.memory_space<vmem>>, vector<16xf32>,
        tpu.vector_store %arg10[%parallel_loop3A_792, %parallel_loop3A_793], %parallel_loop3A_789 {add = true, strides = array<i32>} : memref<128x256xf32, #tpu.memory_space<vmem>>, vector<16xf32>,
        %parallel_loop3A_795 = arith.constant 1 : i32
        %parallel_loop3A_796 = vector.broadcast %parallel_loop3A_795 : i32 to vector<16xi32>
        %parallel_loop3A_797 = arith.addi %parallel_loop3A_788, %parallel_loop3A_796 : vector<16xi32>
        scf.yield %parallel_loop3A_797 : vector<16xi32>
      } {sc.loop_unroll_factor = 8 : i64, sc.parallel_access}
      %scan3A_786 = arith.constant 0 : i32
      scf.yield %scan3A_786 : i32
    }
    %scan3A_396 = arith.constant 16 : i32
    %add3A_397 = arith.constant 3072 : i32
    %add3A_398 = arith.addi %mul3A_2, %add3A_397 : i32
    %dma_start3A_399 = arith.constant 0 : i32
    %dma_start3A_400 = tpu.memref_slice %arg5[%dma_start3A_399, %add3A_398] : memref<128x204800xf32, #tpu.memory_space<hbm>> -> memref<128x256xf32, #tpu.memory_space<hbm>>
    %dma_start3A_401 = arith.constant 0 : i32
    %dma_start3A_402 = tpu.memref_slice %arg5[%dma_start3A_401, %add3A_398] : memref<128x204800xf32, #tpu.memory_space<hbm>> -> memref<128x256xf32, #tpu.memory_space<hbm>>
    tpu.enqueue_dma source(%arg10 : memref<128x256xf32, #tpu.memory_space<vmem>>) target(%dma_start3A_402 : memref<128x256xf32, #tpu.memory_space<hbm>>) target_semaphore(%arg16 : memref<!tpu.dma_semaphore, #tpu.memory_space<semaphore_mem>>)
    %dma_wait3A_403 = arith.constant 0 : i32
    %dma_wait3A_404 = tpu.memref_slice %arg5[%dma_wait3A_403, %add3A_367] : memref<128x204800xf32, #tpu.memory_space<hbm>> -> memref<128x256xf32, #tpu.memory_space<hbm>>
    %dma_wait3A_405 = arith.constant 0 : i32
    %dma_wait3A_406 = tpu.memref_slice %arg5[%dma_wait3A_405, %add3A_367] : memref<128x204800xf32, #tpu.memory_space<hbm>> -> memref<128x256xf32, #tpu.memory_space<hbm>>
    tpu.wait_dma2 semaphore(%arg18 : memref<!tpu.dma_semaphore, #tpu.memory_space<semaphore_mem>>) src(%arg12 : memref<128x256xf32, #tpu.memory_space<vmem>>) dst(%dma_wait3A_406 : memref<128x256xf32, #tpu.memory_space<hbm>>)
    %add3A_407 = arith.constant 3584 : i32
    %add3A_408 = arith.addi %mul3A_2, %add3A_407 : i32
    %dma_start3A_409 = arith.constant 0 : i32
    %dma_start3A_410 = tpu.memref_slice %arg2[%dma_start3A_409, %add3A_408] : memref<128x204800xf32, #tpu.memory_space<hbm>> -> memref<128x256xf32, #tpu.memory_space<hbm>>
    %dma_start3A_411 = arith.constant 0 : i32
    %dma_start3A_412 = tpu.memref_slice %arg2[%dma_start3A_411, %add3A_408] : memref<128x204800xf32, #tpu.memory_space<hbm>> -> memref<128x256xf32, #tpu.memory_space<hbm>>
    tpu.enqueue_dma source(%dma_start3A_412 : memref<128x256xf32, #tpu.memory_space<hbm>>) target(%arg12 : memref<128x256xf32, #tpu.memory_space<vmem>>) target_semaphore(%arg15 : memref<!tpu.dma_semaphore, #tpu.memory_space<semaphore_mem>>)
    %dma_start3A_413 = tpu.memref_slice %arg3[%add3A_408] : memref<204800xi32, #tpu.memory_space<hbm>> -> memref<256xi32, #tpu.memory_space<hbm>>
    %dma_start3A_414 = tpu.memref_slice %arg3[%add3A_408] : memref<204800xi32, #tpu.memory_space<hbm>> -> memref<256xi32, #tpu.memory_space<hbm>>
    tpu.enqueue_dma source(%dma_start3A_414 : memref<256xi32, #tpu.memory_space<hbm>>) target(%arg9 : memref<256xi32, #tpu.memory_space<vmem>>) target_semaphore(%arg15 : memref<!tpu.dma_semaphore, #tpu.memory_space<semaphore_mem>>)
    %dma_wait3A_415 = arith.constant 0 : i32
    %dma_wait3A_416 = tpu.memref_slice %arg2[%dma_wait3A_415, %add3A_377] : memref<128x204800xf32, #tpu.memory_space<hbm>> -> memref<128x256xf32, #tpu.memory_space<hbm>>
    %dma_wait3A_417 = arith.constant 0 : i32
    %dma_wait3A_418 = tpu.memref_slice %arg2[%dma_wait3A_417, %add3A_377] : memref<128x204800xf32, #tpu.memory_space<hbm>> -> memref<128x256xf32, #tpu.memory_space<hbm>>
    tpu.wait_dma2 semaphore(%arg14 : memref<!tpu.dma_semaphore, #tpu.memory_space<semaphore_mem>>) src(%dma_wait3A_418 : memref<128x256xf32, #tpu.memory_space<hbm>>) dst(%arg11 : memref<128x256xf32, #tpu.memory_space<vmem>>)
    %dma_wait3A_419 = tpu.memref_slice %arg3[%add3A_377] : memref<204800xi32, #tpu.memory_space<hbm>> -> memref<256xi32, #tpu.memory_space<hbm>>
    %dma_wait3A_420 = tpu.memref_slice %arg3[%add3A_377] : memref<204800xi32, #tpu.memory_space<hbm>> -> memref<256xi32, #tpu.memory_space<hbm>>
    tpu.wait_dma2 semaphore(%arg14 : memref<!tpu.dma_semaphore, #tpu.memory_space<semaphore_mem>>) src(%dma_wait3A_420 : memref<256xi32, #tpu.memory_space<hbm>>) dst(%arg8 : memref<256xi32, #tpu.memory_space<vmem>>)
    %scan3A_421 = arith.constant 0 : i32
    %scan3A_422 = arith.constant 0 : i32
    %scan3A_423 = arith.constant 16 : i32
    %scan3A_424 = arith.addi %scan3A_422, %scan3A_423 : i32
    %scan3A_425 = arith.constant 1 : i32
    %scan3A_426 = scf.for %scan3A_775 = %scan3A_422 to %scan3A_424 step %scan3A_425 iter_args(%scan3A_776 = %scan3A_421) -> (i32)  : i32 {
      %mul3A_777 = arith.constant 16 : i32
      %mul3A_778 = arith.muli %scan3A_775, %mul3A_777 : i32
      %get3A = arith.index_cast %mul3A_778 : i32 to index
      %get3A_779 = tpu.vector_load %arg8[%get3A] {strides = array<i32>} : memref<256xi32, #tpu.memory_space<vmem>>, vector<16xi32>,
      %mul3A_780 = arith.constant 129 : i32
      %mul3A_781 = vector.broadcast %mul3A_780 : i32 to vector<16xi32>
      %mul3A_782 = arith.muli %get3A_779, %mul3A_781 : vector<16xi32>
      %parallel_loop3A = arith.constant 0 : i32
      %parallel_loop3A_783 = arith.constant 128 : i32
      %parallel_loop3A_784 = arith.constant 1 : i32
      %parallel_loop3A_785 = scf.for %parallel_loop3A_787 = %parallel_loop3A to %parallel_loop3A_783 step %parallel_loop3A_784 iter_args(%parallel_loop3A_788 = %mul3A_782) -> (vector<16xi32>)  : i32 {
        %parallel_loop3A_789 = tpu.vector_load_idx %arg6[%parallel_loop3A_788] : memref<6450xf32, #tpu.memory_space<vmem>>[vector<16xi32>], vector<16xf32>,
        %parallel_loop3A_790 = arith.constant 16 : i32
        %parallel_loop3A_791 = arith.muli %scan3A_775, %parallel_loop3A_790 : i32
        %parallel_loop3A_792 = arith.index_cast %parallel_loop3A_787 : i32 to index
        %parallel_loop3A_793 = arith.index_cast %parallel_loop3A_791 : i32 to index
        %parallel_loop3A_794 = tpu.vector_load %arg11[%parallel_loop3A_792, %parallel_loop3A_793] {strides = array<i32>} : memref<128x256xf32, #tpu.memory_space<vmem>>, vector<16xf32>,
        tpu.vector_store %arg11[%parallel_loop3A_792, %parallel_loop3A_793], %parallel_loop3A_789 {add = true, strides = array<i32>} : memref<128x256xf32, #tpu.memory_space<vmem>>, vector<16xf32>,
        %parallel_loop3A_795 = arith.constant 1 : i32
        %parallel_loop3A_796 = vector.broadcast %parallel_loop3A_795 : i32 to vector<16xi32>
        %parallel_loop3A_797 = arith.addi %parallel_loop3A_788, %parallel_loop3A_796 : vector<16xi32>
        scf.yield %parallel_loop3A_797 : vector<16xi32>
      } {sc.loop_unroll_factor = 8 : i64, sc.parallel_access}
      %scan3A_786 = arith.constant 0 : i32
      scf.yield %scan3A_786 : i32
    }
    %scan3A_427 = arith.constant 16 : i32
    %add3A_428 = arith.constant 3328 : i32
    %add3A_429 = arith.addi %mul3A_2, %add3A_428 : i32
    %dma_start3A_430 = arith.constant 0 : i32
    %dma_start3A_431 = tpu.memref_slice %arg5[%dma_start3A_430, %add3A_429] : memref<128x204800xf32, #tpu.memory_space<hbm>> -> memref<128x256xf32, #tpu.memory_space<hbm>>
    %dma_start3A_432 = arith.constant 0 : i32
    %dma_start3A_433 = tpu.memref_slice %arg5[%dma_start3A_432, %add3A_429] : memref<128x204800xf32, #tpu.memory_space<hbm>> -> memref<128x256xf32, #tpu.memory_space<hbm>>
    tpu.enqueue_dma source(%arg11 : memref<128x256xf32, #tpu.memory_space<vmem>>) target(%dma_start3A_433 : memref<128x256xf32, #tpu.memory_space<hbm>>) target_semaphore(%arg17 : memref<!tpu.dma_semaphore, #tpu.memory_space<semaphore_mem>>)
    %dma_wait3A_434 = arith.constant 0 : i32
    %dma_wait3A_435 = tpu.memref_slice %arg5[%dma_wait3A_434, %add3A_398] : memref<128x204800xf32, #tpu.memory_space<hbm>> -> memref<128x256xf32, #tpu.memory_space<hbm>>
    %dma_wait3A_436 = arith.constant 0 : i32
    %dma_wait3A_437 = tpu.memref_slice %arg5[%dma_wait3A_436, %add3A_398] : memref<128x204800xf32, #tpu.memory_space<hbm>> -> memref<128x256xf32, #tpu.memory_space<hbm>>
    tpu.wait_dma2 semaphore(%arg16 : memref<!tpu.dma_semaphore, #tpu.memory_space<semaphore_mem>>) src(%arg10 : memref<128x256xf32, #tpu.memory_space<vmem>>) dst(%dma_wait3A_437 : memref<128x256xf32, #tpu.memory_space<hbm>>)
    %add3A_438 = arith.constant 3840 : i32
    %add3A_439 = arith.addi %mul3A_2, %add3A_438 : i32
    %dma_start3A_440 = arith.constant 0 : i32
    %dma_start3A_441 = tpu.memref_slice %arg2[%dma_start3A_440, %add3A_439] : memref<128x204800xf32, #tpu.memory_space<hbm>> -> memref<128x256xf32, #tpu.memory_space<hbm>>
    %dma_start3A_442 = arith.constant 0 : i32
    %dma_start3A_443 = tpu.memref_slice %arg2[%dma_start3A_442, %add3A_439] : memref<128x204800xf32, #tpu.memory_space<hbm>> -> memref<128x256xf32, #tpu.memory_space<hbm>>
    tpu.enqueue_dma source(%dma_start3A_443 : memref<128x256xf32, #tpu.memory_space<hbm>>) target(%arg10 : memref<128x256xf32, #tpu.memory_space<vmem>>) target_semaphore(%arg13 : memref<!tpu.dma_semaphore, #tpu.memory_space<semaphore_mem>>)
    %dma_start3A_444 = tpu.memref_slice %arg3[%add3A_439] : memref<204800xi32, #tpu.memory_space<hbm>> -> memref<256xi32, #tpu.memory_space<hbm>>
    %dma_start3A_445 = tpu.memref_slice %arg3[%add3A_439] : memref<204800xi32, #tpu.memory_space<hbm>> -> memref<256xi32, #tpu.memory_space<hbm>>
    tpu.enqueue_dma source(%dma_start3A_445 : memref<256xi32, #tpu.memory_space<hbm>>) target(%arg7 : memref<256xi32, #tpu.memory_space<vmem>>) target_semaphore(%arg13 : memref<!tpu.dma_semaphore, #tpu.memory_space<semaphore_mem>>)
    %dma_wait3A_446 = arith.constant 0 : i32
    %dma_wait3A_447 = tpu.memref_slice %arg2[%dma_wait3A_446, %add3A_408] : memref<128x204800xf32, #tpu.memory_space<hbm>> -> memref<128x256xf32, #tpu.memory_space<hbm>>
    %dma_wait3A_448 = arith.constant 0 : i32
    %dma_wait3A_449 = tpu.memref_slice %arg2[%dma_wait3A_448, %add3A_408] : memref<128x204800xf32, #tpu.memory_space<hbm>> -> memref<128x256xf32, #tpu.memory_space<hbm>>
    tpu.wait_dma2 semaphore(%arg15 : memref<!tpu.dma_semaphore, #tpu.memory_space<semaphore_mem>>) src(%dma_wait3A_449 : memref<128x256xf32, #tpu.memory_space<hbm>>) dst(%arg12 : memref<128x256xf32, #tpu.memory_space<vmem>>)
    %dma_wait3A_450 = tpu.memref_slice %arg3[%add3A_408] : memref<204800xi32, #tpu.memory_space<hbm>> -> memref<256xi32, #tpu.memory_space<hbm>>
    %dma_wait3A_451 = tpu.memref_slice %arg3[%add3A_408] : memref<204800xi32, #tpu.memory_space<hbm>> -> memref<256xi32, #tpu.memory_space<hbm>>
    tpu.wait_dma2 semaphore(%arg15 : memref<!tpu.dma_semaphore, #tpu.memory_space<semaphore_mem>>) src(%dma_wait3A_451 : memref<256xi32, #tpu.memory_space<hbm>>) dst(%arg9 : memref<256xi32, #tpu.memory_space<vmem>>)
    %scan3A_452 = arith.constant 0 : i32
    %scan3A_453 = arith.constant 0 : i32
    %scan3A_454 = arith.constant 16 : i32
    %scan3A_455 = arith.addi %scan3A_453, %scan3A_454 : i32
    %scan3A_456 = arith.constant 1 : i32
    %scan3A_457 = scf.for %scan3A_775 = %scan3A_453 to %scan3A_455 step %scan3A_456 iter_args(%scan3A_776 = %scan3A_452) -> (i32)  : i32 {
      %mul3A_777 = arith.constant 16 : i32
      %mul3A_778 = arith.muli %scan3A_775, %mul3A_777 : i32
      %get3A = arith.index_cast %mul3A_778 : i32 to index
      %get3A_779 = tpu.vector_load %arg9[%get3A] {strides = array<i32>} : memref<256xi32, #tpu.memory_space<vmem>>, vector<16xi32>,
      %mul3A_780 = arith.constant 129 : i32
      %mul3A_781 = vector.broadcast %mul3A_780 : i32 to vector<16xi32>
      %mul3A_782 = arith.muli %get3A_779, %mul3A_781 : vector<16xi32>
      %parallel_loop3A = arith.constant 0 : i32
      %parallel_loop3A_783 = arith.constant 128 : i32
      %parallel_loop3A_784 = arith.constant 1 : i32
      %parallel_loop3A_785 = scf.for %parallel_loop3A_787 = %parallel_loop3A to %parallel_loop3A_783 step %parallel_loop3A_784 iter_args(%parallel_loop3A_788 = %mul3A_782) -> (vector<16xi32>)  : i32 {
        %parallel_loop3A_789 = tpu.vector_load_idx %arg6[%parallel_loop3A_788] : memref<6450xf32, #tpu.memory_space<vmem>>[vector<16xi32>], vector<16xf32>,
        %parallel_loop3A_790 = arith.constant 16 : i32
        %parallel_loop3A_791 = arith.muli %scan3A_775, %parallel_loop3A_790 : i32
        %parallel_loop3A_792 = arith.index_cast %parallel_loop3A_787 : i32 to index
        %parallel_loop3A_793 = arith.index_cast %parallel_loop3A_791 : i32 to index
        %parallel_loop3A_794 = tpu.vector_load %arg12[%parallel_loop3A_792, %parallel_loop3A_793] {strides = array<i32>} : memref<128x256xf32, #tpu.memory_space<vmem>>, vector<16xf32>,
        tpu.vector_store %arg12[%parallel_loop3A_792, %parallel_loop3A_793], %parallel_loop3A_789 {add = true, strides = array<i32>} : memref<128x256xf32, #tpu.memory_space<vmem>>, vector<16xf32>,
        %parallel_loop3A_795 = arith.constant 1 : i32
        %parallel_loop3A_796 = vector.broadcast %parallel_loop3A_795 : i32 to vector<16xi32>
        %parallel_loop3A_797 = arith.addi %parallel_loop3A_788, %parallel_loop3A_796 : vector<16xi32>
        scf.yield %parallel_loop3A_797 : vector<16xi32>
      } {sc.loop_unroll_factor = 8 : i64, sc.parallel_access}
      %scan3A_786 = arith.constant 0 : i32
      scf.yield %scan3A_786 : i32
    }
    %scan3A_458 = arith.constant 16 : i32
    %add3A_459 = arith.constant 3584 : i32
    %add3A_460 = arith.addi %mul3A_2, %add3A_459 : i32
    %dma_start3A_461 = arith.constant 0 : i32
    %dma_start3A_462 = tpu.memref_slice %arg5[%dma_start3A_461, %add3A_460] : memref<128x204800xf32, #tpu.memory_space<hbm>> -> memref<128x256xf32, #tpu.memory_space<hbm>>
    %dma_start3A_463 = arith.constant 0 : i32
    %dma_start3A_464 = tpu.memref_slice %arg5[%dma_start3A_463, %add3A_460] : memref<128x204800xf32, #tpu.memory_space<hbm>> -> memref<128x256xf32, #tpu.memory_space<hbm>>
    tpu.enqueue_dma source(%arg12 : memref<128x256xf32, #tpu.memory_space<vmem>>) target(%dma_start3A_464 : memref<128x256xf32, #tpu.memory_space<hbm>>) target_semaphore(%arg18 : memref<!tpu.dma_semaphore, #tpu.memory_space<semaphore_mem>>)
    %dma_wait3A_465 = arith.constant 0 : i32
    %dma_wait3A_466 = tpu.memref_slice %arg5[%dma_wait3A_465, %add3A_429] : memref<128x204800xf32, #tpu.memory_space<hbm>> -> memref<128x256xf32, #tpu.memory_space<hbm>>
    %dma_wait3A_467 = arith.constant 0 : i32
    %dma_wait3A_468 = tpu.memref_slice %arg5[%dma_wait3A_467, %add3A_429] : memref<128x204800xf32, #tpu.memory_space<hbm>> -> memref<128x256xf32, #tpu.memory_space<hbm>>
    tpu.wait_dma2 semaphore(%arg17 : memref<!tpu.dma_semaphore, #tpu.memory_space<semaphore_mem>>) src(%arg11 : memref<128x256xf32, #tpu.memory_space<vmem>>) dst(%dma_wait3A_468 : memref<128x256xf32, #tpu.memory_space<hbm>>)
    %add3A_469 = arith.constant 4096 : i32
    %add3A_470 = arith.addi %mul3A_2, %add3A_469 : i32
    %dma_start3A_471 = arith.constant 0 : i32
    %dma_start3A_472 = tpu.memref_slice %arg2[%dma_start3A_471, %add3A_470] : memref<128x204800xf32, #tpu.memory_space<hbm>> -> memref<128x256xf32, #tpu.memory_space<hbm>>
    %dma_start3A_473 = arith.constant 0 : i32
    %dma_start3A_474 = tpu.memref_slice %arg2[%dma_start3A_473, %add3A_470] : memref<128x204800xf32, #tpu.memory_space<hbm>> -> memref<128x256xf32, #tpu.memory_space<hbm>>
    tpu.enqueue_dma source(%dma_start3A_474 : memref<128x256xf32, #tpu.memory_space<hbm>>) target(%arg11 : memref<128x256xf32, #tpu.memory_space<vmem>>) target_semaphore(%arg14 : memref<!tpu.dma_semaphore, #tpu.memory_space<semaphore_mem>>)
    %dma_start3A_475 = tpu.memref_slice %arg3[%add3A_470] : memref<204800xi32, #tpu.memory_space<hbm>> -> memref<256xi32, #tpu.memory_space<hbm>>
    %dma_start3A_476 = tpu.memref_slice %arg3[%add3A_470] : memref<204800xi32, #tpu.memory_space<hbm>> -> memref<256xi32, #tpu.memory_space<hbm>>
    tpu.enqueue_dma source(%dma_start3A_476 : memref<256xi32, #tpu.memory_space<hbm>>) target(%arg8 : memref<256xi32, #tpu.memory_space<vmem>>) target_semaphore(%arg14 : memref<!tpu.dma_semaphore, #tpu.memory_space<semaphore_mem>>)
    %dma_wait3A_477 = arith.constant 0 : i32
    %dma_wait3A_478 = tpu.memref_slice %arg2[%dma_wait3A_477, %add3A_439] : memref<128x204800xf32, #tpu.memory_space<hbm>> -> memref<128x256xf32, #tpu.memory_space<hbm>>
    %dma_wait3A_479 = arith.constant 0 : i32
    %dma_wait3A_480 = tpu.memref_slice %arg2[%dma_wait3A_479, %add3A_439] : memref<128x204800xf32, #tpu.memory_space<hbm>> -> memref<128x256xf32, #tpu.memory_space<hbm>>
    tpu.wait_dma2 semaphore(%arg13 : memref<!tpu.dma_semaphore, #tpu.memory_space<semaphore_mem>>) src(%dma_wait3A_480 : memref<128x256xf32, #tpu.memory_space<hbm>>) dst(%arg10 : memref<128x256xf32, #tpu.memory_space<vmem>>)
    %dma_wait3A_481 = tpu.memref_slice %arg3[%add3A_439] : memref<204800xi32, #tpu.memory_space<hbm>> -> memref<256xi32, #tpu.memory_space<hbm>>
    %dma_wait3A_482 = tpu.memref_slice %arg3[%add3A_439] : memref<204800xi32, #tpu.memory_space<hbm>> -> memref<256xi32, #tpu.memory_space<hbm>>
    tpu.wait_dma2 semaphore(%arg13 : memref<!tpu.dma_semaphore, #tpu.memory_space<semaphore_mem>>) src(%dma_wait3A_482 : memref<256xi32, #tpu.memory_space<hbm>>) dst(%arg7 : memref<256xi32, #tpu.memory_space<vmem>>)
    %scan3A_483 = arith.constant 0 : i32
    %scan3A_484 = arith.constant 0 : i32
    %scan3A_485 = arith.constant 16 : i32
    %scan3A_486 = arith.addi %scan3A_484, %scan3A_485 : i32
    %scan3A_487 = arith.constant 1 : i32
    %scan3A_488 = scf.for %scan3A_775 = %scan3A_484 to %scan3A_486 step %scan3A_487 iter_args(%scan3A_776 = %scan3A_483) -> (i32)  : i32 {
      %mul3A_777 = arith.constant 16 : i32
      %mul3A_778 = arith.muli %scan3A_775, %mul3A_777 : i32
      %get3A = arith.index_cast %mul3A_778 : i32 to index
      %get3A_779 = tpu.vector_load %arg7[%get3A] {strides = array<i32>} : memref<256xi32, #tpu.memory_space<vmem>>, vector<16xi32>,
      %mul3A_780 = arith.constant 129 : i32
      %mul3A_781 = vector.broadcast %mul3A_780 : i32 to vector<16xi32>
      %mul3A_782 = arith.muli %get3A_779, %mul3A_781 : vector<16xi32>
      %parallel_loop3A = arith.constant 0 : i32
      %parallel_loop3A_783 = arith.constant 128 : i32
      %parallel_loop3A_784 = arith.constant 1 : i32
      %parallel_loop3A_785 = scf.for %parallel_loop3A_787 = %parallel_loop3A to %parallel_loop3A_783 step %parallel_loop3A_784 iter_args(%parallel_loop3A_788 = %mul3A_782) -> (vector<16xi32>)  : i32 {
        %parallel_loop3A_789 = tpu.vector_load_idx %arg6[%parallel_loop3A_788] : memref<6450xf32, #tpu.memory_space<vmem>>[vector<16xi32>], vector<16xf32>,
        %parallel_loop3A_790 = arith.constant 16 : i32
        %parallel_loop3A_791 = arith.muli %scan3A_775, %parallel_loop3A_790 : i32
        %parallel_loop3A_792 = arith.index_cast %parallel_loop3A_787 : i32 to index
        %parallel_loop3A_793 = arith.index_cast %parallel_loop3A_791 : i32 to index
        %parallel_loop3A_794 = tpu.vector_load %arg10[%parallel_loop3A_792, %parallel_loop3A_793] {strides = array<i32>} : memref<128x256xf32, #tpu.memory_space<vmem>>, vector<16xf32>,
        tpu.vector_store %arg10[%parallel_loop3A_792, %parallel_loop3A_793], %parallel_loop3A_789 {add = true, strides = array<i32>} : memref<128x256xf32, #tpu.memory_space<vmem>>, vector<16xf32>,
        %parallel_loop3A_795 = arith.constant 1 : i32
        %parallel_loop3A_796 = vector.broadcast %parallel_loop3A_795 : i32 to vector<16xi32>
        %parallel_loop3A_797 = arith.addi %parallel_loop3A_788, %parallel_loop3A_796 : vector<16xi32>
        scf.yield %parallel_loop3A_797 : vector<16xi32>
      } {sc.loop_unroll_factor = 8 : i64, sc.parallel_access}
      %scan3A_786 = arith.constant 0 : i32
      scf.yield %scan3A_786 : i32
    }
    %scan3A_489 = arith.constant 16 : i32
    %add3A_490 = arith.constant 3840 : i32
    %add3A_491 = arith.addi %mul3A_2, %add3A_490 : i32
    %dma_start3A_492 = arith.constant 0 : i32
    %dma_start3A_493 = tpu.memref_slice %arg5[%dma_start3A_492, %add3A_491] : memref<128x204800xf32, #tpu.memory_space<hbm>> -> memref<128x256xf32, #tpu.memory_space<hbm>>
    %dma_start3A_494 = arith.constant 0 : i32
    %dma_start3A_495 = tpu.memref_slice %arg5[%dma_start3A_494, %add3A_491] : memref<128x204800xf32, #tpu.memory_space<hbm>> -> memref<128x256xf32, #tpu.memory_space<hbm>>
    tpu.enqueue_dma source(%arg10 : memref<128x256xf32, #tpu.memory_space<vmem>>) target(%dma_start3A_495 : memref<128x256xf32, #tpu.memory_space<hbm>>) target_semaphore(%arg16 : memref<!tpu.dma_semaphore, #tpu.memory_space<semaphore_mem>>)
    %dma_wait3A_496 = arith.constant 0 : i32
    %dma_wait3A_497 = tpu.memref_slice %arg5[%dma_wait3A_496, %add3A_460] : memref<128x204800xf32, #tpu.memory_space<hbm>> -> memref<128x256xf32, #tpu.memory_space<hbm>>
    %dma_wait3A_498 = arith.constant 0 : i32
    %dma_wait3A_499 = tpu.memref_slice %arg5[%dma_wait3A_498, %add3A_460] : memref<128x204800xf32, #tpu.memory_space<hbm>> -> memref<128x256xf32, #tpu.memory_space<hbm>>
    tpu.wait_dma2 semaphore(%arg18 : memref<!tpu.dma_semaphore, #tpu.memory_space<semaphore_mem>>) src(%arg12 : memref<128x256xf32, #tpu.memory_space<vmem>>) dst(%dma_wait3A_499 : memref<128x256xf32, #tpu.memory_space<hbm>>)
    %add3A_500 = arith.constant 4352 : i32
    %add3A_501 = arith.addi %mul3A_2, %add3A_500 : i32
    %dma_start3A_502 = arith.constant 0 : i32
    %dma_start3A_503 = tpu.memref_slice %arg2[%dma_start3A_502, %add3A_501] : memref<128x204800xf32, #tpu.memory_space<hbm>> -> memref<128x256xf32, #tpu.memory_space<hbm>>
    %dma_start3A_504 = arith.constant 0 : i32
    %dma_start3A_505 = tpu.memref_slice %arg2[%dma_start3A_504, %add3A_501] : memref<128x204800xf32, #tpu.memory_space<hbm>> -> memref<128x256xf32, #tpu.memory_space<hbm>>
    tpu.enqueue_dma source(%dma_start3A_505 : memref<128x256xf32, #tpu.memory_space<hbm>>) target(%arg12 : memref<128x256xf32, #tpu.memory_space<vmem>>) target_semaphore(%arg15 : memref<!tpu.dma_semaphore, #tpu.memory_space<semaphore_mem>>)
    %dma_start3A_506 = tpu.memref_slice %arg3[%add3A_501] : memref<204800xi32, #tpu.memory_space<hbm>> -> memref<256xi32, #tpu.memory_space<hbm>>
    %dma_start3A_507 = tpu.memref_slice %arg3[%add3A_501] : memref<204800xi32, #tpu.memory_space<hbm>> -> memref<256xi32, #tpu.memory_space<hbm>>
    tpu.enqueue_dma source(%dma_start3A_507 : memref<256xi32, #tpu.memory_space<hbm>>) target(%arg9 : memref<256xi32, #tpu.memory_space<vmem>>) target_semaphore(%arg15 : memref<!tpu.dma_semaphore, #tpu.memory_space<semaphore_mem>>)
    %dma_wait3A_508 = arith.constant 0 : i32
    %dma_wait3A_509 = tpu.memref_slice %arg2[%dma_wait3A_508, %add3A_470] : memref<128x204800xf32, #tpu.memory_space<hbm>> -> memref<128x256xf32, #tpu.memory_space<hbm>>
    %dma_wait3A_510 = arith.constant 0 : i32
    %dma_wait3A_511 = tpu.memref_slice %arg2[%dma_wait3A_510, %add3A_470] : memref<128x204800xf32, #tpu.memory_space<hbm>> -> memref<128x256xf32, #tpu.memory_space<hbm>>
    tpu.wait_dma2 semaphore(%arg14 : memref<!tpu.dma_semaphore, #tpu.memory_space<semaphore_mem>>) src(%dma_wait3A_511 : memref<128x256xf32, #tpu.memory_space<hbm>>) dst(%arg11 : memref<128x256xf32, #tpu.memory_space<vmem>>)
    %dma_wait3A_512 = tpu.memref_slice %arg3[%add3A_470] : memref<204800xi32, #tpu.memory_space<hbm>> -> memref<256xi32, #tpu.memory_space<hbm>>
    %dma_wait3A_513 = tpu.memref_slice %arg3[%add3A_470] : memref<204800xi32, #tpu.memory_space<hbm>> -> memref<256xi32, #tpu.memory_space<hbm>>
    tpu.wait_dma2 semaphore(%arg14 : memref<!tpu.dma_semaphore, #tpu.memory_space<semaphore_mem>>) src(%dma_wait3A_513 : memref<256xi32, #tpu.memory_space<hbm>>) dst(%arg8 : memref<256xi32, #tpu.memory_space<vmem>>)
    %scan3A_514 = arith.constant 0 : i32
    %scan3A_515 = arith.constant 0 : i32
    %scan3A_516 = arith.constant 16 : i32
    %scan3A_517 = arith.addi %scan3A_515, %scan3A_516 : i32
    %scan3A_518 = arith.constant 1 : i32
    %scan3A_519 = scf.for %scan3A_775 = %scan3A_515 to %scan3A_517 step %scan3A_518 iter_args(%scan3A_776 = %scan3A_514) -> (i32)  : i32 {
      %mul3A_777 = arith.constant 16 : i32
      %mul3A_778 = arith.muli %scan3A_775, %mul3A_777 : i32
      %get3A = arith.index_cast %mul3A_778 : i32 to index
      %get3A_779 = tpu.vector_load %arg8[%get3A] {strides = array<i32>} : memref<256xi32, #tpu.memory_space<vmem>>, vector<16xi32>,
      %mul3A_780 = arith.constant 129 : i32
      %mul3A_781 = vector.broadcast %mul3A_780 : i32 to vector<16xi32>
      %mul3A_782 = arith.muli %get3A_779, %mul3A_781 : vector<16xi32>
      %parallel_loop3A = arith.constant 0 : i32
      %parallel_loop3A_783 = arith.constant 128 : i32
      %parallel_loop3A_784 = arith.constant 1 : i32
      %parallel_loop3A_785 = scf.for %parallel_loop3A_787 = %parallel_loop3A to %parallel_loop3A_783 step %parallel_loop3A_784 iter_args(%parallel_loop3A_788 = %mul3A_782) -> (vector<16xi32>)  : i32 {
        %parallel_loop3A_789 = tpu.vector_load_idx %arg6[%parallel_loop3A_788] : memref<6450xf32, #tpu.memory_space<vmem>>[vector<16xi32>], vector<16xf32>,
        %parallel_loop3A_790 = arith.constant 16 : i32
        %parallel_loop3A_791 = arith.muli %scan3A_775, %parallel_loop3A_790 : i32
        %parallel_loop3A_792 = arith.index_cast %parallel_loop3A_787 : i32 to index
        %parallel_loop3A_793 = arith.index_cast %parallel_loop3A_791 : i32 to index
        %parallel_loop3A_794 = tpu.vector_load %arg11[%parallel_loop3A_792, %parallel_loop3A_793] {strides = array<i32>} : memref<128x256xf32, #tpu.memory_space<vmem>>, vector<16xf32>,
        tpu.vector_store %arg11[%parallel_loop3A_792, %parallel_loop3A_793], %parallel_loop3A_789 {add = true, strides = array<i32>} : memref<128x256xf32, #tpu.memory_space<vmem>>, vector<16xf32>,
        %parallel_loop3A_795 = arith.constant 1 : i32
        %parallel_loop3A_796 = vector.broadcast %parallel_loop3A_795 : i32 to vector<16xi32>
        %parallel_loop3A_797 = arith.addi %parallel_loop3A_788, %parallel_loop3A_796 : vector<16xi32>
        scf.yield %parallel_loop3A_797 : vector<16xi32>
      } {sc.loop_unroll_factor = 8 : i64, sc.parallel_access}
      %scan3A_786 = arith.constant 0 : i32
      scf.yield %scan3A_786 : i32
    }
    %scan3A_520 = arith.constant 16 : i32
    %add3A_521 = arith.constant 4096 : i32
    %add3A_522 = arith.addi %mul3A_2, %add3A_521 : i32
    %dma_start3A_523 = arith.constant 0 : i32
    %dma_start3A_524 = tpu.memref_slice %arg5[%dma_start3A_523, %add3A_522] : memref<128x204800xf32, #tpu.memory_space<hbm>> -> memref<128x256xf32, #tpu.memory_space<hbm>>
    %dma_start3A_525 = arith.constant 0 : i32
    %dma_start3A_526 = tpu.memref_slice %arg5[%dma_start3A_525, %add3A_522] : memref<128x204800xf32, #tpu.memory_space<hbm>> -> memref<128x256xf32, #tpu.memory_space<hbm>>
    tpu.enqueue_dma source(%arg11 : memref<128x256xf32, #tpu.memory_space<vmem>>) target(%dma_start3A_526 : memref<128x256xf32, #tpu.memory_space<hbm>>) target_semaphore(%arg17 : memref<!tpu.dma_semaphore, #tpu.memory_space<semaphore_mem>>)
    %dma_wait3A_527 = arith.constant 0 : i32
    %dma_wait3A_528 = tpu.memref_slice %arg5[%dma_wait3A_527, %add3A_491] : memref<128x204800xf32, #tpu.memory_space<hbm>> -> memref<128x256xf32, #tpu.memory_space<hbm>>
    %dma_wait3A_529 = arith.constant 0 : i32
    %dma_wait3A_530 = tpu.memref_slice %arg5[%dma_wait3A_529, %add3A_491] : memref<128x204800xf32, #tpu.memory_space<hbm>> -> memref<128x256xf32, #tpu.memory_space<hbm>>
    tpu.wait_dma2 semaphore(%arg16 : memref<!tpu.dma_semaphore, #tpu.memory_space<semaphore_mem>>) src(%arg10 : memref<128x256xf32, #tpu.memory_space<vmem>>) dst(%dma_wait3A_530 : memref<128x256xf32, #tpu.memory_space<hbm>>)
    %add3A_531 = arith.constant 4608 : i32
    %add3A_532 = arith.addi %mul3A_2, %add3A_531 : i32
    %dma_start3A_533 = arith.constant 0 : i32
    %dma_start3A_534 = tpu.memref_slice %arg2[%dma_start3A_533, %add3A_532] : memref<128x204800xf32, #tpu.memory_space<hbm>> -> memref<128x256xf32, #tpu.memory_space<hbm>>
    %dma_start3A_535 = arith.constant 0 : i32
    %dma_start3A_536 = tpu.memref_slice %arg2[%dma_start3A_535, %add3A_532] : memref<128x204800xf32, #tpu.memory_space<hbm>> -> memref<128x256xf32, #tpu.memory_space<hbm>>
    tpu.enqueue_dma source(%dma_start3A_536 : memref<128x256xf32, #tpu.memory_space<hbm>>) target(%arg10 : memref<128x256xf32, #tpu.memory_space<vmem>>) target_semaphore(%arg13 : memref<!tpu.dma_semaphore, #tpu.memory_space<semaphore_mem>>)
    %dma_start3A_537 = tpu.memref_slice %arg3[%add3A_532] : memref<204800xi32, #tpu.memory_space<hbm>> -> memref<256xi32, #tpu.memory_space<hbm>>
    %dma_start3A_538 = tpu.memref_slice %arg3[%add3A_532] : memref<204800xi32, #tpu.memory_space<hbm>> -> memref<256xi32, #tpu.memory_space<hbm>>
    tpu.enqueue_dma source(%dma_start3A_538 : memref<256xi32, #tpu.memory_space<hbm>>) target(%arg7 : memref<256xi32, #tpu.memory_space<vmem>>) target_semaphore(%arg13 : memref<!tpu.dma_semaphore, #tpu.memory_space<semaphore_mem>>)
    %dma_wait3A_539 = arith.constant 0 : i32
    %dma_wait3A_540 = tpu.memref_slice %arg2[%dma_wait3A_539, %add3A_501] : memref<128x204800xf32, #tpu.memory_space<hbm>> -> memref<128x256xf32, #tpu.memory_space<hbm>>
    %dma_wait3A_541 = arith.constant 0 : i32
    %dma_wait3A_542 = tpu.memref_slice %arg2[%dma_wait3A_541, %add3A_501] : memref<128x204800xf32, #tpu.memory_space<hbm>> -> memref<128x256xf32, #tpu.memory_space<hbm>>
    tpu.wait_dma2 semaphore(%arg15 : memref<!tpu.dma_semaphore, #tpu.memory_space<semaphore_mem>>) src(%dma_wait3A_542 : memref<128x256xf32, #tpu.memory_space<hbm>>) dst(%arg12 : memref<128x256xf32, #tpu.memory_space<vmem>>)
    %dma_wait3A_543 = tpu.memref_slice %arg3[%add3A_501] : memref<204800xi32, #tpu.memory_space<hbm>> -> memref<256xi32, #tpu.memory_space<hbm>>
    %dma_wait3A_544 = tpu.memref_slice %arg3[%add3A_501] : memref<204800xi32, #tpu.memory_space<hbm>> -> memref<256xi32, #tpu.memory_space<hbm>>
    tpu.wait_dma2 semaphore(%arg15 : memref<!tpu.dma_semaphore, #tpu.memory_space<semaphore_mem>>) src(%dma_wait3A_544 : memref<256xi32, #tpu.memory_space<hbm>>) dst(%arg9 : memref<256xi32, #tpu.memory_space<vmem>>)
    %scan3A_545 = arith.constant 0 : i32
    %scan3A_546 = arith.constant 0 : i32
    %scan3A_547 = arith.constant 16 : i32
    %scan3A_548 = arith.addi %scan3A_546, %scan3A_547 : i32
    %scan3A_549 = arith.constant 1 : i32
    %scan3A_550 = scf.for %scan3A_775 = %scan3A_546 to %scan3A_548 step %scan3A_549 iter_args(%scan3A_776 = %scan3A_545) -> (i32)  : i32 {
      %mul3A_777 = arith.constant 16 : i32
      %mul3A_778 = arith.muli %scan3A_775, %mul3A_777 : i32
      %get3A = arith.index_cast %mul3A_778 : i32 to index
      %get3A_779 = tpu.vector_load %arg9[%get3A] {strides = array<i32>} : memref<256xi32, #tpu.memory_space<vmem>>, vector<16xi32>,
      %mul3A_780 = arith.constant 129 : i32
      %mul3A_781 = vector.broadcast %mul3A_780 : i32 to vector<16xi32>
      %mul3A_782 = arith.muli %get3A_779, %mul3A_781 : vector<16xi32>
      %parallel_loop3A = arith.constant 0 : i32
      %parallel_loop3A_783 = arith.constant 128 : i32
      %parallel_loop3A_784 = arith.constant 1 : i32
      %parallel_loop3A_785 = scf.for %parallel_loop3A_787 = %parallel_loop3A to %parallel_loop3A_783 step %parallel_loop3A_784 iter_args(%parallel_loop3A_788 = %mul3A_782) -> (vector<16xi32>)  : i32 {
        %parallel_loop3A_789 = tpu.vector_load_idx %arg6[%parallel_loop3A_788] : memref<6450xf32, #tpu.memory_space<vmem>>[vector<16xi32>], vector<16xf32>,
        %parallel_loop3A_790 = arith.constant 16 : i32
        %parallel_loop3A_791 = arith.muli %scan3A_775, %parallel_loop3A_790 : i32
        %parallel_loop3A_792 = arith.index_cast %parallel_loop3A_787 : i32 to index
        %parallel_loop3A_793 = arith.index_cast %parallel_loop3A_791 : i32 to index
        %parallel_loop3A_794 = tpu.vector_load %arg12[%parallel_loop3A_792, %parallel_loop3A_793] {strides = array<i32>} : memref<128x256xf32, #tpu.memory_space<vmem>>, vector<16xf32>,
        tpu.vector_store %arg12[%parallel_loop3A_792, %parallel_loop3A_793], %parallel_loop3A_789 {add = true, strides = array<i32>} : memref<128x256xf32, #tpu.memory_space<vmem>>, vector<16xf32>,
        %parallel_loop3A_795 = arith.constant 1 : i32
        %parallel_loop3A_796 = vector.broadcast %parallel_loop3A_795 : i32 to vector<16xi32>
        %parallel_loop3A_797 = arith.addi %parallel_loop3A_788, %parallel_loop3A_796 : vector<16xi32>
        scf.yield %parallel_loop3A_797 : vector<16xi32>
      } {sc.loop_unroll_factor = 8 : i64, sc.parallel_access}
      %scan3A_786 = arith.constant 0 : i32
      scf.yield %scan3A_786 : i32
    }
    %scan3A_551 = arith.constant 16 : i32
    %add3A_552 = arith.constant 4352 : i32
    %add3A_553 = arith.addi %mul3A_2, %add3A_552 : i32
    %dma_start3A_554 = arith.constant 0 : i32
    %dma_start3A_555 = tpu.memref_slice %arg5[%dma_start3A_554, %add3A_553] : memref<128x204800xf32, #tpu.memory_space<hbm>> -> memref<128x256xf32, #tpu.memory_space<hbm>>
    %dma_start3A_556 = arith.constant 0 : i32
    %dma_start3A_557 = tpu.memref_slice %arg5[%dma_start3A_556, %add3A_553] : memref<128x204800xf32, #tpu.memory_space<hbm>> -> memref<128x256xf32, #tpu.memory_space<hbm>>
    tpu.enqueue_dma source(%arg12 : memref<128x256xf32, #tpu.memory_space<vmem>>) target(%dma_start3A_557 : memref<128x256xf32, #tpu.memory_space<hbm>>) target_semaphore(%arg18 : memref<!tpu.dma_semaphore, #tpu.memory_space<semaphore_mem>>)
    %dma_wait3A_558 = arith.constant 0 : i32
    %dma_wait3A_559 = tpu.memref_slice %arg5[%dma_wait3A_558, %add3A_522] : memref<128x204800xf32, #tpu.memory_space<hbm>> -> memref<128x256xf32, #tpu.memory_space<hbm>>
    %dma_wait3A_560 = arith.constant 0 : i32
    %dma_wait3A_561 = tpu.memref_slice %arg5[%dma_wait3A_560, %add3A_522] : memref<128x204800xf32, #tpu.memory_space<hbm>> -> memref<128x256xf32, #tpu.memory_space<hbm>>
    tpu.wait_dma2 semaphore(%arg17 : memref<!tpu.dma_semaphore, #tpu.memory_space<semaphore_mem>>) src(%arg11 : memref<128x256xf32, #tpu.memory_space<vmem>>) dst(%dma_wait3A_561 : memref<128x256xf32, #tpu.memory_space<hbm>>)
    %add3A_562 = arith.constant 4864 : i32
    %add3A_563 = arith.addi %mul3A_2, %add3A_562 : i32
    %dma_start3A_564 = arith.constant 0 : i32
    %dma_start3A_565 = tpu.memref_slice %arg2[%dma_start3A_564, %add3A_563] : memref<128x204800xf32, #tpu.memory_space<hbm>> -> memref<128x256xf32, #tpu.memory_space<hbm>>
    %dma_start3A_566 = arith.constant 0 : i32
    %dma_start3A_567 = tpu.memref_slice %arg2[%dma_start3A_566, %add3A_563] : memref<128x204800xf32, #tpu.memory_space<hbm>> -> memref<128x256xf32, #tpu.memory_space<hbm>>
    tpu.enqueue_dma source(%dma_start3A_567 : memref<128x256xf32, #tpu.memory_space<hbm>>) target(%arg11 : memref<128x256xf32, #tpu.memory_space<vmem>>) target_semaphore(%arg14 : memref<!tpu.dma_semaphore, #tpu.memory_space<semaphore_mem>>)
    %dma_start3A_568 = tpu.memref_slice %arg3[%add3A_563] : memref<204800xi32, #tpu.memory_space<hbm>> -> memref<256xi32, #tpu.memory_space<hbm>>
    %dma_start3A_569 = tpu.memref_slice %arg3[%add3A_563] : memref<204800xi32, #tpu.memory_space<hbm>> -> memref<256xi32, #tpu.memory_space<hbm>>
    tpu.enqueue_dma source(%dma_start3A_569 : memref<256xi32, #tpu.memory_space<hbm>>) target(%arg8 : memref<256xi32, #tpu.memory_space<vmem>>) target_semaphore(%arg14 : memref<!tpu.dma_semaphore, #tpu.memory_space<semaphore_mem>>)
    %dma_wait3A_570 = arith.constant 0 : i32
    %dma_wait3A_571 = tpu.memref_slice %arg2[%dma_wait3A_570, %add3A_532] : memref<128x204800xf32, #tpu.memory_space<hbm>> -> memref<128x256xf32, #tpu.memory_space<hbm>>
    %dma_wait3A_572 = arith.constant 0 : i32
    %dma_wait3A_573 = tpu.memref_slice %arg2[%dma_wait3A_572, %add3A_532] : memref<128x204800xf32, #tpu.memory_space<hbm>> -> memref<128x256xf32, #tpu.memory_space<hbm>>
    tpu.wait_dma2 semaphore(%arg13 : memref<!tpu.dma_semaphore, #tpu.memory_space<semaphore_mem>>) src(%dma_wait3A_573 : memref<128x256xf32, #tpu.memory_space<hbm>>) dst(%arg10 : memref<128x256xf32, #tpu.memory_space<vmem>>)
    %dma_wait3A_574 = tpu.memref_slice %arg3[%add3A_532] : memref<204800xi32, #tpu.memory_space<hbm>> -> memref<256xi32, #tpu.memory_space<hbm>>
    %dma_wait3A_575 = tpu.memref_slice %arg3[%add3A_532] : memref<204800xi32, #tpu.memory_space<hbm>> -> memref<256xi32, #tpu.memory_space<hbm>>
    tpu.wait_dma2 semaphore(%arg13 : memref<!tpu.dma_semaphore, #tpu.memory_space<semaphore_mem>>) src(%dma_wait3A_575 : memref<256xi32, #tpu.memory_space<hbm>>) dst(%arg7 : memref<256xi32, #tpu.memory_space<vmem>>)
    %scan3A_576 = arith.constant 0 : i32
    %scan3A_577 = arith.constant 0 : i32
    %scan3A_578 = arith.constant 16 : i32
    %scan3A_579 = arith.addi %scan3A_577, %scan3A_578 : i32
    %scan3A_580 = arith.constant 1 : i32
    %scan3A_581 = scf.for %scan3A_775 = %scan3A_577 to %scan3A_579 step %scan3A_580 iter_args(%scan3A_776 = %scan3A_576) -> (i32)  : i32 {
      %mul3A_777 = arith.constant 16 : i32
      %mul3A_778 = arith.muli %scan3A_775, %mul3A_777 : i32
      %get3A = arith.index_cast %mul3A_778 : i32 to index
      %get3A_779 = tpu.vector_load %arg7[%get3A] {strides = array<i32>} : memref<256xi32, #tpu.memory_space<vmem>>, vector<16xi32>,
      %mul3A_780 = arith.constant 129 : i32
      %mul3A_781 = vector.broadcast %mul3A_780 : i32 to vector<16xi32>
      %mul3A_782 = arith.muli %get3A_779, %mul3A_781 : vector<16xi32>
      %parallel_loop3A = arith.constant 0 : i32
      %parallel_loop3A_783 = arith.constant 128 : i32
      %parallel_loop3A_784 = arith.constant 1 : i32
      %parallel_loop3A_785 = scf.for %parallel_loop3A_787 = %parallel_loop3A to %parallel_loop3A_783 step %parallel_loop3A_784 iter_args(%parallel_loop3A_788 = %mul3A_782) -> (vector<16xi32>)  : i32 {
        %parallel_loop3A_789 = tpu.vector_load_idx %arg6[%parallel_loop3A_788] : memref<6450xf32, #tpu.memory_space<vmem>>[vector<16xi32>], vector<16xf32>,
        %parallel_loop3A_790 = arith.constant 16 : i32
        %parallel_loop3A_791 = arith.muli %scan3A_775, %parallel_loop3A_790 : i32
        %parallel_loop3A_792 = arith.index_cast %parallel_loop3A_787 : i32 to index
        %parallel_loop3A_793 = arith.index_cast %parallel_loop3A_791 : i32 to index
        %parallel_loop3A_794 = tpu.vector_load %arg10[%parallel_loop3A_792, %parallel_loop3A_793] {strides = array<i32>} : memref<128x256xf32, #tpu.memory_space<vmem>>, vector<16xf32>,
        tpu.vector_store %arg10[%parallel_loop3A_792, %parallel_loop3A_793], %parallel_loop3A_789 {add = true, strides = array<i32>} : memref<128x256xf32, #tpu.memory_space<vmem>>, vector<16xf32>,
        %parallel_loop3A_795 = arith.constant 1 : i32
        %parallel_loop3A_796 = vector.broadcast %parallel_loop3A_795 : i32 to vector<16xi32>
        %parallel_loop3A_797 = arith.addi %parallel_loop3A_788, %parallel_loop3A_796 : vector<16xi32>
        scf.yield %parallel_loop3A_797 : vector<16xi32>
      } {sc.loop_unroll_factor = 8 : i64, sc.parallel_access}
      %scan3A_786 = arith.constant 0 : i32
      scf.yield %scan3A_786 : i32
    }
    %scan3A_582 = arith.constant 16 : i32
    %add3A_583 = arith.constant 4608 : i32
    %add3A_584 = arith.addi %mul3A_2, %add3A_583 : i32
    %dma_start3A_585 = arith.constant 0 : i32
    %dma_start3A_586 = tpu.memref_slice %arg5[%dma_start3A_585, %add3A_584] : memref<128x204800xf32, #tpu.memory_space<hbm>> -> memref<128x256xf32, #tpu.memory_space<hbm>>
    %dma_start3A_587 = arith.constant 0 : i32
    %dma_start3A_588 = tpu.memref_slice %arg5[%dma_start3A_587, %add3A_584] : memref<128x204800xf32, #tpu.memory_space<hbm>> -> memref<128x256xf32, #tpu.memory_space<hbm>>
    tpu.enqueue_dma source(%arg10 : memref<128x256xf32, #tpu.memory_space<vmem>>) target(%dma_start3A_588 : memref<128x256xf32, #tpu.memory_space<hbm>>) target_semaphore(%arg16 : memref<!tpu.dma_semaphore, #tpu.memory_space<semaphore_mem>>)
    %dma_wait3A_589 = arith.constant 0 : i32
    %dma_wait3A_590 = tpu.memref_slice %arg5[%dma_wait3A_589, %add3A_553] : memref<128x204800xf32, #tpu.memory_space<hbm>> -> memref<128x256xf32, #tpu.memory_space<hbm>>
    %dma_wait3A_591 = arith.constant 0 : i32
    %dma_wait3A_592 = tpu.memref_slice %arg5[%dma_wait3A_591, %add3A_553] : memref<128x204800xf32, #tpu.memory_space<hbm>> -> memref<128x256xf32, #tpu.memory_space<hbm>>
    tpu.wait_dma2 semaphore(%arg18 : memref<!tpu.dma_semaphore, #tpu.memory_space<semaphore_mem>>) src(%arg12 : memref<128x256xf32, #tpu.memory_space<vmem>>) dst(%dma_wait3A_592 : memref<128x256xf32, #tpu.memory_space<hbm>>)
    %add3A_593 = arith.constant 5120 : i32
    %add3A_594 = arith.addi %mul3A_2, %add3A_593 : i32
    %dma_start3A_595 = arith.constant 0 : i32
    %dma_start3A_596 = tpu.memref_slice %arg2[%dma_start3A_595, %add3A_594] : memref<128x204800xf32, #tpu.memory_space<hbm>> -> memref<128x256xf32, #tpu.memory_space<hbm>>
    %dma_start3A_597 = arith.constant 0 : i32
    %dma_start3A_598 = tpu.memref_slice %arg2[%dma_start3A_597, %add3A_594] : memref<128x204800xf32, #tpu.memory_space<hbm>> -> memref<128x256xf32, #tpu.memory_space<hbm>>
    tpu.enqueue_dma source(%dma_start3A_598 : memref<128x256xf32, #tpu.memory_space<hbm>>) target(%arg12 : memref<128x256xf32, #tpu.memory_space<vmem>>) target_semaphore(%arg15 : memref<!tpu.dma_semaphore, #tpu.memory_space<semaphore_mem>>)
    %dma_start3A_599 = tpu.memref_slice %arg3[%add3A_594] : memref<204800xi32, #tpu.memory_space<hbm>> -> memref<256xi32, #tpu.memory_space<hbm>>
    %dma_start3A_600 = tpu.memref_slice %arg3[%add3A_594] : memref<204800xi32, #tpu.memory_space<hbm>> -> memref<256xi32, #tpu.memory_space<hbm>>
    tpu.enqueue_dma source(%dma_start3A_600 : memref<256xi32, #tpu.memory_space<hbm>>) target(%arg9 : memref<256xi32, #tpu.memory_space<vmem>>) target_semaphore(%arg15 : memref<!tpu.dma_semaphore, #tpu.memory_space<semaphore_mem>>)
    %dma_wait3A_601 = arith.constant 0 : i32
    %dma_wait3A_602 = tpu.memref_slice %arg2[%dma_wait3A_601, %add3A_563] : memref<128x204800xf32, #tpu.memory_space<hbm>> -> memref<128x256xf32, #tpu.memory_space<hbm>>
    %dma_wait3A_603 = arith.constant 0 : i32
    %dma_wait3A_604 = tpu.memref_slice %arg2[%dma_wait3A_603, %add3A_563] : memref<128x204800xf32, #tpu.memory_space<hbm>> -> memref<128x256xf32, #tpu.memory_space<hbm>>
    tpu.wait_dma2 semaphore(%arg14 : memref<!tpu.dma_semaphore, #tpu.memory_space<semaphore_mem>>) src(%dma_wait3A_604 : memref<128x256xf32, #tpu.memory_space<hbm>>) dst(%arg11 : memref<128x256xf32, #tpu.memory_space<vmem>>)
    %dma_wait3A_605 = tpu.memref_slice %arg3[%add3A_563] : memref<204800xi32, #tpu.memory_space<hbm>> -> memref<256xi32, #tpu.memory_space<hbm>>
    %dma_wait3A_606 = tpu.memref_slice %arg3[%add3A_563] : memref<204800xi32, #tpu.memory_space<hbm>> -> memref<256xi32, #tpu.memory_space<hbm>>
    tpu.wait_dma2 semaphore(%arg14 : memref<!tpu.dma_semaphore, #tpu.memory_space<semaphore_mem>>) src(%dma_wait3A_606 : memref<256xi32, #tpu.memory_space<hbm>>) dst(%arg8 : memref<256xi32, #tpu.memory_space<vmem>>)
    %scan3A_607 = arith.constant 0 : i32
    %scan3A_608 = arith.constant 0 : i32
    %scan3A_609 = arith.constant 16 : i32
    %scan3A_610 = arith.addi %scan3A_608, %scan3A_609 : i32
    %scan3A_611 = arith.constant 1 : i32
    %scan3A_612 = scf.for %scan3A_775 = %scan3A_608 to %scan3A_610 step %scan3A_611 iter_args(%scan3A_776 = %scan3A_607) -> (i32)  : i32 {
      %mul3A_777 = arith.constant 16 : i32
      %mul3A_778 = arith.muli %scan3A_775, %mul3A_777 : i32
      %get3A = arith.index_cast %mul3A_778 : i32 to index
      %get3A_779 = tpu.vector_load %arg8[%get3A] {strides = array<i32>} : memref<256xi32, #tpu.memory_space<vmem>>, vector<16xi32>,
      %mul3A_780 = arith.constant 129 : i32
      %mul3A_781 = vector.broadcast %mul3A_780 : i32 to vector<16xi32>
      %mul3A_782 = arith.muli %get3A_779, %mul3A_781 : vector<16xi32>
      %parallel_loop3A = arith.constant 0 : i32
      %parallel_loop3A_783 = arith.constant 128 : i32
      %parallel_loop3A_784 = arith.constant 1 : i32
      %parallel_loop3A_785 = scf.for %parallel_loop3A_787 = %parallel_loop3A to %parallel_loop3A_783 step %parallel_loop3A_784 iter_args(%parallel_loop3A_788 = %mul3A_782) -> (vector<16xi32>)  : i32 {
        %parallel_loop3A_789 = tpu.vector_load_idx %arg6[%parallel_loop3A_788] : memref<6450xf32, #tpu.memory_space<vmem>>[vector<16xi32>], vector<16xf32>,
        %parallel_loop3A_790 = arith.constant 16 : i32
        %parallel_loop3A_791 = arith.muli %scan3A_775, %parallel_loop3A_790 : i32
        %parallel_loop3A_792 = arith.index_cast %parallel_loop3A_787 : i32 to index
        %parallel_loop3A_793 = arith.index_cast %parallel_loop3A_791 : i32 to index
        %parallel_loop3A_794 = tpu.vector_load %arg11[%parallel_loop3A_792, %parallel_loop3A_793] {strides = array<i32>} : memref<128x256xf32, #tpu.memory_space<vmem>>, vector<16xf32>,
        tpu.vector_store %arg11[%parallel_loop3A_792, %parallel_loop3A_793], %parallel_loop3A_789 {add = true, strides = array<i32>} : memref<128x256xf32, #tpu.memory_space<vmem>>, vector<16xf32>,
        %parallel_loop3A_795 = arith.constant 1 : i32
        %parallel_loop3A_796 = vector.broadcast %parallel_loop3A_795 : i32 to vector<16xi32>
        %parallel_loop3A_797 = arith.addi %parallel_loop3A_788, %parallel_loop3A_796 : vector<16xi32>
        scf.yield %parallel_loop3A_797 : vector<16xi32>
      } {sc.loop_unroll_factor = 8 : i64, sc.parallel_access}
      %scan3A_786 = arith.constant 0 : i32
      scf.yield %scan3A_786 : i32
    }
    %scan3A_613 = arith.constant 16 : i32
    %add3A_614 = arith.constant 4864 : i32
    %add3A_615 = arith.addi %mul3A_2, %add3A_614 : i32
    %dma_start3A_616 = arith.constant 0 : i32
    %dma_start3A_617 = tpu.memref_slice %arg5[%dma_start3A_616, %add3A_615] : memref<128x204800xf32, #tpu.memory_space<hbm>> -> memref<128x256xf32, #tpu.memory_space<hbm>>
    %dma_start3A_618 = arith.constant 0 : i32
    %dma_start3A_619 = tpu.memref_slice %arg5[%dma_start3A_618, %add3A_615] : memref<128x204800xf32, #tpu.memory_space<hbm>> -> memref<128x256xf32, #tpu.memory_space<hbm>>
    tpu.enqueue_dma source(%arg11 : memref<128x256xf32, #tpu.memory_space<vmem>>) target(%dma_start3A_619 : memref<128x256xf32, #tpu.memory_space<hbm>>) target_semaphore(%arg17 : memref<!tpu.dma_semaphore, #tpu.memory_space<semaphore_mem>>)
    %dma_wait3A_620 = arith.constant 0 : i32
    %dma_wait3A_621 = tpu.memref_slice %arg5[%dma_wait3A_620, %add3A_584] : memref<128x204800xf32, #tpu.memory_space<hbm>> -> memref<128x256xf32, #tpu.memory_space<hbm>>
    %dma_wait3A_622 = arith.constant 0 : i32
    %dma_wait3A_623 = tpu.memref_slice %arg5[%dma_wait3A_622, %add3A_584] : memref<128x204800xf32, #tpu.memory_space<hbm>> -> memref<128x256xf32, #tpu.memory_space<hbm>>
    tpu.wait_dma2 semaphore(%arg16 : memref<!tpu.dma_semaphore, #tpu.memory_space<semaphore_mem>>) src(%arg10 : memref<128x256xf32, #tpu.memory_space<vmem>>) dst(%dma_wait3A_623 : memref<128x256xf32, #tpu.memory_space<hbm>>)
    %add3A_624 = arith.constant 5376 : i32
    %add3A_625 = arith.addi %mul3A_2, %add3A_624 : i32
    %dma_start3A_626 = arith.constant 0 : i32
    %dma_start3A_627 = tpu.memref_slice %arg2[%dma_start3A_626, %add3A_625] : memref<128x204800xf32, #tpu.memory_space<hbm>> -> memref<128x256xf32, #tpu.memory_space<hbm>>
    %dma_start3A_628 = arith.constant 0 : i32
    %dma_start3A_629 = tpu.memref_slice %arg2[%dma_start3A_628, %add3A_625] : memref<128x204800xf32, #tpu.memory_space<hbm>> -> memref<128x256xf32, #tpu.memory_space<hbm>>
    tpu.enqueue_dma source(%dma_start3A_629 : memref<128x256xf32, #tpu.memory_space<hbm>>) target(%arg10 : memref<128x256xf32, #tpu.memory_space<vmem>>) target_semaphore(%arg13 : memref<!tpu.dma_semaphore, #tpu.memory_space<semaphore_mem>>)
    %dma_start3A_630 = tpu.memref_slice %arg3[%add3A_625] : memref<204800xi32, #tpu.memory_space<hbm>> -> memref<256xi32, #tpu.memory_space<hbm>>
    %dma_start3A_631 = tpu.memref_slice %arg3[%add3A_625] : memref<204800xi32, #tpu.memory_space<hbm>> -> memref<256xi32, #tpu.memory_space<hbm>>
    tpu.enqueue_dma source(%dma_start3A_631 : memref<256xi32, #tpu.memory_space<hbm>>) target(%arg7 : memref<256xi32, #tpu.memory_space<vmem>>) target_semaphore(%arg13 : memref<!tpu.dma_semaphore, #tpu.memory_space<semaphore_mem>>)
    %dma_wait3A_632 = arith.constant 0 : i32
    %dma_wait3A_633 = tpu.memref_slice %arg2[%dma_wait3A_632, %add3A_594] : memref<128x204800xf32, #tpu.memory_space<hbm>> -> memref<128x256xf32, #tpu.memory_space<hbm>>
    %dma_wait3A_634 = arith.constant 0 : i32
    %dma_wait3A_635 = tpu.memref_slice %arg2[%dma_wait3A_634, %add3A_594] : memref<128x204800xf32, #tpu.memory_space<hbm>> -> memref<128x256xf32, #tpu.memory_space<hbm>>
    tpu.wait_dma2 semaphore(%arg15 : memref<!tpu.dma_semaphore, #tpu.memory_space<semaphore_mem>>) src(%dma_wait3A_635 : memref<128x256xf32, #tpu.memory_space<hbm>>) dst(%arg12 : memref<128x256xf32, #tpu.memory_space<vmem>>)
    %dma_wait3A_636 = tpu.memref_slice %arg3[%add3A_594] : memref<204800xi32, #tpu.memory_space<hbm>> -> memref<256xi32, #tpu.memory_space<hbm>>
    %dma_wait3A_637 = tpu.memref_slice %arg3[%add3A_594] : memref<204800xi32, #tpu.memory_space<hbm>> -> memref<256xi32, #tpu.memory_space<hbm>>
    tpu.wait_dma2 semaphore(%arg15 : memref<!tpu.dma_semaphore, #tpu.memory_space<semaphore_mem>>) src(%dma_wait3A_637 : memref<256xi32, #tpu.memory_space<hbm>>) dst(%arg9 : memref<256xi32, #tpu.memory_space<vmem>>)
    %scan3A_638 = arith.constant 0 : i32
    %scan3A_639 = arith.constant 0 : i32
    %scan3A_640 = arith.constant 16 : i32
    %scan3A_641 = arith.addi %scan3A_639, %scan3A_640 : i32
    %scan3A_642 = arith.constant 1 : i32
    %scan3A_643 = scf.for %scan3A_775 = %scan3A_639 to %scan3A_641 step %scan3A_642 iter_args(%scan3A_776 = %scan3A_638) -> (i32)  : i32 {
      %mul3A_777 = arith.constant 16 : i32
      %mul3A_778 = arith.muli %scan3A_775, %mul3A_777 : i32
      %get3A = arith.index_cast %mul3A_778 : i32 to index
      %get3A_779 = tpu.vector_load %arg9[%get3A] {strides = array<i32>} : memref<256xi32, #tpu.memory_space<vmem>>, vector<16xi32>,
      %mul3A_780 = arith.constant 129 : i32
      %mul3A_781 = vector.broadcast %mul3A_780 : i32 to vector<16xi32>
      %mul3A_782 = arith.muli %get3A_779, %mul3A_781 : vector<16xi32>
      %parallel_loop3A = arith.constant 0 : i32
      %parallel_loop3A_783 = arith.constant 128 : i32
      %parallel_loop3A_784 = arith.constant 1 : i32
      %parallel_loop3A_785 = scf.for %parallel_loop3A_787 = %parallel_loop3A to %parallel_loop3A_783 step %parallel_loop3A_784 iter_args(%parallel_loop3A_788 = %mul3A_782) -> (vector<16xi32>)  : i32 {
        %parallel_loop3A_789 = tpu.vector_load_idx %arg6[%parallel_loop3A_788] : memref<6450xf32, #tpu.memory_space<vmem>>[vector<16xi32>], vector<16xf32>,
        %parallel_loop3A_790 = arith.constant 16 : i32
        %parallel_loop3A_791 = arith.muli %scan3A_775, %parallel_loop3A_790 : i32
        %parallel_loop3A_792 = arith.index_cast %parallel_loop3A_787 : i32 to index
        %parallel_loop3A_793 = arith.index_cast %parallel_loop3A_791 : i32 to index
        %parallel_loop3A_794 = tpu.vector_load %arg12[%parallel_loop3A_792, %parallel_loop3A_793] {strides = array<i32>} : memref<128x256xf32, #tpu.memory_space<vmem>>, vector<16xf32>,
        tpu.vector_store %arg12[%parallel_loop3A_792, %parallel_loop3A_793], %parallel_loop3A_789 {add = true, strides = array<i32>} : memref<128x256xf32, #tpu.memory_space<vmem>>, vector<16xf32>,
        %parallel_loop3A_795 = arith.constant 1 : i32
        %parallel_loop3A_796 = vector.broadcast %parallel_loop3A_795 : i32 to vector<16xi32>
        %parallel_loop3A_797 = arith.addi %parallel_loop3A_788, %parallel_loop3A_796 : vector<16xi32>
        scf.yield %parallel_loop3A_797 : vector<16xi32>
      } {sc.loop_unroll_factor = 8 : i64, sc.parallel_access}
      %scan3A_786 = arith.constant 0 : i32
      scf.yield %scan3A_786 : i32
    }
    %scan3A_644 = arith.constant 16 : i32
    %add3A_645 = arith.constant 5120 : i32
    %add3A_646 = arith.addi %mul3A_2, %add3A_645 : i32
    %dma_start3A_647 = arith.constant 0 : i32
    %dma_start3A_648 = tpu.memref_slice %arg5[%dma_start3A_647, %add3A_646] : memref<128x204800xf32, #tpu.memory_space<hbm>> -> memref<128x256xf32, #tpu.memory_space<hbm>>
    %dma_start3A_649 = arith.constant 0 : i32
    %dma_start3A_650 = tpu.memref_slice %arg5[%dma_start3A_649, %add3A_646] : memref<128x204800xf32, #tpu.memory_space<hbm>> -> memref<128x256xf32, #tpu.memory_space<hbm>>
    tpu.enqueue_dma source(%arg12 : memref<128x256xf32, #tpu.memory_space<vmem>>) target(%dma_start3A_650 : memref<128x256xf32, #tpu.memory_space<hbm>>) target_semaphore(%arg18 : memref<!tpu.dma_semaphore, #tpu.memory_space<semaphore_mem>>)
    %dma_wait3A_651 = arith.constant 0 : i32
    %dma_wait3A_652 = tpu.memref_slice %arg5[%dma_wait3A_651, %add3A_615] : memref<128x204800xf32, #tpu.memory_space<hbm>> -> memref<128x256xf32, #tpu.memory_space<hbm>>
    %dma_wait3A_653 = arith.constant 0 : i32
    %dma_wait3A_654 = tpu.memref_slice %arg5[%dma_wait3A_653, %add3A_615] : memref<128x204800xf32, #tpu.memory_space<hbm>> -> memref<128x256xf32, #tpu.memory_space<hbm>>
    tpu.wait_dma2 semaphore(%arg17 : memref<!tpu.dma_semaphore, #tpu.memory_space<semaphore_mem>>) src(%arg11 : memref<128x256xf32, #tpu.memory_space<vmem>>) dst(%dma_wait3A_654 : memref<128x256xf32, #tpu.memory_space<hbm>>)
    %add3A_655 = arith.constant 5632 : i32
    %add3A_656 = arith.addi %mul3A_2, %add3A_655 : i32
    %dma_start3A_657 = arith.constant 0 : i32
    %dma_start3A_658 = tpu.memref_slice %arg2[%dma_start3A_657, %add3A_656] : memref<128x204800xf32, #tpu.memory_space<hbm>> -> memref<128x256xf32, #tpu.memory_space<hbm>>
    %dma_start3A_659 = arith.constant 0 : i32
    %dma_start3A_660 = tpu.memref_slice %arg2[%dma_start3A_659, %add3A_656] : memref<128x204800xf32, #tpu.memory_space<hbm>> -> memref<128x256xf32, #tpu.memory_space<hbm>>
    tpu.enqueue_dma source(%dma_start3A_660 : memref<128x256xf32, #tpu.memory_space<hbm>>) target(%arg11 : memref<128x256xf32, #tpu.memory_space<vmem>>) target_semaphore(%arg14 : memref<!tpu.dma_semaphore, #tpu.memory_space<semaphore_mem>>)
    %dma_start3A_661 = tpu.memref_slice %arg3[%add3A_656] : memref<204800xi32, #tpu.memory_space<hbm>> -> memref<256xi32, #tpu.memory_space<hbm>>
    %dma_start3A_662 = tpu.memref_slice %arg3[%add3A_656] : memref<204800xi32, #tpu.memory_space<hbm>> -> memref<256xi32, #tpu.memory_space<hbm>>
    tpu.enqueue_dma source(%dma_start3A_662 : memref<256xi32, #tpu.memory_space<hbm>>) target(%arg8 : memref<256xi32, #tpu.memory_space<vmem>>) target_semaphore(%arg14 : memref<!tpu.dma_semaphore, #tpu.memory_space<semaphore_mem>>)
    %dma_wait3A_663 = arith.constant 0 : i32
    %dma_wait3A_664 = tpu.memref_slice %arg2[%dma_wait3A_663, %add3A_625] : memref<128x204800xf32, #tpu.memory_space<hbm>> -> memref<128x256xf32, #tpu.memory_space<hbm>>
    %dma_wait3A_665 = arith.constant 0 : i32
    %dma_wait3A_666 = tpu.memref_slice %arg2[%dma_wait3A_665, %add3A_625] : memref<128x204800xf32, #tpu.memory_space<hbm>> -> memref<128x256xf32, #tpu.memory_space<hbm>>
    tpu.wait_dma2 semaphore(%arg13 : memref<!tpu.dma_semaphore, #tpu.memory_space<semaphore_mem>>) src(%dma_wait3A_666 : memref<128x256xf32, #tpu.memory_space<hbm>>) dst(%arg10 : memref<128x256xf32, #tpu.memory_space<vmem>>)
    %dma_wait3A_667 = tpu.memref_slice %arg3[%add3A_625] : memref<204800xi32, #tpu.memory_space<hbm>> -> memref<256xi32, #tpu.memory_space<hbm>>
    %dma_wait3A_668 = tpu.memref_slice %arg3[%add3A_625] : memref<204800xi32, #tpu.memory_space<hbm>> -> memref<256xi32, #tpu.memory_space<hbm>>
    tpu.wait_dma2 semaphore(%arg13 : memref<!tpu.dma_semaphore, #tpu.memory_space<semaphore_mem>>) src(%dma_wait3A_668 : memref<256xi32, #tpu.memory_space<hbm>>) dst(%arg7 : memref<256xi32, #tpu.memory_space<vmem>>)
    %scan3A_669 = arith.constant 0 : i32
    %scan3A_670 = arith.constant 0 : i32
    %scan3A_671 = arith.constant 16 : i32
    %scan3A_672 = arith.addi %scan3A_670, %scan3A_671 : i32
    %scan3A_673 = arith.constant 1 : i32
    %scan3A_674 = scf.for %scan3A_775 = %scan3A_670 to %scan3A_672 step %scan3A_673 iter_args(%scan3A_776 = %scan3A_669) -> (i32)  : i32 {
      %mul3A_777 = arith.constant 16 : i32
      %mul3A_778 = arith.muli %scan3A_775, %mul3A_777 : i32
      %get3A = arith.index_cast %mul3A_778 : i32 to index
      %get3A_779 = tpu.vector_load %arg7[%get3A] {strides = array<i32>} : memref<256xi32, #tpu.memory_space<vmem>>, vector<16xi32>,
      %mul3A_780 = arith.constant 129 : i32
      %mul3A_781 = vector.broadcast %mul3A_780 : i32 to vector<16xi32>
      %mul3A_782 = arith.muli %get3A_779, %mul3A_781 : vector<16xi32>
      %parallel_loop3A = arith.constant 0 : i32
      %parallel_loop3A_783 = arith.constant 128 : i32
      %parallel_loop3A_784 = arith.constant 1 : i32
      %parallel_loop3A_785 = scf.for %parallel_loop3A_787 = %parallel_loop3A to %parallel_loop3A_783 step %parallel_loop3A_784 iter_args(%parallel_loop3A_788 = %mul3A_782) -> (vector<16xi32>)  : i32 {
        %parallel_loop3A_789 = tpu.vector_load_idx %arg6[%parallel_loop3A_788] : memref<6450xf32, #tpu.memory_space<vmem>>[vector<16xi32>], vector<16xf32>,
        %parallel_loop3A_790 = arith.constant 16 : i32
        %parallel_loop3A_791 = arith.muli %scan3A_775, %parallel_loop3A_790 : i32
        %parallel_loop3A_792 = arith.index_cast %parallel_loop3A_787 : i32 to index
        %parallel_loop3A_793 = arith.index_cast %parallel_loop3A_791 : i32 to index
        %parallel_loop3A_794 = tpu.vector_load %arg10[%parallel_loop3A_792, %parallel_loop3A_793] {strides = array<i32>} : memref<128x256xf32, #tpu.memory_space<vmem>>, vector<16xf32>,
        tpu.vector_store %arg10[%parallel_loop3A_792, %parallel_loop3A_793], %parallel_loop3A_789 {add = true, strides = array<i32>} : memref<128x256xf32, #tpu.memory_space<vmem>>, vector<16xf32>,
        %parallel_loop3A_795 = arith.constant 1 : i32
        %parallel_loop3A_796 = vector.broadcast %parallel_loop3A_795 : i32 to vector<16xi32>
        %parallel_loop3A_797 = arith.addi %parallel_loop3A_788, %parallel_loop3A_796 : vector<16xi32>
        scf.yield %parallel_loop3A_797 : vector<16xi32>
      } {sc.loop_unroll_factor = 8 : i64, sc.parallel_access}
      %scan3A_786 = arith.constant 0 : i32
      scf.yield %scan3A_786 : i32
    }
    %scan3A_675 = arith.constant 16 : i32
    %add3A_676 = arith.constant 5376 : i32
    %add3A_677 = arith.addi %mul3A_2, %add3A_676 : i32
    %dma_start3A_678 = arith.constant 0 : i32
    %dma_start3A_679 = tpu.memref_slice %arg5[%dma_start3A_678, %add3A_677] : memref<128x204800xf32, #tpu.memory_space<hbm>> -> memref<128x256xf32, #tpu.memory_space<hbm>>
    %dma_start3A_680 = arith.constant 0 : i32
    %dma_start3A_681 = tpu.memref_slice %arg5[%dma_start3A_680, %add3A_677] : memref<128x204800xf32, #tpu.memory_space<hbm>> -> memref<128x256xf32, #tpu.memory_space<hbm>>
    tpu.enqueue_dma source(%arg10 : memref<128x256xf32, #tpu.memory_space<vmem>>) target(%dma_start3A_681 : memref<128x256xf32, #tpu.memory_space<hbm>>) target_semaphore(%arg16 : memref<!tpu.dma_semaphore, #tpu.memory_space<semaphore_mem>>)
    %dma_wait3A_682 = arith.constant 0 : i32
    %dma_wait3A_683 = tpu.memref_slice %arg5[%dma_wait3A_682, %add3A_646] : memref<128x204800xf32, #tpu.memory_space<hbm>> -> memref<128x256xf32, #tpu.memory_space<hbm>>
    %dma_wait3A_684 = arith.constant 0 : i32
    %dma_wait3A_685 = tpu.memref_slice %arg5[%dma_wait3A_684, %add3A_646] : memref<128x204800xf32, #tpu.memory_space<hbm>> -> memref<128x256xf32, #tpu.memory_space<hbm>>
    tpu.wait_dma2 semaphore(%arg18 : memref<!tpu.dma_semaphore, #tpu.memory_space<semaphore_mem>>) src(%arg12 : memref<128x256xf32, #tpu.memory_space<vmem>>) dst(%dma_wait3A_685 : memref<128x256xf32, #tpu.memory_space<hbm>>)
    %add3A_686 = arith.constant 5888 : i32
    %add3A_687 = arith.addi %mul3A_2, %add3A_686 : i32
    %dma_start3A_688 = arith.constant 0 : i32
    %dma_start3A_689 = tpu.memref_slice %arg2[%dma_start3A_688, %add3A_687] : memref<128x204800xf32, #tpu.memory_space<hbm>> -> memref<128x256xf32, #tpu.memory_space<hbm>>
    %dma_start3A_690 = arith.constant 0 : i32
    %dma_start3A_691 = tpu.memref_slice %arg2[%dma_start3A_690, %add3A_687] : memref<128x204800xf32, #tpu.memory_space<hbm>> -> memref<128x256xf32, #tpu.memory_space<hbm>>
    tpu.enqueue_dma source(%dma_start3A_691 : memref<128x256xf32, #tpu.memory_space<hbm>>) target(%arg12 : memref<128x256xf32, #tpu.memory_space<vmem>>) target_semaphore(%arg15 : memref<!tpu.dma_semaphore, #tpu.memory_space<semaphore_mem>>)
    %dma_start3A_692 = tpu.memref_slice %arg3[%add3A_687] : memref<204800xi32, #tpu.memory_space<hbm>> -> memref<256xi32, #tpu.memory_space<hbm>>
    %dma_start3A_693 = tpu.memref_slice %arg3[%add3A_687] : memref<204800xi32, #tpu.memory_space<hbm>> -> memref<256xi32, #tpu.memory_space<hbm>>
    tpu.enqueue_dma source(%dma_start3A_693 : memref<256xi32, #tpu.memory_space<hbm>>) target(%arg9 : memref<256xi32, #tpu.memory_space<vmem>>) target_semaphore(%arg15 : memref<!tpu.dma_semaphore, #tpu.memory_space<semaphore_mem>>)
    %dma_wait3A_694 = arith.constant 0 : i32
    %dma_wait3A_695 = tpu.memref_slice %arg2[%dma_wait3A_694, %add3A_656] : memref<128x204800xf32, #tpu.memory_space<hbm>> -> memref<128x256xf32, #tpu.memory_space<hbm>>
    %dma_wait3A_696 = arith.constant 0 : i32
    %dma_wait3A_697 = tpu.memref_slice %arg2[%dma_wait3A_696, %add3A_656] : memref<128x204800xf32, #tpu.memory_space<hbm>> -> memref<128x256xf32, #tpu.memory_space<hbm>>
    tpu.wait_dma2 semaphore(%arg14 : memref<!tpu.dma_semaphore, #tpu.memory_space<semaphore_mem>>) src(%dma_wait3A_697 : memref<128x256xf32, #tpu.memory_space<hbm>>) dst(%arg11 : memref<128x256xf32, #tpu.memory_space<vmem>>)
    %dma_wait3A_698 = tpu.memref_slice %arg3[%add3A_656] : memref<204800xi32, #tpu.memory_space<hbm>> -> memref<256xi32, #tpu.memory_space<hbm>>
    %dma_wait3A_699 = tpu.memref_slice %arg3[%add3A_656] : memref<204800xi32, #tpu.memory_space<hbm>> -> memref<256xi32, #tpu.memory_space<hbm>>
    tpu.wait_dma2 semaphore(%arg14 : memref<!tpu.dma_semaphore, #tpu.memory_space<semaphore_mem>>) src(%dma_wait3A_699 : memref<256xi32, #tpu.memory_space<hbm>>) dst(%arg8 : memref<256xi32, #tpu.memory_space<vmem>>)
    %scan3A_700 = arith.constant 0 : i32
    %scan3A_701 = arith.constant 0 : i32
    %scan3A_702 = arith.constant 16 : i32
    %scan3A_703 = arith.addi %scan3A_701, %scan3A_702 : i32
    %scan3A_704 = arith.constant 1 : i32
    %scan3A_705 = scf.for %scan3A_775 = %scan3A_701 to %scan3A_703 step %scan3A_704 iter_args(%scan3A_776 = %scan3A_700) -> (i32)  : i32 {
      %mul3A_777 = arith.constant 16 : i32
      %mul3A_778 = arith.muli %scan3A_775, %mul3A_777 : i32
      %get3A = arith.index_cast %mul3A_778 : i32 to index
      %get3A_779 = tpu.vector_load %arg8[%get3A] {strides = array<i32>} : memref<256xi32, #tpu.memory_space<vmem>>, vector<16xi32>,
      %mul3A_780 = arith.constant 129 : i32
      %mul3A_781 = vector.broadcast %mul3A_780 : i32 to vector<16xi32>
      %mul3A_782 = arith.muli %get3A_779, %mul3A_781 : vector<16xi32>
      %parallel_loop3A = arith.constant 0 : i32
      %parallel_loop3A_783 = arith.constant 128 : i32
      %parallel_loop3A_784 = arith.constant 1 : i32
      %parallel_loop3A_785 = scf.for %parallel_loop3A_787 = %parallel_loop3A to %parallel_loop3A_783 step %parallel_loop3A_784 iter_args(%parallel_loop3A_788 = %mul3A_782) -> (vector<16xi32>)  : i32 {
        %parallel_loop3A_789 = tpu.vector_load_idx %arg6[%parallel_loop3A_788] : memref<6450xf32, #tpu.memory_space<vmem>>[vector<16xi32>], vector<16xf32>,
        %parallel_loop3A_790 = arith.constant 16 : i32
        %parallel_loop3A_791 = arith.muli %scan3A_775, %parallel_loop3A_790 : i32
        %parallel_loop3A_792 = arith.index_cast %parallel_loop3A_787 : i32 to index
        %parallel_loop3A_793 = arith.index_cast %parallel_loop3A_791 : i32 to index
        %parallel_loop3A_794 = tpu.vector_load %arg11[%parallel_loop3A_792, %parallel_loop3A_793] {strides = array<i32>} : memref<128x256xf32, #tpu.memory_space<vmem>>, vector<16xf32>,
        tpu.vector_store %arg11[%parallel_loop3A_792, %parallel_loop3A_793], %parallel_loop3A_789 {add = true, strides = array<i32>} : memref<128x256xf32, #tpu.memory_space<vmem>>, vector<16xf32>,
        %parallel_loop3A_795 = arith.constant 1 : i32
        %parallel_loop3A_796 = vector.broadcast %parallel_loop3A_795 : i32 to vector<16xi32>
        %parallel_loop3A_797 = arith.addi %parallel_loop3A_788, %parallel_loop3A_796 : vector<16xi32>
        scf.yield %parallel_loop3A_797 : vector<16xi32>
      } {sc.loop_unroll_factor = 8 : i64, sc.parallel_access}
      %scan3A_786 = arith.constant 0 : i32
      scf.yield %scan3A_786 : i32
    }
    %scan3A_706 = arith.constant 16 : i32
    %add3A_707 = arith.constant 5632 : i32
    %add3A_708 = arith.addi %mul3A_2, %add3A_707 : i32
    %dma_start3A_709 = arith.constant 0 : i32
    %dma_start3A_710 = tpu.memref_slice %arg5[%dma_start3A_709, %add3A_708] : memref<128x204800xf32, #tpu.memory_space<hbm>> -> memref<128x256xf32, #tpu.memory_space<hbm>>
    %dma_start3A_711 = arith.constant 0 : i32
    %dma_start3A_712 = tpu.memref_slice %arg5[%dma_start3A_711, %add3A_708] : memref<128x204800xf32, #tpu.memory_space<hbm>> -> memref<128x256xf32, #tpu.memory_space<hbm>>
    tpu.enqueue_dma source(%arg11 : memref<128x256xf32, #tpu.memory_space<vmem>>) target(%dma_start3A_712 : memref<128x256xf32, #tpu.memory_space<hbm>>) target_semaphore(%arg17 : memref<!tpu.dma_semaphore, #tpu.memory_space<semaphore_mem>>)
    %dma_wait3A_713 = arith.constant 0 : i32
    %dma_wait3A_714 = tpu.memref_slice %arg5[%dma_wait3A_713, %add3A_677] : memref<128x204800xf32, #tpu.memory_space<hbm>> -> memref<128x256xf32, #tpu.memory_space<hbm>>
    %dma_wait3A_715 = arith.constant 0 : i32
    %dma_wait3A_716 = tpu.memref_slice %arg5[%dma_wait3A_715, %add3A_677] : memref<128x204800xf32, #tpu.memory_space<hbm>> -> memref<128x256xf32, #tpu.memory_space<hbm>>
    tpu.wait_dma2 semaphore(%arg16 : memref<!tpu.dma_semaphore, #tpu.memory_space<semaphore_mem>>) src(%arg10 : memref<128x256xf32, #tpu.memory_space<vmem>>) dst(%dma_wait3A_716 : memref<128x256xf32, #tpu.memory_space<hbm>>)
    %add3A_717 = arith.constant 6144 : i32
    %add3A_718 = arith.addi %mul3A_2, %add3A_717 : i32
    %dma_start3A_719 = arith.constant 0 : i32
    %dma_start3A_720 = tpu.memref_slice %arg2[%dma_start3A_719, %add3A_718] : memref<128x204800xf32, #tpu.memory_space<hbm>> -> memref<128x256xf32, #tpu.memory_space<hbm>>
    %dma_start3A_721 = arith.constant 0 : i32
    %dma_start3A_722 = tpu.memref_slice %arg2[%dma_start3A_721, %add3A_718] : memref<128x204800xf32, #tpu.memory_space<hbm>> -> memref<128x256xf32, #tpu.memory_space<hbm>>
    tpu.enqueue_dma source(%dma_start3A_722 : memref<128x256xf32, #tpu.memory_space<hbm>>) target(%arg10 : memref<128x256xf32, #tpu.memory_space<vmem>>) target_semaphore(%arg13 : memref<!tpu.dma_semaphore, #tpu.memory_space<semaphore_mem>>)
    %dma_start3A_723 = tpu.memref_slice %arg3[%add3A_718] : memref<204800xi32, #tpu.memory_space<hbm>> -> memref<256xi32, #tpu.memory_space<hbm>>
    %dma_start3A_724 = tpu.memref_slice %arg3[%add3A_718] : memref<204800xi32, #tpu.memory_space<hbm>> -> memref<256xi32, #tpu.memory_space<hbm>>
    tpu.enqueue_dma source(%dma_start3A_724 : memref<256xi32, #tpu.memory_space<hbm>>) target(%arg7 : memref<256xi32, #tpu.memory_space<vmem>>) target_semaphore(%arg13 : memref<!tpu.dma_semaphore, #tpu.memory_space<semaphore_mem>>)
    %dma_wait3A_725 = arith.constant 0 : i32
    %dma_wait3A_726 = tpu.memref_slice %arg2[%dma_wait3A_725, %add3A_687] : memref<128x204800xf32, #tpu.memory_space<hbm>> -> memref<128x256xf32, #tpu.memory_space<hbm>>
    %dma_wait3A_727 = arith.constant 0 : i32
    %dma_wait3A_728 = tpu.memref_slice %arg2[%dma_wait3A_727, %add3A_687] : memref<128x204800xf32, #tpu.memory_space<hbm>> -> memref<128x256xf32, #tpu.memory_space<hbm>>
    tpu.wait_dma2 semaphore(%arg15 : memref<!tpu.dma_semaphore, #tpu.memory_space<semaphore_mem>>) src(%dma_wait3A_728 : memref<128x256xf32, #tpu.memory_space<hbm>>) dst(%arg12 : memref<128x256xf32, #tpu.memory_space<vmem>>)
    %dma_wait3A_729 = tpu.memref_slice %arg3[%add3A_687] : memref<204800xi32, #tpu.memory_space<hbm>> -> memref<256xi32, #tpu.memory_space<hbm>>
    %dma_wait3A_730 = tpu.memref_slice %arg3[%add3A_687] : memref<204800xi32, #tpu.memory_space<hbm>> -> memref<256xi32, #tpu.memory_space<hbm>>
    tpu.wait_dma2 semaphore(%arg15 : memref<!tpu.dma_semaphore, #tpu.memory_space<semaphore_mem>>) src(%dma_wait3A_730 : memref<256xi32, #tpu.memory_space<hbm>>) dst(%arg9 : memref<256xi32, #tpu.memory_space<vmem>>)
    %scan3A_731 = arith.constant 0 : i32
    %scan3A_732 = arith.constant 0 : i32
    %scan3A_733 = arith.constant 16 : i32
    %scan3A_734 = arith.addi %scan3A_732, %scan3A_733 : i32
    %scan3A_735 = arith.constant 1 : i32
    %scan3A_736 = scf.for %scan3A_775 = %scan3A_732 to %scan3A_734 step %scan3A_735 iter_args(%scan3A_776 = %scan3A_731) -> (i32)  : i32 {
      %mul3A_777 = arith.constant 16 : i32
      %mul3A_778 = arith.muli %scan3A_775, %mul3A_777 : i32
      %get3A = arith.index_cast %mul3A_778 : i32 to index
      %get3A_779 = tpu.vector_load %arg9[%get3A] {strides = array<i32>} : memref<256xi32, #tpu.memory_space<vmem>>, vector<16xi32>,
      %mul3A_780 = arith.constant 129 : i32
      %mul3A_781 = vector.broadcast %mul3A_780 : i32 to vector<16xi32>
      %mul3A_782 = arith.muli %get3A_779, %mul3A_781 : vector<16xi32>
      %parallel_loop3A = arith.constant 0 : i32
      %parallel_loop3A_783 = arith.constant 128 : i32
      %parallel_loop3A_784 = arith.constant 1 : i32
      %parallel_loop3A_785 = scf.for %parallel_loop3A_787 = %parallel_loop3A to %parallel_loop3A_783 step %parallel_loop3A_784 iter_args(%parallel_loop3A_788 = %mul3A_782) -> (vector<16xi32>)  : i32 {
        %parallel_loop3A_789 = tpu.vector_load_idx %arg6[%parallel_loop3A_788] : memref<6450xf32, #tpu.memory_space<vmem>>[vector<16xi32>], vector<16xf32>,
        %parallel_loop3A_790 = arith.constant 16 : i32
        %parallel_loop3A_791 = arith.muli %scan3A_775, %parallel_loop3A_790 : i32
        %parallel_loop3A_792 = arith.index_cast %parallel_loop3A_787 : i32 to index
        %parallel_loop3A_793 = arith.index_cast %parallel_loop3A_791 : i32 to index
        %parallel_loop3A_794 = tpu.vector_load %arg12[%parallel_loop3A_792, %parallel_loop3A_793] {strides = array<i32>} : memref<128x256xf32, #tpu.memory_space<vmem>>, vector<16xf32>,
        tpu.vector_store %arg12[%parallel_loop3A_792, %parallel_loop3A_793], %parallel_loop3A_789 {add = true, strides = array<i32>} : memref<128x256xf32, #tpu.memory_space<vmem>>, vector<16xf32>,
        %parallel_loop3A_795 = arith.constant 1 : i32
        %parallel_loop3A_796 = vector.broadcast %parallel_loop3A_795 : i32 to vector<16xi32>
        %parallel_loop3A_797 = arith.addi %parallel_loop3A_788, %parallel_loop3A_796 : vector<16xi32>
        scf.yield %parallel_loop3A_797 : vector<16xi32>
      } {sc.loop_unroll_factor = 8 : i64, sc.parallel_access}
      %scan3A_786 = arith.constant 0 : i32
      scf.yield %scan3A_786 : i32
    }
    %scan3A_737 = arith.constant 16 : i32
    %add3A_738 = arith.constant 5888 : i32
    %add3A_739 = arith.addi %mul3A_2, %add3A_738 : i32
    %dma_start3A_740 = arith.constant 0 : i32
    %dma_start3A_741 = tpu.memref_slice %arg5[%dma_start3A_740, %add3A_739] : memref<128x204800xf32, #tpu.memory_space<hbm>> -> memref<128x256xf32, #tpu.memory_space<hbm>>
    %dma_start3A_742 = arith.constant 0 : i32
    %dma_start3A_743 = tpu.memref_slice %arg5[%dma_start3A_742, %add3A_739] : memref<128x204800xf32, #tpu.memory_space<hbm>> -> memref<128x256xf32, #tpu.memory_space<hbm>>
    tpu.enqueue_dma source(%arg12 : memref<128x256xf32, #tpu.memory_space<vmem>>) target(%dma_start3A_743 : memref<128x256xf32, #tpu.memory_space<hbm>>) target_semaphore(%arg18 : memref<!tpu.dma_semaphore, #tpu.memory_space<semaphore_mem>>)
    %dma_wait3A_744 = arith.constant 0 : i32
    %dma_wait3A_745 = tpu.memref_slice %arg2[%dma_wait3A_744, %add3A_718] : memref<128x204800xf32, #tpu.memory_space<hbm>> -> memref<128x256xf32, #tpu.memory_space<hbm>>
    %dma_wait3A_746 = arith.constant 0 : i32
    %dma_wait3A_747 = tpu.memref_slice %arg2[%dma_wait3A_746, %add3A_718] : memref<128x204800xf32, #tpu.memory_space<hbm>> -> memref<128x256xf32, #tpu.memory_space<hbm>>
    tpu.wait_dma2 semaphore(%arg13 : memref<!tpu.dma_semaphore, #tpu.memory_space<semaphore_mem>>) src(%dma_wait3A_747 : memref<128x256xf32, #tpu.memory_space<hbm>>) dst(%arg10 : memref<128x256xf32, #tpu.memory_space<vmem>>)
    %dma_wait3A_748 = tpu.memref_slice %arg3[%add3A_718] : memref<204800xi32, #tpu.memory_space<hbm>> -> memref<256xi32, #tpu.memory_space<hbm>>
    %dma_wait3A_749 = tpu.memref_slice %arg3[%add3A_718] : memref<204800xi32, #tpu.memory_space<hbm>> -> memref<256xi32, #tpu.memory_space<hbm>>
    tpu.wait_dma2 semaphore(%arg13 : memref<!tpu.dma_semaphore, #tpu.memory_space<semaphore_mem>>) src(%dma_wait3A_749 : memref<256xi32, #tpu.memory_space<hbm>>) dst(%arg7 : memref<256xi32, #tpu.memory_space<vmem>>)
    %scan3A_750 = arith.constant 0 : i32
    %scan3A_751 = arith.constant 0 : i32
    %scan3A_752 = arith.constant 16 : i32
    %scan3A_753 = arith.addi %scan3A_751, %scan3A_752 : i32
    %scan3A_754 = arith.constant 1 : i32
    %scan3A_755 = scf.for %scan3A_775 = %scan3A_751 to %scan3A_753 step %scan3A_754 iter_args(%scan3A_776 = %scan3A_750) -> (i32)  : i32 {
      %mul3A_777 = arith.constant 16 : i32
      %mul3A_778 = arith.muli %scan3A_775, %mul3A_777 : i32
      %get3A = arith.index_cast %mul3A_778 : i32 to index
      %get3A_779 = tpu.vector_load %arg7[%get3A] {strides = array<i32>} : memref<256xi32, #tpu.memory_space<vmem>>, vector<16xi32>,
      %mul3A_780 = arith.constant 129 : i32
      %mul3A_781 = vector.broadcast %mul3A_780 : i32 to vector<16xi32>
      %mul3A_782 = arith.muli %get3A_779, %mul3A_781 : vector<16xi32>
      %parallel_loop3A = arith.constant 0 : i32
      %parallel_loop3A_783 = arith.constant 128 : i32
      %parallel_loop3A_784 = arith.constant 1 : i32
      %parallel_loop3A_785 = scf.for %parallel_loop3A_787 = %parallel_loop3A to %parallel_loop3A_783 step %parallel_loop3A_784 iter_args(%parallel_loop3A_788 = %mul3A_782) -> (vector<16xi32>)  : i32 {
        %parallel_loop3A_789 = tpu.vector_load_idx %arg6[%parallel_loop3A_788] : memref<6450xf32, #tpu.memory_space<vmem>>[vector<16xi32>], vector<16xf32>,
        %parallel_loop3A_790 = arith.constant 16 : i32
        %parallel_loop3A_791 = arith.muli %scan3A_775, %parallel_loop3A_790 : i32
        %parallel_loop3A_792 = arith.index_cast %parallel_loop3A_787 : i32 to index
        %parallel_loop3A_793 = arith.index_cast %parallel_loop3A_791 : i32 to index
        %parallel_loop3A_794 = tpu.vector_load %arg10[%parallel_loop3A_792, %parallel_loop3A_793] {strides = array<i32>} : memref<128x256xf32, #tpu.memory_space<vmem>>, vector<16xf32>,
        tpu.vector_store %arg10[%parallel_loop3A_792, %parallel_loop3A_793], %parallel_loop3A_789 {add = true, strides = array<i32>} : memref<128x256xf32, #tpu.memory_space<vmem>>, vector<16xf32>,
        %parallel_loop3A_795 = arith.constant 1 : i32
        %parallel_loop3A_796 = vector.broadcast %parallel_loop3A_795 : i32 to vector<16xi32>
        %parallel_loop3A_797 = arith.addi %parallel_loop3A_788, %parallel_loop3A_796 : vector<16xi32>
        scf.yield %parallel_loop3A_797 : vector<16xi32>
      } {sc.loop_unroll_factor = 8 : i64, sc.parallel_access}
      %scan3A_786 = arith.constant 0 : i32
      scf.yield %scan3A_786 : i32
    }
    %scan3A_756 = arith.constant 16 : i32
    %add3A_757 = arith.constant 6144 : i32
    %add3A_758 = arith.addi %mul3A_2, %add3A_757 : i32
    %dma_start3A_759 = arith.constant 0 : i32
    %dma_start3A_760 = tpu.memref_slice %arg5[%dma_start3A_759, %add3A_758] : memref<128x204800xf32, #tpu.memory_space<hbm>> -> memref<128x256xf32, #tpu.memory_space<hbm>>
    %dma_start3A_761 = arith.constant 0 : i32
    %dma_start3A_762 = tpu.memref_slice %arg5[%dma_start3A_761, %add3A_758] : memref<128x204800xf32, #tpu.memory_space<hbm>> -> memref<128x256xf32, #tpu.memory_space<hbm>>
    tpu.enqueue_dma source(%arg10 : memref<128x256xf32, #tpu.memory_space<vmem>>) target(%dma_start3A_762 : memref<128x256xf32, #tpu.memory_space<hbm>>) target_semaphore(%arg16 : memref<!tpu.dma_semaphore, #tpu.memory_space<semaphore_mem>>)
    %dma_wait3A_763 = arith.constant 0 : i32
    %dma_wait3A_764 = tpu.memref_slice %arg5[%dma_wait3A_763, %add3A_708] : memref<128x204800xf32, #tpu.memory_space<hbm>> -> memref<128x256xf32, #tpu.memory_space<hbm>>
    %dma_wait3A_765 = arith.constant 0 : i32
    %dma_wait3A_766 = tpu.memref_slice %arg5[%dma_wait3A_765, %add3A_708] : memref<128x204800xf32, #tpu.memory_space<hbm>> -> memref<128x256xf32, #tpu.memory_space<hbm>>
    tpu.wait_dma2 semaphore(%arg17 : memref<!tpu.dma_semaphore, #tpu.memory_space<semaphore_mem>>) src(%arg11 : memref<128x256xf32, #tpu.memory_space<vmem>>) dst(%dma_wait3A_766 : memref<128x256xf32, #tpu.memory_space<hbm>>)
    %dma_wait3A_767 = arith.constant 0 : i32
    %dma_wait3A_768 = tpu.memref_slice %arg5[%dma_wait3A_767, %add3A_739] : memref<128x204800xf32, #tpu.memory_space<hbm>> -> memref<128x256xf32, #tpu.memory_space<hbm>>
    %dma_wait3A_769 = arith.constant 0 : i32
    %dma_wait3A_770 = tpu.memref_slice %arg5[%dma_wait3A_769, %add3A_739] : memref<128x204800xf32, #tpu.memory_space<hbm>> -> memref<128x256xf32, #tpu.memory_space<hbm>>
    tpu.wait_dma2 semaphore(%arg18 : memref<!tpu.dma_semaphore, #tpu.memory_space<semaphore_mem>>) src(%arg12 : memref<128x256xf32, #tpu.memory_space<vmem>>) dst(%dma_wait3A_770 : memref<128x256xf32, #tpu.memory_space<hbm>>)
    %dma_wait3A_771 = arith.constant 0 : i32
    %dma_wait3A_772 = tpu.memref_slice %arg5[%dma_wait3A_771, %add3A_758] : memref<128x204800xf32, #tpu.memory_space<hbm>> -> memref<128x256xf32, #tpu.memory_space<hbm>>
    %dma_wait3A_773 = arith.constant 0 : i32
    %dma_wait3A_774 = tpu.memref_slice %arg5[%dma_wait3A_773, %add3A_758] : memref<128x204800xf32, #tpu.memory_space<hbm>> -> memref<128x256xf32, #tpu.memory_space<hbm>>
    tpu.wait_dma2 semaphore(%arg16 : memref<!tpu.dma_semaphore, #tpu.memory_space<semaphore_mem>>) src(%arg10 : memref<128x256xf32, #tpu.memory_space<vmem>>) dst(%dma_wait3A_774 : memref<128x256xf32, #tpu.memory_space<hbm>>)
    return
  }
}

module attributes {stable_mosaic.version = 14 : i64} {
  func.func @_proj_table_kernel(%arg0: memref<50x128xf32, #tpu.memory_space<vmem>>, %arg1: memref<128x128xf32, #tpu.memory_space<vmem>>, %arg2: memref<1x128xf32, #tpu.memory_space<vmem>>, %arg3: memref<50x129xf32, #tpu.memory_space<vmem>>) attributes {dimension_semantics = [], scalar_prefetch = 0 : i64, scratch_operands = 0 : i64, tpu.core_type = #tpu.core_type<tc>} {
    %get3A = arith.constant 0 : index
    %get3A_0 = arith.constant 0 : index
    %get3A_1 = vector.load %arg0[%get3A, %get3A_0] : memref<50x128xf32, #tpu.memory_space<vmem>>, vector<50x128xf32>
    %get3A_2 = arith.constant 0 : index
    %get3A_3 = arith.constant 0 : index
    %get3A_4 = vector.load %arg1[%get3A_2, %get3A_3] : memref<128x128xf32, #tpu.memory_space<vmem>>, vector<128x128xf32>
    %dot_general3A = arith.constant dense<0.000000e+00> : vector<50x128xf32>
    %dot_general3A_5 = tpu.matmul %get3A_1, %get3A_4, %dot_general3A {dimension_numbers = #tpu.dot_dimension_numbers<[1], [1], [0], [0], [0, 0, 1, 0], [], []>, transpose_lhs_hint = false} : vector<50x128xf32>, vector<128x128xf32>, vector<50x128xf32> -> vector<50x128xf32>
    %get3A_6 = arith.constant 0 : index
    %get3A_7 = arith.constant 0 : index
    %get3A_8 = vector.load %arg2[%get3A_6, %get3A_7] : memref<1x128xf32, #tpu.memory_space<vmem>>, vector<1x128xf32>
    %add3A = vector.broadcast %get3A_8 : vector<1x128xf32> to vector<50x128xf32>
    %add3A_9 = arith.addf %dot_general3A_5, %add3A : vector<50x128xf32>
    %broadcast_in_dim3A = arith.constant 0.000000e+00 : f32
    %broadcast_in_dim3A_10 = vector.broadcast %broadcast_in_dim3A : f32 to vector<50x1xf32>
    %concatenate3A = tpu.concatenate %add3A_9, %broadcast_in_dim3A_10 in 1 : vector<50x128xf32>, vector<50x1xf32> -> vector<50x129xf32>
    %swap3A = arith.constant 0 : index
    %swap3A_11 = arith.constant 0 : index
    %swap3A_12 = vector.load %arg3[%swap3A, %swap3A_11] : memref<50x129xf32, #tpu.memory_space<vmem>>, vector<50x129xf32>
    tpu.vector_store %arg3[%swap3A, %swap3A_11], %concatenate3A {strides = array<i32>} : memref<50x129xf32, #tpu.memory_space<vmem>>, vector<50x129xf32>,
    return
  }
}

</mosaic_0001>

<sc_bundles>
// kernel: kernel.4.cloned.1.call-start
scs
__scs_entry_jumppad:
0x0: {  	(pc) =	sbr.rel $0x88, $3  }
0x1: {  	(tag) =	ssettag $0x0;
	lr =	simm.s32 $0x1  }
0x2: {  	[smem:$0x3F9C] =	sst lr;
	_ =	strace $0xD0000000  }
0x3: {  	_ = 	snop  }
0x4: {  	_ = 	snop  }
0x5: {  	_ = 	snop  }
0x6: {  	_ = 	snop  }
0x7: {  	_ = 	snop  }
__scs_overlays_trampoline_lowered:
0x8: {  	[smem:$0x3FAB] =	sst s0  }
0x9: {  	[smem:$0x3FAC] =	sst s1  }
0xa: {  	[smem:$0x3FAD] =	sst s2  }
0xb: {  	[smem:$0x3FAE] =	sst s3  }
0xc: {  	[smem:$0x3FAF] =	sst s4  }
0xd: {  	[smem:$0x3FB0] =	sst s5  }
0xe: {  	[smem:$0x3FB1] =	sst s6  }
0xf: {  	[smem:$0x3FB2] =	sst s7  }
0x10: {  	[smem:$0x3FB3] =	sst s8  }
0x11: {  	[smem:$0x3FB4] =	sst s9;
	s0 =	simm.s32 @!p0 $0x0  }
0x12: {  	s1 =	sld [smem:$0x3F9A];
	s0 =	simm.s32 @p0 $0x1  }
0x13: {  	[smem:$0x3FB5] =	sst s0;
	s0 =	simm.s32 @!p1 $0x0  }
0x14: {  	s2 =	sld [smem:$0x3F99];
	s0 =	simm.s32 @p1 $0x1  }
0x15: {  	[smem:$0x3FB6] =	sst s0;
	s0 =	simm.s32 @!p2 $0x0  }
0x16: {  	s3 =	sld [smem:$0x3FDB];
	s0 =	simm.s32 @p2 $0x1  }
0x17: {  	s4 =	simm.s32 $0x1BF5;
	[smem:$0x3FB8] =	sst s0  }
0x18: {  	s0 =	sld [smem:$0x3F9B];
	_ =	swait.ge [sflag:s4], $0x0  }
0x19: {  	s7 =	sld [smem:$0x3F9C]  }
0x1a: {  	s8 =	sadd.s32 $0xFFFFE003, lr  }
0x1b: {  	s9 =	sadd.s32 $0xFFFFFEF7, lr;
	s5 =	simm.s32 $0xFFFFFFFF;
	p2 =	slt.u32 s8, $0xFFFFF086  }
0x1c: {  	p1 =	slt.u32 s9, $0xF7A;
	s5 =	simm.s32 @!p2 $0x0  }
0x1d: {  	s5 =	simm.s32 @p1 $0x1;
	p0 =	seq.s32 s7, s2  }
0x1e: {  	s7 =	smul.u32 @!p0 $0xF7A, s2;
	p2 =	seq.s32 @!p0 s5, $0x0  }
0x1f: {  	s9 =	smul.u32 $0xF7A, s1;
	s8 =	simm.s32 @!p0 $0x1BF5;
	p2 =	por !p2, p0  }
0x20: {  	[sflag:s8] =	ssyncset.s32 @!p0 $0xFFFFF086;
	s6 =	sadd.s32 @!p0 s3, s7;
	s7 =	simm.s32 @!p0 $0x108  }
0x21: {  	s3 =	sadd.s32 s3, s9;
	s6 =	sadd.s32 @!p0 $0x88, s6;
	s7 =	simm.s32 @p2 $0x1082  }
0x22: {  	[simem:s7], [sflag:s8] =	dma.local @!p0 [hbm:s6], $0xF7A  }
0x23: {  	s9 =	sor.u32 $0xD0000000, s2;
	s6 =	simm.s32 $0x108;
	_ =	swait.ge @!p0 [sflag:s8], $0x0  }
0x24: {  	s3 =	sadd.s32 $0x88, s3;
	s6 =	simm.s32 @!p1 $0x1082;
	[sflag:s4] =	ssyncset.s32 $0xFFFFF086  }
0x25: {  	[simem:s6], [sflag:s4] =	dma.local [hbm:s3], $0xF7A  }
0x26: {  	[smem:$0x3F9C] =	sst s1;
	(tag) =	ssettag s2;
	_ =	strace s9  }
0x27: {  	s1 =	sld [smem:$0x3FAC]  }
0x28: {  	s2 =	sld [smem:$0x3FAD]  }
0x29: {  	s4 =	sld [smem:$0x3FAF]  }
0x2a: {  	p0 =	seq.s32 s5, $0x0;
	s5 =	sld [smem:$0x3FB0]  }
0x2b: {  	s6 =	sld [smem:$0x3FB1]  }
0x2c: {  	s7 =	sld [smem:$0x3FB2]  }
0x2d: {  	s3 =	simm.s32 $0x108;
	s8 =	sld [smem:$0x3FB3]  }
0x2e: {  	s3 =	simm.s32 @!p0 $0x1082;
	s9 =	sld [smem:$0x3FB4]  }
0x2f: {  	lr =	sadd.s32 s0, s3;
	s0 =	sld [smem:$0x3FAB]  }
0x30: {  	s3 =	sld [smem:$0x3FAE]  }
0x31: {  	[smem:$0x3FB7] =	sst s10  }
0x32: {  	s10 =	sld [smem:$0x3FB5];
	_ =	sdelay $0x3  }
0x33: {  	p0 =	seq.s32 s10, $0x1;
	s10 =	sld [smem:$0x3FB7];
	_ =	sdelay $0x3  }
0x34: {  	[smem:$0x3FB7] =	sst s10  }
0x35: {  	s10 =	sld [smem:$0x3FB6];
	_ =	sdelay $0x3  }
0x36: {  	p1 =	seq.s32 s10, $0x1;
	s10 =	sld [smem:$0x3FB7];
	_ =	sdelay $0x3  }
0x37: {  	[smem:$0x3FB7] =	sst s10  }
0x38: {  	s10 =	sld [smem:$0x3FB8]  }
0x39: {  	_ = 	snop;
	(pc) =	sbr.ind lr, $3  }
0x3a: {  	_ = 	snop  }
0x3b: {  	_ = 	snop  }
0x3c: {  	p2 =	seq.s32 s10, $0x1;
	s10 =	sld [smem:$0x3FB7]  }
0x3d: {  	_ =	shalt  }
0x3e: {  	_ =	shalt  }
0x3f: {  	_ =	shalt  }
0x40: {  	_ =	shalt  }
0x41: {  	_ =	shalt  }
0x42: {  	_ =	shalt  }
0x43: {  	_ =	shalt  }
0x44: {  	_ =	shalt  }
0x45: {  	_ =	shalt  }
0x46: {  	_ =	shalt  }
0x47: {  	_ =	shalt  }
0x48: {  	_ =	shalt  }
0x49: {  	_ =	shalt  }
0x4a: {  	_ =	shalt  }
0x4b: {  	_ =	shalt  }
0x4c: {  	_ =	shalt  }
0x4d: {  	_ =	shalt  }
0x4e: {  	_ =	shalt  }
0x4f: {  	_ =	shalt  }
0x50: {  	_ =	shalt  }
0x51: {  	_ =	shalt  }
0x52: {  	_ =	shalt  }
0x53: {  	_ =	shalt  }
0x54: {  	_ =	shalt  }
0x55: {  	_ =	shalt  }
0x56: {  	_ =	shalt  }
0x57: {  	_ =	shalt  }
0x58: {  	_ =	shalt  }
0x59: {  	_ =	shalt  }
0x5a: {  	_ =	shalt  }
0x5b: {  	_ =	shalt  }
0x5c: {  	_ =	shalt  }
0x5d: {  	_ =	shalt  }
0x5e: {  	_ =	shalt  }
0x5f: {  	_ =	shalt  }
0x60: {  	_ =	shalt  }
0x61: {  	_ =	shalt  }
0x62: {  	_ =	shalt  }
0x63: {  	_ =	shalt  }
0x64: {  	_ =	shalt  }
0x65: {  	_ =	shalt  }
0x66: {  	_ =	shalt  }
0x67: {  	_ =	shalt  }
0x68: {  	_ =	shalt  }
0x69: {  	_ =	shalt  }
0x6a: {  	_ =	shalt  }
0x6b: {  	_ =	shalt  }
0x6c: {  	_ =	shalt  }
0x6d: {  	_ =	shalt  }
0x6e: {  	_ =	shalt  }
0x6f: {  	_ =	shalt  }
0x70: {  	_ =	shalt  }
0x71: {  	_ =	shalt  }
0x72: {  	_ =	shalt  }
0x73: {  	_ =	shalt  }
0x74: {  	_ =	shalt  }
0x75: {  	_ =	shalt  }
0x76: {  	_ =	shalt  }
0x77: {  	_ =	shalt  }
0x78: {  	_ =	shalt  }
0x79: {  	_ =	shalt  }
0x7a: {  	_ =	shalt  }
0x7b: {  	_ =	shalt  }
0x7c: {  	_ =	shalt  }
0x7d: {  	_ =	shalt  }
0x7e: {  	_ =	shalt  }
0x7f: {  	_ =	shalt  }
0x80: {  	_ =	shalt  }
0x81: {  	_ =	shalt  }
0x82: {  	_ =	shalt  }
0x83: {  	_ =	shalt  }
0x84: {  	_ =	shalt  }
0x85: {  	_ =	shalt  }
0x86: {  	_ =	shalt  }
0x87: {  	_ =	shalt  }
.Lfunc_end0:
.L_simem_size_0:
called_computation_lowered:
.L_overlay_start_0:
0x88: {  	s2 =	sld [smem:$0x3FD9]  }
0x89: {  	s3 =	sld [smem:$0x3FFE];
	_ =	sdelay $0x1  }
0x8a: {  	s1 =	srdreg.scid  }
0x8b: {  	s0 =	sand.u32 $0x1, s1  }
0x8c: {  	s17 =	sshll.u32 s0, $0xA;
	s2 =	sadd.s32 s3, s2  }
0x8d: {  	s2 =	sadd.s32 s2, s17  }
0x8e: {  	[smem:$0x3FC3] =	sst s2  }
0x8f: {  	_ = 	snop  }
0x90: {  	s2 =	sld [smem:$0x3FC9]  }
0x91: {  	s18 =	sld [smem:$0x3FC8]  }
0x92: {  	s4 =	sld [smem:$0x3FD0];
	(tm) =	ssettm $0x1  }
0x93: {  	s5 =	sld [smem:$0x3FFB];
	_ =	sdelay $0x3  }
0x94: {  	_ =	strace s5  }
0x95: {  	s5 =	sld [smem:$0x3FFC];
	_ =	sdelay $0x3  }
0x96: {  	_ =	strace s5  }
0x97: {  	s5 =	sld [smem:$0x3FFD];
	_ =	sdelay $0x3  }
0x98: {  	_ =	strace s5  }
0x99: {  	_ =	strace $0x8FFFFFFF  }
0x9a: {  	s19 =	sld [smem:$0x3FDB];
	_ =	sdelay $0x1  }
0x9b: {  	s6 =	simm.s32 $_scs_section_size  }
0x9c: {  	s7 =	simm.s32 $_size__tile_overlayer_lowered;
	s8 =	simm.s32 $_tile_overlayer_lowered  }
0x9d: {  	s22 =	simm.s32 $0x1BFF;
	s21 =	sshll.u32 s8, $0x1;
	s5 =	sadd.s32 s6, s19  }
0x9e: {  	s9 =	simm.s32 $0x0;
	s20 =	sshll.u32 s7, $0x1;
	s7 =	sadd.s32 s21, s5  }
0x9f: {  	[timem:s9], [sflag:s22] =	dma.local [hbm:s7], s20  }
0xa0: {  	_ =	swait.ge [sflag:s22], s20  }
0xa1: {  	s6 =	ssub.s32 $0x0, s20;
	[sflag:s22] =	ssyncset.done $0x0  }
0xa2: {  	[sflag:s22] =	ssyncadd.s32 s6;
	_ =	sdelay $0x1  }
0xa3: {  	s23 =	simm.s32 $0x1B8B  }
0xa4: {  	_ =	swait.ge [sflag:s23], $0x1  }
0xa5: {  	[sflag:s23] =	ssyncset.done $0x0  }
0xa6: {  	s25 =	simm.s32 $0x1B8E;
	s24 =	sld [smem:$0x3FFE];
	[sflag:s23] =	ssyncadd.s32 $0xFFFFFFFF  }
0xa7: {  	s26 =	simm.s32 $execute0_lowered;
	[smem:$0x3FD2] =	sst s25  }
0xa8: {  	s7 =	sshll.u32 s26, $0x1;
	_ =	strace $0x80000046;
	[dreg:$0x1] =	wrdreg $0xFFFFFFFF  }
0xa9: {  	s28 =	simm.s32 $_size_execute0_lowered;
	s5 =	sadd.s32 s5, s7;
	[dreg:$0x0] =	wrdreg $0x0  }
0xaa: {  	s7 =	sshll.u32 s28, $0x1;
	[dreg:$0x2] =	wrdreg s5  }
0xab: {  	[dreg:$0x3] =	wrdreg s7  }
0xac: {  	[dreg:$0x4] =	wrdreg $0xC0  }
0xad: {  	_ =	task [dreg:s9], $0x5FFFF  }
0xae: {  	[dreg:$0x1] =	wrdreg $0xFFFFFFFF  }
0xaf: {  	[dreg:$0x0] =	wrdreg $0x60  }
0xb0: {  	[dreg:$0x2] =	wrdreg s2  }
0xb1: {  	[dreg:$0x3] =	wrdreg s18  }
0xb2: {  	[dreg:$0x4] =	wrdreg s24  }
0xb3: {  	[dreg:$0x5] =	wrdreg s4  }
0xb4: {  	[dreg:$0x6] =	wrdreg $0x9  }
0xb5: {  	_ =	task.clear_ibuf [dreg:s9], $0x7FFFF;
	_ =	strace $0x90000046  }
0xb6: {  	s29 =	simm.s32 $0x9;
	_ =	strace $0x80000048  }
0xb7: {  	_ =	swait.ge [sflag:s29], $0x1  }
0xb8: {  	[sflag:s29] =	ssyncadd.s32 $0xFFFFFFFF  }
0xb9: {  	_ =	strace $0x90000048  }
0xba: {  	_ =	sfence  }
0xbb: {  	s30 =	sld [smem:$0x0];
	_ =	sdelay $0x2  }
0xbc: {  	s31 =	sshll.u32 s1, $0xD;
	s1 =	sshrl.u32 s1, $0x2  }
0xbd: {  	s3 =	sand.u32 $0x4000, s31;
	s1 =	sadd.s32 s1, s30  }
0xbe: {  	s0 =	sor.u32 s3, s0;
	s1 =	sshll.u32 s1, $0x11  }
0xbf: {  	s0 =	sor.u32 s1, s0  }
0xc0: {  	s0 =	sadd.s32 $0x8F2B, s0  }
0xc1: {  	[sflag:s0] =	ssyncadd.remote.s32 $0x1  }
0xc2: {  	_ =	sfence.sel $0xFFFF  }
0xc3: {  	[dreg:$0x0] =	wrdreg $0xFFFFFFFF;
	(pc) =	sbr.abs _section_cstart, $3  }
0xc4: {  	[dreg:$0x1] =	wrdreg $0xFFFFFFFF  }
0xc5: {  	_ =	task.clear_ibuf [dreg:s9], $0x2FFFF;
	_ =	strace $0x9FFFFFFF  }
0xc6: {  	(tm) =	ssettm $0x7FFFFFFF  }
0xc7: {  	_ =	shalt  }
tec
execute0_lowered:
.L_overlay_start_1:
0x0: {  	(tag) =	ssettag $0x1  }
0x1: {  	s0 =	srdreg.scid;
	s1 =	stileid.u32  }
0x2: {  	s0 =	sand.u32 $0x1, s0;
	s1 =	sshll.u32 s1, $0x1  }
0x3: {  	s1 =	sor.u32 s0, s1  }
0x4: {  	s1 =	smul.u32 $0x1900, s1  }
0x5: {  	s0 =	ssub.s32 $0x2, s0  }
0x6: {  	s5 =	rddreg [dreg:$0x1];
	s2 =	sshrl.u32 s0, $0x1;
	s3 =	sshrl.u32 s1, $0x3  }
0x7: {  	s0 =	ssub.s32 s0, s2;
	s2 =	sadd.s32 $0x100, s1;
	s3 =	sadd.s32 s5, s3  }
0x8: {  	s4 =	sshrl.u32 s2, $0x3;
	[dreg:$0x5] =	wrdreg s3;
	s3 =	sadd.s32 $0x200, s1  }
0x9: {  	s4 =	sadd.s32 s5, s4;
	s6 =	sshrl.u32 s3, $0x3  }
0xa: {  	[dreg:$0x6] =	wrdreg s4;
	s4 =	sadd.s32 $0x300, s1;
	s6 =	sadd.s32 s5, s6  }
0xb: {  	s7 =	sshrl.u32 s4, $0x3;
	[dreg:$0x7] =	wrdreg s6;
	s6 =	sadd.s32 $0x400, s1  }
0xc: {  	s7 =	sadd.s32 s5, s7;
	s8 =	sshrl.u32 s6, $0x3  }
0xd: {  	[dreg:$0x8] =	wrdreg s7;
	s7 =	sadd.s32 $0x500, s1;
	s8 =	sadd.s32 s5, s8  }
0xe: {  	s9 =	sshrl.u32 s7, $0x3;
	[dreg:$0x9] =	wrdreg s8;
	s8 =	sadd.s32 $0x600, s1  }
0xf: {  	s9 =	sadd.s32 s5, s9;
	s10 =	sshrl.u32 s8, $0x3  }
0x10: {  	[dreg:$0xa] =	wrdreg s9;
	s9 =	sadd.s32 $0x700, s1;
	s10 =	sadd.s32 s5, s10  }
0x11: {  	s11 =	sshrl.u32 s9, $0x3;
	[dreg:$0xb] =	wrdreg s10;
	s10 =	sadd.s32 $0x800, s1  }
0x12: {  	s11 =	sadd.s32 s5, s11;
	s12 =	sshrl.u32 s10, $0x3  }
0x13: {  	[dreg:$0xc] =	wrdreg s11;
	s11 =	sadd.s32 $0x900, s1;
	s12 =	sadd.s32 s5, s12  }
0x14: {  	s13 =	sshrl.u32 s11, $0x3;
	[dreg:$0xd] =	wrdreg s12;
	s12 =	sadd.s32 $0xA00, s1  }
0x15: {  	s13 =	sadd.s32 s5, s13;
	s14 =	sshrl.u32 s12, $0x3  }
0x16: {  	[dreg:$0xe] =	wrdreg s13;
	s13 =	sadd.s32 $0xB00, s1;
	s14 =	sadd.s32 s5, s14  }
0x17: {  	s15 =	sshrl.u32 s13, $0x3;
	[dreg:$0xf] =	wrdreg s14;
	s14 =	sadd.s32 $0xC00, s1  }
0x18: {  	s15 =	sadd.s32 s5, s15;
	s16 =	sshrl.u32 s14, $0x3  }
0x19: {  	[dreg:$0x10] =	wrdreg s15;
	s15 =	sadd.s32 $0xD00, s1;
	s16 =	sadd.s32 s5, s16  }
0x1a: {  	s17 =	sshrl.u32 s15, $0x3;
	[dreg:$0x11] =	wrdreg s16;
	s16 =	sadd.s32 $0xE00, s1  }
0x1b: {  	s17 =	sadd.s32 s5, s17;
	s18 =	sshrl.u32 s16, $0x3  }
0x1c: {  	[dreg:$0x12] =	wrdreg s17;
	s17 =	sadd.s32 $0xF00, s1;
	s18 =	sadd.s32 s5, s18  }
0x1d: {  	s19 =	sshrl.u32 s17, $0x3;
	[dreg:$0x13] =	wrdreg s18;
	s18 =	sadd.s32 $0x1000, s1  }
0x1e: {  	s22 =	sadd.s32 $0x1300, s1;
	s19 =	sadd.s32 s5, s19;
	s20 =	sshrl.u32 s18, $0x3  }
0x1f: {  	[dreg:$0x14] =	wrdreg s19;
	s19 =	sadd.s32 $0x1100, s1;
	s20 =	sadd.s32 s5, s20  }
0x20: {  	s21 =	sshrl.u32 s19, $0x3;
	[dreg:$0x15] =	wrdreg s20;
	s20 =	sadd.s32 $0x1200, s1  }
0x21: {  	s28 =	sadd.s32 $0x1700, s1;
	s21 =	sadd.s32 s5, s21;
	s23 =	sshrl.u32 s20, $0x3  }
0x22: {  	s24 =	sshrl.u32 s22, $0x3;
	[dreg:$0x16] =	wrdreg s21;
	s21 =	sadd.s32 s5, s23  }
0x23: {  	s23 =	sadd.s32 $0x1400, s1;
	[dreg:$0x17] =	wrdreg s21;
	s21 =	sadd.s32 s5, s24  }
0x24: {  	s25 =	sshrl.u32 s23, $0x3;
	s24 =	sadd.s32 $0x1500, s1;
	[dreg:$0x18] =	wrdreg s21  }
0x25: {  	s21 =	sadd.s32 s5, s25;
	s26 =	sshrl.u32 s24, $0x3;
	s25 =	sadd.s32 $0x1600, s1  }
0x26: {  	[dreg:$0x19] =	wrdreg s21;
	s21 =	sadd.s32 s5, s26;
	s26 =	sshrl.u32 s25, $0x3  }
0x27: {  	[dreg:$0x1a] =	wrdreg s21;
	s21 =	sadd.s32 s5, s26;
	s26 =	sshrl.u32 s28, $0x3  }
0x28: {  	s29 =	sadd.s32 $0x1800, s1;
	[dreg:$0x1b] =	wrdreg s21;
	s21 =	sadd.s32 s5, s26  }
0x29: {  	s26 =	sshrl.u32 s29, $0x3;
	[dreg:$0x1c] =	wrdreg s21  }
0x2a: {  	s21 =	rddreg [dreg:$0x0];
	s5 =	sadd.s32 s5, s26  }
0x2b: {  	[dreg:$0x1d] =	wrdreg s5  }
0x2c: {  	s26 =	simm.s32 $0x0;
	s5 =	rddreg [dreg:$0x3]  }
0x2d: {  	[smem:$0x7FF] =	sst s26;
	s30 =	sadd.s32 s21, s1  }
0x2e: {  	[dreg:$0x1e] =	wrdreg s30;
	s1 =	sadd.s32 s5, s1  }
0x2f: {  	[dreg:$0x1f] =	wrdreg s1;
	s1 =	sadd.s32 s21, s2  }
0x30: {  	s2 =	sadd.s32 s5, s2;
	[smem:$0x7D5] =	sst s1  }
0x31: {  	[smem:$0x7D6] =	sst s2;
	s2 =	sadd.s32 s21, s3  }
0x32: {  	[smem:$0x7D7] =	sst s2;
	s2 =	sadd.s32 s5, s3  }
0x33: {  	s3 =	sadd.s32 s21, s4;
	[smem:$0x7D8] =	sst s2  }
0x34: {  	s4 =	sadd.s32 s5, s4;
	[smem:$0x7D9] =	sst s3  }
0x35: {  	[smem:$0x7DA] =	sst s4;
	s2 =	sadd.s32 s21, s6  }
0x36: {  	s3 =	sadd.s32 s5, s6;
	[smem:$0x7DB] =	sst s2  }
0x37: {  	s4 =	sadd.s32 s21, s7;
	[smem:$0x7DC] =	sst s3  }
0x38: {  	s6 =	sadd.s32 s5, s7;
	[smem:$0x7DD] =	sst s4  }
0x39: {  	s7 =	sadd.s32 s21, s8;
	[smem:$0x7DE] =	sst s6  }
0x3a: {  	[smem:$0x7DF] =	sst s7;
	s2 =	sadd.s32 s5, s8  }
0x3b: {  	s3 =	sadd.s32 s21, s9;
	[smem:$0x7E0] =	sst s2  }
0x3c: {  	s4 =	sadd.s32 s5, s9;
	[smem:$0x7E1] =	sst s3  }
0x3d: {  	s6 =	sadd.s32 s21, s10;
	[smem:$0x7E2] =	sst s4  }
0x3e: {  	s7 =	sadd.s32 s5, s10;
	[smem:$0x7E3] =	sst s6  }
0x3f: {  	s8 =	sadd.s32 s21, s11;
	[smem:$0x7E4] =	sst s7  }
0x40: {  	s9 =	sadd.s32 s5, s11;
	[smem:$0x7E5] =	sst s8  }
0x41: {  	s10 =	sadd.s32 s21, s12;
	[smem:$0x7E6] =	sst s9  }
0x42: {  	s11 =	sadd.s32 s5, s12;
	[smem:$0x7E7] =	sst s10  }
0x43: {  	s12 =	sadd.s32 s21, s13;
	[smem:$0x7E8] =	sst s11  }
0x44: {  	[smem:$0x7E9] =	sst s12;
	s2 =	sadd.s32 s5, s13  }
0x45: {  	s3 =	sadd.s32 s21, s14;
	[smem:$0x7EA] =	sst s2  }
0x46: {  	s4 =	sadd.s32 s5, s14;
	[smem:$0x7EB] =	sst s3  }
0x47: {  	s6 =	sadd.s32 s21, s15;
	[smem:$0x7EC] =	sst s4  }
0x48: {  	s7 =	sadd.s32 s5, s15;
	[smem:$0x7ED] =	sst s6  }
0x49: {  	s8 =	sadd.s32 s21, s16;
	[smem:$0x7EE] =	sst s7  }
0x4a: {  	s9 =	sadd.s32 s5, s16;
	[smem:$0x7EF] =	sst s8  }
0x4b: {  	s10 =	sadd.s32 s21, s17;
	[smem:$0x7F0] =	sst s9  }
0x4c: {  	s11 =	sadd.s32 s5, s17;
	[smem:$0x7F1] =	sst s10  }
0x4d: {  	s12 =	sadd.s32 s21, s18;
	[smem:$0x7F2] =	sst s11  }
0x4e: {  	s13 =	sadd.s32 s5, s18;
	[smem:$0x7F3] =	sst s12  }
0x4f: {  	s14 =	sadd.s32 s21, s19;
	[smem:$0x7F4] =	sst s13  }
0x50: {  	s15 =	sadd.s32 s5, s19;
	[smem:$0x7F5] =	sst s14  }
0x51: {  	s16 =	sadd.s32 s21, s20;
	[smem:$0x7F6] =	sst s15  }
0x52: {  	s17 =	sadd.s32 s5, s20;
	[smem:$0x7F7] =	sst s16  }
0x53: {  	s18 =	sadd.s32 s21, s22;
	[smem:$0x7F8] =	sst s17  }
0x54: {  	s19 =	sadd.s32 s5, s22;
	[smem:$0x7F9] =	sst s18  }
0x55: {  	s20 =	sadd.s32 s21, s23;
	[smem:$0x7FA] =	sst s19  }
0x56: {  	s22 =	sadd.s32 s5, s23;
	[smem:$0x7FB] =	sst s20  }
0x57: {  	s31 =	simm.s32 $0x4;
	s23 =	sadd.s32 s21, s24;
	[smem:$0x7FC] =	sst s22  }
0x58: {  	s30 =	simm.s32 $0x2;
	s1 =	simm.s32 $0x5;
	[smem:$0x7FD] =	sst s23  }
0x59: {  	s9 =	sadd.s32 s5, s24;
	s10 =	sadd.s32 s21, s25;
	s11 =	sadd.s32 s5, s25  }
0x5a: {  	s25 =	rddreg [dreg:$0x2];
	s12 =	sadd.s32 s21, s28;
	s13 =	sadd.s32 s21, s29  }
0x5b: {  	s14 =	sadd.s32 s5, s28;
	s15 =	sadd.s32 s5, s29;
	s17 =	smax.u32 s0, $0x1  }
0x5c: {  	s18 =	simm.s32 $0x7;
	s19 =	simm.s32 $0x800;
	s20 =	simm.s32 $0x190000  }
0x5d: {  	s21 =	simm.s32 $0x1C80;
	s22 =	simm.s32 $0x1980;
	s23 =	simm.s32 $0x9C80  }
0x5e: {  	s24 =	simm.s32 $0x1A80;
	s28 =	simm.s32 $0x11C80;
	s29 =	simm.s32 $0x1B80  }
0x5f: {  	s0 =	simm.s32 $0x3;
	s2 =	simm.s32 $0x6;
	s3 =	simm.s32 $0x0  }
0x60: {  	_ =	strace $0x80000047;
	s16 =	sadd.s32 $0x800, s25;
	s25 =	simm.s32 $0x1  }
.LBB2_1:
0x61: {  	[tilespmem:s26], [sflag:$0x7] =	stream.linear.gather [hbm4b:s16+s26], $0x1980, $0x38;
	[tilespmem:$0x19C80] =	vst v63  }
0x62: {  	_ =	swait.ge [sflag:s18], $0x1980  }
0x63: {  	[sflag:s18] =	ssyncset.done $0x0;
	s4 =	rddreg [dreg:$0x1e]  }
0x64: {  	s6 =	rddreg [dreg:$0x5];
	[sflag:s18] =	ssyncadd.s32 $0xFFFFE680  }
0x65: {  	[tilespmem:s21], [sflag:$0x1] =	stream.strided.gather [hbm4b:s4+s19], $0x8000, s20, s19, $0x38;
	[tilespmem:$0x19C80] =	vst v63  }
0x66: {  	s7 =	sld [smem:$0x7D5]  }
0x67: {  	[tilespmem:s22], [sflag:$0x1] =	stream.linear.gather [hbm4b:s6+s26], $0x100, $0x38;
	[tilespmem:$0x19C80] =	vst v63  }
0x68: {  	_ = 	snop  }
0x69: {  	[tilespmem:s23], [sflag:$0x2] =	stream.strided.gather [hbm4b:s7+s19], $0x8000, s20, s19, $0x38;
	[tilespmem:$0x19C80] =	vst v63  }
0x6a: {  	s8 =	rddreg [dreg:$0x6]  }
0x6b: {  	[tilespmem:s24], [sflag:$0x2] =	stream.linear.gather [hbm4b:s8+s26], $0x100, $0x38;
	[tilespmem:$0x19C80] =	vst v63  }
0x6c: {  	_ =	swait.ge [sflag:s25], $0x8000  }
0x6d: {  	[sflag:s25] =	ssyncset.done $0x0  }
0x6e: {  	[sflag:s25] =	ssyncadd.s32 $0xFFFF8000  }
0x6f: {  	_ =	swait.ge [sflag:s25], $0x100  }
0x70: {  	s5 =	simm.s32 $0x0;
	[sflag:s25] =	ssyncset.done $0x0  }
0x71: {  	s4 =	simm.s32 $0x0;
	s6 =	simm.s32 $0x0;
	[sflag:s25] =	ssyncadd.s32 $0xFFFFFF00  }
.LBB2_2:
0x72: {  	s7 =	sshll.u32 s6, $0x4  }
0x73: {  	v0 =	vld [tilespmem:s7+$0x1980];
	_ =	sdelay $0x4  }
0x74: {  	v1 =	vmul.u32 $0x81, v0;
	_ =	sdelay $0x1  }
0x75: {  	v2 =	vadd.s32 $0x7, v1  }
0x76: {  	v3 =	vadd.s32 $0x1, v1  }
0x77: {  	v4 =	vadd.s32 $0x2, v1  }
0x78: {  	v5 =	vadd.s32 $0x3, v1  }
0x79: {  	v6 =	vadd.s32 $0x4, v1;
	v0 =	vld.idx.msk [tilespmem:v1+s26+$0x0], $0xffff  }
0x7a: {  	v7 =	vadd.s32 $0x5, v1;
	v8 =	vld.idx.msk [tilespmem:v2+s26+$0x0], $0xffff  }
0x7b: {  	s8 =	sand.u32 $0x7, s4;
	s7 =	sshll.u32 s5, $0x2;
	v9 =	vld.idx.msk [tilespmem:v3+s26+$0x0], $0xffff  }
0x7c: {  	s8 =	sshll.u32 s8, $0x6;
	s7 =	sand.u32 $0xFFFFF000, s7;
	v3 =	vadd.s32 $0x6, v1;
	v10 =	vld.idx.msk [tilespmem:v4+s26+$0x0], $0xffff  }
0x7d: {  	s7 =	sor.u32 s8, s7;
	v5 =	vld.idx.msk [tilespmem:v5+s26+$0x0], $0xffff  }
0x7e: {  	s7 =	sshrl.u32 s7, $0x2;
	v4 =	vld.idx.msk [tilespmem:v6+s26+$0x0], $0xffff  }
0x7f: {  	s7 =	sadd.s32 $0x1C80, s7;
	v2 =	vld.idx.msk [tilespmem:v7+s26+$0x0], $0xffff  }
0x80: {  	[tilespmem:s7+$0x380] =	vst.add.f32.msk $0xffff, v8  }
0x81: {  	v3 =	vld.idx.msk [tilespmem:v3+s26+$0x0], $0xffff  }
0x82: {  	[tilespmem:s7+$0x80] =	vst.add.f32.msk $0xffff, v9  }
0x83: {  	[tilespmem:s7+$0x100] =	vst.add.f32.msk $0xffff, v10  }
0x84: {  	s8 =	simm.s32 $0x0;
	v1 =	vadd.s32 $0x8, v1;
	[tilespmem:s7+$0x180] =	vst.add.f32.msk $0xffff, v5  }
.LBB2_3:
0x85: {  	v5 =	vadd.s32 $0x1, v1;
	v6 =	vadd.s32 $0x2, v1;
	v7 =	vadd.s32 $0x7, v1;
	s8 =	sadd.s32 $0x8, s8;
	[tilespmem:s7+$0x200] =	vst.add.f32.msk $0xffff, v4  }
0x86: {  	v4 =	vadd.s32 $0x3, v1;
	v8 =	vadd.s32 $0x4, v1;
	v9 =	vadd.s32 $0x5, v1;
	p0 =	slt.u32 s8, $0x78;
	[tilespmem:s7+$0x280] =	vst.add.f32.msk $0xffff, v2  }
0x87: {  	v10 =	vadd.s32 $0x6, v1;
	[tilespmem:s7+$0x300] =	vst.add.f32.msk $0xffff, v3  }
0x88: {  	[tilespmem:s7+$0x0] =	vst.add.f32.msk $0xffff, v0  }
0x89: {  	v0 =	vld.idx.msk [tilespmem:v1+s26+$0x0], $0xffff  }
0x8a: {  	v3 =	vld.idx.msk [tilespmem:v7+s26+$0x0], $0xffff  }
0x8b: {  	v5 =	vld.idx.msk [tilespmem:v5+s26+$0x0], $0xffff  }
0x8c: {  	v6 =	vld.idx.msk [tilespmem:v6+s26+$0x0], $0xffff  }
0x8d: {  	v7 =	vld.idx.msk [tilespmem:v4+s26+$0x0], $0xffff  }
0x8e: {  	v4 =	vld.idx.msk [tilespmem:v8+s26+$0x0], $0xffff  }
0x8f: {  	s7 =	sadd.s32 $0x800, s7;
	v2 =	vld.idx.msk [tilespmem:v9+s26+$0x0], $0xffff  }
.Ltmp0:
0x90: {  	[tilespmem:s7+$0x380] =	vst.add.f32.msk $0xffff, v3;
	(pc) =	sbr.rel @p0 .LBB2_3-.Ltmp0, $4  }
0x91: {  	v3 =	vld.idx.msk [tilespmem:v10+s26+$0x0], $0xffff  }
0x92: {  	[tilespmem:s7+$0x80] =	vst.add.f32.msk $0xffff, v5  }
0x93: {  	[tilespmem:s7+$0x100] =	vst.add.f32.msk $0xffff, v6  }
0x94: {  	v1 =	vadd.s32 $0x8, v1;
	[tilespmem:s7+$0x180] =	vst.add.f32.msk $0xffff, v7  }
0x95: {  	s6 =	sadd.s32 $0x1, s6  }
0x96: {  	p0 =	sne.s32 s6, $0x10  }
.Ltmp1:
0x97: {  	_ = 	snop;
	(pc) =	sbr.rel @p0 .LBB2_2-.Ltmp1, $4  }
0x98: {  	[tilespmem:s7+$0x200] =	vst.add.f32.msk $0xffff, v4  }
0x99: {  	[tilespmem:s7+$0x280] =	vst.add.f32.msk $0xffff, v2  }
0x9a: {  	[tilespmem:s7+$0x0] =	vst.add.f32.msk $0xffff, v0  }
0x9b: {  	s5 =	sadd.s32 $0x80, s5;
	s4 =	sadd.s32 $0x1, s4;
	[tilespmem:s7+$0x300] =	vst.add.f32.msk $0xffff, v3  }
0x9c: {  	s4 =	rddreg [dreg:$0x1f]  }
0x9d: {  	s8 =	sld [smem:$0x7D7]  }
0x9e: {  	[hbm4b:s4+s19] =	stream.strided.scatter [tilespmem:s21], [sflag:$0x4], $0x8000, s20, s19, $0x38;
	[tilespmem:$0x19C80] =	vst v63  }
0x9f: {  	_ = 	snop  }
0xa0: {  	[tilespmem:s28], [sflag:$0x3] =	stream.strided.gather [hbm4b:s8+s19], $0x8000, s20, s19, $0x38;
	[tilespmem:$0x19C80] =	vst v63  }
0xa1: {  	s5 =	rddreg [dreg:$0x7];
	s4 =	simm.s32 $0x0  }
0xa2: {  	[tilespmem:s29], [sflag:$0x3] =	stream.linear.gather [hbm4b:s5+s4], $0x100, $0x38;
	[tilespmem:$0x19C80] =	vst v63  }
0xa3: {  	_ =	swait.ge [sflag:s30], $0x8000  }
0xa4: {  	[sflag:s30] =	ssyncset.done $0x0  }
0xa5: {  	[sflag:s30] =	ssyncadd.s32 $0xFFFF8000  }
0xa6: {  	_ =	swait.ge [sflag:s30], $0x100  }
0xa7: {  	[sflag:s30] =	ssyncset.done $0x0  }
0xa8: {  	s6 =	simm.s32 $0x0;
	s5 =	simm.s32 $0x0;
	[sflag:s30] =	ssyncadd.s32 $0xFFFFFF00  }
.LBB2_6:
0xa9: {  	s7 =	sshll.u32 s6, $0x4  }
0xaa: {  	v0 =	vld [tilespmem:s7+$0x1A80];
	_ =	sdelay $0x4  }
0xab: {  	v1 =	vmul.u32 $0x81, v0;
	_ =	sdelay $0x1  }
0xac: {  	v2 =	vadd.s32 $0x7, v1  }
0xad: {  	v3 =	vadd.s32 $0x1, v1  }
0xae: {  	v4 =	vadd.s32 $0x2, v1  }
0xaf: {  	v5 =	vadd.s32 $0x3, v1  }
0xb0: {  	v6 =	vadd.s32 $0x4, v1;
	v0 =	vld.idx.msk [tilespmem:v1+s26+$0x0], $0xffff  }
0xb1: {  	v7 =	vadd.s32 $0x5, v1;
	v8 =	vld.idx.msk [tilespmem:v2+s26+$0x0], $0xffff  }
0xb2: {  	s8 =	sand.u32 $0x7, s4;
	s7 =	sshll.u32 s5, $0x2;
	v9 =	vld.idx.msk [tilespmem:v3+s26+$0x0], $0xffff  }
0xb3: {  	s8 =	sshll.u32 s8, $0x6;
	s7 =	sand.u32 $0xFFFFF000, s7;
	v3 =	vadd.s32 $0x6, v1;
	v10 =	vld.idx.msk [tilespmem:v4+s26+$0x0], $0xffff  }
0xb4: {  	s7 =	sor.u32 s8, s7;
	v5 =	vld.idx.msk [tilespmem:v5+s26+$0x0], $0xffff  }
0xb5: {  	s7 =	sshrl.u32 s7, $0x2;
	v4 =	vld.idx.msk [tilespmem:v6+s26+$0x0], $0xffff  }
0xb6: {  	s7 =	sadd.s32 $0x9C80, s7;
	v2 =	vld.idx.msk [tilespmem:v7+s26+$0x0], $0xffff  }
0xb7: {  	[tilespmem:s7+$0x380] =	vst.add.f32.msk $0xffff, v8  }
0xb8: {  	v3 =	vld.idx.msk [tilespmem:v3+s26+$0x0], $0xffff  }
0xb9: {  	[tilespmem:s7+$0x80] =	vst.add.f32.msk $0xffff, v9  }
0xba: {  	[tilespmem:s7+$0x100] =	vst.add.f32.msk $0xffff, v10  }
0xbb: {  	s8 =	simm.s32 $0x0;
	v1 =	vadd.s32 $0x8, v1;
	[tilespmem:s7+$0x180] =	vst.add.f32.msk $0xffff, v5  }
.LBB2_7:
0xbc: {  	v5 =	vadd.s32 $0x1, v1;
	v6 =	vadd.s32 $0x2, v1;
	v7 =	vadd.s32 $0x7, v1;
	s8 =	sadd.s32 $0x8, s8;
	[tilespmem:s7+$0x200] =	vst.add.f32.msk $0xffff, v4  }
0xbd: {  	v4 =	vadd.s32 $0x3, v1;
	v8 =	vadd.s32 $0x4, v1;
	v9 =	vadd.s32 $0x5, v1;
	p0 =	slt.u32 s8, $0x78;
	[tilespmem:s7+$0x280] =	vst.add.f32.msk $0xffff, v2  }
0xbe: {  	v10 =	vadd.s32 $0x6, v1;
	[tilespmem:s7+$0x300] =	vst.add.f32.msk $0xffff, v3  }
0xbf: {  	[tilespmem:s7+$0x0] =	vst.add.f32.msk $0xffff, v0  }
0xc0: {  	v0 =	vld.idx.msk [tilespmem:v1+s26+$0x0], $0xffff  }
0xc1: {  	v3 =	vld.idx.msk [tilespmem:v7+s26+$0x0], $0xffff  }
0xc2: {  	v5 =	vld.idx.msk [tilespmem:v5+s26+$0x0], $0xffff  }
0xc3: {  	v6 =	vld.idx.msk [tilespmem:v6+s26+$0x0], $0xffff  }
0xc4: {  	v7 =	vld.idx.msk [tilespmem:v4+s26+$0x0], $0xffff  }
0xc5: {  	v4 =	vld.idx.msk [tilespmem:v8+s26+$0x0], $0xffff  }
0xc6: {  	s7 =	sadd.s32 $0x800, s7;
	v2 =	vld.idx.msk [tilespmem:v9+s26+$0x0], $0xffff  }
.Ltmp2:
0xc7: {  	[tilespmem:s7+$0x380] =	vst.add.f32.msk $0xffff, v3;
	(pc) =	sbr.rel @p0 .LBB2_7-.Ltmp2, $4  }
0xc8: {  	v3 =	vld.idx.msk [tilespmem:v10+s26+$0x0], $0xffff  }
0xc9: {  	[tilespmem:s7+$0x80] =	vst.add.f32.msk $0xffff, v5  }
0xca: {  	[tilespmem:s7+$0x100] =	vst.add.f32.msk $0xffff, v6  }
0xcb: {  	v1 =	vadd.s32 $0x8, v1;
	[tilespmem:s7+$0x180] =	vst.add.f32.msk $0xffff, v7  }
0xcc: {  	s6 =	sadd.s32 $0x1, s6  }
0xcd: {  	p0 =	sne.s32 s6, $0x10  }
.Ltmp3:
0xce: {  	_ = 	snop;
	(pc) =	sbr.rel @p0 .LBB2_6-.Ltmp3, $4  }
0xcf: {  	[tilespmem:s7+$0x200] =	vst.add.f32.msk $0xffff, v4  }
0xd0: {  	[tilespmem:s7+$0x280] =	vst.add.f32.msk $0xffff, v2  }
0xd1: {  	[tilespmem:s7+$0x0] =	vst.add.f32.msk $0xffff, v0  }
0xd2: {  	s5 =	sadd.s32 $0x80, s5;
	s4 =	sadd.s32 $0x1, s4;
	[tilespmem:s7+$0x300] =	vst.add.f32.msk $0xffff, v3  }
0xd3: {  	s4 =	sld [smem:$0x7D6];
	_ =	sdelay $0x2  }
0xd4: {  	[hbm4b:s4+s19] =	stream.strided.scatter [tilespmem:s23], [sflag:$0x5], $0x8000, s20, s19, $0x38;
	[tilespmem:$0x19C80] =	vst v63  }
0xd5: {  	_ =	swait.ge [sflag:s31], $0x8000  }
0xd6: {  	s8 =	sld [smem:$0x7D9]  }
0xd7: {  	[sflag:s31] =	ssyncset.done $0x0  }
0xd8: {  	[sflag:s31] =	ssyncadd.s32 $0xFFFF8000  }
0xd9: {  	[tilespmem:s21], [sflag:$0x1] =	stream.strided.gather [hbm4b:s8+s19], $0x8000, s20, s19, $0x38;
	[tilespmem:$0x19C80] =	vst v63  }
0xda: {  	s4 =	simm.s32 $0x0;
	s5 =	rddreg [dreg:$0x8]  }
0xdb: {  	[tilespmem:s22], [sflag:$0x1] =	stream.linear.gather [hbm4b:s5+s4], $0x100, $0x38;
	[tilespmem:$0x19C80] =	vst v63  }
0xdc: {  	_ =	swait.ge [sflag:s0], $0x8000  }
0xdd: {  	[sflag:s0] =	ssyncset.done $0x0  }
0xde: {  	[sflag:s0] =	ssyncadd.s32 $0xFFFF8000  }
0xdf: {  	_ =	swait.ge [sflag:s0], $0x100  }
0xe0: {  	[sflag:s0] =	ssyncset.done $0x0  }
0xe1: {  	s6 =	simm.s32 $0x0;
	s5 =	simm.s32 $0x0;
	[sflag:s0] =	ssyncadd.s32 $0xFFFFFF00  }
.LBB2_10:
0xe2: {  	s7 =	sshll.u32 s6, $0x4  }
0xe3: {  	v0 =	vld [tilespmem:s7+$0x1B80];
	_ =	sdelay $0x4  }
0xe4: {  	v1 =	vmul.u32 $0x81, v0;
	_ =	sdelay $0x1  }
0xe5: {  	v2 =	vadd.s32 $0x7, v1  }
0xe6: {  	v3 =	vadd.s32 $0x1, v1  }
0xe7: {  	v4 =	vadd.s32 $0x2, v1  }
0xe8: {  	v5 =	vadd.s32 $0x3, v1  }
0xe9: {  	v6 =	vadd.s32 $0x4, v1;
	v0 =	vld.idx.msk [tilespmem:v1+s26+$0x0], $0xffff  }
0xea: {  	v7 =	vadd.s32 $0x5, v1;
	v8 =	vld.idx.msk [tilespmem:v2+s26+$0x0], $0xffff  }
0xeb: {  	s8 =	sand.u32 $0x7, s4;
	s7 =	sshll.u32 s5, $0x2;
	v9 =	vld.idx.msk [tilespmem:v3+s26+$0x0], $0xffff  }
0xec: {  	s8 =	sshll.u32 s8, $0x6;
	s7 =	sand.u32 $0xFFFFF000, s7;
	v3 =	vadd.s32 $0x6, v1;
	v10 =	vld.idx.msk [tilespmem:v4+s26+$0x0], $0xffff  }
0xed: {  	s7 =	sor.u32 s8, s7;
	v5 =	vld.idx.msk [tilespmem:v5+s26+$0x0], $0xffff  }
0xee: {  	s7 =	sshrl.u32 s7, $0x2;
	v4 =	vld.idx.msk [tilespmem:v6+s26+$0x0], $0xffff  }
0xef: {  	s7 =	sadd.s32 $0x11C80, s7;
	v2 =	vld.idx.msk [tilespmem:v7+s26+$0x0], $0xffff  }
0xf0: {  	[tilespmem:s7+$0x380] =	vst.add.f32.msk $0xffff, v8  }
0xf1: {  	v3 =	vld.idx.msk [tilespmem:v3+s26+$0x0], $0xffff  }
0xf2: {  	[tilespmem:s7+$0x80] =	vst.add.f32.msk $0xffff, v9  }
0xf3: {  	[tilespmem:s7+$0x100] =	vst.add.f32.msk $0xffff, v10  }
0xf4: {  	s8 =	simm.s32 $0x0;
	v1 =	vadd.s32 $0x8, v1;
	[tilespmem:s7+$0x180] =	vst.add.f32.msk $0xffff, v5  }
.LBB2_11:
0xf5: {  	v5 =	vadd.s32 $0x1, v1;
	v6 =	vadd.s32 $0x2, v1;
	v7 =	vadd.s32 $0x7, v1;
	s8 =	sadd.s32 $0x8, s8;
	[tilespmem:s7+$0x200] =	vst.add.f32.msk $0xffff, v4  }
0xf6: {  	v4 =	vadd.s32 $0x3, v1;
	v8 =	vadd.s32 $0x4, v1;
	v9 =	vadd.s32 $0x5, v1;
	p0 =	slt.u32 s8, $0x78;
	[tilespmem:s7+$0x280] =	vst.add.f32.msk $0xffff, v2  }
0xf7: {  	v10 =	vadd.s32 $0x6, v1;
	[tilespmem:s7+$0x300] =	vst.add.f32.msk $0xffff, v3  }
0xf8: {  	[tilespmem:s7+$0x0] =	vst.add.f32.msk $0xffff, v0  }
0xf9: {  	v0 =	vld.idx.msk [tilespmem:v1+s26+$0x0], $0xffff  }
0xfa: {  	v3 =	vld.idx.msk [tilespmem:v7+s26+$0x0], $0xffff  }
0xfb: {  	v5 =	vld.idx.msk [tilespmem:v5+s26+$0x0], $0xffff  }
0xfc: {  	v6 =	vld.idx.msk [tilespmem:v6+s26+$0x0], $0xffff  }
0xfd: {  	v7 =	vld.idx.msk [tilespmem:v4+s26+$0x0], $0xffff  }
0xfe: {  	v4 =	vld.idx.msk [tilespmem:v8+s26+$0x0], $0xffff  }
0xff: {  	s7 =	sadd.s32 $0x800, s7;
	v2 =	vld.idx.msk [tilespmem:v9+s26+$0x0], $0xffff  }
.Ltmp4:
0x100: {  	[tilespmem:s7+$0x380] =	vst.add.f32.msk $0xffff, v3;
	(pc) =	sbr.rel @p0 .LBB2_11-.Ltmp4, $4  }
0x101: {  	v3 =	vld.idx.msk [tilespmem:v10+s26+$0x0], $0xffff  }
0x102: {  	[tilespmem:s7+$0x80] =	vst.add.f32.msk $0xffff, v5  }
0x103: {  	[tilespmem:s7+$0x100] =	vst.add.f32.msk $0xffff, v6  }
0x104: {  	v1 =	vadd.s32 $0x8, v1;
	[tilespmem:s7+$0x180] =	vst.add.f32.msk $0xffff, v7  }
0x105: {  	s6 =	sadd.s32 $0x1, s6  }
0x106: {  	p0 =	sne.s32 s6, $0x10  }
.Ltmp5:
0x107: {  	_ = 	snop;
	(pc) =	sbr.rel @p0 .LBB2_10-.Ltmp5, $4  }
0x108: {  	[tilespmem:s7+$0x200] =	vst.add.f32.msk $0xffff, v4  }
0x109: {  	[tilespmem:s7+$0x280] =	vst.add.f32.msk $0xffff, v2  }
0x10a: {  	[tilespmem:s7+$0x0] =	vst.add.f32.msk $0xffff, v0  }
0x10b: {  	s5 =	sadd.s32 $0x80, s5;
	s4 =	sadd.s32 $0x1, s4;
	[tilespmem:s7+$0x300] =	vst.add.f32.msk $0xffff, v3  }
0x10c: {  	s4 =	sld [smem:$0x7D8];
	_ =	sdelay $0x2  }
0x10d: {  	[hbm4b:s4+s19] =	stream.strided.scatter [tilespmem:s28], [sflag:$0x6], $0x8000, s20, s19, $0x38;
	[tilespmem:$0x19C80] =	vst v63  }
0x10e: {  	_ =	swait.ge [sflag:s1], $0x8000  }
0x10f: {  	s8 =	sld [smem:$0x7DB]  }
0x110: {  	[sflag:s1] =	ssyncset.done $0x0  }
0x111: {  	[sflag:s1] =	ssyncadd.s32 $0xFFFF8000  }
0x112: {  	[tilespmem:s23], [sflag:$0x2] =	stream.strided.gather [hbm4b:s8+s19], $0x8000, s20, s19, $0x38;
	[tilespmem:$0x19C80] =	vst v63  }
0x113: {  	s4 =	simm.s32 $0x0;
	s5 =	rddreg [dreg:$0x9]  }
0x114: {  	[tilespmem:s24], [sflag:$0x2] =	stream.linear.gather [hbm4b:s5+s4], $0x100, $0x38;
	[tilespmem:$0x19C80] =	vst v63  }
0x115: {  	_ =	swait.ge [sflag:s25], $0x8000  }
0x116: {  	[sflag:s25] =	ssyncset.done $0x0  }
0x117: {  	[sflag:s25] =	ssyncadd.s32 $0xFFFF8000  }
0x118: {  	_ =	swait.ge [sflag:s25], $0x100  }
0x119: {  	[sflag:s25] =	ssyncset.done $0x0  }
0x11a: {  	s6 =	simm.s32 $0x0;
	s5 =	simm.s32 $0x0;
	[sflag:s25] =	ssyncadd.s32 $0xFFFFFF00  }
.LBB2_14:
0x11b: {  	s7 =	sshll.u32 s6, $0x4  }
0x11c: {  	v0 =	vld [tilespmem:s7+$0x1980];
	_ =	sdelay $0x4  }
0x11d: {  	v1 =	vmul.u32 $0x81, v0;
	_ =	sdelay $0x1  }
0x11e: {  	v2 =	vadd.s32 $0x7, v1  }
0x11f: {  	v3 =	vadd.s32 $0x1, v1  }
0x120: {  	v4 =	vadd.s32 $0x2, v1  }
0x121: {  	v5 =	vadd.s32 $0x3, v1  }
0x122: {  	v6 =	vadd.s32 $0x4, v1;
	v0 =	vld.idx.msk [tilespmem:v1+s26+$0x0], $0xffff  }
0x123: {  	v7 =	vadd.s32 $0x5, v1;
	v8 =	vld.idx.msk [tilespmem:v2+s26+$0x0], $0xffff  }
0x124: {  	s8 =	sand.u32 $0x7, s4;
	s7 =	sshll.u32 s5, $0x2;
	v9 =	vld.idx.msk [tilespmem:v3+s26+$0x0], $0xffff  }
0x125: {  	s8 =	sshll.u32 s8, $0x6;
	s7 =	sand.u32 $0xFFFFF000, s7;
	v3 =	vadd.s32 $0x6, v1;
	v10 =	vld.idx.msk [tilespmem:v4+s26+$0x0], $0xffff  }
0x126: {  	s7 =	sor.u32 s8, s7;
	v5 =	vld.idx.msk [tilespmem:v5+s26+$0x0], $0xffff  }
0x127: {  	s7 =	sshrl.u32 s7, $0x2;
	v4 =	vld.idx.msk [tilespmem:v6+s26+$0x0], $0xffff  }
0x128: {  	s7 =	sadd.s32 $0x1C80, s7;
	v2 =	vld.idx.msk [tilespmem:v7+s26+$0x0], $0xffff  }
0x129: {  	[tilespmem:s7+$0x380] =	vst.add.f32.msk $0xffff, v8  }
0x12a: {  	v3 =	vld.idx.msk [tilespmem:v3+s26+$0x0], $0xffff  }
0x12b: {  	[tilespmem:s7+$0x80] =	vst.add.f32.msk $0xffff, v9  }
0x12c: {  	[tilespmem:s7+$0x100] =	vst.add.f32.msk $0xffff, v10  }
0x12d: {  	s8 =	simm.s32 $0x0;
	v1 =	vadd.s32 $0x8, v1;
	[tilespmem:s7+$0x180] =	vst.add.f32.msk $0xffff, v5  }
.LBB2_15:
0x12e: {  	v5 =	vadd.s32 $0x1, v1;
	v6 =	vadd.s32 $0x2, v1;
	v7 =	vadd.s32 $0x7, v1;
	s8 =	sadd.s32 $0x8, s8;
	[tilespmem:s7+$0x200] =	vst.add.f32.msk $0xffff, v4  }
0x12f: {  	v4 =	vadd.s32 $0x3, v1;
	v8 =	vadd.s32 $0x4, v1;
	v9 =	vadd.s32 $0x5, v1;
	p0 =	slt.u32 s8, $0x78;
	[tilespmem:s7+$0x280] =	vst.add.f32.msk $0xffff, v2  }
0x130: {  	v10 =	vadd.s32 $0x6, v1;
	[tilespmem:s7+$0x300] =	vst.add.f32.msk $0xffff, v3  }
0x131: {  	[tilespmem:s7+$0x0] =	vst.add.f32.msk $0xffff, v0  }
0x132: {  	v0 =	vld.idx.msk [tilespmem:v1+s26+$0x0], $0xffff  }
0x133: {  	v3 =	vld.idx.msk [tilespmem:v7+s26+$0x0], $0xffff  }
0x134: {  	v5 =	vld.idx.msk [tilespmem:v5+s26+$0x0], $0xffff  }
0x135: {  	v6 =	vld.idx.msk [tilespmem:v6+s26+$0x0], $0xffff  }
0x136: {  	v7 =	vld.idx.msk [tilespmem:v4+s26+$0x0], $0xffff  }
0x137: {  	v4 =	vld.idx.msk [tilespmem:v8+s26+$0x0], $0xffff  }
0x138: {  	s7 =	sadd.s32 $0x800, s7;
	v2 =	vld.idx.msk [tilespmem:v9+s26+$0x0], $0xffff  }
.Ltmp6:
0x139: {  	[tilespmem:s7+$0x380] =	vst.add.f32.msk $0xffff, v3;
	(pc) =	sbr.rel @p0 .LBB2_15-.Ltmp6, $4  }
0x13a: {  	v3 =	vld.idx.msk [tilespmem:v10+s26+$0x0], $0xffff  }
0x13b: {  	[tilespmem:s7+$0x80] =	vst.add.f32.msk $0xffff, v5  }
0x13c: {  	[tilespmem:s7+$0x100] =	vst.add.f32.msk $0xffff, v6  }
0x13d: {  	v1 =	vadd.s32 $0x8, v1;
	[tilespmem:s7+$0x180] =	vst.add.f32.msk $0xffff, v7  }
0x13e: {  	s6 =	sadd.s32 $0x1, s6  }
0x13f: {  	p0 =	sne.s32 s6, $0x10  }
.Ltmp7:
0x140: {  	_ = 	snop;
	(pc) =	sbr.rel @p0 .LBB2_14-.Ltmp7, $4  }
0x141: {  	[tilespmem:s7+$0x200] =	vst.add.f32.msk $0xffff, v4  }
0x142: {  	[tilespmem:s7+$0x280] =	vst.add.f32.msk $0xffff, v2  }
0x143: {  	[tilespmem:s7+$0x0] =	vst.add.f32.msk $0xffff, v0  }
0x144: {  	s5 =	sadd.s32 $0x80, s5;
	s4 =	sadd.s32 $0x1, s4;
	[tilespmem:s7+$0x300] =	vst.add.f32.msk $0xffff, v3  }
0x145: {  	s4 =	sld [smem:$0x7DA];
	_ =	sdelay $0x2  }
0x146: {  	[hbm4b:s4+s19] =	stream.strided.scatter [tilespmem:s21], [sflag:$0x4], $0x8000, s20, s19, $0x38;
	[tilespmem:$0x19C80] =	vst v63  }
0x147: {  	_ =	swait.ge [sflag:s2], $0x8000  }
0x148: {  	s8 =	sld [smem:$0x7DD]  }
0x149: {  	[sflag:s2] =	ssyncset.done $0x0  }
0x14a: {  	[sflag:s2] =	ssyncadd.s32 $0xFFFF8000  }
0x14b: {  	[tilespmem:s28], [sflag:$0x3] =	stream.strided.gather [hbm4b:s8+s19], $0x8000, s20, s19, $0x38;
	[tilespmem:$0x19C80] =	vst v63  }
0x14c: {  	s4 =	simm.s32 $0x0;
	s5 =	rddreg [dreg:$0xa]  }
0x14d: {  	[tilespmem:s29], [sflag:$0x3] =	stream.linear.gather [hbm4b:s5+s4], $0x100, $0x38;
	[tilespmem:$0x19C80] =	vst v63  }
0x14e: {  	_ =	swait.ge [sflag:s30], $0x8000  }
0x14f: {  	[sflag:s30] =	ssyncset.done $0x0  }
0x150: {  	[sflag:s30] =	ssyncadd.s32 $0xFFFF8000  }
0x151: {  	_ =	swait.ge [sflag:s30], $0x100  }
0x152: {  	[sflag:s30] =	ssyncset.done $0x0  }
0x153: {  	s6 =	simm.s32 $0x0;
	s5 =	simm.s32 $0x0;
	[sflag:s30] =	ssyncadd.s32 $0xFFFFFF00  }
.LBB2_18:
0x154: {  	s7 =	sshll.u32 s6, $0x4  }
0x155: {  	v0 =	vld [tilespmem:s7+$0x1A80];
	_ =	sdelay $0x4  }
0x156: {  	v1 =	vmul.u32 $0x81, v0;
	_ =	sdelay $0x1  }
0x157: {  	v2 =	vadd.s32 $0x7, v1  }
0x158: {  	v3 =	vadd.s32 $0x1, v1  }
0x159: {  	v4 =	vadd.s32 $0x2, v1  }
0x15a: {  	v5 =	vadd.s32 $0x3, v1  }
0x15b: {  	v6 =	vadd.s32 $0x4, v1;
	v0 =	vld.idx.msk [tilespmem:v1+s26+$0x0], $0xffff  }
0x15c: {  	v7 =	vadd.s32 $0x5, v1;
	v8 =	vld.idx.msk [tilespmem:v2+s26+$0x0], $0xffff  }
0x15d: {  	s8 =	sand.u32 $0x7, s4;
	s7 =	sshll.u32 s5, $0x2;
	v9 =	vld.idx.msk [tilespmem:v3+s26+$0x0], $0xffff  }
0x15e: {  	s8 =	sshll.u32 s8, $0x6;
	s7 =	sand.u32 $0xFFFFF000, s7;
	v3 =	vadd.s32 $0x6, v1;
	v10 =	vld.idx.msk [tilespmem:v4+s26+$0x0], $0xffff  }
0x15f: {  	s7 =	sor.u32 s8, s7;
	v5 =	vld.idx.msk [tilespmem:v5+s26+$0x0], $0xffff  }
0x160: {  	s7 =	sshrl.u32 s7, $0x2;
	v4 =	vld.idx.msk [tilespmem:v6+s26+$0x0], $0xffff  }
0x161: {  	s7 =	sadd.s32 $0x9C80, s7;
	v2 =	vld.idx.msk [tilespmem:v7+s26+$0x0], $0xffff  }
0x162: {  	[tilespmem:s7+$0x380] =	vst.add.f32.msk $0xffff, v8  }
0x163: {  	v3 =	vld.idx.msk [tilespmem:v3+s26+$0x0], $0xffff  }
0x164: {  	[tilespmem:s7+$0x80] =	vst.add.f32.msk $0xffff, v9  }
0x165: {  	[tilespmem:s7+$0x100] =	vst.add.f32.msk $0xffff, v10  }
0x166: {  	s8 =	simm.s32 $0x0;
	v1 =	vadd.s32 $0x8, v1;
	[tilespmem:s7+$0x180] =	vst.add.f32.msk $0xffff, v5  }
.LBB2_19:
0x167: {  	v5 =	vadd.s32 $0x1, v1;
	v6 =	vadd.s32 $0x2, v1;
	v7 =	vadd.s32 $0x7, v1;
	s8 =	sadd.s32 $0x8, s8;
	[tilespmem:s7+$0x200] =	vst.add.f32.msk $0xffff, v4  }
0x168: {  	v4 =	vadd.s32 $0x3, v1;
	v8 =	vadd.s32 $0x4, v1;
	v9 =	vadd.s32 $0x5, v1;
	p0 =	slt.u32 s8, $0x78;
	[tilespmem:s7+$0x280] =	vst.add.f32.msk $0xffff, v2  }
0x169: {  	v10 =	vadd.s32 $0x6, v1;
	[tilespmem:s7+$0x300] =	vst.add.f32.msk $0xffff, v3  }
0x16a: {  	[tilespmem:s7+$0x0] =	vst.add.f32.msk $0xffff, v0  }
0x16b: {  	v0 =	vld.idx.msk [tilespmem:v1+s26+$0x0], $0xffff  }
0x16c: {  	v3 =	vld.idx.msk [tilespmem:v7+s26+$0x0], $0xffff  }
0x16d: {  	v5 =	vld.idx.msk [tilespmem:v5+s26+$0x0], $0xffff  }
0x16e: {  	v6 =	vld.idx.msk [tilespmem:v6+s26+$0x0], $0xffff  }
0x16f: {  	v7 =	vld.idx.msk [tilespmem:v4+s26+$0x0], $0xffff  }
0x170: {  	v4 =	vld.idx.msk [tilespmem:v8+s26+$0x0], $0xffff  }
0x171: {  	s7 =	sadd.s32 $0x800, s7;
	v2 =	vld.idx.msk [tilespmem:v9+s26+$0x0], $0xffff  }
.Ltmp8:
0x172: {  	[tilespmem:s7+$0x380] =	vst.add.f32.msk $0xffff, v3;
	(pc) =	sbr.rel @p0 .LBB2_19-.Ltmp8, $4  }
0x173: {  	v3 =	vld.idx.msk [tilespmem:v10+s26+$0x0], $0xffff  }
0x174: {  	[tilespmem:s7+$0x80] =	vst.add.f32.msk $0xffff, v5  }
0x175: {  	[tilespmem:s7+$0x100] =	vst.add.f32.msk $0xffff, v6  }
0x176: {  	v1 =	vadd.s32 $0x8, v1;
	[tilespmem:s7+$0x180] =	vst.add.f32.msk $0xffff, v7  }
0x177: {  	s6 =	sadd.s32 $0x1, s6  }
0x178: {  	p0 =	sne.s32 s6, $0x10  }
.Ltmp9:
0x179: {  	_ = 	snop;
	(pc) =	sbr.rel @p0 .LBB2_18-.Ltmp9, $4  }
0x17a: {  	[tilespmem:s7+$0x200] =	vst.add.f32.msk $0xffff, v4  }
0x17b: {  	[tilespmem:s7+$0x280] =	vst.add.f32.msk $0xffff, v2  }
0x17c: {  	[tilespmem:s7+$0x0] =	vst.add.f32.msk $0xffff, v0  }
0x17d: {  	s5 =	sadd.s32 $0x80, s5;
	s4 =	sadd.s32 $0x1, s4;
	[tilespmem:s7+$0x300] =	vst.add.f32.msk $0xffff, v3  }
0x17e: {  	s4 =	sld [smem:$0x7DC];
	_ =	sdelay $0x2  }
0x17f: {  	[hbm4b:s4+s19] =	stream.strided.scatter [tilespmem:s23], [sflag:$0x5], $0x8000, s20, s19, $0x38;
	[tilespmem:$0x19C80] =	vst v63  }
0x180: {  	_ =	swait.ge [sflag:s31], $0x8000  }
0x181: {  	s8 =	sld [smem:$0x7DF]  }
0x182: {  	[sflag:s31] =	ssyncset.done $0x0  }
0x183: {  	[sflag:s31] =	ssyncadd.s32 $0xFFFF8000  }
0x184: {  	[tilespmem:s21], [sflag:$0x1] =	stream.strided.gather [hbm4b:s8+s19], $0x8000, s20, s19, $0x38;
	[tilespmem:$0x19C80] =	vst v63  }
0x185: {  	s4 =	simm.s32 $0x0;
	s5 =	rddreg [dreg:$0xb]  }
0x186: {  	[tilespmem:s22], [sflag:$0x1] =	stream.linear.gather [hbm4b:s5+s4], $0x100, $0x38;
	[tilespmem:$0x19C80] =	vst v63  }
0x187: {  	_ =	swait.ge [sflag:s0], $0x8000  }
0x188: {  	[sflag:s0] =	ssyncset.done $0x0  }
0x189: {  	[sflag:s0] =	ssyncadd.s32 $0xFFFF8000  }
0x18a: {  	_ =	swait.ge [sflag:s0], $0x100  }
0x18b: {  	[sflag:s0] =	ssyncset.done $0x0  }
0x18c: {  	s6 =	simm.s32 $0x0;
	s5 =	simm.s32 $0x0;
	[sflag:s0] =	ssyncadd.s32 $0xFFFFFF00  }
.LBB2_22:
0x18d: {  	s7 =	sshll.u32 s6, $0x4  }
0x18e: {  	v0 =	vld [tilespmem:s7+$0x1B80];
	_ =	sdelay $0x4  }
0x18f: {  	v1 =	vmul.u32 $0x81, v0;
	_ =	sdelay $0x1  }
0x190: {  	v2 =	vadd.s32 $0x7, v1  }
0x191: {  	v3 =	vadd.s32 $0x1, v1  }
0x192: {  	v4 =	vadd.s32 $0x2, v1  }
0x193: {  	v5 =	vadd.s32 $0x3, v1  }
0x194: {  	v6 =	vadd.s32 $0x4, v1;
	v0 =	vld.idx.msk [tilespmem:v1+s26+$0x0], $0xffff  }
0x195: {  	v7 =	vadd.s32 $0x5, v1;
	v8 =	vld.idx.msk [tilespmem:v2+s26+$0x0], $0xffff  }
0x196: {  	s8 =	sand.u32 $0x7, s4;
	s7 =	sshll.u32 s5, $0x2;
	v9 =	vld.idx.msk [tilespmem:v3+s26+$0x0], $0xffff  }
0x197: {  	s8 =	sshll.u32 s8, $0x6;
	s7 =	sand.u32 $0xFFFFF000, s7;
	v3 =	vadd.s32 $0x6, v1;
	v10 =	vld.idx.msk [tilespmem:v4+s26+$0x0], $0xffff  }
0x198: {  	s7 =	sor.u32 s8, s7;
	v5 =	vld.idx.msk [tilespmem:v5+s26+$0x0], $0xffff  }
0x199: {  	s7 =	sshrl.u32 s7, $0x2;
	v4 =	vld.idx.msk [tilespmem:v6+s26+$0x0], $0xffff  }
0x19a: {  	s7 =	sadd.s32 $0x11C80, s7;
	v2 =	vld.idx.msk [tilespmem:v7+s26+$0x0], $0xffff  }
0x19b: {  	[tilespmem:s7+$0x380] =	vst.add.f32.msk $0xffff, v8  }
0x19c: {  	v3 =	vld.idx.msk [tilespmem:v3+s26+$0x0], $0xffff  }
0x19d: {  	[tilespmem:s7+$0x80] =	vst.add.f32.msk $0xffff, v9  }
0x19e: {  	[tilespmem:s7+$0x100] =	vst.add.f32.msk $0xffff, v10  }
0x19f: {  	s8 =	simm.s32 $0x0;
	v1 =	vadd.s32 $0x8, v1;
	[tilespmem:s7+$0x180] =	vst.add.f32.msk $0xffff, v5  }
.LBB2_23:
0x1a0: {  	v5 =	vadd.s32 $0x1, v1;
	v6 =	vadd.s32 $0x2, v1;
	v7 =	vadd.s32 $0x7, v1;
	s8 =	sadd.s32 $0x8, s8;
	[tilespmem:s7+$0x200] =	vst.add.f32.msk $0xffff, v4  }
0x1a1: {  	v4 =	vadd.s32 $0x3, v1;
	v8 =	vadd.s32 $0x4, v1;
	v9 =	vadd.s32 $0x5, v1;
	p0 =	slt.u32 s8, $0x78;
	[tilespmem:s7+$0x280] =	vst.add.f32.msk $0xffff, v2  }
0x1a2: {  	v10 =	vadd.s32 $0x6, v1;
	[tilespmem:s7+$0x300] =	vst.add.f32.msk $0xffff, v3  }
0x1a3: {  	[tilespmem:s7+$0x0] =	vst.add.f32.msk $0xffff, v0  }
0x1a4: {  	v0 =	vld.idx.msk [tilespmem:v1+s26+$0x0], $0xffff  }
0x1a5: {  	v3 =	vld.idx.msk [tilespmem:v7+s26+$0x0], $0xffff  }
0x1a6: {  	v5 =	vld.idx.msk [tilespmem:v5+s26+$0x0], $0xffff  }
0x1a7: {  	v6 =	vld.idx.msk [tilespmem:v6+s26+$0x0], $0xffff  }
0x1a8: {  	v7 =	vld.idx.msk [tilespmem:v4+s26+$0x0], $0xffff  }
0x1a9: {  	v4 =	vld.idx.msk [tilespmem:v8+s26+$0x0], $0xffff  }
0x1aa: {  	s7 =	sadd.s32 $0x800, s7;
	v2 =	vld.idx.msk [tilespmem:v9+s26+$0x0], $0xffff  }
.Ltmp10:
0x1ab: {  	[tilespmem:s7+$0x380] =	vst.add.f32.msk $0xffff, v3;
	(pc) =	sbr.rel @p0 .LBB2_23-.Ltmp10, $4  }
0x1ac: {  	v3 =	vld.idx.msk [tilespmem:v10+s26+$0x0], $0xffff  }
0x1ad: {  	[tilespmem:s7+$0x80] =	vst.add.f32.msk $0xffff, v5  }
0x1ae: {  	[tilespmem:s7+$0x100] =	vst.add.f32.msk $0xffff, v6  }
0x1af: {  	v1 =	vadd.s32 $0x8, v1;
	[tilespmem:s7+$0x180] =	vst.add.f32.msk $0xffff, v7  }
0x1b0: {  	s6 =	sadd.s32 $0x1, s6  }
0x1b1: {  	p0 =	sne.s32 s6, $0x10  }
.Ltmp11:
0x1b2: {  	_ = 	snop;
	(pc) =	sbr.rel @p0 .LBB2_22-.Ltmp11, $4  }
0x1b3: {  	[tilespmem:s7+$0x200] =	vst.add.f32.msk $0xffff, v4  }
0x1b4: {  	[tilespmem:s7+$0x280] =	vst.add.f32.msk $0xffff, v2  }
0x1b5: {  	[tilespmem:s7+$0x0] =	vst.add.f32.msk $0xffff, v0  }
0x1b6: {  	s5 =	sadd.s32 $0x80, s5;
	s4 =	sadd.s32 $0x1, s4;
	[tilespmem:s7+$0x300] =	vst.add.f32.msk $0xffff, v3  }
0x1b7: {  	s4 =	sld [smem:$0x7DE];
	_ =	sdelay $0x2  }
0x1b8: {  	[hbm4b:s4+s19] =	stream.strided.scatter [tilespmem:s28], [sflag:$0x6], $0x8000, s20, s19, $0x38;
	[tilespmem:$0x19C80] =	vst v63  }
0x1b9: {  	_ =	swait.ge [sflag:s1], $0x8000  }
0x1ba: {  	s8 =	sld [smem:$0x7E1]  }
0x1bb: {  	[sflag:s1] =	ssyncset.done $0x0  }
0x1bc: {  	[sflag:s1] =	ssyncadd.s32 $0xFFFF8000  }
0x1bd: {  	[tilespmem:s23], [sflag:$0x2] =	stream.strided.gather [hbm4b:s8+s19], $0x8000, s20, s19, $0x38;
	[tilespmem:$0x19C80] =	vst v63  }
0x1be: {  	s4 =	simm.s32 $0x0;
	s5 =	rddreg [dreg:$0xc]  }
0x1bf: {  	[tilespmem:s24], [sflag:$0x2] =	stream.linear.gather [hbm4b:s5+s4], $0x100, $0x38;
	[tilespmem:$0x19C80] =	vst v63  }
0x1c0: {  	_ =	swait.ge [sflag:s25], $0x8000  }
0x1c1: {  	[sflag:s25] =	ssyncset.done $0x0  }
0x1c2: {  	[sflag:s25] =	ssyncadd.s32 $0xFFFF8000  }
0x1c3: {  	_ =	swait.ge [sflag:s25], $0x100  }
0x1c4: {  	[sflag:s25] =	ssyncset.done $0x0  }
0x1c5: {  	s6 =	simm.s32 $0x0;
	s5 =	simm.s32 $0x0;
	[sflag:s25] =	ssyncadd.s32 $0xFFFFFF00  }
.LBB2_26:
0x1c6: {  	s7 =	sshll.u32 s6, $0x4  }
0x1c7: {  	v0 =	vld [tilespmem:s7+$0x1980];
	_ =	sdelay $0x4  }
0x1c8: {  	v1 =	vmul.u32 $0x81, v0;
	_ =	sdelay $0x1  }
0x1c9: {  	v2 =	vadd.s32 $0x7, v1  }
0x1ca: {  	v3 =	vadd.s32 $0x1, v1  }
0x1cb: {  	v4 =	vadd.s32 $0x2, v1  }
0x1cc: {  	v5 =	vadd.s32 $0x3, v1  }
0x1cd: {  	v6 =	vadd.s32 $0x4, v1;
	v0 =	vld.idx.msk [tilespmem:v1+s26+$0x0], $0xffff  }
0x1ce: {  	v7 =	vadd.s32 $0x5, v1;
	v8 =	vld.idx.msk [tilespmem:v2+s26+$0x0], $0xffff  }
0x1cf: {  	s8 =	sand.u32 $0x7, s4;
	s7 =	sshll.u32 s5, $0x2;
	v9 =	vld.idx.msk [tilespmem:v3+s26+$0x0], $0xffff  }
0x1d0: {  	s8 =	sshll.u32 s8, $0x6;
	s7 =	sand.u32 $0xFFFFF000, s7;
	v3 =	vadd.s32 $0x6, v1;
	v10 =	vld.idx.msk [tilespmem:v4+s26+$0x0], $0xffff  }
0x1d1: {  	s7 =	sor.u32 s8, s7;
	v5 =	vld.idx.msk [tilespmem:v5+s26+$0x0], $0xffff  }
0x1d2: {  	s7 =	sshrl.u32 s7, $0x2;
	v4 =	vld.idx.msk [tilespmem:v6+s26+$0x0], $0xffff  }
0x1d3: {  	s7 =	sadd.s32 $0x1C80, s7;
	v2 =	vld.idx.msk [tilespmem:v7+s26+$0x0], $0xffff  }
0x1d4: {  	[tilespmem:s7+$0x380] =	vst.add.f32.msk $0xffff, v8  }
0x1d5: {  	v3 =	vld.idx.msk [tilespmem:v3+s26+$0x0], $0xffff  }
0x1d6: {  	[tilespmem:s7+$0x80] =	vst.add.f32.msk $0xffff, v9  }
0x1d7: {  	[tilespmem:s7+$0x100] =	vst.add.f32.msk $0xffff, v10  }
0x1d8: {  	s8 =	simm.s32 $0x0;
	v1 =	vadd.s32 $0x8, v1;
	[tilespmem:s7+$0x180] =	vst.add.f32.msk $0xffff, v5  }
.LBB2_27:
0x1d9: {  	v5 =	vadd.s32 $0x1, v1;
	v6 =	vadd.s32 $0x2, v1;
	v7 =	vadd.s32 $0x7, v1;
	s8 =	sadd.s32 $0x8, s8;
	[tilespmem:s7+$0x200] =	vst.add.f32.msk $0xffff, v4  }
0x1da: {  	v4 =	vadd.s32 $0x3, v1;
	v8 =	vadd.s32 $0x4, v1;
	v9 =	vadd.s32 $0x5, v1;
	p0 =	slt.u32 s8, $0x78;
	[tilespmem:s7+$0x280] =	vst.add.f32.msk $0xffff, v2  }
0x1db: {  	v10 =	vadd.s32 $0x6, v1;
	[tilespmem:s7+$0x300] =	vst.add.f32.msk $0xffff, v3  }
0x1dc: {  	[tilespmem:s7+$0x0] =	vst.add.f32.msk $0xffff, v0  }
0x1dd: {  	v0 =	vld.idx.msk [tilespmem:v1+s26+$0x0], $0xffff  }
0x1de: {  	v3 =	vld.idx.msk [tilespmem:v7+s26+$0x0], $0xffff  }
0x1df: {  	v5 =	vld.idx.msk [tilespmem:v5+s26+$0x0], $0xffff  }
0x1e0: {  	v6 =	vld.idx.msk [tilespmem:v6+s26+$0x0], $0xffff  }
0x1e1: {  	v7 =	vld.idx.msk [tilespmem:v4+s26+$0x0], $0xffff  }
0x1e2: {  	v4 =	vld.idx.msk [tilespmem:v8+s26+$0x0], $0xffff  }
0x1e3: {  	s7 =	sadd.s32 $0x800, s7;
	v2 =	vld.idx.msk [tilespmem:v9+s26+$0x0], $0xffff  }
.Ltmp12:
0x1e4: {  	[tilespmem:s7+$0x380] =	vst.add.f32.msk $0xffff, v3;
	(pc) =	sbr.rel @p0 .LBB2_27-.Ltmp12, $4  }
0x1e5: {  	v3 =	vld.idx.msk [tilespmem:v10+s26+$0x0], $0xffff  }
0x1e6: {  	[tilespmem:s7+$0x80] =	vst.add.f32.msk $0xffff, v5  }
0x1e7: {  	[tilespmem:s7+$0x100] =	vst.add.f32.msk $0xffff, v6  }
0x1e8: {  	v1 =	vadd.s32 $0x8, v1;
	[tilespmem:s7+$0x180] =	vst.add.f32.msk $0xffff, v7  }
0x1e9: {  	s6 =	sadd.s32 $0x1, s6  }
0x1ea: {  	p0 =	sne.s32 s6, $0x10  }
.Ltmp13:
0x1eb: {  	_ = 	snop;
	(pc) =	sbr.rel @p0 .LBB2_26-.Ltmp13, $4  }
0x1ec: {  	[tilespmem:s7+$0x200] =	vst.add.f32.msk $0xffff, v4  }
0x1ed: {  	[tilespmem:s7+$0x280] =	vst.add.f32.msk $0xffff, v2  }
0x1ee: {  	[tilespmem:s7+$0x0] =	vst.add.f32.msk $0xffff, v0  }
0x1ef: {  	s5 =	sadd.s32 $0x80, s5;
	s4 =	sadd.s32 $0x1, s4;
	[tilespmem:s7+$0x300] =	vst.add.f32.msk $0xffff, v3  }
0x1f0: {  	s4 =	sld [smem:$0x7E0];
	_ =	sdelay $0x2  }
0x1f1: {  	[hbm4b:s4+s19] =	stream.strided.scatter [tilespmem:s21], [sflag:$0x4], $0x8000, s20, s19, $0x38;
	[tilespmem:$0x19C80] =	vst v63  }
0x1f2: {  	_ =	swait.ge [sflag:s2], $0x8000  }
0x1f3: {  	s8 =	sld [smem:$0x7E3]  }
0x1f4: {  	[sflag:s2] =	ssyncset.done $0x0  }
0x1f5: {  	[sflag:s2] =	ssyncadd.s32 $0xFFFF8000  }
0x1f6: {  	[tilespmem:s28], [sflag:$0x3] =	stream.strided.gather [hbm4b:s8+s19], $0x8000, s20, s19, $0x38;
	[tilespmem:$0x19C80] =	vst v63  }
0x1f7: {  	s4 =	simm.s32 $0x0;
	s5 =	rddreg [dreg:$0xd]  }
0x1f8: {  	[tilespmem:s29], [sflag:$0x3] =	stream.linear.gather [hbm4b:s5+s4], $0x100, $0x38;
	[tilespmem:$0x19C80] =	vst v63  }
0x1f9: {  	_ =	swait.ge [sflag:s30], $0x8000  }
0x1fa: {  	[sflag:s30] =	ssyncset.done $0x0  }
0x1fb: {  	[sflag:s30] =	ssyncadd.s32 $0xFFFF8000  }
0x1fc: {  	_ =	swait.ge [sflag:s30], $0x100  }
0x1fd: {  	[sflag:s30] =	ssyncset.done $0x0  }
0x1fe: {  	s6 =	simm.s32 $0x0;
	s5 =	simm.s32 $0x0;
	[sflag:s30] =	ssyncadd.s32 $0xFFFFFF00  }
.LBB2_30:
0x1ff: {  	s7 =	sshll.u32 s6, $0x4  }
0x200: {  	v0 =	vld [tilespmem:s7+$0x1A80];
	_ =	sdelay $0x4  }
0x201: {  	v1 =	vmul.u32 $0x81, v0;
	_ =	sdelay $0x1  }
0x202: {  	v2 =	vadd.s32 $0x7, v1  }
0x203: {  	v3 =	vadd.s32 $0x1, v1  }
0x204: {  	v4 =	vadd.s32 $0x2, v1  }
0x205: {  	v5 =	vadd.s32 $0x3, v1  }
0x206: {  	v6 =	vadd.s32 $0x4, v1;
	v0 =	vld.idx.msk [tilespmem:v1+s26+$0x0], $0xffff  }
0x207: {  	v7 =	vadd.s32 $0x5, v1;
	v8 =	vld.idx.msk [tilespmem:v2+s26+$0x0], $0xffff  }
0x208: {  	s8 =	sand.u32 $0x7, s4;
	s7 =	sshll.u32 s5, $0x2;
	v9 =	vld.idx.msk [tilespmem:v3+s26+$0x0], $0xffff  }
0x209: {  	s8 =	sshll.u32 s8, $0x6;
	s7 =	sand.u32 $0xFFFFF000, s7;
	v3 =	vadd.s32 $0x6, v1;
	v10 =	vld.idx.msk [tilespmem:v4+s26+$0x0], $0xffff  }
0x20a: {  	s7 =	sor.u32 s8, s7;
	v5 =	vld.idx.msk [tilespmem:v5+s26+$0x0], $0xffff  }
0x20b: {  	s7 =	sshrl.u32 s7, $0x2;
	v4 =	vld.idx.msk [tilespmem:v6+s26+$0x0], $0xffff  }
0x20c: {  	s7 =	sadd.s32 $0x9C80, s7;
	v2 =	vld.idx.msk [tilespmem:v7+s26+$0x0], $0xffff  }
0x20d: {  	[tilespmem:s7+$0x380] =	vst.add.f32.msk $0xffff, v8  }
0x20e: {  	v3 =	vld.idx.msk [tilespmem:v3+s26+$0x0], $0xffff  }
0x20f: {  	[tilespmem:s7+$0x80] =	vst.add.f32.msk $0xffff, v9  }
0x210: {  	[tilespmem:s7+$0x100] =	vst.add.f32.msk $0xffff, v10  }
0x211: {  	s8 =	simm.s32 $0x0;
	v1 =	vadd.s32 $0x8, v1;
	[tilespmem:s7+$0x180] =	vst.add.f32.msk $0xffff, v5  }
.LBB2_31:
0x212: {  	v5 =	vadd.s32 $0x1, v1;
	v6 =	vadd.s32 $0x2, v1;
	v7 =	vadd.s32 $0x7, v1;
	s8 =	sadd.s32 $0x8, s8;
	[tilespmem:s7+$0x200] =	vst.add.f32.msk $0xffff, v4  }
0x213: {  	v4 =	vadd.s32 $0x3, v1;
	v8 =	vadd.s32 $0x4, v1;
	v9 =	vadd.s32 $0x5, v1;
	p0 =	slt.u32 s8, $0x78;
	[tilespmem:s7+$0x280] =	vst.add.f32.msk $0xffff, v2  }
0x214: {  	v10 =	vadd.s32 $0x6, v1;
	[tilespmem:s7+$0x300] =	vst.add.f32.msk $0xffff, v3  }
0x215: {  	[tilespmem:s7+$0x0] =	vst.add.f32.msk $0xffff, v0  }
0x216: {  	v0 =	vld.idx.msk [tilespmem:v1+s26+$0x0], $0xffff  }
0x217: {  	v3 =	vld.idx.msk [tilespmem:v7+s26+$0x0], $0xffff  }
0x218: {  	v5 =	vld.idx.msk [tilespmem:v5+s26+$0x0], $0xffff  }
0x219: {  	v6 =	vld.idx.msk [tilespmem:v6+s26+$0x0], $0xffff  }
0x21a: {  	v7 =	vld.idx.msk [tilespmem:v4+s26+$0x0], $0xffff  }
0x21b: {  	v4 =	vld.idx.msk [tilespmem:v8+s26+$0x0], $0xffff  }
0x21c: {  	s7 =	sadd.s32 $0x800, s7;
	v2 =	vld.idx.msk [tilespmem:v9+s26+$0x0], $0xffff  }
.Ltmp14:
0x21d: {  	[tilespmem:s7+$0x380] =	vst.add.f32.msk $0xffff, v3;
	(pc) =	sbr.rel @p0 .LBB2_31-.Ltmp14, $4  }
0x21e: {  	v3 =	vld.idx.msk [tilespmem:v10+s26+$0x0], $0xffff  }
0x21f: {  	[tilespmem:s7+$0x80] =	vst.add.f32.msk $0xffff, v5  }
0x220: {  	[tilespmem:s7+$0x100] =	vst.add.f32.msk $0xffff, v6  }
0x221: {  	v1 =	vadd.s32 $0x8, v1;
	[tilespmem:s7+$0x180] =	vst.add.f32.msk $0xffff, v7  }
0x222: {  	s6 =	sadd.s32 $0x1, s6  }
0x223: {  	p0 =	sne.s32 s6, $0x10  }
.Ltmp15:
0x224: {  	_ = 	snop;
	(pc) =	sbr.rel @p0 .LBB2_30-.Ltmp15, $4  }
0x225: {  	[tilespmem:s7+$0x200] =	vst.add.f32.msk $0xffff, v4  }
0x226: {  	[tilespmem:s7+$0x280] =	vst.add.f32.msk $0xffff, v2  }
0x227: {  	[tilespmem:s7+$0x0] =	vst.add.f32.msk $0xffff, v0  }
0x228: {  	s5 =	sadd.s32 $0x80, s5;
	s4 =	sadd.s32 $0x1, s4;
	[tilespmem:s7+$0x300] =	vst.add.f32.msk $0xffff, v3  }
0x229: {  	s4 =	sld [smem:$0x7E2];
	_ =	sdelay $0x2  }
0x22a: {  	[hbm4b:s4+s19] =	stream.strided.scatter [tilespmem:s23], [sflag:$0x5], $0x8000, s20, s19, $0x38;
	[tilespmem:$0x19C80] =	vst v63  }
0x22b: {  	_ =	swait.ge [sflag:s31], $0x8000  }
0x22c: {  	s8 =	sld [smem:$0x7E5]  }
0x22d: {  	[sflag:s31] =	ssyncset.done $0x0  }
0x22e: {  	[sflag:s31] =	ssyncadd.s32 $0xFFFF8000  }
0x22f: {  	[tilespmem:s21], [sflag:$0x1] =	stream.strided.gather [hbm4b:s8+s19], $0x8000, s20, s19, $0x38;
	[tilespmem:$0x19C80] =	vst v63  }
0x230: {  	s4 =	simm.s32 $0x0;
	s5 =	rddreg [dreg:$0xe]  }
0x231: {  	[tilespmem:s22], [sflag:$0x1] =	stream.linear.gather [hbm4b:s5+s4], $0x100, $0x38;
	[tilespmem:$0x19C80] =	vst v63  }
0x232: {  	_ =	swait.ge [sflag:s0], $0x8000  }
0x233: {  	[sflag:s0] =	ssyncset.done $0x0  }
0x234: {  	[sflag:s0] =	ssyncadd.s32 $0xFFFF8000  }
0x235: {  	_ =	swait.ge [sflag:s0], $0x100  }
0x236: {  	[sflag:s0] =	ssyncset.done $0x0  }
0x237: {  	s6 =	simm.s32 $0x0;
	s5 =	simm.s32 $0x0;
	[sflag:s0] =	ssyncadd.s32 $0xFFFFFF00  }
.LBB2_34:
0x238: {  	s7 =	sshll.u32 s6, $0x4  }
0x239: {  	v0 =	vld [tilespmem:s7+$0x1B80];
	_ =	sdelay $0x4  }
0x23a: {  	v1 =	vmul.u32 $0x81, v0;
	_ =	sdelay $0x1  }
0x23b: {  	v2 =	vadd.s32 $0x7, v1  }
0x23c: {  	v3 =	vadd.s32 $0x1, v1  }
0x23d: {  	v4 =	vadd.s32 $0x2, v1  }
0x23e: {  	v5 =	vadd.s32 $0x3, v1  }
0x23f: {  	v6 =	vadd.s32 $0x4, v1;
	v0 =	vld.idx.msk [tilespmem:v1+s26+$0x0], $0xffff  }
0x240: {  	v7 =	vadd.s32 $0x5, v1;
	v8 =	vld.idx.msk [tilespmem:v2+s26+$0x0], $0xffff  }
0x241: {  	s8 =	sand.u32 $0x7, s4;
	s7 =	sshll.u32 s5, $0x2;
	v9 =	vld.idx.msk [tilespmem:v3+s26+$0x0], $0xffff  }
0x242: {  	s8 =	sshll.u32 s8, $0x6;
	s7 =	sand.u32 $0xFFFFF000, s7;
	v3 =	vadd.s32 $0x6, v1;
	v10 =	vld.idx.msk [tilespmem:v4+s26+$0x0], $0xffff  }
0x243: {  	s7 =	sor.u32 s8, s7;
	v5 =	vld.idx.msk [tilespmem:v5+s26+$0x0], $0xffff  }
0x244: {  	s7 =	sshrl.u32 s7, $0x2;
	v4 =	vld.idx.msk [tilespmem:v6+s26+$0x0], $0xffff  }
0x245: {  	s7 =	sadd.s32 $0x11C80, s7;
	v2 =	vld.idx.msk [tilespmem:v7+s26+$0x0], $0xffff  }
0x246: {  	[tilespmem:s7+$0x380] =	vst.add.f32.msk $0xffff, v8  }
0x247: {  	v3 =	vld.idx.msk [tilespmem:v3+s26+$0x0], $0xffff  }
0x248: {  	[tilespmem:s7+$0x80] =	vst.add.f32.msk $0xffff, v9  }
0x249: {  	[tilespmem:s7+$0x100] =	vst.add.f32.msk $0xffff, v10  }
0x24a: {  	s8 =	simm.s32 $0x0;
	v1 =	vadd.s32 $0x8, v1;
	[tilespmem:s7+$0x180] =	vst.add.f32.msk $0xffff, v5  }
.LBB2_35:
0x24b: {  	v5 =	vadd.s32 $0x1, v1;
	v6 =	vadd.s32 $0x2, v1;
	v7 =	vadd.s32 $0x7, v1;
	s8 =	sadd.s32 $0x8, s8;
	[tilespmem:s7+$0x200] =	vst.add.f32.msk $0xffff, v4  }
0x24c: {  	v4 =	vadd.s32 $0x3, v1;
	v8 =	vadd.s32 $0x4, v1;
	v9 =	vadd.s32 $0x5, v1;
	p0 =	slt.u32 s8, $0x78;
	[tilespmem:s7+$0x280] =	vst.add.f32.msk $0xffff, v2  }
0x24d: {  	v10 =	vadd.s32 $0x6, v1;
	[tilespmem:s7+$0x300] =	vst.add.f32.msk $0xffff, v3  }
0x24e: {  	[tilespmem:s7+$0x0] =	vst.add.f32.msk $0xffff, v0  }
0x24f: {  	v0 =	vld.idx.msk [tilespmem:v1+s26+$0x0], $0xffff  }
0x250: {  	v3 =	vld.idx.msk [tilespmem:v7+s26+$0x0], $0xffff  }
0x251: {  	v5 =	vld.idx.msk [tilespmem:v5+s26+$0x0], $0xffff  }
0x252: {  	v6 =	vld.idx.msk [tilespmem:v6+s26+$0x0], $0xffff  }
0x253: {  	v7 =	vld.idx.msk [tilespmem:v4+s26+$0x0], $0xffff  }
0x254: {  	v4 =	vld.idx.msk [tilespmem:v8+s26+$0x0], $0xffff  }
0x255: {  	s7 =	sadd.s32 $0x800, s7;
	v2 =	vld.idx.msk [tilespmem:v9+s26+$0x0], $0xffff  }
.Ltmp16:
0x256: {  	[tilespmem:s7+$0x380] =	vst.add.f32.msk $0xffff, v3;
	(pc) =	sbr.rel @p0 .LBB2_35-.Ltmp16, $4  }
0x257: {  	v3 =	vld.idx.msk [tilespmem:v10+s26+$0x0], $0xffff  }
0x258: {  	[tilespmem:s7+$0x80] =	vst.add.f32.msk $0xffff, v5  }
0x259: {  	[tilespmem:s7+$0x100] =	vst.add.f32.msk $0xffff, v6  }
0x25a: {  	v1 =	vadd.s32 $0x8, v1;
	[tilespmem:s7+$0x180] =	vst.add.f32.msk $0xffff, v7  }
0x25b: {  	s6 =	sadd.s32 $0x1, s6  }
0x25c: {  	p0 =	sne.s32 s6, $0x10  }
.Ltmp17:
0x25d: {  	_ = 	snop;
	(pc) =	sbr.rel @p0 .LBB2_34-.Ltmp17, $4  }
0x25e: {  	[tilespmem:s7+$0x200] =	vst.add.f32.msk $0xffff, v4  }
0x25f: {  	[tilespmem:s7+$0x280] =	vst.add.f32.msk $0xffff, v2  }
0x260: {  	[tilespmem:s7+$0x0] =	vst.add.f32.msk $0xffff, v0  }
0x261: {  	s5 =	sadd.s32 $0x80, s5;
	s4 =	sadd.s32 $0x1, s4;
	[tilespmem:s7+$0x300] =	vst.add.f32.msk $0xffff, v3  }
0x262: {  	s4 =	sld [smem:$0x7E4];
	_ =	sdelay $0x2  }
0x263: {  	[hbm4b:s4+s19] =	stream.strided.scatter [tilespmem:s28], [sflag:$0x6], $0x8000, s20, s19, $0x38;
	[tilespmem:$0x19C80] =	vst v63  }
0x264: {  	_ =	swait.ge [sflag:s1], $0x8000  }
0x265: {  	s8 =	sld [smem:$0x7E7]  }
0x266: {  	[sflag:s1] =	ssyncset.done $0x0  }
0x267: {  	[sflag:s1] =	ssyncadd.s32 $0xFFFF8000  }
0x268: {  	[tilespmem:s23], [sflag:$0x2] =	stream.strided.gather [hbm4b:s8+s19], $0x8000, s20, s19, $0x38;
	[tilespmem:$0x19C80] =	vst v63  }
0x269: {  	s4 =	simm.s32 $0x0;
	s5 =	rddreg [dreg:$0xf]  }
0x26a: {  	[tilespmem:s24], [sflag:$0x2] =	stream.linear.gather [hbm4b:s5+s4], $0x100, $0x38;
	[tilespmem:$0x19C80] =	vst v63  }
0x26b: {  	_ =	swait.ge [sflag:s25], $0x8000  }
0x26c: {  	[sflag:s25] =	ssyncset.done $0x0  }
0x26d: {  	[sflag:s25] =	ssyncadd.s32 $0xFFFF8000  }
0x26e: {  	_ =	swait.ge [sflag:s25], $0x100  }
0x26f: {  	[sflag:s25] =	ssyncset.done $0x0  }
0x270: {  	s6 =	simm.s32 $0x0;
	s5 =	simm.s32 $0x0;
	[sflag:s25] =	ssyncadd.s32 $0xFFFFFF00  }
.LBB2_38:
0x271: {  	s7 =	sshll.u32 s6, $0x4  }
0x272: {  	v0 =	vld [tilespmem:s7+$0x1980];
	_ =	sdelay $0x4  }
0x273: {  	v1 =	vmul.u32 $0x81, v0;
	_ =	sdelay $0x1  }
0x274: {  	v2 =	vadd.s32 $0x7, v1  }
0x275: {  	v3 =	vadd.s32 $0x1, v1  }
0x276: {  	v4 =	vadd.s32 $0x2, v1  }
0x277: {  	v5 =	vadd.s32 $0x3, v1  }
0x278: {  	v6 =	vadd.s32 $0x4, v1;
	v0 =	vld.idx.msk [tilespmem:v1+s26+$0x0], $0xffff  }
0x279: {  	v7 =	vadd.s32 $0x5, v1;
	v8 =	vld.idx.msk [tilespmem:v2+s26+$0x0], $0xffff  }
0x27a: {  	s8 =	sand.u32 $0x7, s4;
	s7 =	sshll.u32 s5, $0x2;
	v9 =	vld.idx.msk [tilespmem:v3+s26+$0x0], $0xffff  }
0x27b: {  	s8 =	sshll.u32 s8, $0x6;
	s7 =	sand.u32 $0xFFFFF000, s7;
	v3 =	vadd.s32 $0x6, v1;
	v10 =	vld.idx.msk [tilespmem:v4+s26+$0x0], $0xffff  }
0x27c: {  	s7 =	sor.u32 s8, s7;
	v5 =	vld.idx.msk [tilespmem:v5+s26+$0x0], $0xffff  }
0x27d: {  	s7 =	sshrl.u32 s7, $0x2;
	v4 =	vld.idx.msk [tilespmem:v6+s26+$0x0], $0xffff  }
0x27e: {  	s7 =	sadd.s32 $0x1C80, s7;
	v2 =	vld.idx.msk [tilespmem:v7+s26+$0x0], $0xffff  }
0x27f: {  	[tilespmem:s7+$0x380] =	vst.add.f32.msk $0xffff, v8  }
0x280: {  	v3 =	vld.idx.msk [tilespmem:v3+s26+$0x0], $0xffff  }
0x281: {  	[tilespmem:s7+$0x80] =	vst.add.f32.msk $0xffff, v9  }
0x282: {  	[tilespmem:s7+$0x100] =	vst.add.f32.msk $0xffff, v10  }
0x283: {  	s8 =	simm.s32 $0x0;
	v1 =	vadd.s32 $0x8, v1;
	[tilespmem:s7+$0x180] =	vst.add.f32.msk $0xffff, v5  }
.LBB2_39:
0x284: {  	v5 =	vadd.s32 $0x1, v1;
	v6 =	vadd.s32 $0x2, v1;
	v7 =	vadd.s32 $0x7, v1;
	s8 =	sadd.s32 $0x8, s8;
	[tilespmem:s7+$0x200] =	vst.add.f32.msk $0xffff, v4  }
0x285: {  	v4 =	vadd.s32 $0x3, v1;
	v8 =	vadd.s32 $0x4, v1;
	v9 =	vadd.s32 $0x5, v1;
	p0 =	slt.u32 s8, $0x78;
	[tilespmem:s7+$0x280] =	vst.add.f32.msk $0xffff, v2  }
0x286: {  	v10 =	vadd.s32 $0x6, v1;
	[tilespmem:s7+$0x300] =	vst.add.f32.msk $0xffff, v3  }
0x287: {  	[tilespmem:s7+$0x0] =	vst.add.f32.msk $0xffff, v0  }
0x288: {  	v0 =	vld.idx.msk [tilespmem:v1+s26+$0x0], $0xffff  }
0x289: {  	v3 =	vld.idx.msk [tilespmem:v7+s26+$0x0], $0xffff  }
0x28a: {  	v5 =	vld.idx.msk [tilespmem:v5+s26+$0x0], $0xffff  }
0x28b: {  	v6 =	vld.idx.msk [tilespmem:v6+s26+$0x0], $0xffff  }
0x28c: {  	v7 =	vld.idx.msk [tilespmem:v4+s26+$0x0], $0xffff  }
0x28d: {  	v4 =	vld.idx.msk [tilespmem:v8+s26+$0x0], $0xffff  }
0x28e: {  	s7 =	sadd.s32 $0x800, s7;
	v2 =	vld.idx.msk [tilespmem:v9+s26+$0x0], $0xffff  }
.Ltmp18:
0x28f: {  	[tilespmem:s7+$0x380] =	vst.add.f32.msk $0xffff, v3;
	(pc) =	sbr.rel @p0 .LBB2_39-.Ltmp18, $4  }
0x290: {  	v3 =	vld.idx.msk [tilespmem:v10+s26+$0x0], $0xffff  }
0x291: {  	[tilespmem:s7+$0x80] =	vst.add.f32.msk $0xffff, v5  }
0x292: {  	[tilespmem:s7+$0x100] =	vst.add.f32.msk $0xffff, v6  }
0x293: {  	v1 =	vadd.s32 $0x8, v1;
	[tilespmem:s7+$0x180] =	vst.add.f32.msk $0xffff, v7  }
0x294: {  	s6 =	sadd.s32 $0x1, s6  }
0x295: {  	p0 =	sne.s32 s6, $0x10  }
.Ltmp19:
0x296: {  	_ = 	snop;
	(pc) =	sbr.rel @p0 .LBB2_38-.Ltmp19, $4  }
0x297: {  	[tilespmem:s7+$0x200] =	vst.add.f32.msk $0xffff, v4  }
0x298: {  	[tilespmem:s7+$0x280] =	vst.add.f32.msk $0xffff, v2  }
0x299: {  	[tilespmem:s7+$0x0] =	vst.add.f32.msk $0xffff, v0  }
0x29a: {  	s5 =	sadd.s32 $0x80, s5;
	s4 =	sadd.s32 $0x1, s4;
	[tilespmem:s7+$0x300] =	vst.add.f32.msk $0xffff, v3  }
0x29b: {  	s4 =	sld [smem:$0x7E6];
	_ =	sdelay $0x2  }
0x29c: {  	[hbm4b:s4+s19] =	stream.strided.scatter [tilespmem:s21], [sflag:$0x4], $0x8000, s20, s19, $0x38;
	[tilespmem:$0x19C80] =	vst v63  }
0x29d: {  	_ =	swait.ge [sflag:s2], $0x8000  }
0x29e: {  	s8 =	sld [smem:$0x7E9]  }
0x29f: {  	[sflag:s2] =	ssyncset.done $0x0  }
0x2a0: {  	[sflag:s2] =	ssyncadd.s32 $0xFFFF8000  }
0x2a1: {  	[tilespmem:s28], [sflag:$0x3] =	stream.strided.gather [hbm4b:s8+s19], $0x8000, s20, s19, $0x38;
	[tilespmem:$0x19C80] =	vst v63  }
0x2a2: {  	s4 =	simm.s32 $0x0;
	s5 =	rddreg [dreg:$0x10]  }
0x2a3: {  	[tilespmem:s29], [sflag:$0x3] =	stream.linear.gather [hbm4b:s5+s4], $0x100, $0x38;
	[tilespmem:$0x19C80] =	vst v63  }
0x2a4: {  	_ =	swait.ge [sflag:s30], $0x8000  }
0x2a5: {  	[sflag:s30] =	ssyncset.done $0x0  }
0x2a6: {  	[sflag:s30] =	ssyncadd.s32 $0xFFFF8000  }
0x2a7: {  	_ =	swait.ge [sflag:s30], $0x100  }
0x2a8: {  	[sflag:s30] =	ssyncset.done $0x0  }
0x2a9: {  	s6 =	simm.s32 $0x0;
	s5 =	simm.s32 $0x0;
	[sflag:s30] =	ssyncadd.s32 $0xFFFFFF00  }
.LBB2_42:
0x2aa: {  	s7 =	sshll.u32 s6, $0x4  }
0x2ab: {  	v0 =	vld [tilespmem:s7+$0x1A80];
	_ =	sdelay $0x4  }
0x2ac: {  	v1 =	vmul.u32 $0x81, v0;
	_ =	sdelay $0x1  }
0x2ad: {  	v2 =	vadd.s32 $0x7, v1  }
0x2ae: {  	v3 =	vadd.s32 $0x1, v1  }
0x2af: {  	v4 =	vadd.s32 $0x2, v1  }
0x2b0: {  	v5 =	vadd.s32 $0x3, v1  }
0x2b1: {  	v6 =	vadd.s32 $0x4, v1;
	v0 =	vld.idx.msk [tilespmem:v1+s26+$0x0], $0xffff  }
0x2b2: {  	v7 =	vadd.s32 $0x5, v1;
	v8 =	vld.idx.msk [tilespmem:v2+s26+$0x0], $0xffff  }
0x2b3: {  	s8 =	sand.u32 $0x7, s4;
	s7 =	sshll.u32 s5, $0x2;
	v9 =	vld.idx.msk [tilespmem:v3+s26+$0x0], $0xffff  }
0x2b4: {  	s8 =	sshll.u32 s8, $0x6;
	s7 =	sand.u32 $0xFFFFF000, s7;
	v3 =	vadd.s32 $0x6, v1;
	v10 =	vld.idx.msk [tilespmem:v4+s26+$0x0], $0xffff  }
0x2b5: {  	s7 =	sor.u32 s8, s7;
	v5 =	vld.idx.msk [tilespmem:v5+s26+$0x0], $0xffff  }
0x2b6: {  	s7 =	sshrl.u32 s7, $0x2;
	v4 =	vld.idx.msk [tilespmem:v6+s26+$0x0], $0xffff  }
0x2b7: {  	s7 =	sadd.s32 $0x9C80, s7;
	v2 =	vld.idx.msk [tilespmem:v7+s26+$0x0], $0xffff  }
0x2b8: {  	[tilespmem:s7+$0x380] =	vst.add.f32.msk $0xffff, v8  }
0x2b9: {  	v3 =	vld.idx.msk [tilespmem:v3+s26+$0x0], $0xffff  }
0x2ba: {  	[tilespmem:s7+$0x80] =	vst.add.f32.msk $0xffff, v9  }
0x2bb: {  	[tilespmem:s7+$0x100] =	vst.add.f32.msk $0xffff, v10  }
0x2bc: {  	s8 =	simm.s32 $0x0;
	v1 =	vadd.s32 $0x8, v1;
	[tilespmem:s7+$0x180] =	vst.add.f32.msk $0xffff, v5  }
.LBB2_43:
0x2bd: {  	v5 =	vadd.s32 $0x1, v1;
	v6 =	vadd.s32 $0x2, v1;
	v7 =	vadd.s32 $0x7, v1;
	s8 =	sadd.s32 $0x8, s8;
	[tilespmem:s7+$0x200] =	vst.add.f32.msk $0xffff, v4  }
0x2be: {  	v4 =	vadd.s32 $0x3, v1;
	v8 =	vadd.s32 $0x4, v1;
	v9 =	vadd.s32 $0x5, v1;
	p0 =	slt.u32 s8, $0x78;
	[tilespmem:s7+$0x280] =	vst.add.f32.msk $0xffff, v2  }
0x2bf: {  	v10 =	vadd.s32 $0x6, v1;
	[tilespmem:s7+$0x300] =	vst.add.f32.msk $0xffff, v3  }
0x2c0: {  	[tilespmem:s7+$0x0] =	vst.add.f32.msk $0xffff, v0  }
0x2c1: {  	v0 =	vld.idx.msk [tilespmem:v1+s26+$0x0], $0xffff  }
0x2c2: {  	v3 =	vld.idx.msk [tilespmem:v7+s26+$0x0], $0xffff  }
0x2c3: {  	v5 =	vld.idx.msk [tilespmem:v5+s26+$0x0], $0xffff  }
0x2c4: {  	v6 =	vld.idx.msk [tilespmem:v6+s26+$0x0], $0xffff  }
0x2c5: {  	v7 =	vld.idx.msk [tilespmem:v4+s26+$0x0], $0xffff  }
0x2c6: {  	v4 =	vld.idx.msk [tilespmem:v8+s26+$0x0], $0xffff  }
0x2c7: {  	s7 =	sadd.s32 $0x800, s7;
	v2 =	vld.idx.msk [tilespmem:v9+s26+$0x0], $0xffff  }
.Ltmp20:
0x2c8: {  	[tilespmem:s7+$0x380] =	vst.add.f32.msk $0xffff, v3;
	(pc) =	sbr.rel @p0 .LBB2_43-.Ltmp20, $4  }
0x2c9: {  	v3 =	vld.idx.msk [tilespmem:v10+s26+$0x0], $0xffff  }
0x2ca: {  	[tilespmem:s7+$0x80] =	vst.add.f32.msk $0xffff, v5  }
0x2cb: {  	[tilespmem:s7+$0x100] =	vst.add.f32.msk $0xffff, v6  }
0x2cc: {  	v1 =	vadd.s32 $0x8, v1;
	[tilespmem:s7+$0x180] =	vst.add.f32.msk $0xffff, v7  }
0x2cd: {  	s6 =	sadd.s32 $0x1, s6  }
0x2ce: {  	p0 =	sne.s32 s6, $0x10  }
.Ltmp21:
0x2cf: {  	_ = 	snop;
	(pc) =	sbr.rel @p0 .LBB2_42-.Ltmp21, $4  }
0x2d0: {  	[tilespmem:s7+$0x200] =	vst.add.f32.msk $0xffff, v4  }
0x2d1: {  	[tilespmem:s7+$0x280] =	vst.add.f32.msk $0xffff, v2  }
0x2d2: {  	[tilespmem:s7+$0x0] =	vst.add.f32.msk $0xffff, v0  }
0x2d3: {  	s5 =	sadd.s32 $0x80, s5;
	s4 =	sadd.s32 $0x1, s4;
	[tilespmem:s7+$0x300] =	vst.add.f32.msk $0xffff, v3  }
0x2d4: {  	s4 =	sld [smem:$0x7E8];
	_ =	sdelay $0x2  }
0x2d5: {  	[hbm4b:s4+s19] =	stream.strided.scatter [tilespmem:s23], [sflag:$0x5], $0x8000, s20, s19, $0x38;
	[tilespmem:$0x19C80] =	vst v63  }
0x2d6: {  	_ =	swait.ge [sflag:s31], $0x8000  }
0x2d7: {  	s8 =	sld [smem:$0x7EB]  }
0x2d8: {  	[sflag:s31] =	ssyncset.done $0x0  }
0x2d9: {  	[sflag:s31] =	ssyncadd.s32 $0xFFFF8000  }
0x2da: {  	[tilespmem:s21], [sflag:$0x1] =	stream.strided.gather [hbm4b:s8+s19], $0x8000, s20, s19, $0x38;
	[tilespmem:$0x19C80] =	vst v63  }
0x2db: {  	s4 =	simm.s32 $0x0;
	s5 =	rddreg [dreg:$0x11]  }
0x2dc: {  	[tilespmem:s22], [sflag:$0x1] =	stream.linear.gather [hbm4b:s5+s4], $0x100, $0x38;
	[tilespmem:$0x19C80] =	vst v63  }
0x2dd: {  	_ =	swait.ge [sflag:s0], $0x8000  }
0x2de: {  	[sflag:s0] =	ssyncset.done $0x0  }
0x2df: {  	[sflag:s0] =	ssyncadd.s32 $0xFFFF8000  }
0x2e0: {  	_ =	swait.ge [sflag:s0], $0x100  }
0x2e1: {  	[sflag:s0] =	ssyncset.done $0x0  }
0x2e2: {  	s6 =	simm.s32 $0x0;
	s5 =	simm.s32 $0x0;
	[sflag:s0] =	ssyncadd.s32 $0xFFFFFF00  }
.LBB2_46:
0x2e3: {  	s7 =	sshll.u32 s6, $0x4  }
0x2e4: {  	v0 =	vld [tilespmem:s7+$0x1B80];
	_ =	sdelay $0x4  }
0x2e5: {  	v1 =	vmul.u32 $0x81, v0;
	_ =	sdelay $0x1  }
0x2e6: {  	v2 =	vadd.s32 $0x7, v1  }
0x2e7: {  	v3 =	vadd.s32 $0x1, v1  }
0x2e8: {  	v4 =	vadd.s32 $0x2, v1  }
0x2e9: {  	v5 =	vadd.s32 $0x3, v1  }
0x2ea: {  	v6 =	vadd.s32 $0x4, v1;
	v0 =	vld.idx.msk [tilespmem:v1+s26+$0x0], $0xffff  }
0x2eb: {  	v7 =	vadd.s32 $0x5, v1;
	v8 =	vld.idx.msk [tilespmem:v2+s26+$0x0], $0xffff  }
0x2ec: {  	s8 =	sand.u32 $0x7, s4;
	s7 =	sshll.u32 s5, $0x2;
	v9 =	vld.idx.msk [tilespmem:v3+s26+$0x0], $0xffff  }
0x2ed: {  	s8 =	sshll.u32 s8, $0x6;
	s7 =	sand.u32 $0xFFFFF000, s7;
	v3 =	vadd.s32 $0x6, v1;
	v10 =	vld.idx.msk [tilespmem:v4+s26+$0x0], $0xffff  }
0x2ee: {  	s7 =	sor.u32 s8, s7;
	v5 =	vld.idx.msk [tilespmem:v5+s26+$0x0], $0xffff  }
0x2ef: {  	s7 =	sshrl.u32 s7, $0x2;
	v4 =	vld.idx.msk [tilespmem:v6+s26+$0x0], $0xffff  }
0x2f0: {  	s7 =	sadd.s32 $0x11C80, s7;
	v2 =	vld.idx.msk [tilespmem:v7+s26+$0x0], $0xffff  }
0x2f1: {  	[tilespmem:s7+$0x380] =	vst.add.f32.msk $0xffff, v8  }
0x2f2: {  	v3 =	vld.idx.msk [tilespmem:v3+s26+$0x0], $0xffff  }
0x2f3: {  	[tilespmem:s7+$0x80] =	vst.add.f32.msk $0xffff, v9  }
0x2f4: {  	[tilespmem:s7+$0x100] =	vst.add.f32.msk $0xffff, v10  }
0x2f5: {  	s8 =	simm.s32 $0x0;
	v1 =	vadd.s32 $0x8, v1;
	[tilespmem:s7+$0x180] =	vst.add.f32.msk $0xffff, v5  }
.LBB2_47:
0x2f6: {  	v5 =	vadd.s32 $0x1, v1;
	v6 =	vadd.s32 $0x2, v1;
	v7 =	vadd.s32 $0x7, v1;
	s8 =	sadd.s32 $0x8, s8;
	[tilespmem:s7+$0x200] =	vst.add.f32.msk $0xffff, v4  }
0x2f7: {  	v4 =	vadd.s32 $0x3, v1;
	v8 =	vadd.s32 $0x4, v1;
	v9 =	vadd.s32 $0x5, v1;
	p0 =	slt.u32 s8, $0x78;
	[tilespmem:s7+$0x280] =	vst.add.f32.msk $0xffff, v2  }
0x2f8: {  	v10 =	vadd.s32 $0x6, v1;
	[tilespmem:s7+$0x300] =	vst.add.f32.msk $0xffff, v3  }
0x2f9: {  	[tilespmem:s7+$0x0] =	vst.add.f32.msk $0xffff, v0  }
0x2fa: {  	v0 =	vld.idx.msk [tilespmem:v1+s26+$0x0], $0xffff  }
0x2fb: {  	v3 =	vld.idx.msk [tilespmem:v7+s26+$0x0], $0xffff  }
0x2fc: {  	v5 =	vld.idx.msk [tilespmem:v5+s26+$0x0], $0xffff  }
0x2fd: {  	v6 =	vld.idx.msk [tilespmem:v6+s26+$0x0], $0xffff  }
0x2fe: {  	v7 =	vld.idx.msk [tilespmem:v4+s26+$0x0], $0xffff  }
0x2ff: {  	v4 =	vld.idx.msk [tilespmem:v8+s26+$0x0], $0xffff  }
0x300: {  	s7 =	sadd.s32 $0x800, s7;
	v2 =	vld.idx.msk [tilespmem:v9+s26+$0x0], $0xffff  }
.Ltmp22:
0x301: {  	[tilespmem:s7+$0x380] =	vst.add.f32.msk $0xffff, v3;
	(pc) =	sbr.rel @p0 .LBB2_47-.Ltmp22, $4  }
0x302: {  	v3 =	vld.idx.msk [tilespmem:v10+s26+$0x0], $0xffff  }
0x303: {  	[tilespmem:s7+$0x80] =	vst.add.f32.msk $0xffff, v5  }
0x304: {  	[tilespmem:s7+$0x100] =	vst.add.f32.msk $0xffff, v6  }
0x305: {  	v1 =	vadd.s32 $0x8, v1;
	[tilespmem:s7+$0x180] =	vst.add.f32.msk $0xffff, v7  }
0x306: {  	s6 =	sadd.s32 $0x1, s6  }
0x307: {  	p0 =	sne.s32 s6, $0x10  }
.Ltmp23:
0x308: {  	_ = 	snop;
	(pc) =	sbr.rel @p0 .LBB2_46-.Ltmp23, $4  }
0x309: {  	[tilespmem:s7+$0x200] =	vst.add.f32.msk $0xffff, v4  }
0x30a: {  	[tilespmem:s7+$0x280] =	vst.add.f32.msk $0xffff, v2  }
0x30b: {  	[tilespmem:s7+$0x0] =	vst.add.f32.msk $0xffff, v0  }
0x30c: {  	s5 =	sadd.s32 $0x80, s5;
	s4 =	sadd.s32 $0x1, s4;
	[tilespmem:s7+$0x300] =	vst.add.f32.msk $0xffff, v3  }
0x30d: {  	s4 =	sld [smem:$0x7EA];
	_ =	sdelay $0x2  }
0x30e: {  	[hbm4b:s4+s19] =	stream.strided.scatter [tilespmem:s28], [sflag:$0x6], $0x8000, s20, s19, $0x38;
	[tilespmem:$0x19C80] =	vst v63  }
0x30f: {  	_ =	swait.ge [sflag:s1], $0x8000  }
0x310: {  	s8 =	sld [smem:$0x7ED]  }
0x311: {  	[sflag:s1] =	ssyncset.done $0x0  }
0x312: {  	[sflag:s1] =	ssyncadd.s32 $0xFFFF8000  }
0x313: {  	[tilespmem:s23], [sflag:$0x2] =	stream.strided.gather [hbm4b:s8+s19], $0x8000, s20, s19, $0x38;
	[tilespmem:$0x19C80] =	vst v63  }
0x314: {  	s4 =	simm.s32 $0x0;
	s5 =	rddreg [dreg:$0x12]  }
0x315: {  	[tilespmem:s24], [sflag:$0x2] =	stream.linear.gather [hbm4b:s5+s4], $0x100, $0x38;
	[tilespmem:$0x19C80] =	vst v63  }
0x316: {  	_ =	swait.ge [sflag:s25], $0x8000  }
0x317: {  	[sflag:s25] =	ssyncset.done $0x0  }
0x318: {  	[sflag:s25] =	ssyncadd.s32 $0xFFFF8000  }
0x319: {  	_ =	swait.ge [sflag:s25], $0x100  }
0x31a: {  	[sflag:s25] =	ssyncset.done $0x0  }
0x31b: {  	s6 =	simm.s32 $0x0;
	s5 =	simm.s32 $0x0;
	[sflag:s25] =	ssyncadd.s32 $0xFFFFFF00  }
.LBB2_50:
0x31c: {  	s7 =	sshll.u32 s6, $0x4  }
0x31d: {  	v0 =	vld [tilespmem:s7+$0x1980];
	_ =	sdelay $0x4  }
0x31e: {  	v1 =	vmul.u32 $0x81, v0;
	_ =	sdelay $0x1  }
0x31f: {  	v2 =	vadd.s32 $0x7, v1  }
0x320: {  	v3 =	vadd.s32 $0x1, v1  }
0x321: {  	v4 =	vadd.s32 $0x2, v1  }
0x322: {  	v5 =	vadd.s32 $0x3, v1  }
0x323: {  	v6 =	vadd.s32 $0x4, v1;
	v0 =	vld.idx.msk [tilespmem:v1+s26+$0x0], $0xffff  }
0x324: {  	v7 =	vadd.s32 $0x5, v1;
	v8 =	vld.idx.msk [tilespmem:v2+s26+$0x0], $0xffff  }
0x325: {  	s8 =	sand.u32 $0x7, s4;
	s7 =	sshll.u32 s5, $0x2;
	v9 =	vld.idx.msk [tilespmem:v3+s26+$0x0], $0xffff  }
0x326: {  	s8 =	sshll.u32 s8, $0x6;
	s7 =	sand.u32 $0xFFFFF000, s7;
	v3 =	vadd.s32 $0x6, v1;
	v10 =	vld.idx.msk [tilespmem:v4+s26+$0x0], $0xffff  }
0x327: {  	s7 =	sor.u32 s8, s7;
	v5 =	vld.idx.msk [tilespmem:v5+s26+$0x0], $0xffff  }
0x328: {  	s7 =	sshrl.u32 s7, $0x2;
	v4 =	vld.idx.msk [tilespmem:v6+s26+$0x0], $0xffff  }
0x329: {  	s7 =	sadd.s32 $0x1C80, s7;
	v2 =	vld.idx.msk [tilespmem:v7+s26+$0x0], $0xffff  }
0x32a: {  	[tilespmem:s7+$0x380] =	vst.add.f32.msk $0xffff, v8  }
0x32b: {  	v3 =	vld.idx.msk [tilespmem:v3+s26+$0x0], $0xffff  }
0x32c: {  	[tilespmem:s7+$0x80] =	vst.add.f32.msk $0xffff, v9  }
0x32d: {  	[tilespmem:s7+$0x100] =	vst.add.f32.msk $0xffff, v10  }
0x32e: {  	s8 =	simm.s32 $0x0;
	v1 =	vadd.s32 $0x8, v1;
	[tilespmem:s7+$0x180] =	vst.add.f32.msk $0xffff, v5  }
.LBB2_51:
0x32f: {  	v5 =	vadd.s32 $0x1, v1;
	v6 =	vadd.s32 $0x2, v1;
	v7 =	vadd.s32 $0x7, v1;
	s8 =	sadd.s32 $0x8, s8;
	[tilespmem:s7+$0x200] =	vst.add.f32.msk $0xffff, v4  }
0x330: {  	v4 =	vadd.s32 $0x3, v1;
	v8 =	vadd.s32 $0x4, v1;
	v9 =	vadd.s32 $0x5, v1;
	p0 =	slt.u32 s8, $0x78;
	[tilespmem:s7+$0x280] =	vst.add.f32.msk $0xffff, v2  }
0x331: {  	v10 =	vadd.s32 $0x6, v1;
	[tilespmem:s7+$0x300] =	vst.add.f32.msk $0xffff, v3  }
0x332: {  	[tilespmem:s7+$0x0] =	vst.add.f32.msk $0xffff, v0  }
0x333: {  	v0 =	vld.idx.msk [tilespmem:v1+s26+$0x0], $0xffff  }
0x334: {  	v3 =	vld.idx.msk [tilespmem:v7+s26+$0x0], $0xffff  }
0x335: {  	v5 =	vld.idx.msk [tilespmem:v5+s26+$0x0], $0xffff  }
0x336: {  	v6 =	vld.idx.msk [tilespmem:v6+s26+$0x0], $0xffff  }
0x337: {  	v7 =	vld.idx.msk [tilespmem:v4+s26+$0x0], $0xffff  }
0x338: {  	v4 =	vld.idx.msk [tilespmem:v8+s26+$0x0], $0xffff  }
0x339: {  	s7 =	sadd.s32 $0x800, s7;
	v2 =	vld.idx.msk [tilespmem:v9+s26+$0x0], $0xffff  }
.Ltmp24:
0x33a: {  	[tilespmem:s7+$0x380] =	vst.add.f32.msk $0xffff, v3;
	(pc) =	sbr.rel @p0 .LBB2_51-.Ltmp24, $4  }
0x33b: {  	v3 =	vld.idx.msk [tilespmem:v10+s26+$0x0], $0xffff  }
0x33c: {  	[tilespmem:s7+$0x80] =	vst.add.f32.msk $0xffff, v5  }
0x33d: {  	[tilespmem:s7+$0x100] =	vst.add.f32.msk $0xffff, v6  }
0x33e: {  	v1 =	vadd.s32 $0x8, v1;
	[tilespmem:s7+$0x180] =	vst.add.f32.msk $0xffff, v7  }
0x33f: {  	s6 =	sadd.s32 $0x1, s6  }
0x340: {  	p0 =	sne.s32 s6, $0x10  }
.Ltmp25:
0x341: {  	_ = 	snop;
	(pc) =	sbr.rel @p0 .LBB2_50-.Ltmp25, $4  }
0x342: {  	[tilespmem:s7+$0x200] =	vst.add.f32.msk $0xffff, v4  }
0x343: {  	[tilespmem:s7+$0x280] =	vst.add.f32.msk $0xffff, v2  }
0x344: {  	[tilespmem:s7+$0x0] =	vst.add.f32.msk $0xffff, v0  }
0x345: {  	s5 =	sadd.s32 $0x80, s5;
	s4 =	sadd.s32 $0x1, s4;
	[tilespmem:s7+$0x300] =	vst.add.f32.msk $0xffff, v3  }
0x346: {  	s4 =	sld [smem:$0x7EC];
	_ =	sdelay $0x2  }
0x347: {  	[hbm4b:s4+s19] =	stream.strided.scatter [tilespmem:s21], [sflag:$0x4], $0x8000, s20, s19, $0x38;
	[tilespmem:$0x19C80] =	vst v63  }
0x348: {  	_ =	swait.ge [sflag:s2], $0x8000  }
0x349: {  	s8 =	sld [smem:$0x7EF]  }
0x34a: {  	[sflag:s2] =	ssyncset.done $0x0  }
0x34b: {  	[sflag:s2] =	ssyncadd.s32 $0xFFFF8000  }
0x34c: {  	[tilespmem:s28], [sflag:$0x3] =	stream.strided.gather [hbm4b:s8+s19], $0x8000, s20, s19, $0x38;
	[tilespmem:$0x19C80] =	vst v63  }
0x34d: {  	s4 =	simm.s32 $0x0;
	s5 =	rddreg [dreg:$0x13]  }
0x34e: {  	[tilespmem:s29], [sflag:$0x3] =	stream.linear.gather [hbm4b:s5+s4], $0x100, $0x38;
	[tilespmem:$0x19C80] =	vst v63  }
0x34f: {  	_ =	swait.ge [sflag:s30], $0x8000  }
0x350: {  	[sflag:s30] =	ssyncset.done $0x0  }
0x351: {  	[sflag:s30] =	ssyncadd.s32 $0xFFFF8000  }
0x352: {  	_ =	swait.ge [sflag:s30], $0x100  }
0x353: {  	[sflag:s30] =	ssyncset.done $0x0  }
0x354: {  	s6 =	simm.s32 $0x0;
	s5 =	simm.s32 $0x0;
	[sflag:s30] =	ssyncadd.s32 $0xFFFFFF00  }
.LBB2_54:
0x355: {  	s7 =	sshll.u32 s6, $0x4  }
0x356: {  	v0 =	vld [tilespmem:s7+$0x1A80];
	_ =	sdelay $0x4  }
0x357: {  	v1 =	vmul.u32 $0x81, v0;
	_ =	sdelay $0x1  }
0x358: {  	v2 =	vadd.s32 $0x7, v1  }
0x359: {  	v3 =	vadd.s32 $0x1, v1  }
0x35a: {  	v4 =	vadd.s32 $0x2, v1  }
0x35b: {  	v5 =	vadd.s32 $0x3, v1  }
0x35c: {  	v6 =	vadd.s32 $0x4, v1;
	v0 =	vld.idx.msk [tilespmem:v1+s26+$0x0], $0xffff  }
0x35d: {  	v7 =	vadd.s32 $0x5, v1;
	v8 =	vld.idx.msk [tilespmem:v2+s26+$0x0], $0xffff  }
0x35e: {  	s8 =	sand.u32 $0x7, s4;
	s7 =	sshll.u32 s5, $0x2;
	v9 =	vld.idx.msk [tilespmem:v3+s26+$0x0], $0xffff  }
0x35f: {  	s8 =	sshll.u32 s8, $0x6;
	s7 =	sand.u32 $0xFFFFF000, s7;
	v3 =	vadd.s32 $0x6, v1;
	v10 =	vld.idx.msk [tilespmem:v4+s26+$0x0], $0xffff  }
0x360: {  	s7 =	sor.u32 s8, s7;
	v5 =	vld.idx.msk [tilespmem:v5+s26+$0x0], $0xffff  }
0x361: {  	s7 =	sshrl.u32 s7, $0x2;
	v4 =	vld.idx.msk [tilespmem:v6+s26+$0x0], $0xffff  }
0x362: {  	s7 =	sadd.s32 $0x9C80, s7;
	v2 =	vld.idx.msk [tilespmem:v7+s26+$0x0], $0xffff  }
0x363: {  	[tilespmem:s7+$0x380] =	vst.add.f32.msk $0xffff, v8  }
0x364: {  	v3 =	vld.idx.msk [tilespmem:v3+s26+$0x0], $0xffff  }
0x365: {  	[tilespmem:s7+$0x80] =	vst.add.f32.msk $0xffff, v9  }
0x366: {  	[tilespmem:s7+$0x100] =	vst.add.f32.msk $0xffff, v10  }
0x367: {  	s8 =	simm.s32 $0x0;
	v1 =	vadd.s32 $0x8, v1;
	[tilespmem:s7+$0x180] =	vst.add.f32.msk $0xffff, v5  }
.LBB2_55:
0x368: {  	v5 =	vadd.s32 $0x1, v1;
	v6 =	vadd.s32 $0x2, v1;
	v7 =	vadd.s32 $0x7, v1;
	s8 =	sadd.s32 $0x8, s8;
	[tilespmem:s7+$0x200] =	vst.add.f32.msk $0xffff, v4  }
0x369: {  	v4 =	vadd.s32 $0x3, v1;
	v8 =	vadd.s32 $0x4, v1;
	v9 =	vadd.s32 $0x5, v1;
	p0 =	slt.u32 s8, $0x78;
	[tilespmem:s7+$0x280] =	vst.add.f32.msk $0xffff, v2  }
0x36a: {  	v10 =	vadd.s32 $0x6, v1;
	[tilespmem:s7+$0x300] =	vst.add.f32.msk $0xffff, v3  }
0x36b: {  	[tilespmem:s7+$0x0] =	vst.add.f32.msk $0xffff, v0  }
0x36c: {  	v0 =	vld.idx.msk [tilespmem:v1+s26+$0x0], $0xffff  }
0x36d: {  	v3 =	vld.idx.msk [tilespmem:v7+s26+$0x0], $0xffff  }
0x36e: {  	v5 =	vld.idx.msk [tilespmem:v5+s26+$0x0], $0xffff  }
0x36f: {  	v6 =	vld.idx.msk [tilespmem:v6+s26+$0x0], $0xffff  }
0x370: {  	v7 =	vld.idx.msk [tilespmem:v4+s26+$0x0], $0xffff  }
0x371: {  	v4 =	vld.idx.msk [tilespmem:v8+s26+$0x0], $0xffff  }
0x372: {  	s7 =	sadd.s32 $0x800, s7;
	v2 =	vld.idx.msk [tilespmem:v9+s26+$0x0], $0xffff  }
.Ltmp26:
0x373: {  	[tilespmem:s7+$0x380] =	vst.add.f32.msk $0xffff, v3;
	(pc) =	sbr.rel @p0 .LBB2_55-.Ltmp26, $4  }
0x374: {  	v3 =	vld.idx.msk [tilespmem:v10+s26+$0x0], $0xffff  }
0x375: {  	[tilespmem:s7+$0x80] =	vst.add.f32.msk $0xffff, v5  }
0x376: {  	[tilespmem:s7+$0x100] =	vst.add.f32.msk $0xffff, v6  }
0x377: {  	v1 =	vadd.s32 $0x8, v1;
	[tilespmem:s7+$0x180] =	vst.add.f32.msk $0xffff, v7  }
0x378: {  	s6 =	sadd.s32 $0x1, s6  }
0x379: {  	p0 =	sne.s32 s6, $0x10  }
.Ltmp27:
0x37a: {  	_ = 	snop;
	(pc) =	sbr.rel @p0 .LBB2_54-.Ltmp27, $4  }
0x37b: {  	[tilespmem:s7+$0x200] =	vst.add.f32.msk $0xffff, v4  }
0x37c: {  	[tilespmem:s7+$0x280] =	vst.add.f32.msk $0xffff, v2  }
0x37d: {  	[tilespmem:s7+$0x0] =	vst.add.f32.msk $0xffff, v0  }
0x37e: {  	s5 =	sadd.s32 $0x80, s5;
	s4 =	sadd.s32 $0x1, s4;
	[tilespmem:s7+$0x300] =	vst.add.f32.msk $0xffff, v3  }
0x37f: {  	s4 =	sld [smem:$0x7EE];
	_ =	sdelay $0x2  }
0x380: {  	[hbm4b:s4+s19] =	stream.strided.scatter [tilespmem:s23], [sflag:$0x5], $0x8000, s20, s19, $0x38;
	[tilespmem:$0x19C80] =	vst v63  }
0x381: {  	_ =	swait.ge [sflag:s31], $0x8000  }
0x382: {  	s8 =	sld [smem:$0x7F1]  }
0x383: {  	[sflag:s31] =	ssyncset.done $0x0  }
0x384: {  	[sflag:s31] =	ssyncadd.s32 $0xFFFF8000  }
0x385: {  	[tilespmem:s21], [sflag:$0x1] =	stream.strided.gather [hbm4b:s8+s19], $0x8000, s20, s19, $0x38;
	[tilespmem:$0x19C80] =	vst v63  }
0x386: {  	s4 =	simm.s32 $0x0;
	s5 =	rddreg [dreg:$0x14]  }
0x387: {  	[tilespmem:s22], [sflag:$0x1] =	stream.linear.gather [hbm4b:s5+s4], $0x100, $0x38;
	[tilespmem:$0x19C80] =	vst v63  }
0x388: {  	_ =	swait.ge [sflag:s0], $0x8000  }
0x389: {  	[sflag:s0] =	ssyncset.done $0x0  }
0x38a: {  	[sflag:s0] =	ssyncadd.s32 $0xFFFF8000  }
0x38b: {  	_ =	swait.ge [sflag:s0], $0x100  }
0x38c: {  	[sflag:s0] =	ssyncset.done $0x0  }
0x38d: {  	s6 =	simm.s32 $0x0;
	s5 =	simm.s32 $0x0;
	[sflag:s0] =	ssyncadd.s32 $0xFFFFFF00  }
.LBB2_58:
0x38e: {  	s7 =	sshll.u32 s6, $0x4  }
0x38f: {  	v0 =	vld [tilespmem:s7+$0x1B80];
	_ =	sdelay $0x4  }
0x390: {  	v1 =	vmul.u32 $0x81, v0;
	_ =	sdelay $0x1  }
0x391: {  	v2 =	vadd.s32 $0x7, v1  }
0x392: {  	v3 =	vadd.s32 $0x1, v1  }
0x393: {  	v4 =	vadd.s32 $0x2, v1  }
0x394: {  	v5 =	vadd.s32 $0x3, v1  }
0x395: {  	v6 =	vadd.s32 $0x4, v1;
	v0 =	vld.idx.msk [tilespmem:v1+s26+$0x0], $0xffff  }
0x396: {  	v7 =	vadd.s32 $0x5, v1;
	v8 =	vld.idx.msk [tilespmem:v2+s26+$0x0], $0xffff  }
0x397: {  	s8 =	sand.u32 $0x7, s4;
	s7 =	sshll.u32 s5, $0x2;
	v9 =	vld.idx.msk [tilespmem:v3+s26+$0x0], $0xffff  }
0x398: {  	s8 =	sshll.u32 s8, $0x6;
	s7 =	sand.u32 $0xFFFFF000, s7;
	v3 =	vadd.s32 $0x6, v1;
	v10 =	vld.idx.msk [tilespmem:v4+s26+$0x0], $0xffff  }
0x399: {  	s7 =	sor.u32 s8, s7;
	v5 =	vld.idx.msk [tilespmem:v5+s26+$0x0], $0xffff  }
0x39a: {  	s7 =	sshrl.u32 s7, $0x2;
	v4 =	vld.idx.msk [tilespmem:v6+s26+$0x0], $0xffff  }
0x39b: {  	s7 =	sadd.s32 $0x11C80, s7;
	v2 =	vld.idx.msk [tilespmem:v7+s26+$0x0], $0xffff  }
0x39c: {  	[tilespmem:s7+$0x380] =	vst.add.f32.msk $0xffff, v8  }
0x39d: {  	v3 =	vld.idx.msk [tilespmem:v3+s26+$0x0], $0xffff  }
0x39e: {  	[tilespmem:s7+$0x80] =	vst.add.f32.msk $0xffff, v9  }
0x39f: {  	[tilespmem:s7+$0x100] =	vst.add.f32.msk $0xffff, v10  }
0x3a0: {  	s8 =	simm.s32 $0x0;
	v1 =	vadd.s32 $0x8, v1;
	[tilespmem:s7+$0x180] =	vst.add.f32.msk $0xffff, v5  }
.LBB2_59:
0x3a1: {  	v5 =	vadd.s32 $0x1, v1;
	v6 =	vadd.s32 $0x2, v1;
	v7 =	vadd.s32 $0x7, v1;
	s8 =	sadd.s32 $0x8, s8;
	[tilespmem:s7+$0x200] =	vst.add.f32.msk $0xffff, v4  }
0x3a2: {  	v4 =	vadd.s32 $0x3, v1;
	v8 =	vadd.s32 $0x4, v1;
	v9 =	vadd.s32 $0x5, v1;
	p0 =	slt.u32 s8, $0x78;
	[tilespmem:s7+$0x280] =	vst.add.f32.msk $0xffff, v2  }
0x3a3: {  	v10 =	vadd.s32 $0x6, v1;
	[tilespmem:s7+$0x300] =	vst.add.f32.msk $0xffff, v3  }
0x3a4: {  	[tilespmem:s7+$0x0] =	vst.add.f32.msk $0xffff, v0  }
0x3a5: {  	v0 =	vld.idx.msk [tilespmem:v1+s26+$0x0], $0xffff  }
0x3a6: {  	v3 =	vld.idx.msk [tilespmem:v7+s26+$0x0], $0xffff  }
0x3a7: {  	v5 =	vld.idx.msk [tilespmem:v5+s26+$0x0], $0xffff  }
0x3a8: {  	v6 =	vld.idx.msk [tilespmem:v6+s26+$0x0], $0xffff  }
0x3a9: {  	v7 =	vld.idx.msk [tilespmem:v4+s26+$0x0], $0xffff  }
0x3aa: {  	v4 =	vld.idx.msk [tilespmem:v8+s26+$0x0], $0xffff  }
0x3ab: {  	s7 =	sadd.s32 $0x800, s7;
	v2 =	vld.idx.msk [tilespmem:v9+s26+$0x0], $0xffff  }
.Ltmp28:
0x3ac: {  	[tilespmem:s7+$0x380] =	vst.add.f32.msk $0xffff, v3;
	(pc) =	sbr.rel @p0 .LBB2_59-.Ltmp28, $4  }
0x3ad: {  	v3 =	vld.idx.msk [tilespmem:v10+s26+$0x0], $0xffff  }
0x3ae: {  	[tilespmem:s7+$0x80] =	vst.add.f32.msk $0xffff, v5  }
0x3af: {  	[tilespmem:s7+$0x100] =	vst.add.f32.msk $0xffff, v6  }
0x3b0: {  	v1 =	vadd.s32 $0x8, v1;
	[tilespmem:s7+$0x180] =	vst.add.f32.msk $0xffff, v7  }
0x3b1: {  	s6 =	sadd.s32 $0x1, s6  }
0x3b2: {  	p0 =	sne.s32 s6, $0x10  }
.Ltmp29:
0x3b3: {  	_ = 	snop;
	(pc) =	sbr.rel @p0 .LBB2_58-.Ltmp29, $4  }
0x3b4: {  	[tilespmem:s7+$0x200] =	vst.add.f32.msk $0xffff, v4  }
0x3b5: {  	[tilespmem:s7+$0x280] =	vst.add.f32.msk $0xffff, v2  }
0x3b6: {  	[tilespmem:s7+$0x0] =	vst.add.f32.msk $0xffff, v0  }
0x3b7: {  	s5 =	sadd.s32 $0x80, s5;
	s4 =	sadd.s32 $0x1, s4;
	[tilespmem:s7+$0x300] =	vst.add.f32.msk $0xffff, v3  }
0x3b8: {  	s4 =	sld [smem:$0x7F0];
	_ =	sdelay $0x2  }
0x3b9: {  	[hbm4b:s4+s19] =	stream.strided.scatter [tilespmem:s28], [sflag:$0x6], $0x8000, s20, s19, $0x38;
	[tilespmem:$0x19C80] =	vst v63  }
0x3ba: {  	_ =	swait.ge [sflag:s1], $0x8000  }
0x3bb: {  	s8 =	sld [smem:$0x7F3]  }
0x3bc: {  	[sflag:s1] =	ssyncset.done $0x0  }
0x3bd: {  	[sflag:s1] =	ssyncadd.s32 $0xFFFF8000  }
0x3be: {  	[tilespmem:s23], [sflag:$0x2] =	stream.strided.gather [hbm4b:s8+s19], $0x8000, s20, s19, $0x38;
	[tilespmem:$0x19C80] =	vst v63  }
0x3bf: {  	s4 =	simm.s32 $0x0;
	s5 =	rddreg [dreg:$0x15]  }
0x3c0: {  	[tilespmem:s24], [sflag:$0x2] =	stream.linear.gather [hbm4b:s5+s4], $0x100, $0x38;
	[tilespmem:$0x19C80] =	vst v63  }
0x3c1: {  	_ =	swait.ge [sflag:s25], $0x8000  }
0x3c2: {  	[sflag:s25] =	ssyncset.done $0x0  }
0x3c3: {  	[sflag:s25] =	ssyncadd.s32 $0xFFFF8000  }
0x3c4: {  	_ =	swait.ge [sflag:s25], $0x100  }
0x3c5: {  	[sflag:s25] =	ssyncset.done $0x0  }
0x3c6: {  	s6 =	simm.s32 $0x0;
	s5 =	simm.s32 $0x0;
	[sflag:s25] =	ssyncadd.s32 $0xFFFFFF00  }
.LBB2_62:
0x3c7: {  	s7 =	sshll.u32 s6, $0x4  }
0x3c8: {  	v0 =	vld [tilespmem:s7+$0x1980];
	_ =	sdelay $0x4  }
0x3c9: {  	v1 =	vmul.u32 $0x81, v0;
	_ =	sdelay $0x1  }
0x3ca: {  	v2 =	vadd.s32 $0x7, v1  }
0x3cb: {  	v3 =	vadd.s32 $0x1, v1  }
0x3cc: {  	v4 =	vadd.s32 $0x2, v1  }
0x3cd: {  	v5 =	vadd.s32 $0x3, v1  }
0x3ce: {  	v6 =	vadd.s32 $0x4, v1;
	v0 =	vld.idx.msk [tilespmem:v1+s26+$0x0], $0xffff  }
0x3cf: {  	v7 =	vadd.s32 $0x5, v1;
	v8 =	vld.idx.msk [tilespmem:v2+s26+$0x0], $0xffff  }
0x3d0: {  	s8 =	sand.u32 $0x7, s4;
	s7 =	sshll.u32 s5, $0x2;
	v9 =	vld.idx.msk [tilespmem:v3+s26+$0x0], $0xffff  }
0x3d1: {  	s8 =	sshll.u32 s8, $0x6;
	s7 =	sand.u32 $0xFFFFF000, s7;
	v3 =	vadd.s32 $0x6, v1;
	v10 =	vld.idx.msk [tilespmem:v4+s26+$0x0], $0xffff  }
0x3d2: {  	s7 =	sor.u32 s8, s7;
	v5 =	vld.idx.msk [tilespmem:v5+s26+$0x0], $0xffff  }
0x3d3: {  	s7 =	sshrl.u32 s7, $0x2;
	v4 =	vld.idx.msk [tilespmem:v6+s26+$0x0], $0xffff  }
0x3d4: {  	s7 =	sadd.s32 $0x1C80, s7;
	v2 =	vld.idx.msk [tilespmem:v7+s26+$0x0], $0xffff  }
0x3d5: {  	[tilespmem:s7+$0x380] =	vst.add.f32.msk $0xffff, v8  }
0x3d6: {  	v3 =	vld.idx.msk [tilespmem:v3+s26+$0x0], $0xffff  }
0x3d7: {  	[tilespmem:s7+$0x80] =	vst.add.f32.msk $0xffff, v9  }
0x3d8: {  	[tilespmem:s7+$0x100] =	vst.add.f32.msk $0xffff, v10  }
0x3d9: {  	s8 =	simm.s32 $0x0;
	v1 =	vadd.s32 $0x8, v1;
	[tilespmem:s7+$0x180] =	vst.add.f32.msk $0xffff, v5  }
.LBB2_63:
0x3da: {  	v5 =	vadd.s32 $0x1, v1;
	v6 =	vadd.s32 $0x2, v1;
	v7 =	vadd.s32 $0x7, v1;
	s8 =	sadd.s32 $0x8, s8;
	[tilespmem:s7+$0x200] =	vst.add.f32.msk $0xffff, v4  }
0x3db: {  	v4 =	vadd.s32 $0x3, v1;
	v8 =	vadd.s32 $0x4, v1;
	v9 =	vadd.s32 $0x5, v1;
	p0 =	slt.u32 s8, $0x78;
	[tilespmem:s7+$0x280] =	vst.add.f32.msk $0xffff, v2  }
0x3dc: {  	v10 =	vadd.s32 $0x6, v1;
	[tilespmem:s7+$0x300] =	vst.add.f32.msk $0xffff, v3  }
0x3dd: {  	[tilespmem:s7+$0x0] =	vst.add.f32.msk $0xffff, v0  }
0x3de: {  	v0 =	vld.idx.msk [tilespmem:v1+s26+$0x0], $0xffff  }
0x3df: {  	v3 =	vld.idx.msk [tilespmem:v7+s26+$0x0], $0xffff  }
0x3e0: {  	v5 =	vld.idx.msk [tilespmem:v5+s26+$0x0], $0xffff  }
0x3e1: {  	v6 =	vld.idx.msk [tilespmem:v6+s26+$0x0], $0xffff  }
0x3e2: {  	v7 =	vld.idx.msk [tilespmem:v4+s26+$0x0], $0xffff  }
0x3e3: {  	v4 =	vld.idx.msk [tilespmem:v8+s26+$0x0], $0xffff  }
0x3e4: {  	s7 =	sadd.s32 $0x800, s7;
	v2 =	vld.idx.msk [tilespmem:v9+s26+$0x0], $0xffff  }
.Ltmp30:
0x3e5: {  	[tilespmem:s7+$0x380] =	vst.add.f32.msk $0xffff, v3;
	(pc) =	sbr.rel @p0 .LBB2_63-.Ltmp30, $4  }
0x3e6: {  	v3 =	vld.idx.msk [tilespmem:v10+s26+$0x0], $0xffff  }
0x3e7: {  	[tilespmem:s7+$0x80] =	vst.add.f32.msk $0xffff, v5  }
0x3e8: {  	[tilespmem:s7+$0x100] =	vst.add.f32.msk $0xffff, v6  }
0x3e9: {  	v1 =	vadd.s32 $0x8, v1;
	[tilespmem:s7+$0x180] =	vst.add.f32.msk $0xffff, v7  }
0x3ea: {  	s6 =	sadd.s32 $0x1, s6  }
0x3eb: {  	p0 =	sne.s32 s6, $0x10  }
.Ltmp31:
0x3ec: {  	_ = 	snop;
	(pc) =	sbr.rel @p0 .LBB2_62-.Ltmp31, $4  }
0x3ed: {  	[tilespmem:s7+$0x200] =	vst.add.f32.msk $0xffff, v4  }
0x3ee: {  	[tilespmem:s7+$0x280] =	vst.add.f32.msk $0xffff, v2  }
0x3ef: {  	[tilespmem:s7+$0x0] =	vst.add.f32.msk $0xffff, v0  }
0x3f0: {  	s5 =	sadd.s32 $0x80, s5;
	s4 =	sadd.s32 $0x1, s4;
	[tilespmem:s7+$0x300] =	vst.add.f32.msk $0xffff, v3  }
0x3f1: {  	s4 =	sld [smem:$0x7F2];
	_ =	sdelay $0x2  }
0x3f2: {  	[hbm4b:s4+s19] =	stream.strided.scatter [tilespmem:s21], [sflag:$0x4], $0x8000, s20, s19, $0x38;
	[tilespmem:$0x19C80] =	vst v63  }
0x3f3: {  	_ =	swait.ge [sflag:s2], $0x8000  }
0x3f4: {  	s8 =	sld [smem:$0x7F5]  }
0x3f5: {  	[sflag:s2] =	ssyncset.done $0x0  }
0x3f6: {  	[sflag:s2] =	ssyncadd.s32 $0xFFFF8000  }
0x3f7: {  	[tilespmem:s28], [sflag:$0x3] =	stream.strided.gather [hbm4b:s8+s19], $0x8000, s20, s19, $0x38;
	[tilespmem:$0x19C80] =	vst v63  }
0x3f8: {  	s4 =	simm.s32 $0x0;
	s5 =	rddreg [dreg:$0x16]  }
0x3f9: {  	[tilespmem:s29], [sflag:$0x3] =	stream.linear.gather [hbm4b:s5+s4], $0x100, $0x38;
	[tilespmem:$0x19C80] =	vst v63  }
0x3fa: {  	_ =	swait.ge [sflag:s30], $0x8000  }
0x3fb: {  	[sflag:s30] =	ssyncset.done $0x0  }
0x3fc: {  	[sflag:s30] =	ssyncadd.s32 $0xFFFF8000  }
0x3fd: {  	_ =	swait.ge [sflag:s30], $0x100  }
0x3fe: {  	[sflag:s30] =	ssyncset.done $0x0  }
0x3ff: {  	s6 =	simm.s32 $0x0;
	s5 =	simm.s32 $0x0;
	[sflag:s30] =	ssyncadd.s32 $0xFFFFFF00  }
.LBB2_66:
0x400: {  	s7 =	sshll.u32 s6, $0x4  }
0x401: {  	v0 =	vld [tilespmem:s7+$0x1A80];
	_ =	sdelay $0x4  }
0x402: {  	v1 =	vmul.u32 $0x81, v0;
	_ =	sdelay $0x1  }
0x403: {  	v2 =	vadd.s32 $0x7, v1  }
0x404: {  	v3 =	vadd.s32 $0x1, v1  }
0x405: {  	v4 =	vadd.s32 $0x2, v1  }
0x406: {  	v5 =	vadd.s32 $0x3, v1  }
0x407: {  	v6 =	vadd.s32 $0x4, v1;
	v0 =	vld.idx.msk [tilespmem:v1+s26+$0x0], $0xffff  }
0x408: {  	v7 =	vadd.s32 $0x5, v1;
	v8 =	vld.idx.msk [tilespmem:v2+s26+$0x0], $0xffff  }
0x409: {  	s8 =	sand.u32 $0x7, s4;
	s7 =	sshll.u32 s5, $0x2;
	v9 =	vld.idx.msk [tilespmem:v3+s26+$0x0], $0xffff  }
0x40a: {  	s8 =	sshll.u32 s8, $0x6;
	s7 =	sand.u32 $0xFFFFF000, s7;
	v3 =	vadd.s32 $0x6, v1;
	v10 =	vld.idx.msk [tilespmem:v4+s26+$0x0], $0xffff  }
0x40b: {  	s7 =	sor.u32 s8, s7;
	v5 =	vld.idx.msk [tilespmem:v5+s26+$0x0], $0xffff  }
0x40c: {  	s7 =	sshrl.u32 s7, $0x2;
	v4 =	vld.idx.msk [tilespmem:v6+s26+$0x0], $0xffff  }
0x40d: {  	s7 =	sadd.s32 $0x9C80, s7;
	v2 =	vld.idx.msk [tilespmem:v7+s26+$0x0], $0xffff  }
0x40e: {  	[tilespmem:s7+$0x380] =	vst.add.f32.msk $0xffff, v8  }
0x40f: {  	v3 =	vld.idx.msk [tilespmem:v3+s26+$0x0], $0xffff  }
0x410: {  	[tilespmem:s7+$0x80] =	vst.add.f32.msk $0xffff, v9  }
0x411: {  	[tilespmem:s7+$0x100] =	vst.add.f32.msk $0xffff, v10  }
0x412: {  	s8 =	simm.s32 $0x0;
	v1 =	vadd.s32 $0x8, v1;
	[tilespmem:s7+$0x180] =	vst.add.f32.msk $0xffff, v5  }
.LBB2_67:
0x413: {  	v5 =	vadd.s32 $0x1, v1;
	v6 =	vadd.s32 $0x2, v1;
	v7 =	vadd.s32 $0x7, v1;
	s8 =	sadd.s32 $0x8, s8;
	[tilespmem:s7+$0x200] =	vst.add.f32.msk $0xffff, v4  }
0x414: {  	v4 =	vadd.s32 $0x3, v1;
	v8 =	vadd.s32 $0x4, v1;
	v9 =	vadd.s32 $0x5, v1;
	p0 =	slt.u32 s8, $0x78;
	[tilespmem:s7+$0x280] =	vst.add.f32.msk $0xffff, v2  }
0x415: {  	v10 =	vadd.s32 $0x6, v1;
	[tilespmem:s7+$0x300] =	vst.add.f32.msk $0xffff, v3  }
0x416: {  	[tilespmem:s7+$0x0] =	vst.add.f32.msk $0xffff, v0  }
0x417: {  	v0 =	vld.idx.msk [tilespmem:v1+s26+$0x0], $0xffff  }
0x418: {  	v3 =	vld.idx.msk [tilespmem:v7+s26+$0x0], $0xffff  }
0x419: {  	v5 =	vld.idx.msk [tilespmem:v5+s26+$0x0], $0xffff  }
0x41a: {  	v6 =	vld.idx.msk [tilespmem:v6+s26+$0x0], $0xffff  }
0x41b: {  	v7 =	vld.idx.msk [tilespmem:v4+s26+$0x0], $0xffff  }
0x41c: {  	v4 =	vld.idx.msk [tilespmem:v8+s26+$0x0], $0xffff  }
0x41d: {  	s7 =	sadd.s32 $0x800, s7;
	v2 =	vld.idx.msk [tilespmem:v9+s26+$0x0], $0xffff  }
.Ltmp32:
0x41e: {  	[tilespmem:s7+$0x380] =	vst.add.f32.msk $0xffff, v3;
	(pc) =	sbr.rel @p0 .LBB2_67-.Ltmp32, $4  }
0x41f: {  	v3 =	vld.idx.msk [tilespmem:v10+s26+$0x0], $0xffff  }
0x420: {  	[tilespmem:s7+$0x80] =	vst.add.f32.msk $0xffff, v5  }
0x421: {  	[tilespmem:s7+$0x100] =	vst.add.f32.msk $0xffff, v6  }
0x422: {  	v1 =	vadd.s32 $0x8, v1;
	[tilespmem:s7+$0x180] =	vst.add.f32.msk $0xffff, v7  }
0x423: {  	s6 =	sadd.s32 $0x1, s6  }
0x424: {  	p0 =	sne.s32 s6, $0x10  }
.Ltmp33:
0x425: {  	_ = 	snop;
	(pc) =	sbr.rel @p0 .LBB2_66-.Ltmp33, $4  }
0x426: {  	[tilespmem:s7+$0x200] =	vst.add.f32.msk $0xffff, v4  }
0x427: {  	[tilespmem:s7+$0x280] =	vst.add.f32.msk $0xffff, v2  }
0x428: {  	[tilespmem:s7+$0x0] =	vst.add.f32.msk $0xffff, v0  }
0x429: {  	s5 =	sadd.s32 $0x80, s5;
	s4 =	sadd.s32 $0x1, s4;
	[tilespmem:s7+$0x300] =	vst.add.f32.msk $0xffff, v3  }
0x42a: {  	s4 =	sld [smem:$0x7F4];
	_ =	sdelay $0x2  }
0x42b: {  	[hbm4b:s4+s19] =	stream.strided.scatter [tilespmem:s23], [sflag:$0x5], $0x8000, s20, s19, $0x38;
	[tilespmem:$0x19C80] =	vst v63  }
0x42c: {  	_ =	swait.ge [sflag:s31], $0x8000  }
0x42d: {  	s8 =	sld [smem:$0x7F7]  }
0x42e: {  	[sflag:s31] =	ssyncset.done $0x0  }
0x42f: {  	[sflag:s31] =	ssyncadd.s32 $0xFFFF8000  }
0x430: {  	[tilespmem:s21], [sflag:$0x1] =	stream.strided.gather [hbm4b:s8+s19], $0x8000, s20, s19, $0x38;
	[tilespmem:$0x19C80] =	vst v63  }
0x431: {  	s4 =	simm.s32 $0x0;
	s5 =	rddreg [dreg:$0x17]  }
0x432: {  	[tilespmem:s22], [sflag:$0x1] =	stream.linear.gather [hbm4b:s5+s4], $0x100, $0x38;
	[tilespmem:$0x19C80] =	vst v63  }
0x433: {  	_ =	swait.ge [sflag:s0], $0x8000  }
0x434: {  	[sflag:s0] =	ssyncset.done $0x0  }
0x435: {  	[sflag:s0] =	ssyncadd.s32 $0xFFFF8000  }
0x436: {  	_ =	swait.ge [sflag:s0], $0x100  }
0x437: {  	[sflag:s0] =	ssyncset.done $0x0  }
0x438: {  	s6 =	simm.s32 $0x0;
	s5 =	simm.s32 $0x0;
	[sflag:s0] =	ssyncadd.s32 $0xFFFFFF00  }
.LBB2_70:
0x439: {  	s7 =	sshll.u32 s6, $0x4  }
0x43a: {  	v0 =	vld [tilespmem:s7+$0x1B80];
	_ =	sdelay $0x4  }
0x43b: {  	v1 =	vmul.u32 $0x81, v0;
	_ =	sdelay $0x1  }
0x43c: {  	v2 =	vadd.s32 $0x7, v1  }
0x43d: {  	v3 =	vadd.s32 $0x1, v1  }
0x43e: {  	v4 =	vadd.s32 $0x2, v1  }
0x43f: {  	v5 =	vadd.s32 $0x3, v1  }
0x440: {  	v6 =	vadd.s32 $0x4, v1;
	v0 =	vld.idx.msk [tilespmem:v1+s26+$0x0], $0xffff  }
0x441: {  	v7 =	vadd.s32 $0x5, v1;
	v8 =	vld.idx.msk [tilespmem:v2+s26+$0x0], $0xffff  }
0x442: {  	s8 =	sand.u32 $0x7, s4;
	s7 =	sshll.u32 s5, $0x2;
	v9 =	vld.idx.msk [tilespmem:v3+s26+$0x0], $0xffff  }
0x443: {  	s8 =	sshll.u32 s8, $0x6;
	s7 =	sand.u32 $0xFFFFF000, s7;
	v3 =	vadd.s32 $0x6, v1;
	v10 =	vld.idx.msk [tilespmem:v4+s26+$0x0], $0xffff  }
0x444: {  	s7 =	sor.u32 s8, s7;
	v5 =	vld.idx.msk [tilespmem:v5+s26+$0x0], $0xffff  }
0x445: {  	s7 =	sshrl.u32 s7, $0x2;
	v4 =	vld.idx.msk [tilespmem:v6+s26+$0x0], $0xffff  }
0x446: {  	s7 =	sadd.s32 $0x11C80, s7;
	v2 =	vld.idx.msk [tilespmem:v7+s26+$0x0], $0xffff  }
0x447: {  	[tilespmem:s7+$0x380] =	vst.add.f32.msk $0xffff, v8  }
0x448: {  	v3 =	vld.idx.msk [tilespmem:v3+s26+$0x0], $0xffff  }
0x449: {  	[tilespmem:s7+$0x80] =	vst.add.f32.msk $0xffff, v9  }
0x44a: {  	[tilespmem:s7+$0x100] =	vst.add.f32.msk $0xffff, v10  }
0x44b: {  	s8 =	simm.s32 $0x0;
	v1 =	vadd.s32 $0x8, v1;
	[tilespmem:s7+$0x180] =	vst.add.f32.msk $0xffff, v5  }
.LBB2_71:
0x44c: {  	v5 =	vadd.s32 $0x1, v1;
	v6 =	vadd.s32 $0x2, v1;
	v7 =	vadd.s32 $0x7, v1;
	s8 =	sadd.s32 $0x8, s8;
	[tilespmem:s7+$0x200] =	vst.add.f32.msk $0xffff, v4  }
0x44d: {  	v4 =	vadd.s32 $0x3, v1;
	v8 =	vadd.s32 $0x4, v1;
	v9 =	vadd.s32 $0x5, v1;
	p0 =	slt.u32 s8, $0x78;
	[tilespmem:s7+$0x280] =	vst.add.f32.msk $0xffff, v2  }
0x44e: {  	v10 =	vadd.s32 $0x6, v1;
	[tilespmem:s7+$0x300] =	vst.add.f32.msk $0xffff, v3  }
0x44f: {  	[tilespmem:s7+$0x0] =	vst.add.f32.msk $0xffff, v0  }
0x450: {  	v0 =	vld.idx.msk [tilespmem:v1+s26+$0x0], $0xffff  }
0x451: {  	v3 =	vld.idx.msk [tilespmem:v7+s26+$0x0], $0xffff  }
0x452: {  	v5 =	vld.idx.msk [tilespmem:v5+s26+$0x0], $0xffff  }
0x453: {  	v6 =	vld.idx.msk [tilespmem:v6+s26+$0x0], $0xffff  }
0x454: {  	v7 =	vld.idx.msk [tilespmem:v4+s26+$0x0], $0xffff  }
0x455: {  	v4 =	vld.idx.msk [tilespmem:v8+s26+$0x0], $0xffff  }
0x456: {  	s7 =	sadd.s32 $0x800, s7;
	v2 =	vld.idx.msk [tilespmem:v9+s26+$0x0], $0xffff  }
.Ltmp34:
0x457: {  	[tilespmem:s7+$0x380] =	vst.add.f32.msk $0xffff, v3;
	(pc) =	sbr.rel @p0 .LBB2_71-.Ltmp34, $4  }
0x458: {  	v3 =	vld.idx.msk [tilespmem:v10+s26+$0x0], $0xffff  }
0x459: {  	[tilespmem:s7+$0x80] =	vst.add.f32.msk $0xffff, v5  }
0x45a: {  	[tilespmem:s7+$0x100] =	vst.add.f32.msk $0xffff, v6  }
0x45b: {  	v1 =	vadd.s32 $0x8, v1;
	[tilespmem:s7+$0x180] =	vst.add.f32.msk $0xffff, v7  }
0x45c: {  	s6 =	sadd.s32 $0x1, s6  }
0x45d: {  	p0 =	sne.s32 s6, $0x10  }
.Ltmp35:
0x45e: {  	_ = 	snop;
	(pc) =	sbr.rel @p0 .LBB2_70-.Ltmp35, $4  }
0x45f: {  	[tilespmem:s7+$0x200] =	vst.add.f32.msk $0xffff, v4  }
0x460: {  	[tilespmem:s7+$0x280] =	vst.add.f32.msk $0xffff, v2  }
0x461: {  	[tilespmem:s7+$0x0] =	vst.add.f32.msk $0xffff, v0  }
0x462: {  	s5 =	sadd.s32 $0x80, s5;
	s4 =	sadd.s32 $0x1, s4;
	[tilespmem:s7+$0x300] =	vst.add.f32.msk $0xffff, v3  }
0x463: {  	s4 =	sld [smem:$0x7F6];
	_ =	sdelay $0x2  }
0x464: {  	[hbm4b:s4+s19] =	stream.strided.scatter [tilespmem:s28], [sflag:$0x6], $0x8000, s20, s19, $0x38;
	[tilespmem:$0x19C80] =	vst v63  }
0x465: {  	_ =	swait.ge [sflag:s1], $0x8000  }
0x466: {  	s8 =	sld [smem:$0x7F9]  }
0x467: {  	[sflag:s1] =	ssyncset.done $0x0  }
0x468: {  	[sflag:s1] =	ssyncadd.s32 $0xFFFF8000  }
0x469: {  	[tilespmem:s23], [sflag:$0x2] =	stream.strided.gather [hbm4b:s8+s19], $0x8000, s20, s19, $0x38;
	[tilespmem:$0x19C80] =	vst v63  }
0x46a: {  	s4 =	simm.s32 $0x0;
	s5 =	rddreg [dreg:$0x18]  }
0x46b: {  	[tilespmem:s24], [sflag:$0x2] =	stream.linear.gather [hbm4b:s5+s4], $0x100, $0x38;
	[tilespmem:$0x19C80] =	vst v63  }
0x46c: {  	_ =	swait.ge [sflag:s25], $0x8000  }
0x46d: {  	[sflag:s25] =	ssyncset.done $0x0  }
0x46e: {  	[sflag:s25] =	ssyncadd.s32 $0xFFFF8000  }
0x46f: {  	_ =	swait.ge [sflag:s25], $0x100  }
0x470: {  	[sflag:s25] =	ssyncset.done $0x0  }
0x471: {  	s6 =	simm.s32 $0x0;
	s5 =	simm.s32 $0x0;
	[sflag:s25] =	ssyncadd.s32 $0xFFFFFF00  }
.LBB2_74:
0x472: {  	s7 =	sshll.u32 s6, $0x4  }
0x473: {  	v0 =	vld [tilespmem:s7+$0x1980];
	_ =	sdelay $0x4  }
0x474: {  	v1 =	vmul.u32 $0x81, v0;
	_ =	sdelay $0x1  }
0x475: {  	v2 =	vadd.s32 $0x7, v1  }
0x476: {  	v3 =	vadd.s32 $0x1, v1  }
0x477: {  	v4 =	vadd.s32 $0x2, v1  }
0x478: {  	v5 =	vadd.s32 $0x3, v1  }
0x479: {  	v6 =	vadd.s32 $0x4, v1;
	v0 =	vld.idx.msk [tilespmem:v1+s26+$0x0], $0xffff  }
0x47a: {  	v7 =	vadd.s32 $0x5, v1;
	v8 =	vld.idx.msk [tilespmem:v2+s26+$0x0], $0xffff  }
0x47b: {  	s8 =	sand.u32 $0x7, s4;
	s7 =	sshll.u32 s5, $0x2;
	v9 =	vld.idx.msk [tilespmem:v3+s26+$0x0], $0xffff  }
0x47c: {  	s8 =	sshll.u32 s8, $0x6;
	s7 =	sand.u32 $0xFFFFF000, s7;
	v3 =	vadd.s32 $0x6, v1;
	v10 =	vld.idx.msk [tilespmem:v4+s26+$0x0], $0xffff  }
0x47d: {  	s7 =	sor.u32 s8, s7;
	v5 =	vld.idx.msk [tilespmem:v5+s26+$0x0], $0xffff  }
0x47e: {  	s7 =	sshrl.u32 s7, $0x2;
	v4 =	vld.idx.msk [tilespmem:v6+s26+$0x0], $0xffff  }
0x47f: {  	s7 =	sadd.s32 $0x1C80, s7;
	v2 =	vld.idx.msk [tilespmem:v7+s26+$0x0], $0xffff  }
0x480: {  	[tilespmem:s7+$0x380] =	vst.add.f32.msk $0xffff, v8  }
0x481: {  	v3 =	vld.idx.msk [tilespmem:v3+s26+$0x0], $0xffff  }
0x482: {  	[tilespmem:s7+$0x80] =	vst.add.f32.msk $0xffff, v9  }
0x483: {  	[tilespmem:s7+$0x100] =	vst.add.f32.msk $0xffff, v10  }
0x484: {  	s8 =	simm.s32 $0x0;
	v1 =	vadd.s32 $0x8, v1;
	[tilespmem:s7+$0x180] =	vst.add.f32.msk $0xffff, v5  }
.LBB2_75:
0x485: {  	v5 =	vadd.s32 $0x1, v1;
	v6 =	vadd.s32 $0x2, v1;
	v7 =	vadd.s32 $0x7, v1;
	s8 =	sadd.s32 $0x8, s8;
	[tilespmem:s7+$0x200] =	vst.add.f32.msk $0xffff, v4  }
0x486: {  	v4 =	vadd.s32 $0x3, v1;
	v8 =	vadd.s32 $0x4, v1;
	v9 =	vadd.s32 $0x5, v1;
	p0 =	slt.u32 s8, $0x78;
	[tilespmem:s7+$0x280] =	vst.add.f32.msk $0xffff, v2  }
0x487: {  	v10 =	vadd.s32 $0x6, v1;
	[tilespmem:s7+$0x300] =	vst.add.f32.msk $0xffff, v3  }
0x488: {  	[tilespmem:s7+$0x0] =	vst.add.f32.msk $0xffff, v0  }
0x489: {  	v0 =	vld.idx.msk [tilespmem:v1+s26+$0x0], $0xffff  }
0x48a: {  	v3 =	vld.idx.msk [tilespmem:v7+s26+$0x0], $0xffff  }
0x48b: {  	v5 =	vld.idx.msk [tilespmem:v5+s26+$0x0], $0xffff  }
0x48c: {  	v6 =	vld.idx.msk [tilespmem:v6+s26+$0x0], $0xffff  }
0x48d: {  	v7 =	vld.idx.msk [tilespmem:v4+s26+$0x0], $0xffff  }
0x48e: {  	v4 =	vld.idx.msk [tilespmem:v8+s26+$0x0], $0xffff  }
0x48f: {  	s7 =	sadd.s32 $0x800, s7;
	v2 =	vld.idx.msk [tilespmem:v9+s26+$0x0], $0xffff  }
.Ltmp36:
0x490: {  	[tilespmem:s7+$0x380] =	vst.add.f32.msk $0xffff, v3;
	(pc) =	sbr.rel @p0 .LBB2_75-.Ltmp36, $4  }
0x491: {  	v3 =	vld.idx.msk [tilespmem:v10+s26+$0x0], $0xffff  }
0x492: {  	[tilespmem:s7+$0x80] =	vst.add.f32.msk $0xffff, v5  }
0x493: {  	[tilespmem:s7+$0x100] =	vst.add.f32.msk $0xffff, v6  }
0x494: {  	v1 =	vadd.s32 $0x8, v1;
	[tilespmem:s7+$0x180] =	vst.add.f32.msk $0xffff, v7  }
0x495: {  	s6 =	sadd.s32 $0x1, s6  }
0x496: {  	p0 =	sne.s32 s6, $0x10  }
.Ltmp37:
0x497: {  	_ = 	snop;
	(pc) =	sbr.rel @p0 .LBB2_74-.Ltmp37, $4  }
0x498: {  	[tilespmem:s7+$0x200] =	vst.add.f32.msk $0xffff, v4  }
0x499: {  	[tilespmem:s7+$0x280] =	vst.add.f32.msk $0xffff, v2  }
0x49a: {  	[tilespmem:s7+$0x0] =	vst.add.f32.msk $0xffff, v0  }
0x49b: {  	s5 =	sadd.s32 $0x80, s5;
	s4 =	sadd.s32 $0x1, s4;
	[tilespmem:s7+$0x300] =	vst.add.f32.msk $0xffff, v3  }
0x49c: {  	s4 =	sld [smem:$0x7F8];
	_ =	sdelay $0x2  }
0x49d: {  	[hbm4b:s4+s19] =	stream.strided.scatter [tilespmem:s21], [sflag:$0x4], $0x8000, s20, s19, $0x38;
	[tilespmem:$0x19C80] =	vst v63  }
0x49e: {  	_ =	swait.ge [sflag:s2], $0x8000  }
0x49f: {  	s8 =	sld [smem:$0x7FB]  }
0x4a0: {  	[sflag:s2] =	ssyncset.done $0x0  }
0x4a1: {  	[sflag:s2] =	ssyncadd.s32 $0xFFFF8000  }
0x4a2: {  	[tilespmem:s28], [sflag:$0x3] =	stream.strided.gather [hbm4b:s8+s19], $0x8000, s20, s19, $0x38;
	[tilespmem:$0x19C80] =	vst v63  }
0x4a3: {  	s4 =	simm.s32 $0x0;
	s5 =	rddreg [dreg:$0x19]  }
0x4a4: {  	[tilespmem:s29], [sflag:$0x3] =	stream.linear.gather [hbm4b:s5+s4], $0x100, $0x38;
	[tilespmem:$0x19C80] =	vst v63  }
0x4a5: {  	_ =	swait.ge [sflag:s30], $0x8000  }
0x4a6: {  	[sflag:s30] =	ssyncset.done $0x0  }
0x4a7: {  	[sflag:s30] =	ssyncadd.s32 $0xFFFF8000  }
0x4a8: {  	_ =	swait.ge [sflag:s30], $0x100  }
0x4a9: {  	[sflag:s30] =	ssyncset.done $0x0  }
0x4aa: {  	s6 =	simm.s32 $0x0;
	s5 =	simm.s32 $0x0;
	[sflag:s30] =	ssyncadd.s32 $0xFFFFFF00  }
.LBB2_78:
0x4ab: {  	s7 =	sshll.u32 s6, $0x4  }
0x4ac: {  	v0 =	vld [tilespmem:s7+$0x1A80];
	_ =	sdelay $0x4  }
0x4ad: {  	v1 =	vmul.u32 $0x81, v0;
	_ =	sdelay $0x1  }
0x4ae: {  	v2 =	vadd.s32 $0x7, v1  }
0x4af: {  	v3 =	vadd.s32 $0x1, v1  }
0x4b0: {  	v4 =	vadd.s32 $0x2, v1  }
0x4b1: {  	v5 =	vadd.s32 $0x3, v1  }
0x4b2: {  	v6 =	vadd.s32 $0x4, v1;
	v0 =	vld.idx.msk [tilespmem:v1+s26+$0x0], $0xffff  }
0x4b3: {  	v7 =	vadd.s32 $0x5, v1;
	v8 =	vld.idx.msk [tilespmem:v2+s26+$0x0], $0xffff  }
0x4b4: {  	s8 =	sand.u32 $0x7, s4;
	s7 =	sshll.u32 s5, $0x2;
	v9 =	vld.idx.msk [tilespmem:v3+s26+$0x0], $0xffff  }
0x4b5: {  	s8 =	sshll.u32 s8, $0x6;
	s7 =	sand.u32 $0xFFFFF000, s7;
	v3 =	vadd.s32 $0x6, v1;
	v10 =	vld.idx.msk [tilespmem:v4+s26+$0x0], $0xffff  }
0x4b6: {  	s7 =	sor.u32 s8, s7;
	v5 =	vld.idx.msk [tilespmem:v5+s26+$0x0], $0xffff  }
0x4b7: {  	s7 =	sshrl.u32 s7, $0x2;
	v4 =	vld.idx.msk [tilespmem:v6+s26+$0x0], $0xffff  }
0x4b8: {  	s7 =	sadd.s32 $0x9C80, s7;
	v2 =	vld.idx.msk [tilespmem:v7+s26+$0x0], $0xffff  }
0x4b9: {  	[tilespmem:s7+$0x380] =	vst.add.f32.msk $0xffff, v8  }
0x4ba: {  	v3 =	vld.idx.msk [tilespmem:v3+s26+$0x0], $0xffff  }
0x4bb: {  	[tilespmem:s7+$0x80] =	vst.add.f32.msk $0xffff, v9  }
0x4bc: {  	[tilespmem:s7+$0x100] =	vst.add.f32.msk $0xffff, v10  }
0x4bd: {  	s8 =	simm.s32 $0x0;
	v1 =	vadd.s32 $0x8, v1;
	[tilespmem:s7+$0x180] =	vst.add.f32.msk $0xffff, v5  }
.LBB2_79:
0x4be: {  	v5 =	vadd.s32 $0x1, v1;
	v6 =	vadd.s32 $0x2, v1;
	v7 =	vadd.s32 $0x7, v1;
	s8 =	sadd.s32 $0x8, s8;
	[tilespmem:s7+$0x200] =	vst.add.f32.msk $0xffff, v4  }
0x4bf: {  	v4 =	vadd.s32 $0x3, v1;
	v8 =	vadd.s32 $0x4, v1;
	v9 =	vadd.s32 $0x5, v1;
	p0 =	slt.u32 s8, $0x78;
	[tilespmem:s7+$0x280] =	vst.add.f32.msk $0xffff, v2  }
0x4c0: {  	v10 =	vadd.s32 $0x6, v1;
	[tilespmem:s7+$0x300] =	vst.add.f32.msk $0xffff, v3  }
0x4c1: {  	[tilespmem:s7+$0x0] =	vst.add.f32.msk $0xffff, v0  }
0x4c2: {  	v0 =	vld.idx.msk [tilespmem:v1+s26+$0x0], $0xffff  }
0x4c3: {  	v3 =	vld.idx.msk [tilespmem:v7+s26+$0x0], $0xffff  }
0x4c4: {  	v5 =	vld.idx.msk [tilespmem:v5+s26+$0x0], $0xffff  }
0x4c5: {  	v6 =	vld.idx.msk [tilespmem:v6+s26+$0x0], $0xffff  }
0x4c6: {  	v7 =	vld.idx.msk [tilespmem:v4+s26+$0x0], $0xffff  }
0x4c7: {  	v4 =	vld.idx.msk [tilespmem:v8+s26+$0x0], $0xffff  }
0x4c8: {  	s7 =	sadd.s32 $0x800, s7;
	v2 =	vld.idx.msk [tilespmem:v9+s26+$0x0], $0xffff  }
.Ltmp38:
0x4c9: {  	[tilespmem:s7+$0x380] =	vst.add.f32.msk $0xffff, v3;
	(pc) =	sbr.rel @p0 .LBB2_79-.Ltmp38, $4  }
0x4ca: {  	v3 =	vld.idx.msk [tilespmem:v10+s26+$0x0], $0xffff  }
0x4cb: {  	[tilespmem:s7+$0x80] =	vst.add.f32.msk $0xffff, v5  }
0x4cc: {  	[tilespmem:s7+$0x100] =	vst.add.f32.msk $0xffff, v6  }
0x4cd: {  	v1 =	vadd.s32 $0x8, v1;
	[tilespmem:s7+$0x180] =	vst.add.f32.msk $0xffff, v7  }
0x4ce: {  	s6 =	sadd.s32 $0x1, s6  }
0x4cf: {  	p0 =	sne.s32 s6, $0x10  }
.Ltmp39:
0x4d0: {  	_ = 	snop;
	(pc) =	sbr.rel @p0 .LBB2_78-.Ltmp39, $4  }
0x4d1: {  	[tilespmem:s7+$0x200] =	vst.add.f32.msk $0xffff, v4  }
0x4d2: {  	[tilespmem:s7+$0x280] =	vst.add.f32.msk $0xffff, v2  }
0x4d3: {  	[tilespmem:s7+$0x0] =	vst.add.f32.msk $0xffff, v0  }
0x4d4: {  	s5 =	sadd.s32 $0x80, s5;
	s4 =	sadd.s32 $0x1, s4;
	[tilespmem:s7+$0x300] =	vst.add.f32.msk $0xffff, v3  }
0x4d5: {  	s4 =	sld [smem:$0x7FA];
	_ =	sdelay $0x2  }
0x4d6: {  	[hbm4b:s4+s19] =	stream.strided.scatter [tilespmem:s23], [sflag:$0x5], $0x8000, s20, s19, $0x38;
	[tilespmem:$0x19C80] =	vst v63  }
0x4d7: {  	_ =	swait.ge [sflag:s31], $0x8000  }
0x4d8: {  	s8 =	sld [smem:$0x7FD]  }
0x4d9: {  	[sflag:s31] =	ssyncset.done $0x0  }
0x4da: {  	[sflag:s31] =	ssyncadd.s32 $0xFFFF8000  }
0x4db: {  	[tilespmem:s21], [sflag:$0x1] =	stream.strided.gather [hbm4b:s8+s19], $0x8000, s20, s19, $0x38;
	[tilespmem:$0x19C80] =	vst v63  }
0x4dc: {  	s4 =	simm.s32 $0x0;
	s5 =	rddreg [dreg:$0x1a]  }
0x4dd: {  	[tilespmem:s22], [sflag:$0x1] =	stream.linear.gather [hbm4b:s5+s4], $0x100, $0x38;
	[tilespmem:$0x19C80] =	vst v63  }
0x4de: {  	_ =	swait.ge [sflag:s0], $0x8000  }
0x4df: {  	[sflag:s0] =	ssyncset.done $0x0  }
0x4e0: {  	[sflag:s0] =	ssyncadd.s32 $0xFFFF8000  }
0x4e1: {  	_ =	swait.ge [sflag:s0], $0x100  }
0x4e2: {  	[sflag:s0] =	ssyncset.done $0x0  }
0x4e3: {  	s6 =	simm.s32 $0x0;
	s5 =	simm.s32 $0x0;
	[sflag:s0] =	ssyncadd.s32 $0xFFFFFF00  }
.LBB2_82:
0x4e4: {  	s7 =	sshll.u32 s6, $0x4  }
0x4e5: {  	v0 =	vld [tilespmem:s7+$0x1B80];
	_ =	sdelay $0x4  }
0x4e6: {  	v1 =	vmul.u32 $0x81, v0;
	_ =	sdelay $0x1  }
0x4e7: {  	v2 =	vadd.s32 $0x7, v1  }
0x4e8: {  	v3 =	vadd.s32 $0x1, v1  }
0x4e9: {  	v4 =	vadd.s32 $0x2, v1  }
0x4ea: {  	v5 =	vadd.s32 $0x3, v1  }
0x4eb: {  	v6 =	vadd.s32 $0x4, v1;
	v0 =	vld.idx.msk [tilespmem:v1+s26+$0x0], $0xffff  }
0x4ec: {  	v7 =	vadd.s32 $0x5, v1;
	v8 =	vld.idx.msk [tilespmem:v2+s26+$0x0], $0xffff  }
0x4ed: {  	s8 =	sand.u32 $0x7, s4;
	s7 =	sshll.u32 s5, $0x2;
	v9 =	vld.idx.msk [tilespmem:v3+s26+$0x0], $0xffff  }
0x4ee: {  	s8 =	sshll.u32 s8, $0x6;
	s7 =	sand.u32 $0xFFFFF000, s7;
	v3 =	vadd.s32 $0x6, v1;
	v10 =	vld.idx.msk [tilespmem:v4+s26+$0x0], $0xffff  }
0x4ef: {  	s7 =	sor.u32 s8, s7;
	v5 =	vld.idx.msk [tilespmem:v5+s26+$0x0], $0xffff  }
0x4f0: {  	s7 =	sshrl.u32 s7, $0x2;
	v4 =	vld.idx.msk [tilespmem:v6+s26+$0x0], $0xffff  }
0x4f1: {  	s7 =	sadd.s32 $0x11C80, s7;
	v2 =	vld.idx.msk [tilespmem:v7+s26+$0x0], $0xffff  }
0x4f2: {  	[tilespmem:s7+$0x380] =	vst.add.f32.msk $0xffff, v8  }
0x4f3: {  	v3 =	vld.idx.msk [tilespmem:v3+s26+$0x0], $0xffff  }
0x4f4: {  	[tilespmem:s7+$0x80] =	vst.add.f32.msk $0xffff, v9  }
0x4f5: {  	[tilespmem:s7+$0x100] =	vst.add.f32.msk $0xffff, v10  }
0x4f6: {  	s8 =	simm.s32 $0x0;
	v1 =	vadd.s32 $0x8, v1;
	[tilespmem:s7+$0x180] =	vst.add.f32.msk $0xffff, v5  }
.LBB2_83:
0x4f7: {  	v5 =	vadd.s32 $0x1, v1;
	v6 =	vadd.s32 $0x2, v1;
	v7 =	vadd.s32 $0x7, v1;
	s8 =	sadd.s32 $0x8, s8;
	[tilespmem:s7+$0x200] =	vst.add.f32.msk $0xffff, v4  }
0x4f8: {  	v4 =	vadd.s32 $0x3, v1;
	v8 =	vadd.s32 $0x4, v1;
	v9 =	vadd.s32 $0x5, v1;
	p0 =	slt.u32 s8, $0x78;
	[tilespmem:s7+$0x280] =	vst.add.f32.msk $0xffff, v2  }
0x4f9: {  	v10 =	vadd.s32 $0x6, v1;
	[tilespmem:s7+$0x300] =	vst.add.f32.msk $0xffff, v3  }
0x4fa: {  	[tilespmem:s7+$0x0] =	vst.add.f32.msk $0xffff, v0  }
0x4fb: {  	v0 =	vld.idx.msk [tilespmem:v1+s26+$0x0], $0xffff  }
0x4fc: {  	v3 =	vld.idx.msk [tilespmem:v7+s26+$0x0], $0xffff  }
0x4fd: {  	v5 =	vld.idx.msk [tilespmem:v5+s26+$0x0], $0xffff  }
0x4fe: {  	v6 =	vld.idx.msk [tilespmem:v6+s26+$0x0], $0xffff  }
0x4ff: {  	v7 =	vld.idx.msk [tilespmem:v4+s26+$0x0], $0xffff  }
0x500: {  	v4 =	vld.idx.msk [tilespmem:v8+s26+$0x0], $0xffff  }
0x501: {  	s7 =	sadd.s32 $0x800, s7;
	v2 =	vld.idx.msk [tilespmem:v9+s26+$0x0], $0xffff  }
.Ltmp40:
0x502: {  	[tilespmem:s7+$0x380] =	vst.add.f32.msk $0xffff, v3;
	(pc) =	sbr.rel @p0 .LBB2_83-.Ltmp40, $4  }
0x503: {  	v3 =	vld.idx.msk [tilespmem:v10+s26+$0x0], $0xffff  }
0x504: {  	[tilespmem:s7+$0x80] =	vst.add.f32.msk $0xffff, v5  }
0x505: {  	[tilespmem:s7+$0x100] =	vst.add.f32.msk $0xffff, v6  }
0x506: {  	v1 =	vadd.s32 $0x8, v1;
	[tilespmem:s7+$0x180] =	vst.add.f32.msk $0xffff, v7  }
0x507: {  	s6 =	sadd.s32 $0x1, s6  }
0x508: {  	p0 =	sne.s32 s6, $0x10  }
.Ltmp41:
0x509: {  	_ = 	snop;
	(pc) =	sbr.rel @p0 .LBB2_82-.Ltmp41, $4  }
0x50a: {  	[tilespmem:s7+$0x200] =	vst.add.f32.msk $0xffff, v4  }
0x50b: {  	[tilespmem:s7+$0x280] =	vst.add.f32.msk $0xffff, v2  }
0x50c: {  	[tilespmem:s7+$0x0] =	vst.add.f32.msk $0xffff, v0  }
0x50d: {  	s5 =	sadd.s32 $0x80, s5;
	s4 =	sadd.s32 $0x1, s4;
	[tilespmem:s7+$0x300] =	vst.add.f32.msk $0xffff, v3  }
0x50e: {  	s4 =	sld [smem:$0x7FC];
	_ =	sdelay $0x2  }
0x50f: {  	[hbm4b:s4+s19] =	stream.strided.scatter [tilespmem:s28], [sflag:$0x6], $0x8000, s20, s19, $0x38;
	[tilespmem:$0x19C80] =	vst v63  }
0x510: {  	_ =	swait.ge [sflag:s1], $0x8000  }
0x511: {  	[sflag:s1] =	ssyncset.done $0x0  }
0x512: {  	[sflag:s1] =	ssyncadd.s32 $0xFFFF8000  }
0x513: {  	[tilespmem:s23], [sflag:$0x2] =	stream.strided.gather [hbm4b:s10+s19], $0x8000, s20, s19, $0x38;
	[tilespmem:$0x19C80] =	vst v63  }
0x514: {  	s4 =	simm.s32 $0x0;
	s5 =	rddreg [dreg:$0x1b]  }
0x515: {  	[tilespmem:s24], [sflag:$0x2] =	stream.linear.gather [hbm4b:s5+s4], $0x100, $0x38;
	[tilespmem:$0x19C80] =	vst v63  }
0x516: {  	_ =	swait.ge [sflag:s25], $0x8000  }
0x517: {  	[sflag:s25] =	ssyncset.done $0x0  }
0x518: {  	[sflag:s25] =	ssyncadd.s32 $0xFFFF8000  }
0x519: {  	_ =	swait.ge [sflag:s25], $0x100  }
0x51a: {  	[sflag:s25] =	ssyncset.done $0x0  }
0x51b: {  	s6 =	simm.s32 $0x0;
	s5 =	simm.s32 $0x0;
	[sflag:s25] =	ssyncadd.s32 $0xFFFFFF00  }
.LBB2_86:
0x51c: {  	s7 =	sshll.u32 s6, $0x4  }
0x51d: {  	v0 =	vld [tilespmem:s7+$0x1980];
	_ =	sdelay $0x4  }
0x51e: {  	v1 =	vmul.u32 $0x81, v0;
	_ =	sdelay $0x1  }
0x51f: {  	v2 =	vadd.s32 $0x7, v1  }
0x520: {  	v3 =	vadd.s32 $0x1, v1  }
0x521: {  	v4 =	vadd.s32 $0x2, v1  }
0x522: {  	v5 =	vadd.s32 $0x3, v1  }
0x523: {  	v6 =	vadd.s32 $0x4, v1;
	v0 =	vld.idx.msk [tilespmem:v1+s26+$0x0], $0xffff  }
0x524: {  	v7 =	vadd.s32 $0x5, v1;
	v8 =	vld.idx.msk [tilespmem:v2+s26+$0x0], $0xffff  }
0x525: {  	s8 =	sand.u32 $0x7, s4;
	s7 =	sshll.u32 s5, $0x2;
	v9 =	vld.idx.msk [tilespmem:v3+s26+$0x0], $0xffff  }
0x526: {  	s8 =	sshll.u32 s8, $0x6;
	s7 =	sand.u32 $0xFFFFF000, s7;
	v3 =	vadd.s32 $0x6, v1;
	v10 =	vld.idx.msk [tilespmem:v4+s26+$0x0], $0xffff  }
0x527: {  	s7 =	sor.u32 s8, s7;
	v5 =	vld.idx.msk [tilespmem:v5+s26+$0x0], $0xffff  }
0x528: {  	s7 =	sshrl.u32 s7, $0x2;
	v4 =	vld.idx.msk [tilespmem:v6+s26+$0x0], $0xffff  }
0x529: {  	s7 =	sadd.s32 $0x1C80, s7;
	v2 =	vld.idx.msk [tilespmem:v7+s26+$0x0], $0xffff  }
0x52a: {  	[tilespmem:s7+$0x380] =	vst.add.f32.msk $0xffff, v8  }
0x52b: {  	v3 =	vld.idx.msk [tilespmem:v3+s26+$0x0], $0xffff  }
0x52c: {  	[tilespmem:s7+$0x80] =	vst.add.f32.msk $0xffff, v9  }
0x52d: {  	[tilespmem:s7+$0x100] =	vst.add.f32.msk $0xffff, v10  }
0x52e: {  	s8 =	simm.s32 $0x0;
	v1 =	vadd.s32 $0x8, v1;
	[tilespmem:s7+$0x180] =	vst.add.f32.msk $0xffff, v5  }
.LBB2_87:
0x52f: {  	v5 =	vadd.s32 $0x1, v1;
	v6 =	vadd.s32 $0x2, v1;
	v7 =	vadd.s32 $0x7, v1;
	s8 =	sadd.s32 $0x8, s8;
	[tilespmem:s7+$0x200] =	vst.add.f32.msk $0xffff, v4  }
0x530: {  	v4 =	vadd.s32 $0x3, v1;
	v8 =	vadd.s32 $0x4, v1;
	v9 =	vadd.s32 $0x5, v1;
	p0 =	slt.u32 s8, $0x78;
	[tilespmem:s7+$0x280] =	vst.add.f32.msk $0xffff, v2  }
0x531: {  	v10 =	vadd.s32 $0x6, v1;
	[tilespmem:s7+$0x300] =	vst.add.f32.msk $0xffff, v3  }
0x532: {  	[tilespmem:s7+$0x0] =	vst.add.f32.msk $0xffff, v0  }
0x533: {  	v0 =	vld.idx.msk [tilespmem:v1+s26+$0x0], $0xffff  }
0x534: {  	v3 =	vld.idx.msk [tilespmem:v7+s26+$0x0], $0xffff  }
0x535: {  	v5 =	vld.idx.msk [tilespmem:v5+s26+$0x0], $0xffff  }
0x536: {  	v6 =	vld.idx.msk [tilespmem:v6+s26+$0x0], $0xffff  }
0x537: {  	v7 =	vld.idx.msk [tilespmem:v4+s26+$0x0], $0xffff  }
0x538: {  	v4 =	vld.idx.msk [tilespmem:v8+s26+$0x0], $0xffff  }
0x539: {  	s7 =	sadd.s32 $0x800, s7;
	v2 =	vld.idx.msk [tilespmem:v9+s26+$0x0], $0xffff  }
.Ltmp42:
0x53a: {  	[tilespmem:s7+$0x380] =	vst.add.f32.msk $0xffff, v3;
	(pc) =	sbr.rel @p0 .LBB2_87-.Ltmp42, $4  }
0x53b: {  	v3 =	vld.idx.msk [tilespmem:v10+s26+$0x0], $0xffff  }
0x53c: {  	[tilespmem:s7+$0x80] =	vst.add.f32.msk $0xffff, v5  }
0x53d: {  	[tilespmem:s7+$0x100] =	vst.add.f32.msk $0xffff, v6  }
0x53e: {  	v1 =	vadd.s32 $0x8, v1;
	[tilespmem:s7+$0x180] =	vst.add.f32.msk $0xffff, v7  }
0x53f: {  	s6 =	sadd.s32 $0x1, s6  }
0x540: {  	p0 =	sne.s32 s6, $0x10  }
.Ltmp43:
0x541: {  	_ = 	snop;
	(pc) =	sbr.rel @p0 .LBB2_86-.Ltmp43, $4  }
0x542: {  	[tilespmem:s7+$0x200] =	vst.add.f32.msk $0xffff, v4  }
0x543: {  	[tilespmem:s7+$0x280] =	vst.add.f32.msk $0xffff, v2  }
0x544: {  	[tilespmem:s7+$0x0] =	vst.add.f32.msk $0xffff, v0  }
0x545: {  	s5 =	sadd.s32 $0x80, s5;
	s4 =	sadd.s32 $0x1, s4;
	[tilespmem:s7+$0x300] =	vst.add.f32.msk $0xffff, v3  }
0x546: {  	[hbm4b:s9+s19] =	stream.strided.scatter [tilespmem:s21], [sflag:$0x4], $0x8000, s20, s19, $0x38;
	[tilespmem:$0x19C80] =	vst v63  }
0x547: {  	_ =	swait.ge [sflag:s2], $0x8000  }
0x548: {  	[sflag:s2] =	ssyncset.done $0x0  }
0x549: {  	[sflag:s2] =	ssyncadd.s32 $0xFFFF8000  }
0x54a: {  	[tilespmem:s28], [sflag:$0x3] =	stream.strided.gather [hbm4b:s12+s19], $0x8000, s20, s19, $0x38;
	[tilespmem:$0x19C80] =	vst v63  }
0x54b: {  	s4 =	simm.s32 $0x0;
	s5 =	rddreg [dreg:$0x1c]  }
0x54c: {  	[tilespmem:s29], [sflag:$0x3] =	stream.linear.gather [hbm4b:s5+s4], $0x100, $0x38;
	[tilespmem:$0x19C80] =	vst v63  }
0x54d: {  	_ =	swait.ge [sflag:s30], $0x8000  }
0x54e: {  	[sflag:s30] =	ssyncset.done $0x0  }
0x54f: {  	[sflag:s30] =	ssyncadd.s32 $0xFFFF8000  }
0x550: {  	_ =	swait.ge [sflag:s30], $0x100  }
0x551: {  	[sflag:s30] =	ssyncset.done $0x0  }
0x552: {  	s6 =	simm.s32 $0x0;
	s5 =	simm.s32 $0x0;
	[sflag:s30] =	ssyncadd.s32 $0xFFFFFF00  }
.LBB2_90:
0x553: {  	s7 =	sshll.u32 s6, $0x4  }
0x554: {  	v0 =	vld [tilespmem:s7+$0x1A80];
	_ =	sdelay $0x4  }
0x555: {  	v1 =	vmul.u32 $0x81, v0;
	_ =	sdelay $0x1  }
0x556: {  	v2 =	vadd.s32 $0x7, v1  }
0x557: {  	v3 =	vadd.s32 $0x1, v1  }
0x558: {  	v4 =	vadd.s32 $0x2, v1  }
0x559: {  	v5 =	vadd.s32 $0x3, v1  }
0x55a: {  	v6 =	vadd.s32 $0x4, v1;
	v0 =	vld.idx.msk [tilespmem:v1+s26+$0x0], $0xffff  }
0x55b: {  	v7 =	vadd.s32 $0x5, v1;
	v8 =	vld.idx.msk [tilespmem:v2+s26+$0x0], $0xffff  }
0x55c: {  	s8 =	sand.u32 $0x7, s4;
	s7 =	sshll.u32 s5, $0x2;
	v9 =	vld.idx.msk [tilespmem:v3+s26+$0x0], $0xffff  }
0x55d: {  	s8 =	sshll.u32 s8, $0x6;
	s7 =	sand.u32 $0xFFFFF000, s7;
	v3 =	vadd.s32 $0x6, v1;
	v10 =	vld.idx.msk [tilespmem:v4+s26+$0x0], $0xffff  }
0x55e: {  	s7 =	sor.u32 s8, s7;
	v5 =	vld.idx.msk [tilespmem:v5+s26+$0x0], $0xffff  }
0x55f: {  	s7 =	sshrl.u32 s7, $0x2;
	v4 =	vld.idx.msk [tilespmem:v6+s26+$0x0], $0xffff  }
0x560: {  	s7 =	sadd.s32 $0x9C80, s7;
	v2 =	vld.idx.msk [tilespmem:v7+s26+$0x0], $0xffff  }
0x561: {  	[tilespmem:s7+$0x380] =	vst.add.f32.msk $0xffff, v8  }
0x562: {  	v3 =	vld.idx.msk [tilespmem:v3+s26+$0x0], $0xffff  }
0x563: {  	[tilespmem:s7+$0x80] =	vst.add.f32.msk $0xffff, v9  }
0x564: {  	[tilespmem:s7+$0x100] =	vst.add.f32.msk $0xffff, v10  }
0x565: {  	s8 =	simm.s32 $0x0;
	v1 =	vadd.s32 $0x8, v1;
	[tilespmem:s7+$0x180] =	vst.add.f32.msk $0xffff, v5  }
.LBB2_91:
0x566: {  	v5 =	vadd.s32 $0x1, v1;
	v6 =	vadd.s32 $0x2, v1;
	v7 =	vadd.s32 $0x7, v1;
	s8 =	sadd.s32 $0x8, s8;
	[tilespmem:s7+$0x200] =	vst.add.f32.msk $0xffff, v4  }
0x567: {  	v4 =	vadd.s32 $0x3, v1;
	v8 =	vadd.s32 $0x4, v1;
	v9 =	vadd.s32 $0x5, v1;
	p0 =	slt.u32 s8, $0x78;
	[tilespmem:s7+$0x280] =	vst.add.f32.msk $0xffff, v2  }
0x568: {  	v10 =	vadd.s32 $0x6, v1;
	[tilespmem:s7+$0x300] =	vst.add.f32.msk $0xffff, v3  }
0x569: {  	[tilespmem:s7+$0x0] =	vst.add.f32.msk $0xffff, v0  }
0x56a: {  	v0 =	vld.idx.msk [tilespmem:v1+s26+$0x0], $0xffff  }
0x56b: {  	v3 =	vld.idx.msk [tilespmem:v7+s26+$0x0], $0xffff  }
0x56c: {  	v5 =	vld.idx.msk [tilespmem:v5+s26+$0x0], $0xffff  }
0x56d: {  	v6 =	vld.idx.msk [tilespmem:v6+s26+$0x0], $0xffff  }
0x56e: {  	v7 =	vld.idx.msk [tilespmem:v4+s26+$0x0], $0xffff  }
0x56f: {  	v4 =	vld.idx.msk [tilespmem:v8+s26+$0x0], $0xffff  }
0x570: {  	s7 =	sadd.s32 $0x800, s7;
	v2 =	vld.idx.msk [tilespmem:v9+s26+$0x0], $0xffff  }
.Ltmp44:
0x571: {  	[tilespmem:s7+$0x380] =	vst.add.f32.msk $0xffff, v3;
	(pc) =	sbr.rel @p0 .LBB2_91-.Ltmp44, $4  }
0x572: {  	v3 =	vld.idx.msk [tilespmem:v10+s26+$0x0], $0xffff  }
0x573: {  	[tilespmem:s7+$0x80] =	vst.add.f32.msk $0xffff, v5  }
0x574: {  	[tilespmem:s7+$0x100] =	vst.add.f32.msk $0xffff, v6  }
0x575: {  	v1 =	vadd.s32 $0x8, v1;
	[tilespmem:s7+$0x180] =	vst.add.f32.msk $0xffff, v7  }
0x576: {  	s6 =	sadd.s32 $0x1, s6  }
0x577: {  	p0 =	sne.s32 s6, $0x10  }
.Ltmp45:
0x578: {  	_ = 	snop;
	(pc) =	sbr.rel @p0 .LBB2_90-.Ltmp45, $4  }
0x579: {  	[tilespmem:s7+$0x200] =	vst.add.f32.msk $0xffff, v4  }
0x57a: {  	[tilespmem:s7+$0x280] =	vst.add.f32.msk $0xffff, v2  }
0x57b: {  	[tilespmem:s7+$0x0] =	vst.add.f32.msk $0xffff, v0  }
0x57c: {  	s5 =	sadd.s32 $0x80, s5;
	s4 =	sadd.s32 $0x1, s4;
	[tilespmem:s7+$0x300] =	vst.add.f32.msk $0xffff, v3  }
0x57d: {  	[hbm4b:s11+s19] =	stream.strided.scatter [tilespmem:s23], [sflag:$0x5], $0x8000, s20, s19, $0x38;
	[tilespmem:$0x19C80] =	vst v63  }
0x57e: {  	_ =	swait.ge [sflag:s31], $0x8000  }
0x57f: {  	[sflag:s31] =	ssyncset.done $0x0  }
0x580: {  	[sflag:s31] =	ssyncadd.s32 $0xFFFF8000  }
0x581: {  	[tilespmem:s21], [sflag:$0x1] =	stream.strided.gather [hbm4b:s13+s19], $0x8000, s20, s19, $0x38;
	[tilespmem:$0x19C80] =	vst v63  }
0x582: {  	s4 =	simm.s32 $0x0;
	s5 =	rddreg [dreg:$0x1d]  }
0x583: {  	[tilespmem:s22], [sflag:$0x1] =	stream.linear.gather [hbm4b:s5+s4], $0x100, $0x38;
	[tilespmem:$0x19C80] =	vst v63  }
0x584: {  	_ =	swait.ge [sflag:s0], $0x8000  }
0x585: {  	[sflag:s0] =	ssyncset.done $0x0  }
0x586: {  	[sflag:s0] =	ssyncadd.s32 $0xFFFF8000  }
0x587: {  	_ =	swait.ge [sflag:s0], $0x100  }
0x588: {  	[sflag:s0] =	ssyncset.done $0x0  }
0x589: {  	s6 =	simm.s32 $0x0;
	s5 =	simm.s32 $0x0;
	[sflag:s0] =	ssyncadd.s32 $0xFFFFFF00  }
.LBB2_94:
0x58a: {  	s7 =	sshll.u32 s6, $0x4  }
0x58b: {  	v0 =	vld [tilespmem:s7+$0x1B80];
	_ =	sdelay $0x4  }
0x58c: {  	v1 =	vmul.u32 $0x81, v0;
	_ =	sdelay $0x1  }
0x58d: {  	v2 =	vadd.s32 $0x7, v1  }
0x58e: {  	v3 =	vadd.s32 $0x1, v1  }
0x58f: {  	v4 =	vadd.s32 $0x2, v1  }
0x590: {  	v5 =	vadd.s32 $0x3, v1  }
0x591: {  	v6 =	vadd.s32 $0x4, v1;
	v0 =	vld.idx.msk [tilespmem:v1+s26+$0x0], $0xffff  }
0x592: {  	v7 =	vadd.s32 $0x5, v1;
	v8 =	vld.idx.msk [tilespmem:v2+s26+$0x0], $0xffff  }
0x593: {  	s8 =	sand.u32 $0x7, s4;
	s7 =	sshll.u32 s5, $0x2;
	v9 =	vld.idx.msk [tilespmem:v3+s26+$0x0], $0xffff  }
0x594: {  	s8 =	sshll.u32 s8, $0x6;
	s7 =	sand.u32 $0xFFFFF000, s7;
	v3 =	vadd.s32 $0x6, v1;
	v10 =	vld.idx.msk [tilespmem:v4+s26+$0x0], $0xffff  }
0x595: {  	s7 =	sor.u32 s8, s7;
	v5 =	vld.idx.msk [tilespmem:v5+s26+$0x0], $0xffff  }
0x596: {  	s7 =	sshrl.u32 s7, $0x2;
	v4 =	vld.idx.msk [tilespmem:v6+s26+$0x0], $0xffff  }
0x597: {  	s7 =	sadd.s32 $0x11C80, s7;
	v2 =	vld.idx.msk [tilespmem:v7+s26+$0x0], $0xffff  }
0x598: {  	[tilespmem:s7+$0x380] =	vst.add.f32.msk $0xffff, v8  }
0x599: {  	v3 =	vld.idx.msk [tilespmem:v3+s26+$0x0], $0xffff  }
0x59a: {  	[tilespmem:s7+$0x80] =	vst.add.f32.msk $0xffff, v9  }
0x59b: {  	[tilespmem:s7+$0x100] =	vst.add.f32.msk $0xffff, v10  }
0x59c: {  	s8 =	simm.s32 $0x0;
	v1 =	vadd.s32 $0x8, v1;
	[tilespmem:s7+$0x180] =	vst.add.f32.msk $0xffff, v5  }
.LBB2_95:
0x59d: {  	v5 =	vadd.s32 $0x1, v1;
	v6 =	vadd.s32 $0x2, v1;
	v7 =	vadd.s32 $0x7, v1;
	s8 =	sadd.s32 $0x8, s8;
	[tilespmem:s7+$0x200] =	vst.add.f32.msk $0xffff, v4  }
0x59e: {  	v4 =	vadd.s32 $0x3, v1;
	v8 =	vadd.s32 $0x4, v1;
	v9 =	vadd.s32 $0x5, v1;
	p0 =	slt.u32 s8, $0x78;
	[tilespmem:s7+$0x280] =	vst.add.f32.msk $0xffff, v2  }
0x59f: {  	v10 =	vadd.s32 $0x6, v1;
	[tilespmem:s7+$0x300] =	vst.add.f32.msk $0xffff, v3  }
0x5a0: {  	[tilespmem:s7+$0x0] =	vst.add.f32.msk $0xffff, v0  }
0x5a1: {  	v0 =	vld.idx.msk [tilespmem:v1+s26+$0x0], $0xffff  }
0x5a2: {  	v3 =	vld.idx.msk [tilespmem:v7+s26+$0x0], $0xffff  }
0x5a3: {  	v5 =	vld.idx.msk [tilespmem:v5+s26+$0x0], $0xffff  }
0x5a4: {  	v6 =	vld.idx.msk [tilespmem:v6+s26+$0x0], $0xffff  }
0x5a5: {  	v7 =	vld.idx.msk [tilespmem:v4+s26+$0x0], $0xffff  }
0x5a6: {  	v4 =	vld.idx.msk [tilespmem:v8+s26+$0x0], $0xffff  }
0x5a7: {  	s7 =	sadd.s32 $0x800, s7;
	v2 =	vld.idx.msk [tilespmem:v9+s26+$0x0], $0xffff  }
.Ltmp46:
0x5a8: {  	[tilespmem:s7+$0x380] =	vst.add.f32.msk $0xffff, v3;
	(pc) =	sbr.rel @p0 .LBB2_95-.Ltmp46, $4  }
0x5a9: {  	v3 =	vld.idx.msk [tilespmem:v10+s26+$0x0], $0xffff  }
0x5aa: {  	[tilespmem:s7+$0x80] =	vst.add.f32.msk $0xffff, v5  }
0x5ab: {  	[tilespmem:s7+$0x100] =	vst.add.f32.msk $0xffff, v6  }
0x5ac: {  	v1 =	vadd.s32 $0x8, v1;
	[tilespmem:s7+$0x180] =	vst.add.f32.msk $0xffff, v7  }
0x5ad: {  	s6 =	sadd.s32 $0x1, s6  }
0x5ae: {  	p0 =	sne.s32 s6, $0x10  }
.Ltmp47:
0x5af: {  	_ = 	snop;
	(pc) =	sbr.rel @p0 .LBB2_94-.Ltmp47, $4  }
0x5b0: {  	[tilespmem:s7+$0x200] =	vst.add.f32.msk $0xffff, v4  }
0x5b1: {  	[tilespmem:s7+$0x280] =	vst.add.f32.msk $0xffff, v2  }
0x5b2: {  	[tilespmem:s7+$0x0] =	vst.add.f32.msk $0xffff, v0  }
0x5b3: {  	s5 =	sadd.s32 $0x80, s5;
	s4 =	sadd.s32 $0x1, s4;
	[tilespmem:s7+$0x300] =	vst.add.f32.msk $0xffff, v3  }
0x5b4: {  	[hbm4b:s14+s19] =	stream.strided.scatter [tilespmem:s28], [sflag:$0x6], $0x8000, s20, s19, $0x38;
	[tilespmem:$0x19C80] =	vst v63  }
0x5b5: {  	_ =	swait.ge [sflag:s25], $0x8000  }
0x5b6: {  	[sflag:s25] =	ssyncset.done $0x0  }
0x5b7: {  	[sflag:s25] =	ssyncadd.s32 $0xFFFF8000  }
0x5b8: {  	_ =	swait.ge [sflag:s25], $0x100  }
0x5b9: {  	s4 =	simm.s32 $0x0;
	[sflag:s25] =	ssyncset.done $0x0  }
0x5ba: {  	s5 =	simm.s32 $0x0;
	s6 =	simm.s32 $0x0;
	[sflag:s25] =	ssyncadd.s32 $0xFFFFFF00  }
.LBB2_98:
0x5bb: {  	s7 =	sshll.u32 s6, $0x4  }
0x5bc: {  	v0 =	vld [tilespmem:s7+$0x1980];
	_ =	sdelay $0x4  }
0x5bd: {  	v1 =	vmul.u32 $0x81, v0;
	_ =	sdelay $0x1  }
0x5be: {  	v2 =	vadd.s32 $0x7, v1  }
0x5bf: {  	v3 =	vadd.s32 $0x1, v1  }
0x5c0: {  	v4 =	vadd.s32 $0x2, v1  }
0x5c1: {  	v5 =	vadd.s32 $0x3, v1  }
0x5c2: {  	v6 =	vadd.s32 $0x4, v1;
	v0 =	vld.idx.msk [tilespmem:v1+s26+$0x0], $0xffff  }
0x5c3: {  	v7 =	vadd.s32 $0x5, v1;
	v8 =	vld.idx.msk [tilespmem:v2+s26+$0x0], $0xffff  }
0x5c4: {  	s8 =	sand.u32 $0x7, s4;
	s7 =	sshll.u32 s5, $0x2;
	v9 =	vld.idx.msk [tilespmem:v3+s26+$0x0], $0xffff  }
0x5c5: {  	s8 =	sshll.u32 s8, $0x6;
	s7 =	sand.u32 $0xFFFFF000, s7;
	v3 =	vadd.s32 $0x6, v1;
	v10 =	vld.idx.msk [tilespmem:v4+s26+$0x0], $0xffff  }
0x5c6: {  	s7 =	sor.u32 s8, s7;
	v5 =	vld.idx.msk [tilespmem:v5+s26+$0x0], $0xffff  }
0x5c7: {  	s7 =	sshrl.u32 s7, $0x2;
	v4 =	vld.idx.msk [tilespmem:v6+s26+$0x0], $0xffff  }
0x5c8: {  	s7 =	sadd.s32 $0x1C80, s7;
	v2 =	vld.idx.msk [tilespmem:v7+s26+$0x0], $0xffff  }
0x5c9: {  	[tilespmem:s7+$0x380] =	vst.add.f32.msk $0xffff, v8  }
0x5ca: {  	v3 =	vld.idx.msk [tilespmem:v3+s26+$0x0], $0xffff  }
0x5cb: {  	[tilespmem:s7+$0x80] =	vst.add.f32.msk $0xffff, v9  }
0x5cc: {  	[tilespmem:s7+$0x100] =	vst.add.f32.msk $0xffff, v10  }
0x5cd: {  	s8 =	simm.s32 $0x0;
	v1 =	vadd.s32 $0x8, v1;
	[tilespmem:s7+$0x180] =	vst.add.f32.msk $0xffff, v5  }
.LBB2_99:
0x5ce: {  	v5 =	vadd.s32 $0x1, v1;
	v6 =	vadd.s32 $0x2, v1;
	v7 =	vadd.s32 $0x7, v1;
	s8 =	sadd.s32 $0x8, s8;
	[tilespmem:s7+$0x200] =	vst.add.f32.msk $0xffff, v4  }
0x5cf: {  	v4 =	vadd.s32 $0x3, v1;
	v8 =	vadd.s32 $0x4, v1;
	v9 =	vadd.s32 $0x5, v1;
	p0 =	slt.u32 s8, $0x78;
	[tilespmem:s7+$0x280] =	vst.add.f32.msk $0xffff, v2  }
0x5d0: {  	v10 =	vadd.s32 $0x6, v1;
	[tilespmem:s7+$0x300] =	vst.add.f32.msk $0xffff, v3  }
0x5d1: {  	[tilespmem:s7+$0x0] =	vst.add.f32.msk $0xffff, v0  }
0x5d2: {  	v0 =	vld.idx.msk [tilespmem:v1+s26+$0x0], $0xffff  }
0x5d3: {  	v3 =	vld.idx.msk [tilespmem:v7+s26+$0x0], $0xffff  }
0x5d4: {  	v5 =	vld.idx.msk [tilespmem:v5+s26+$0x0], $0xffff  }
0x5d5: {  	v6 =	vld.idx.msk [tilespmem:v6+s26+$0x0], $0xffff  }
0x5d6: {  	v7 =	vld.idx.msk [tilespmem:v4+s26+$0x0], $0xffff  }
0x5d7: {  	v4 =	vld.idx.msk [tilespmem:v8+s26+$0x0], $0xffff  }
0x5d8: {  	s7 =	sadd.s32 $0x800, s7;
	v2 =	vld.idx.msk [tilespmem:v9+s26+$0x0], $0xffff  }
.Ltmp48:
0x5d9: {  	[tilespmem:s7+$0x380] =	vst.add.f32.msk $0xffff, v3;
	(pc) =	sbr.rel @p0 .LBB2_99-.Ltmp48, $4  }
0x5da: {  	v3 =	vld.idx.msk [tilespmem:v10+s26+$0x0], $0xffff  }
0x5db: {  	[tilespmem:s7+$0x80] =	vst.add.f32.msk $0xffff, v5  }
0x5dc: {  	[tilespmem:s7+$0x100] =	vst.add.f32.msk $0xffff, v6  }
0x5dd: {  	v1 =	vadd.s32 $0x8, v1;
	[tilespmem:s7+$0x180] =	vst.add.f32.msk $0xffff, v7  }
0x5de: {  	s6 =	sadd.s32 $0x1, s6  }
0x5df: {  	p0 =	sne.s32 s6, $0x10  }
.Ltmp49:
0x5e0: {  	_ = 	snop;
	(pc) =	sbr.rel @p0 .LBB2_98-.Ltmp49, $4  }
0x5e1: {  	[tilespmem:s7+$0x200] =	vst.add.f32.msk $0xffff, v4  }
0x5e2: {  	[tilespmem:s7+$0x280] =	vst.add.f32.msk $0xffff, v2  }
0x5e3: {  	[tilespmem:s7+$0x0] =	vst.add.f32.msk $0xffff, v0  }
0x5e4: {  	s5 =	sadd.s32 $0x80, s5;
	s4 =	sadd.s32 $0x1, s4;
	[tilespmem:s7+$0x300] =	vst.add.f32.msk $0xffff, v3  }
0x5e5: {  	[hbm4b:s15+s19] =	stream.strided.scatter [tilespmem:s21], [sflag:$0x4], $0x8000, s20, s19, $0x38;
	[tilespmem:$0x19C80] =	vst v63  }
0x5e6: {  	_ =	swait.ge [sflag:s1], $0x8000  }
0x5e7: {  	[sflag:s1] =	ssyncset.done $0x0  }
0x5e8: {  	s3 =	sadd.s32 $0x1, s3;
	[sflag:s1] =	ssyncadd.s32 $0xFFFF8000  }
0x5e9: {  	p0 =	sne.s32 s3, s17;
	_ =	swait.ge [sflag:s2], $0x8000  }
.Ltmp50:
0x5ea: {  	[sflag:s2] =	ssyncset.done $0x0;
	(pc) =	sbr.rel @p0 .LBB2_1-.Ltmp50, $4  }
0x5eb: {  	[sflag:s2] =	ssyncadd.s32 $0xFFFF8000  }
0x5ec: {  	_ =	swait.ge [sflag:s31], $0x8000  }
0x5ed: {  	[sflag:s31] =	ssyncset.done $0x0  }
0x5ee: {  	[sflag:s31] =	ssyncadd.s32 $0xFFFF8000  }
0x5ef: {  	_ =	sfence.sel $0x180000  }
0x5f0: {  	[bflag:$0x0] =	sbarrier.arrive $0xFFFF  }
0x5f1: {  	_ =	strace $0x90000047  }
0x5f2: {  	s0 =	stileid.u32;
	[bflag:$0x2] =	sbarrier.arrive $0xFFFF  }
0x5f3: {  	p0 =	sne.s32 s0, $0x0;
	s0 =	rddreg [dreg:$0x4]  }
0x5f4: {  	s0 =	sadd.s32 @!p0 $0x100000, s0  }
0x5f5: {  	[sflag:s0] =	ssyncadd.tile.s32 @!p0 $0x1;
	_ =	shalt  }
.Lfunc_end2:
_tile_overlayer_lowered:
.L_overlay_start_2:
0x5f6: {  	(tag) =	ssettag $0x2  }
0x5f7: {  	s0 =	rddreg [dreg:$0x0];
	s2 =	stileid.u32  }
0x5f8: {  	s1 =	rddreg [dreg:$0x1];
	p0 =	sne.s32 s2, $0x0  }
0x5f9: {  	s3 =	rddreg [dreg:$0x2];
	[bflag:$0x3] =	sbarrier.arrive $0xFFFF;
	s2 =	simm.s32 @!p0 $0x1C07  }
0x5fa: {  	[timem:s3], [sflag:s2] =	dma.local @!p0 [hbm:s0], s1  }
0x5fb: {  	s0 =	simm.s32 @!p0 $0x7  }
0x5fc: {  	_ =	swait.ge @!p0 [sflag:s0], s1  }
0x5fd: {  	s1 =	ssub.s32 @!p0 $0x0, s1;
	[sflag:s0] =	ssyncset.done @!p0 $0x0  }
0x5fe: {  	[sflag:s0] =	ssyncadd.s32 @!p0 s1  }
0x5ff: {  	[bflag:$0x3] =	sbarrier.arrive $0xFFFF  }
0x600: {  	_ =	shalt  }

</sc_bundles>
